<compile_context>
chip_gen: v7x
topology: tpu7x:2x2x1
jax: 0.10.2.dev20260603
libtpu: 0.0.44.dev20260713+nightly
codegen_flags: <defaults>
</compile_context>

<pallas_src>
import functools

import jax
import jax.numpy as jnp
from jax import lax
from jax.experimental import pallas as pl
from jax.experimental.pallas import tpu as pltpu
from jax.experimental.pallas import tpu_sc as plsc

TOPK = 1024
N = 100000
D = 128
NS = 16
BLK_A = 7168
NPAD = 14 * BLK_A
CHUNK = NPAD // NS
NV = CHUNK // 16
GT_CAP = 1040
EQ_CAP = 96
CAND = 2048
SCAND = CAND + 128
SLOTS = CAND // NS
OUT_PAD = TOPK + NS


def _keys_body(x_ref, vt_ref, len_ref, k_ref):
    y = lax.dot_general(vt_ref[...], x_ref[...], (((1,), (1,)), ((), ())),
                        preferred_element_type=jnp.float32)
    y = y.reshape(BLK_A) / len_ref[0, 0]
    u = lax.bitcast_convert_type(y, jnp.uint32)
    sgn = lax.bitcast_convert_type(
        lax.shift_right_arithmetic(lax.bitcast_convert_type(y, jnp.int32), 31),
        jnp.uint32)
    k_ref[...] = u ^ (sgn | jnp.uint32(0x80000000))

    @pl.when(pl.program_id(0) == NPAD // BLK_A - 1)
    def _():
        k_ref[pl.ds(N - (NPAD - BLK_A), NPAD - N)] = jnp.zeros(
            (NPAD - N,), jnp.uint32)


def _make_keys(x, v, length):
    return pl.pallas_call(
        _keys_body,
        grid=(NPAD // BLK_A,),
        in_specs=[
            pl.BlockSpec((BLK_A, D), lambda i: (i, 0)),
            pl.BlockSpec((1, D), lambda i: (0, 0)),
            pl.BlockSpec((1, 1), lambda i: (0, 0)),
        ],
        out_specs=pl.BlockSpec((BLK_A,), lambda i: (i,)),
        out_shape=jax.ShapeDtypeStruct((NPAD,), jnp.uint32),
    )(x, v, length)


def _sc_body(keys_hbm, x_hbm, out_hbm,
             keys_v, hist_v, bins_v, gbins_v,
             gtk_v, gti_v, eqi_v, tk_v, posg_v, pose_v,
             cnt_v, allcnt_v, pad_k_v, pad_i_v,
             ck_v, ci_v, selk_v, rank_v, gidx_v, vals_v, rows_v,
             shist, scnt, scandk, scandi, sem):
    s = lax.axis_index("s")
    base = s * CHUNK
    lane = lax.iota(jnp.int32, 16)
    zeros16 = jnp.zeros((16,), jnp.int32)
    ones16 = jnp.ones((16,), jnp.int32)

    pltpu.sync_copy(keys_hbm.at[pl.ds(base, CHUNK)], keys_v)

    prefix = jnp.uint32(0)
    gt_total = jnp.int32(0)
    for r in range(4):
        sh_dig = 24 - 8 * r

        def zero_step(i, c):
            hist_v[pl.ds(i * 16, 16)] = zeros16
            return c
        lax.fori_loop(0, 256, zero_step, 0, unroll=8)

        def hist_step(i, c):
            kv = keys_v[pl.ds(i * 16, 16)]
            dig = ((kv >> sh_dig) & jnp.uint32(0xFF)).astype(jnp.int32)
            slot = lane * 256 + dig
            if r == 0:
                m = jnp.full((16,), True)
            else:
                m = (kv >> (32 - 8 * r)) == prefix
            plsc.addupdate_scatter(hist_v, [slot], ones16, mask=m)
            return c
        lax.fori_loop(0, NV, hist_step, 0, unroll=4)

        def lred_step(c, _):
            acc = zeros16
            for l in range(NS):
                acc = acc + hist_v[pl.ds(l * 256 + c * 16, 16)]
            bins_v[pl.ds(c * 16, 16)] = acc
            return _
        lax.fori_loop(0, 16, lred_step, 0)

        pltpu.sync_copy(bins_v.at[pl.ds(0, 256)],
                        shist.at[pl.ds((r * NS + s) * 256, 256)])
        plsc.subcore_barrier()
        pltpu.sync_copy(shist.at[pl.ds(r * NS * 256, NS * 256)], gbins_v)

        def gred_step(c, carry):
            acc = zeros16
            for w in range(NS):
                acc = acc + gbins_v[pl.ds(w * 256 + c * 16, 16)]
            bins_v[pl.ds(c * 16, 16)] = acc
            return jnp.where(lane == c, jnp.sum(acc), carry)
        csums = lax.fori_loop(0, 16, gred_step, zeros16)

        k_rem = TOPK - gt_total
        suf_c = lax.rev(plsc.cumsum(lax.rev(csums, (0,))), (0,))
        cstar = jnp.sum((suf_c >= k_rem).astype(jnp.int32)) - 1
        base_above = jnp.sum(jnp.where(lane > cstar, csums, 0))
        bvec = bins_v[pl.ds(cstar * 16, 16)]
        suf_w = lax.rev(plsc.cumsum(lax.rev(bvec, (0,))), (0,))
        dstar = jnp.sum((base_above + suf_w >= k_rem).astype(jnp.int32)) - 1
        bstar = cstar * 16 + dstar
        gt_above = base_above + jnp.sum(jnp.where(lane > dstar, bvec, 0))
        gt_total = gt_total + gt_above
        prefix = (prefix << 8) | bstar.astype(jnp.uint32)

    thr = prefix
    n_gt = gt_total

    def comp_step(i, carry):
        cg, ce = carry
        kv = keys_v[pl.ds(i * 16, 16)]
        idxv = base + i * 16 + lane
        mgt = kv > thr
        meq = kv == thr
        plsc.store_compressed(gtk_v.at[pl.ds(cg, 16)], kv, mask=mgt)
        plsc.store_compressed(gti_v.at[pl.ds(cg, 16)], idxv, mask=mgt)
        ng = jnp.sum(mgt.astype(jnp.int32))
        ne = jnp.sum(meq.astype(jnp.int32))
        ok_eq = ce <= EQ_CAP - 16

        @pl.when(ok_eq)
        def _():
            plsc.store_compressed(eqi_v.at[pl.ds(ce, 16)], idxv, mask=meq)
        return (cg + ng, jnp.where(ok_eq, ce + ne, ce))
    cnt_gt, cnt_eq = lax.fori_loop(0, NV, comp_step,
                                   (jnp.int32(0), jnp.int32(0)))

    cnt_v[...] = jnp.where(lane == 0, cnt_gt,
                           jnp.where(lane == 1, cnt_eq, 0))
    pltpu.sync_copy(cnt_v, scnt.at[pl.ds(s * 16, 16)])

    @pl.when(s == 0)
    def _():
        def pad_step(i, c):
            pad_k_v[pl.ds(i * 16, 16)] = jnp.zeros((16,), jnp.uint32)
            pad_i_v[pl.ds(i * 16, 16)] = jnp.full((16,), 0x7FFFFFFF,
                                                  jnp.int32)
            return c
        lax.fori_loop(0, SCAND // 16, pad_step, 0, unroll=8)
        pltpu.sync_copy(pad_k_v, scandk)
        pltpu.sync_copy(pad_i_v, scandi)
    plsc.subcore_barrier()
    pltpu.sync_copy(scnt, allcnt_v)

    def off_step(w, carry):
        go, eo, gtot, etot = carry
        row = allcnt_v[pl.ds(w * 16, 16)]
        cg = row[0]
        ce = row[1]
        before = w < s
        return (go + jnp.where(before, cg, 0),
                eo + jnp.where(before, ce, 0),
                gtot + cg, etot + ce)
    gt_off, eq_off, n_gt2, eq_tot = lax.fori_loop(
        0, NS, off_step,
        (jnp.int32(0), jnp.int32(0), jnp.int32(0), jnp.int32(0)))

    dump = CAND + s * 8

    def posg_step(j, c):
        val = gt_off + j * 16 + lane
        ok = (j * 16 + lane) < cnt_gt
        posg_v[pl.ds(j * 16, 16)] = jnp.where(ok, val, dump)
        return c
    lax.fori_loop(0, GT_CAP // 16, posg_step, 0)

    def pose_step(j, c):
        val = TOPK + eq_off + j * 16 + lane
        ok = (j * 16 + lane) < cnt_eq
        pose_v[pl.ds(j * 16, 16)] = jnp.where(ok, val, dump)
        tk_v[pl.ds(j * 16, 16)] = jnp.full((16,), thr, jnp.uint32)
        return c
    lax.fori_loop(0, EQ_CAP // 16, pose_step, 0)

    pltpu.sync_copy(gtk_v, scandk.at[posg_v])
    pltpu.sync_copy(gti_v, scandi.at[posg_v])
    pltpu.sync_copy(tk_v, scandk.at[pose_v])
    pltpu.sync_copy(eqi_v, scandi.at[pose_v])
    plsc.subcore_barrier()

    pltpu.sync_copy(scandk.at[pl.ds(0, CAND)], ck_v.at[pl.ds(0, CAND)])
    pltpu.sync_copy(scandi.at[pl.ds(0, CAND)], ci_v.at[pl.ds(0, CAND)])

    nv_eq = (eq_tot + 15) // 16

    def slot_step(t, c):
        j = s + t * NS
        real = (j < n_gt2) | ((j >= TOPK) & (j < TOPK + eq_tot))
        tvec = jnp.full((16,), t, jnp.int32)
        m0 = lane == 0

        @pl.when(real)
        def _():
            kj = ck_v[pl.ds(j, 16)][0]
            ij = ci_v[pl.ds(j, 16)][0]

            def beat_count(v, acc):
                kv = ck_v[pl.ds(v * 16, 16)]
                iv = ci_v[pl.ds(v * 16, 16)]
                b = (kv > kj) | ((kv == kj) & (iv < ij))
                return acc + b.astype(jnp.int32)
            acc = lax.fori_loop(0, 64, beat_count, zeros16, unroll=8)
            acc = lax.fori_loop(64, 64 + nv_eq, beat_count, acc)
            rank = jnp.sum(acc)
            rk = jnp.where(rank < TOPK, rank, TOPK + s)
            plsc.store_scatter(rank_v, [tvec],
                               jnp.full((16,), rk, jnp.int32), mask=m0)
            plsc.store_scatter(gidx_v, [tvec],
                               jnp.full((16,), ij, jnp.int32), mask=m0)
            kj_i = lax.bitcast_convert_type(kj, jnp.int32)
            plsc.store_scatter(selk_v, [tvec],
                               jnp.full((16,), kj_i, jnp.int32), mask=m0)

        @pl.when(jnp.logical_not(real))
        def _():
            plsc.store_scatter(rank_v, [tvec],
                               jnp.full((16,), TOPK + s, jnp.int32), mask=m0)
            plsc.store_scatter(gidx_v, [tvec],
                               jnp.full((16,), j, jnp.int32), mask=m0)
            plsc.store_scatter(selk_v, [tvec], zeros16, mask=m0)
        return c
    lax.fori_loop(0, SLOTS, slot_step, 0)

    def val_step(t, c):
        u = lax.bitcast_convert_type(selk_v[pl.ds(t * 16, 16)], jnp.uint32)
        top = (u >> 31) == jnp.uint32(1)
        bits = jnp.where(top, u ^ jnp.uint32(0x80000000), ~u)
        vals_v[pl.ds(t * 16, 16)] = lax.bitcast_convert_type(bits,
                                                             jnp.float32)
        return c
    lax.fori_loop(0, SLOTS // 16, val_step, 0)

    pltpu.async_copy(x_hbm.at[gidx_v], rows_v, sem).wait()

    def scale_step(t, c):
        v = vals_v[pl.ds(t, 16)][0]
        for seg in range(D // 16):
            sl = pl.ds(seg * 16, 16)
            rows_v[t, sl] = rows_v[t, sl] * v
        return c
    lax.fori_loop(0, SLOTS, scale_step, 0, unroll=4)

    pltpu.sync_copy(rows_v, out_hbm.at[rank_v])


@jax.jit
def _pipeline(x, v):
    length = jnp.linalg.norm(v)
    keys = _make_keys(x, v.T, length.reshape(1, 1))

    mesh = plsc.VectorSubcoreMesh(core_axis_name="c", subcore_axis_name="s",
                                  num_cores=1)
    sc = pl.kernel(
        _sc_body,
        out_type=jax.ShapeDtypeStruct((OUT_PAD, D), jnp.float32),
        mesh=mesh,
        compiler_params=pltpu.CompilerParams(needs_layout_passes=False),
        scratch_types=[
            pltpu.VMEM((CHUNK,), jnp.uint32),
            pltpu.VMEM((4096,), jnp.int32),
            pltpu.VMEM((256 + 16,), jnp.int32),
            pltpu.VMEM((NS * 256,), jnp.int32),
            pltpu.VMEM((GT_CAP,), jnp.uint32),
            pltpu.VMEM((GT_CAP,), jnp.int32),
            pltpu.VMEM((EQ_CAP,), jnp.int32),
            pltpu.VMEM((EQ_CAP,), jnp.uint32),
            pltpu.VMEM((GT_CAP,), jnp.int32),
            pltpu.VMEM((EQ_CAP,), jnp.int32),
            pltpu.VMEM((16,), jnp.int32),
            pltpu.VMEM((NS * 16,), jnp.int32),
            pltpu.VMEM((SCAND,), jnp.uint32),
            pltpu.VMEM((SCAND,), jnp.int32),
            pltpu.VMEM((CAND + 16,), jnp.uint32),
            pltpu.VMEM((CAND + 16,), jnp.int32),
            pltpu.VMEM((SLOTS,), jnp.int32),
            pltpu.VMEM((SLOTS,), jnp.int32),
            pltpu.VMEM((SLOTS,), jnp.int32),
            pltpu.VMEM((SLOTS + 16,), jnp.float32),
            pltpu.VMEM((SLOTS, D), jnp.float32),
            pltpu.VMEM_SHARED((4 * NS * 256,), jnp.int32),
            pltpu.VMEM_SHARED((NS * 16,), jnp.int32),
            pltpu.VMEM_SHARED((SCAND,), jnp.uint32),
            pltpu.VMEM_SHARED((SCAND,), jnp.int32),
            pltpu.SemaphoreType.DMA,
        ],
    )
    out_pad = sc(keys, x)
    return out_pad[:TOPK]


def kernel(x, learnable_vector):
    return _pipeline(x, learnable_vector)

# --- scband reference (transcript-rebuilt; emitter-appended) ---
"""Pipeline reference for scband-pooling-layer-69380901700064 (READ-ONLY COPY).

The authoritative reference and input builder live on the scoring server;
editing this copy changes nothing except your own understanding.
"""

import jax, jax.numpy as jnp
import numpy as np

K = 1024

def setup_inputs(seed: int = 0) -> dict:
    key = jax.random.key(seed)
    k1, k2 = jax.random.split(key)
    x = jax.random.normal(k1, (100000, 128), dtype=jnp.float32)
    learnable_vector = jax.random.normal(k2, (128, 1), dtype=jnp.float32)
    return {"x": x, "learnable_vector": learnable_vector}

def reference(x, learnable_vector):
    # length = torch.norm(self.learnable_vector)
    length = jnp.linalg.norm(learnable_vector)
    # y = torch.mm(x, self.learnable_vector) / length  -> [N, 1]
    y = jnp.matmul(x, learnable_vector) / length
    # idx = torch.topk(y, self.k): top-k scores over the N rows
    vals, idx = jax.lax.top_k(y[:, 0], K)
    # x_part = x[idx, :]  -> gather the top-k rows
    x_part = jnp.take(x, idx, axis=0)
    # torch.mul(x_part, transpose(y)): gate gathered rows by their (broadcast) scores
    out = jnp.multiply(x_part, vals[:, None])
    return out

if __name__ == "__main__":
    import jax
    _d = setup_inputs()
    print(jax.jit(kernel)(*tuple(_d.values())))

</pallas_src>

<mosaic_0001>
#map = affine_map<(d0, d1) -> (0)>
#map1 = affine_map<(d0, d1) -> (0, 0)>
module attributes {stable_mosaic.version = 14 : i64} {
  func.func @_sc_body(%arg0: i32, %arg1: i32, %arg2: memref<100352xi32, #tpu.memory_space<hbm>>, %arg3: memref<100000x128xf32, #tpu.memory_space<hbm>>, %arg4: memref<1040x128xf32, #tpu.memory_space<hbm>>, %arg5: memref<6272xi32, #tpu.memory_space<vmem>>, %arg6: memref<4096xi32, #tpu.memory_space<vmem>>, %arg7: memref<272xi32, #tpu.memory_space<vmem>>, %arg8: memref<4096xi32, #tpu.memory_space<vmem>>, %arg9: memref<1040xi32, #tpu.memory_space<vmem>>, %arg10: memref<1040xi32, #tpu.memory_space<vmem>>, %arg11: memref<96xi32, #tpu.memory_space<vmem>>, %arg12: memref<96xi32, #tpu.memory_space<vmem>>, %arg13: memref<1040xi32, #tpu.memory_space<vmem>>, %arg14: memref<96xi32, #tpu.memory_space<vmem>>, %arg15: memref<16xi32, #tpu.memory_space<vmem>>, %arg16: memref<256xi32, #tpu.memory_space<vmem>>, %arg17: memref<2176xi32, #tpu.memory_space<vmem>>, %arg18: memref<2176xi32, #tpu.memory_space<vmem>>, %arg19: memref<2064xi32, #tpu.memory_space<vmem>>, %arg20: memref<2064xi32, #tpu.memory_space<vmem>>, %arg21: memref<128xi32, #tpu.memory_space<vmem>>, %arg22: memref<128xi32, #tpu.memory_space<vmem>>, %arg23: memref<128xi32, #tpu.memory_space<vmem>>, %arg24: memref<144xf32, #tpu.memory_space<vmem>>, %arg25: memref<128x128xf32, #tpu.memory_space<vmem>>, %arg26: memref<16384xi32, #tpu.memory_space<vmem_shared>>, %arg27: memref<256xi32, #tpu.memory_space<vmem_shared>>, %arg28: memref<2176xi32, #tpu.memory_space<vmem_shared>>, %arg29: memref<2176xi32, #tpu.memory_space<vmem_shared>>, %arg30: memref<!tpu.dma_semaphore, #tpu.memory_space<semaphore_mem>>) attributes {dimension_semantics = [#tpu.dimension_semantics<core_parallel>, #tpu.dimension_semantics<subcore_parallel>], iteration_bounds = array<i64: 1, 16>, scalar_prefetch = 0 : i64, scratch_operands = 26 : i64, tpu.core_type = #tpu.core_type<sc_vector_subcore>, window_params = [{transform_indices = #map}, {transform_indices = #map1}, {transform_indices = #map1}]} {
    %mul3A = arith.constant 6272 : i32
    %mul3A_0 = arith.muli %arg1, %mul3A : i32
    %iota3A = tpu.iota {dimensions = array<i32: 0>} : vector<16xi32>
    %broadcast_in_dim3A = arith.constant 0 : i32
    %broadcast_in_dim3A_1 = vector.broadcast %broadcast_in_dim3A : i32 to vector<16xi32>
    %broadcast_in_dim3A_2 = arith.constant 1 : i32
    %broadcast_in_dim3A_3 = vector.broadcast %broadcast_in_dim3A_2 : i32 to vector<16xi32>
    "tpu.region"() ({
      %run_scoped3A = tpu.sem_alloc : memref<!tpu.dma_semaphore, #tpu.memory_space<semaphore_mem>>
      %dma_start3A_517 = tpu.memref_slice %arg2[%mul3A_0] : memref<100352xi32, #tpu.memory_space<hbm>> -> memref<6272xi32, #tpu.memory_space<hbm>>
      %dma_start3A_518 = tpu.memref_slice %arg2[%mul3A_0] : memref<100352xi32, #tpu.memory_space<hbm>> -> memref<6272xi32, #tpu.memory_space<hbm>>
      tpu.enqueue_dma source(%dma_start3A_518 : memref<6272xi32, #tpu.memory_space<hbm>>) target(%arg5 : memref<6272xi32, #tpu.memory_space<vmem>>) target_semaphore(%run_scoped3A : memref<!tpu.dma_semaphore, #tpu.memory_space<semaphore_mem>>)
      %dma_wait3A_519 = tpu.memref_slice %arg2[%mul3A_0] : memref<100352xi32, #tpu.memory_space<hbm>> -> memref<6272xi32, #tpu.memory_space<hbm>>
      %dma_wait3A_520 = tpu.memref_slice %arg2[%mul3A_0] : memref<100352xi32, #tpu.memory_space<hbm>> -> memref<6272xi32, #tpu.memory_space<hbm>>
      tpu.wait_dma2 semaphore(%run_scoped3A : memref<!tpu.dma_semaphore, #tpu.memory_space<semaphore_mem>>) src(%dma_wait3A_520 : memref<6272xi32, #tpu.memory_space<hbm>>) dst(%arg5 : memref<6272xi32, #tpu.memory_space<vmem>>)
      tpu.yield
    }) : () -> ()
    %scan3A = arith.constant 0 : i32
    %scan3A_4 = arith.constant 0 : i32
    %scan3A_5 = arith.constant 256 : i32
    %scan3A_6 = arith.addi %scan3A_4, %scan3A_5 : i32
    %scan3A_7 = arith.constant 8 : i32
    scf.for %scan3A_517 = %scan3A_4 to %scan3A_6 step %scan3A_7  : i32 {
      %mul3A_518 = arith.constant 16 : i32
      %mul3A_519 = arith.muli %scan3A_517, %mul3A_518 : i32
      %swap3A_520 = arith.index_cast %mul3A_519 : i32 to index
      %swap3A_521 = tpu.vector_load %arg6[%swap3A_520] {strides = array<i32>} : memref<4096xi32, #tpu.memory_space<vmem>>, vector<16xi32>,
      tpu.vector_store %arg6[%swap3A_520], %broadcast_in_dim3A_1 {strides = array<i32>} : memref<4096xi32, #tpu.memory_space<vmem>>, vector<16xi32>,
      %scan3A_522 = arith.constant 1 : i32
      %scan3A_523 = arith.addi %scan3A_517, %scan3A_522 : i32
      %mul3A_524 = arith.constant 16 : i32
      %mul3A_525 = arith.muli %scan3A_523, %mul3A_524 : i32
      %swap3A_526 = arith.index_cast %mul3A_525 : i32 to index
      %swap3A_527 = tpu.vector_load %arg6[%swap3A_526] {strides = array<i32>} : memref<4096xi32, #tpu.memory_space<vmem>>, vector<16xi32>,
      tpu.vector_store %arg6[%swap3A_526], %broadcast_in_dim3A_1 {strides = array<i32>} : memref<4096xi32, #tpu.memory_space<vmem>>, vector<16xi32>,
      %scan3A_528 = arith.constant 2 : i32
      %scan3A_529 = arith.addi %scan3A_517, %scan3A_528 : i32
      %mul3A_530 = arith.constant 16 : i32
      %mul3A_531 = arith.muli %scan3A_529, %mul3A_530 : i32
      %swap3A_532 = arith.index_cast %mul3A_531 : i32 to index
      %swap3A_533 = tpu.vector_load %arg6[%swap3A_532] {strides = array<i32>} : memref<4096xi32, #tpu.memory_space<vmem>>, vector<16xi32>,
      tpu.vector_store %arg6[%swap3A_532], %broadcast_in_dim3A_1 {strides = array<i32>} : memref<4096xi32, #tpu.memory_space<vmem>>, vector<16xi32>,
      %scan3A_534 = arith.constant 3 : i32
      %scan3A_535 = arith.addi %scan3A_517, %scan3A_534 : i32
      %mul3A_536 = arith.constant 16 : i32
      %mul3A_537 = arith.muli %scan3A_535, %mul3A_536 : i32
      %swap3A_538 = arith.index_cast %mul3A_537 : i32 to index
      %swap3A_539 = tpu.vector_load %arg6[%swap3A_538] {strides = array<i32>} : memref<4096xi32, #tpu.memory_space<vmem>>, vector<16xi32>,
      tpu.vector_store %arg6[%swap3A_538], %broadcast_in_dim3A_1 {strides = array<i32>} : memref<4096xi32, #tpu.memory_space<vmem>>, vector<16xi32>,
      %scan3A_540 = arith.constant 4 : i32
      %scan3A_541 = arith.addi %scan3A_517, %scan3A_540 : i32
      %mul3A_542 = arith.constant 16 : i32
      %mul3A_543 = arith.muli %scan3A_541, %mul3A_542 : i32
      %swap3A_544 = arith.index_cast %mul3A_543 : i32 to index
      %swap3A_545 = tpu.vector_load %arg6[%swap3A_544] {strides = array<i32>} : memref<4096xi32, #tpu.memory_space<vmem>>, vector<16xi32>,
      tpu.vector_store %arg6[%swap3A_544], %broadcast_in_dim3A_1 {strides = array<i32>} : memref<4096xi32, #tpu.memory_space<vmem>>, vector<16xi32>,
      %scan3A_546 = arith.constant 5 : i32
      %scan3A_547 = arith.addi %scan3A_517, %scan3A_546 : i32
      %mul3A_548 = arith.constant 16 : i32
      %mul3A_549 = arith.muli %scan3A_547, %mul3A_548 : i32
      %swap3A_550 = arith.index_cast %mul3A_549 : i32 to index
      %swap3A_551 = tpu.vector_load %arg6[%swap3A_550] {strides = array<i32>} : memref<4096xi32, #tpu.memory_space<vmem>>, vector<16xi32>,
      tpu.vector_store %arg6[%swap3A_550], %broadcast_in_dim3A_1 {strides = array<i32>} : memref<4096xi32, #tpu.memory_space<vmem>>, vector<16xi32>,
      %scan3A_552 = arith.constant 6 : i32
      %scan3A_553 = arith.addi %scan3A_517, %scan3A_552 : i32
      %mul3A_554 = arith.constant 16 : i32
      %mul3A_555 = arith.muli %scan3A_553, %mul3A_554 : i32
      %swap3A_556 = arith.index_cast %mul3A_555 : i32 to index
      %swap3A_557 = tpu.vector_load %arg6[%swap3A_556] {strides = array<i32>} : memref<4096xi32, #tpu.memory_space<vmem>>, vector<16xi32>,
      tpu.vector_store %arg6[%swap3A_556], %broadcast_in_dim3A_1 {strides = array<i32>} : memref<4096xi32, #tpu.memory_space<vmem>>, vector<16xi32>,
      %scan3A_558 = arith.constant 7 : i32
      %scan3A_559 = arith.addi %scan3A_517, %scan3A_558 : i32
      %mul3A_560 = arith.constant 16 : i32
      %mul3A_561 = arith.muli %scan3A_559, %mul3A_560 : i32
      %swap3A_562 = arith.index_cast %mul3A_561 : i32 to index
      %swap3A_563 = tpu.vector_load %arg6[%swap3A_562] {strides = array<i32>} : memref<4096xi32, #tpu.memory_space<vmem>>, vector<16xi32>,
      tpu.vector_store %arg6[%swap3A_562], %broadcast_in_dim3A_1 {strides = array<i32>} : memref<4096xi32, #tpu.memory_space<vmem>>, vector<16xi32>,
    }
    %scan3A_8 = arith.constant 256 : i32
    %scan3A_9 = arith.constant 0 : i32
    %scan3A_10 = arith.constant 0 : i32
    %scan3A_11 = arith.constant 392 : i32
    %scan3A_12 = arith.addi %scan3A_10, %scan3A_11 : i32
    %scan3A_13 = arith.constant 4 : i32
    scf.for %scan3A_517 = %scan3A_10 to %scan3A_12 step %scan3A_13  : i32 {
      %mul3A_518 = arith.constant 16 : i32
      %mul3A_519 = arith.muli %scan3A_517, %mul3A_518 : i32
      %get3A_520 = arith.index_cast %mul3A_519 : i32 to index
      %get3A_521 = tpu.vector_load %arg5[%get3A_520] {strides = array<i32>} : memref<6272xi32, #tpu.memory_space<vmem>>, vector<16xi32>,
      %shift_right_logical3A = arith.constant 24 : i32
      %shift_right_logical3A_522 = vector.broadcast %shift_right_logical3A : i32 to vector<16xi32>
      %shift_right_logical3A_523 = arith.shrui %get3A_521, %shift_right_logical3A_522 : vector<16xi32>
      %and3A_524 = arith.constant 255 : i32
      %and3A_525 = vector.broadcast %and3A_524 : i32 to vector<16xi32>
      %and3A_526 = arith.andi %shift_right_logical3A_523, %and3A_525 : vector<16xi32>
      %mul3A_527 = arith.constant 256 : i32
      %mul3A_528 = vector.broadcast %mul3A_527 : i32 to vector<16xi32>
      %mul3A_529 = arith.muli %iota3A, %mul3A_528 : vector<16xi32>
      %add3A_530 = arith.addi %mul3A_529, %and3A_526 : vector<16xi32>
      %broadcast_in_dim3A_531 = arith.constant true
      %broadcast_in_dim3A_532 = vector.broadcast %broadcast_in_dim3A_531 : i1 to vector<16xi1>
      tpu.vector_store_idx %arg6[%add3A_530], %broadcast_in_dim3A_3 masked %broadcast_in_dim3A_532 {add = true} : memref<4096xi32, #tpu.memory_space<vmem>>[vector<16xi32>], vector<16xi32>, vector<16xi1>
      %scan3A_533 = arith.constant 1 : i32
      %scan3A_534 = arith.addi %scan3A_517, %scan3A_533 : i32
      %mul3A_535 = arith.constant 16 : i32
      %mul3A_536 = arith.muli %scan3A_534, %mul3A_535 : i32
      %get3A_537 = arith.index_cast %mul3A_536 : i32 to index
      %get3A_538 = tpu.vector_load %arg5[%get3A_537] {strides = array<i32>} : memref<6272xi32, #tpu.memory_space<vmem>>, vector<16xi32>,
      %shift_right_logical3A_539 = arith.constant 24 : i32
      %shift_right_logical3A_540 = vector.broadcast %shift_right_logical3A_539 : i32 to vector<16xi32>
      %shift_right_logical3A_541 = arith.shrui %get3A_538, %shift_right_logical3A_540 : vector<16xi32>
      %and3A_542 = arith.constant 255 : i32
      %and3A_543 = vector.broadcast %and3A_542 : i32 to vector<16xi32>
      %and3A_544 = arith.andi %shift_right_logical3A_541, %and3A_543 : vector<16xi32>
      %mul3A_545 = arith.constant 256 : i32
      %mul3A_546 = vector.broadcast %mul3A_545 : i32 to vector<16xi32>
      %mul3A_547 = arith.muli %iota3A, %mul3A_546 : vector<16xi32>
      %add3A_548 = arith.addi %mul3A_547, %and3A_544 : vector<16xi32>
      %broadcast_in_dim3A_549 = arith.constant true
      %broadcast_in_dim3A_550 = vector.broadcast %broadcast_in_dim3A_549 : i1 to vector<16xi1>
      tpu.vector_store_idx %arg6[%add3A_548], %broadcast_in_dim3A_3 masked %broadcast_in_dim3A_550 {add = true} : memref<4096xi32, #tpu.memory_space<vmem>>[vector<16xi32>], vector<16xi32>, vector<16xi1>
      %scan3A_551 = arith.constant 2 : i32
      %scan3A_552 = arith.addi %scan3A_517, %scan3A_551 : i32
      %mul3A_553 = arith.constant 16 : i32
      %mul3A_554 = arith.muli %scan3A_552, %mul3A_553 : i32
      %get3A_555 = arith.index_cast %mul3A_554 : i32 to index
      %get3A_556 = tpu.vector_load %arg5[%get3A_555] {strides = array<i32>} : memref<6272xi32, #tpu.memory_space<vmem>>, vector<16xi32>,
      %shift_right_logical3A_557 = arith.constant 24 : i32
      %shift_right_logical3A_558 = vector.broadcast %shift_right_logical3A_557 : i32 to vector<16xi32>
      %shift_right_logical3A_559 = arith.shrui %get3A_556, %shift_right_logical3A_558 : vector<16xi32>
      %and3A_560 = arith.constant 255 : i32
      %and3A_561 = vector.broadcast %and3A_560 : i32 to vector<16xi32>
      %and3A_562 = arith.andi %shift_right_logical3A_559, %and3A_561 : vector<16xi32>
      %mul3A_563 = arith.constant 256 : i32
      %mul3A_564 = vector.broadcast %mul3A_563 : i32 to vector<16xi32>
      %mul3A_565 = arith.muli %iota3A, %mul3A_564 : vector<16xi32>
      %add3A_566 = arith.addi %mul3A_565, %and3A_562 : vector<16xi32>
      %broadcast_in_dim3A_567 = arith.constant true
      %broadcast_in_dim3A_568 = vector.broadcast %broadcast_in_dim3A_567 : i1 to vector<16xi1>
      tpu.vector_store_idx %arg6[%add3A_566], %broadcast_in_dim3A_3 masked %broadcast_in_dim3A_568 {add = true} : memref<4096xi32, #tpu.memory_space<vmem>>[vector<16xi32>], vector<16xi32>, vector<16xi1>
      %scan3A_569 = arith.constant 3 : i32
      %scan3A_570 = arith.addi %scan3A_517, %scan3A_569 : i32
      %mul3A_571 = arith.constant 16 : i32
      %mul3A_572 = arith.muli %scan3A_570, %mul3A_571 : i32
      %get3A_573 = arith.index_cast %mul3A_572 : i32 to index
      %get3A_574 = tpu.vector_load %arg5[%get3A_573] {strides = array<i32>} : memref<6272xi32, #tpu.memory_space<vmem>>, vector<16xi32>,
      %shift_right_logical3A_575 = arith.constant 24 : i32
      %shift_right_logical3A_576 = vector.broadcast %shift_right_logical3A_575 : i32 to vector<16xi32>
      %shift_right_logical3A_577 = arith.shrui %get3A_574, %shift_right_logical3A_576 : vector<16xi32>
      %and3A_578 = arith.constant 255 : i32
      %and3A_579 = vector.broadcast %and3A_578 : i32 to vector<16xi32>
      %and3A_580 = arith.andi %shift_right_logical3A_577, %and3A_579 : vector<16xi32>
      %mul3A_581 = arith.constant 256 : i32
      %mul3A_582 = vector.broadcast %mul3A_581 : i32 to vector<16xi32>
      %mul3A_583 = arith.muli %iota3A, %mul3A_582 : vector<16xi32>
      %add3A_584 = arith.addi %mul3A_583, %and3A_580 : vector<16xi32>
      %broadcast_in_dim3A_585 = arith.constant true
      %broadcast_in_dim3A_586 = vector.broadcast %broadcast_in_dim3A_585 : i1 to vector<16xi1>
      tpu.vector_store_idx %arg6[%add3A_584], %broadcast_in_dim3A_3 masked %broadcast_in_dim3A_586 {add = true} : memref<4096xi32, #tpu.memory_space<vmem>>[vector<16xi32>], vector<16xi32>, vector<16xi1>
    }
    %scan3A_14 = arith.constant 392 : i32
    %scan3A_15 = arith.constant 0 : i32
    %scan3A_16 = arith.constant 0 : i32
    %scan3A_17 = arith.constant 16 : i32
    %scan3A_18 = arith.addi %scan3A_16, %scan3A_17 : i32
    %scan3A_19 = arith.constant 1 : i32
    scf.for %scan3A_517 = %scan3A_16 to %scan3A_18 step %scan3A_19  : i32 {
      %mul3A_518 = arith.constant 16 : i32
      %mul3A_519 = arith.muli %scan3A_517, %mul3A_518 : i32
      %add3A_520 = arith.constant 0 : i32
      %add3A_521 = arith.addi %add3A_520, %mul3A_519 : i32
      %get3A_522 = arith.index_cast %add3A_521 : i32 to index
      %get3A_523 = tpu.vector_load %arg6[%get3A_522] {strides = array<i32>} : memref<4096xi32, #tpu.memory_space<vmem>>, vector<16xi32>,
      %add3A_524 = arith.addi %broadcast_in_dim3A_1, %get3A_523 : vector<16xi32>
      %mul3A_525 = arith.constant 16 : i32
      %mul3A_526 = arith.muli %scan3A_517, %mul3A_525 : i32
      %add3A_527 = arith.constant 256 : i32
      %add3A_528 = arith.addi %add3A_527, %mul3A_526 : i32
      %get3A_529 = arith.index_cast %add3A_528 : i32 to index
      %get3A_530 = tpu.vector_load %arg6[%get3A_529] {strides = array<i32>} : memref<4096xi32, #tpu.memory_space<vmem>>, vector<16xi32>,
      %add3A_531 = arith.addi %add3A_524, %get3A_530 : vector<16xi32>
      %mul3A_532 = arith.constant 16 : i32
      %mul3A_533 = arith.muli %scan3A_517, %mul3A_532 : i32
      %add3A_534 = arith.constant 512 : i32
      %add3A_535 = arith.addi %add3A_534, %mul3A_533 : i32
      %get3A_536 = arith.index_cast %add3A_535 : i32 to index
      %get3A_537 = tpu.vector_load %arg6[%get3A_536] {strides = array<i32>} : memref<4096xi32, #tpu.memory_space<vmem>>, vector<16xi32>,
      %add3A_538 = arith.addi %add3A_531, %get3A_537 : vector<16xi32>
      %mul3A_539 = arith.constant 16 : i32
      %mul3A_540 = arith.muli %scan3A_517, %mul3A_539 : i32
      %add3A_541 = arith.constant 768 : i32
      %add3A_542 = arith.addi %add3A_541, %mul3A_540 : i32
      %get3A_543 = arith.index_cast %add3A_542 : i32 to index
      %get3A_544 = tpu.vector_load %arg6[%get3A_543] {strides = array<i32>} : memref<4096xi32, #tpu.memory_space<vmem>>, vector<16xi32>,
      %add3A_545 = arith.addi %add3A_538, %get3A_544 : vector<16xi32>
      %mul3A_546 = arith.constant 16 : i32
      %mul3A_547 = arith.muli %scan3A_517, %mul3A_546 : i32
      %add3A_548 = arith.constant 1024 : i32
      %add3A_549 = arith.addi %add3A_548, %mul3A_547 : i32
      %get3A_550 = arith.index_cast %add3A_549 : i32 to index
      %get3A_551 = tpu.vector_load %arg6[%get3A_550] {strides = array<i32>} : memref<4096xi32, #tpu.memory_space<vmem>>, vector<16xi32>,
      %add3A_552 = arith.addi %add3A_545, %get3A_551 : vector<16xi32>
      %mul3A_553 = arith.constant 16 : i32
      %mul3A_554 = arith.muli %scan3A_517, %mul3A_553 : i32
      %add3A_555 = arith.constant 1280 : i32
      %add3A_556 = arith.addi %add3A_555, %mul3A_554 : i32
      %get3A_557 = arith.index_cast %add3A_556 : i32 to index
      %get3A_558 = tpu.vector_load %arg6[%get3A_557] {strides = array<i32>} : memref<4096xi32, #tpu.memory_space<vmem>>, vector<16xi32>,
      %add3A_559 = arith.addi %add3A_552, %get3A_558 : vector<16xi32>
      %mul3A_560 = arith.constant 16 : i32
      %mul3A_561 = arith.muli %scan3A_517, %mul3A_560 : i32
      %add3A_562 = arith.constant 1536 : i32
      %add3A_563 = arith.addi %add3A_562, %mul3A_561 : i32
      %get3A_564 = arith.index_cast %add3A_563 : i32 to index
      %get3A_565 = tpu.vector_load %arg6[%get3A_564] {strides = array<i32>} : memref<4096xi32, #tpu.memory_space<vmem>>, vector<16xi32>,
      %add3A_566 = arith.addi %add3A_559, %get3A_565 : vector<16xi32>
      %mul3A_567 = arith.constant 16 : i32
      %mul3A_568 = arith.muli %scan3A_517, %mul3A_567 : i32
      %add3A_569 = arith.constant 1792 : i32
      %add3A_570 = arith.addi %add3A_569, %mul3A_568 : i32
      %get3A_571 = arith.index_cast %add3A_570 : i32 to index
      %get3A_572 = tpu.vector_load %arg6[%get3A_571] {strides = array<i32>} : memref<4096xi32, #tpu.memory_space<vmem>>, vector<16xi32>,
      %add3A_573 = arith.addi %add3A_566, %get3A_572 : vector<16xi32>
      %mul3A_574 = arith.constant 16 : i32
      %mul3A_575 = arith.muli %scan3A_517, %mul3A_574 : i32
      %add3A_576 = arith.constant 2048 : i32
      %add3A_577 = arith.addi %add3A_576, %mul3A_575 : i32
      %get3A_578 = arith.index_cast %add3A_577 : i32 to index
      %get3A_579 = tpu.vector_load %arg6[%get3A_578] {strides = array<i32>} : memref<4096xi32, #tpu.memory_space<vmem>>, vector<16xi32>,
      %add3A_580 = arith.addi %add3A_573, %get3A_579 : vector<16xi32>
      %mul3A_581 = arith.constant 16 : i32
      %mul3A_582 = arith.muli %scan3A_517, %mul3A_581 : i32
      %add3A_583 = arith.constant 2304 : i32
      %add3A_584 = arith.addi %add3A_583, %mul3A_582 : i32
      %get3A_585 = arith.index_cast %add3A_584 : i32 to index
      %get3A_586 = tpu.vector_load %arg6[%get3A_585] {strides = array<i32>} : memref<4096xi32, #tpu.memory_space<vmem>>, vector<16xi32>,
      %add3A_587 = arith.addi %add3A_580, %get3A_586 : vector<16xi32>
      %mul3A_588 = arith.constant 16 : i32
      %mul3A_589 = arith.muli %scan3A_517, %mul3A_588 : i32
      %add3A_590 = arith.constant 2560 : i32
      %add3A_591 = arith.addi %add3A_590, %mul3A_589 : i32
      %get3A_592 = arith.index_cast %add3A_591 : i32 to index
      %get3A_593 = tpu.vector_load %arg6[%get3A_592] {strides = array<i32>} : memref<4096xi32, #tpu.memory_space<vmem>>, vector<16xi32>,
      %add3A_594 = arith.addi %add3A_587, %get3A_593 : vector<16xi32>
      %mul3A_595 = arith.constant 16 : i32
      %mul3A_596 = arith.muli %scan3A_517, %mul3A_595 : i32
      %add3A_597 = arith.constant 2816 : i32
      %add3A_598 = arith.addi %add3A_597, %mul3A_596 : i32
      %get3A_599 = arith.index_cast %add3A_598 : i32 to index
      %get3A_600 = tpu.vector_load %arg6[%get3A_599] {strides = array<i32>} : memref<4096xi32, #tpu.memory_space<vmem>>, vector<16xi32>,
      %add3A_601 = arith.addi %add3A_594, %get3A_600 : vector<16xi32>
      %mul3A_602 = arith.constant 16 : i32
      %mul3A_603 = arith.muli %scan3A_517, %mul3A_602 : i32
      %add3A_604 = arith.constant 3072 : i32
      %add3A_605 = arith.addi %add3A_604, %mul3A_603 : i32
      %get3A_606 = arith.index_cast %add3A_605 : i32 to index
      %get3A_607 = tpu.vector_load %arg6[%get3A_606] {strides = array<i32>} : memref<4096xi32, #tpu.memory_space<vmem>>, vector<16xi32>,
      %add3A_608 = arith.addi %add3A_601, %get3A_607 : vector<16xi32>
      %mul3A_609 = arith.constant 16 : i32
      %mul3A_610 = arith.muli %scan3A_517, %mul3A_609 : i32
      %add3A_611 = arith.constant 3328 : i32
      %add3A_612 = arith.addi %add3A_611, %mul3A_610 : i32
      %get3A_613 = arith.index_cast %add3A_612 : i32 to index
      %get3A_614 = tpu.vector_load %arg6[%get3A_613] {strides = array<i32>} : memref<4096xi32, #tpu.memory_space<vmem>>, vector<16xi32>,
      %add3A_615 = arith.addi %add3A_608, %get3A_614 : vector<16xi32>
      %mul3A_616 = arith.constant 16 : i32
      %mul3A_617 = arith.muli %scan3A_517, %mul3A_616 : i32
      %add3A_618 = arith.constant 3584 : i32
      %add3A_619 = arith.addi %add3A_618, %mul3A_617 : i32
      %get3A_620 = arith.index_cast %add3A_619 : i32 to index
      %get3A_621 = tpu.vector_load %arg6[%get3A_620] {strides = array<i32>} : memref<4096xi32, #tpu.memory_space<vmem>>, vector<16xi32>,
      %add3A_622 = arith.addi %add3A_615, %get3A_621 : vector<16xi32>
      %mul3A_623 = arith.constant 16 : i32
      %mul3A_624 = arith.muli %scan3A_517, %mul3A_623 : i32
      %add3A_625 = arith.constant 3840 : i32
      %add3A_626 = arith.addi %add3A_625, %mul3A_624 : i32
      %get3A_627 = arith.index_cast %add3A_626 : i32 to index
      %get3A_628 = tpu.vector_load %arg6[%get3A_627] {strides = array<i32>} : memref<4096xi32, #tpu.memory_space<vmem>>, vector<16xi32>,
      %add3A_629 = arith.addi %add3A_622, %get3A_628 : vector<16xi32>
      %mul3A_630 = arith.constant 16 : i32
      %mul3A_631 = arith.muli %scan3A_517, %mul3A_630 : i32
      %swap3A_632 = arith.index_cast %mul3A_631 : i32 to index
      %swap3A_633 = tpu.vector_load %arg7[%swap3A_632] {strides = array<i32>} : memref<272xi32, #tpu.memory_space<vmem>>, vector<16xi32>,
      tpu.vector_store %arg7[%swap3A_632], %add3A_629 {strides = array<i32>} : memref<272xi32, #tpu.memory_space<vmem>>, vector<16xi32>,
    }
    %scan3A_20 = arith.constant 16 : i32
    %add3A = arith.constant 0 : i32
    %add3A_21 = arith.addi %add3A, %arg1 : i32
    %mul3A_22 = arith.constant 256 : i32
    %mul3A_23 = arith.muli %add3A_21, %mul3A_22 : i32
    "tpu.region"() ({
      %run_scoped3A = tpu.sem_alloc : memref<!tpu.dma_semaphore, #tpu.memory_space<semaphore_mem>>
      %dma_start3A_517 = arith.constant 0 : i32
      %dma_start3A_518 = tpu.memref_slice %arg7[%dma_start3A_517] : memref<272xi32, #tpu.memory_space<vmem>> -> memref<256xi32, #tpu.memory_space<vmem>>
      %dma_start3A_519 = tpu.memref_slice %arg26[%mul3A_23] : memref<16384xi32, #tpu.memory_space<vmem_shared>> -> memref<256xi32, #tpu.memory_space<vmem_shared>>
      %dma_start3A_520 = tpu.memref_slice %arg26[%mul3A_23] : memref<16384xi32, #tpu.memory_space<vmem_shared>> -> memref<256xi32, #tpu.memory_space<vmem_shared>>
      %dma_start3A_521 = arith.constant 0 : i32
      %dma_start3A_522 = tpu.memref_slice %arg7[%dma_start3A_521] : memref<272xi32, #tpu.memory_space<vmem>> -> memref<256xi32, #tpu.memory_space<vmem>>
      tpu.enqueue_dma source(%dma_start3A_522 : memref<256xi32, #tpu.memory_space<vmem>>) target(%dma_start3A_520 : memref<256xi32, #tpu.memory_space<vmem_shared>>) target_semaphore(%run_scoped3A : memref<!tpu.dma_semaphore, #tpu.memory_space<semaphore_mem>>)
      %dma_wait3A_523 = arith.constant 0 : i32
      %dma_wait3A_524 = tpu.memref_slice %arg7[%dma_wait3A_523] : memref<272xi32, #tpu.memory_space<vmem>> -> memref<256xi32, #tpu.memory_space<vmem>>
      %dma_wait3A_525 = tpu.memref_slice %arg26[%mul3A_23] : memref<16384xi32, #tpu.memory_space<vmem_shared>> -> memref<256xi32, #tpu.memory_space<vmem_shared>>
      %dma_wait3A_526 = tpu.memref_slice %arg26[%mul3A_23] : memref<16384xi32, #tpu.memory_space<vmem_shared>> -> memref<256xi32, #tpu.memory_space<vmem_shared>>
      %dma_wait3A_527 = arith.constant 0 : i32
      %dma_wait3A_528 = tpu.memref_slice %arg7[%dma_wait3A_527] : memref<272xi32, #tpu.memory_space<vmem>> -> memref<256xi32, #tpu.memory_space<vmem>>
      tpu.wait_dma2 semaphore(%run_scoped3A : memref<!tpu.dma_semaphore, #tpu.memory_space<semaphore_mem>>) src(%dma_wait3A_528 : memref<256xi32, #tpu.memory_space<vmem>>) dst(%dma_wait3A_526 : memref<256xi32, #tpu.memory_space<vmem_shared>>)
      tpu.yield
    }) : () -> ()
    %barrier3A = arith.constant 0 : index
    tpu.barrier barrier_id(%barrier3A)
    "tpu.region"() ({
      %run_scoped3A = tpu.sem_alloc : memref<!tpu.dma_semaphore, #tpu.memory_space<semaphore_mem>>
      %dma_start3A_517 = arith.constant 0 : i32
      %dma_start3A_518 = tpu.memref_slice %arg26[%dma_start3A_517] : memref<16384xi32, #tpu.memory_space<vmem_shared>> -> memref<4096xi32, #tpu.memory_space<vmem_shared>>
      %dma_start3A_519 = arith.constant 0 : i32
      %dma_start3A_520 = tpu.memref_slice %arg26[%dma_start3A_519] : memref<16384xi32, #tpu.memory_space<vmem_shared>> -> memref<4096xi32, #tpu.memory_space<vmem_shared>>
      tpu.enqueue_dma source(%dma_start3A_520 : memref<4096xi32, #tpu.memory_space<vmem_shared>>) target(%arg8 : memref<4096xi32, #tpu.memory_space<vmem>>) target_semaphore(%run_scoped3A : memref<!tpu.dma_semaphore, #tpu.memory_space<semaphore_mem>>)
      %dma_wait3A_521 = arith.constant 0 : i32
      %dma_wait3A_522 = tpu.memref_slice %arg26[%dma_wait3A_521] : memref<16384xi32, #tpu.memory_space<vmem_shared>> -> memref<4096xi32, #tpu.memory_space<vmem_shared>>
      %dma_wait3A_523 = arith.constant 0 : i32
      %dma_wait3A_524 = tpu.memref_slice %arg26[%dma_wait3A_523] : memref<16384xi32, #tpu.memory_space<vmem_shared>> -> memref<4096xi32, #tpu.memory_space<vmem_shared>>
      tpu.wait_dma2 semaphore(%run_scoped3A : memref<!tpu.dma_semaphore, #tpu.memory_space<semaphore_mem>>) src(%dma_wait3A_524 : memref<4096xi32, #tpu.memory_space<vmem_shared>>) dst(%arg8 : memref<4096xi32, #tpu.memory_space<vmem>>)
      tpu.yield
    }) : () -> ()
    %scan3A_24 = arith.constant 0 : i32
    %scan3A_25 = arith.constant 16 : i32
    %scan3A_26 = arith.addi %scan3A_24, %scan3A_25 : i32
    %scan3A_27 = arith.constant 1 : i32
    %scan3A_28 = scf.for %scan3A_517 = %scan3A_24 to %scan3A_26 step %scan3A_27 iter_args(%scan3A_518 = %broadcast_in_dim3A_1) -> (vector<16xi32>)  : i32 {
      %mul3A_519 = arith.constant 16 : i32
      %mul3A_520 = arith.muli %scan3A_517, %mul3A_519 : i32
      %add3A_521 = arith.constant 0 : i32
      %add3A_522 = arith.addi %add3A_521, %mul3A_520 : i32
      %get3A_523 = arith.index_cast %add3A_522 : i32 to index
      %get3A_524 = tpu.vector_load %arg8[%get3A_523] {strides = array<i32>} : memref<4096xi32, #tpu.memory_space<vmem>>, vector<16xi32>,
      %add3A_525 = arith.addi %broadcast_in_dim3A_1, %get3A_524 : vector<16xi32>
      %mul3A_526 = arith.constant 16 : i32
      %mul3A_527 = arith.muli %scan3A_517, %mul3A_526 : i32
      %add3A_528 = arith.constant 256 : i32
      %add3A_529 = arith.addi %add3A_528, %mul3A_527 : i32
      %get3A_530 = arith.index_cast %add3A_529 : i32 to index
      %get3A_531 = tpu.vector_load %arg8[%get3A_530] {strides = array<i32>} : memref<4096xi32, #tpu.memory_space<vmem>>, vector<16xi32>,
      %add3A_532 = arith.addi %add3A_525, %get3A_531 : vector<16xi32>
      %mul3A_533 = arith.constant 16 : i32
      %mul3A_534 = arith.muli %scan3A_517, %mul3A_533 : i32
      %add3A_535 = arith.constant 512 : i32
      %add3A_536 = arith.addi %add3A_535, %mul3A_534 : i32
      %get3A_537 = arith.index_cast %add3A_536 : i32 to index
      %get3A_538 = tpu.vector_load %arg8[%get3A_537] {strides = array<i32>} : memref<4096xi32, #tpu.memory_space<vmem>>, vector<16xi32>,
      %add3A_539 = arith.addi %add3A_532, %get3A_538 : vector<16xi32>
      %mul3A_540 = arith.constant 16 : i32
      %mul3A_541 = arith.muli %scan3A_517, %mul3A_540 : i32
      %add3A_542 = arith.constant 768 : i32
      %add3A_543 = arith.addi %add3A_542, %mul3A_541 : i32
      %get3A_544 = arith.index_cast %add3A_543 : i32 to index
      %get3A_545 = tpu.vector_load %arg8[%get3A_544] {strides = array<i32>} : memref<4096xi32, #tpu.memory_space<vmem>>, vector<16xi32>,
      %add3A_546 = arith.addi %add3A_539, %get3A_545 : vector<16xi32>
      %mul3A_547 = arith.constant 16 : i32
      %mul3A_548 = arith.muli %scan3A_517, %mul3A_547 : i32
      %add3A_549 = arith.constant 1024 : i32
      %add3A_550 = arith.addi %add3A_549, %mul3A_548 : i32
      %get3A_551 = arith.index_cast %add3A_550 : i32 to index
      %get3A_552 = tpu.vector_load %arg8[%get3A_551] {strides = array<i32>} : memref<4096xi32, #tpu.memory_space<vmem>>, vector<16xi32>,
      %add3A_553 = arith.addi %add3A_546, %get3A_552 : vector<16xi32>
      %mul3A_554 = arith.constant 16 : i32
      %mul3A_555 = arith.muli %scan3A_517, %mul3A_554 : i32
      %add3A_556 = arith.constant 1280 : i32
      %add3A_557 = arith.addi %add3A_556, %mul3A_555 : i32
      %get3A_558 = arith.index_cast %add3A_557 : i32 to index
      %get3A_559 = tpu.vector_load %arg8[%get3A_558] {strides = array<i32>} : memref<4096xi32, #tpu.memory_space<vmem>>, vector<16xi32>,
      %add3A_560 = arith.addi %add3A_553, %get3A_559 : vector<16xi32>
      %mul3A_561 = arith.constant 16 : i32
      %mul3A_562 = arith.muli %scan3A_517, %mul3A_561 : i32
      %add3A_563 = arith.constant 1536 : i32
      %add3A_564 = arith.addi %add3A_563, %mul3A_562 : i32
      %get3A_565 = arith.index_cast %add3A_564 : i32 to index
      %get3A_566 = tpu.vector_load %arg8[%get3A_565] {strides = array<i32>} : memref<4096xi32, #tpu.memory_space<vmem>>, vector<16xi32>,
      %add3A_567 = arith.addi %add3A_560, %get3A_566 : vector<16xi32>
      %mul3A_568 = arith.constant 16 : i32
      %mul3A_569 = arith.muli %scan3A_517, %mul3A_568 : i32
      %add3A_570 = arith.constant 1792 : i32
      %add3A_571 = arith.addi %add3A_570, %mul3A_569 : i32
      %get3A_572 = arith.index_cast %add3A_571 : i32 to index
      %get3A_573 = tpu.vector_load %arg8[%get3A_572] {strides = array<i32>} : memref<4096xi32, #tpu.memory_space<vmem>>, vector<16xi32>,
      %add3A_574 = arith.addi %add3A_567, %get3A_573 : vector<16xi32>
      %mul3A_575 = arith.constant 16 : i32
      %mul3A_576 = arith.muli %scan3A_517, %mul3A_575 : i32
      %add3A_577 = arith.constant 2048 : i32
      %add3A_578 = arith.addi %add3A_577, %mul3A_576 : i32
      %get3A_579 = arith.index_cast %add3A_578 : i32 to index
      %get3A_580 = tpu.vector_load %arg8[%get3A_579] {strides = array<i32>} : memref<4096xi32, #tpu.memory_space<vmem>>, vector<16xi32>,
      %add3A_581 = arith.addi %add3A_574, %get3A_580 : vector<16xi32>
      %mul3A_582 = arith.constant 16 : i32
      %mul3A_583 = arith.muli %scan3A_517, %mul3A_582 : i32
      %add3A_584 = arith.constant 2304 : i32
      %add3A_585 = arith.addi %add3A_584, %mul3A_583 : i32
      %get3A_586 = arith.index_cast %add3A_585 : i32 to index
      %get3A_587 = tpu.vector_load %arg8[%get3A_586] {strides = array<i32>} : memref<4096xi32, #tpu.memory_space<vmem>>, vector<16xi32>,
      %add3A_588 = arith.addi %add3A_581, %get3A_587 : vector<16xi32>
      %mul3A_589 = arith.constant 16 : i32
      %mul3A_590 = arith.muli %scan3A_517, %mul3A_589 : i32
      %add3A_591 = arith.constant 2560 : i32
      %add3A_592 = arith.addi %add3A_591, %mul3A_590 : i32
      %get3A_593 = arith.index_cast %add3A_592 : i32 to index
      %get3A_594 = tpu.vector_load %arg8[%get3A_593] {strides = array<i32>} : memref<4096xi32, #tpu.memory_space<vmem>>, vector<16xi32>,
      %add3A_595 = arith.addi %add3A_588, %get3A_594 : vector<16xi32>
      %mul3A_596 = arith.constant 16 : i32
      %mul3A_597 = arith.muli %scan3A_517, %mul3A_596 : i32
      %add3A_598 = arith.constant 2816 : i32
      %add3A_599 = arith.addi %add3A_598, %mul3A_597 : i32
      %get3A_600 = arith.index_cast %add3A_599 : i32 to index
      %get3A_601 = tpu.vector_load %arg8[%get3A_600] {strides = array<i32>} : memref<4096xi32, #tpu.memory_space<vmem>>, vector<16xi32>,
      %add3A_602 = arith.addi %add3A_595, %get3A_601 : vector<16xi32>
      %mul3A_603 = arith.constant 16 : i32
      %mul3A_604 = arith.muli %scan3A_517, %mul3A_603 : i32
      %add3A_605 = arith.constant 3072 : i32
      %add3A_606 = arith.addi %add3A_605, %mul3A_604 : i32
      %get3A_607 = arith.index_cast %add3A_606 : i32 to index
      %get3A_608 = tpu.vector_load %arg8[%get3A_607] {strides = array<i32>} : memref<4096xi32, #tpu.memory_space<vmem>>, vector<16xi32>,
      %add3A_609 = arith.addi %add3A_602, %get3A_608 : vector<16xi32>
      %mul3A_610 = arith.constant 16 : i32
      %mul3A_611 = arith.muli %scan3A_517, %mul3A_610 : i32
      %add3A_612 = arith.constant 3328 : i32
      %add3A_613 = arith.addi %add3A_612, %mul3A_611 : i32
      %get3A_614 = arith.index_cast %add3A_613 : i32 to index
      %get3A_615 = tpu.vector_load %arg8[%get3A_614] {strides = array<i32>} : memref<4096xi32, #tpu.memory_space<vmem>>, vector<16xi32>,
      %add3A_616 = arith.addi %add3A_609, %get3A_615 : vector<16xi32>
      %mul3A_617 = arith.constant 16 : i32
      %mul3A_618 = arith.muli %scan3A_517, %mul3A_617 : i32
      %add3A_619 = arith.constant 3584 : i32
      %add3A_620 = arith.addi %add3A_619, %mul3A_618 : i32
      %get3A_621 = arith.index_cast %add3A_620 : i32 to index
      %get3A_622 = tpu.vector_load %arg8[%get3A_621] {strides = array<i32>} : memref<4096xi32, #tpu.memory_space<vmem>>, vector<16xi32>,
      %add3A_623 = arith.addi %add3A_616, %get3A_622 : vector<16xi32>
      %mul3A_624 = arith.constant 16 : i32
      %mul3A_625 = arith.muli %scan3A_517, %mul3A_624 : i32
      %add3A_626 = arith.constant 3840 : i32
      %add3A_627 = arith.addi %add3A_626, %mul3A_625 : i32
      %get3A_628 = arith.index_cast %add3A_627 : i32 to index
      %get3A_629 = tpu.vector_load %arg8[%get3A_628] {strides = array<i32>} : memref<4096xi32, #tpu.memory_space<vmem>>, vector<16xi32>,
      %add3A_630 = arith.addi %add3A_623, %get3A_629 : vector<16xi32>
      %mul3A_631 = arith.constant 16 : i32
      %mul3A_632 = arith.muli %scan3A_517, %mul3A_631 : i32
      %swap3A_633 = arith.index_cast %mul3A_632 : i32 to index
      %swap3A_634 = tpu.vector_load %arg7[%swap3A_633] {strides = array<i32>} : memref<272xi32, #tpu.memory_space<vmem>>, vector<16xi32>,
      tpu.vector_store %arg7[%swap3A_633], %add3A_630 {strides = array<i32>} : memref<272xi32, #tpu.memory_space<vmem>>, vector<16xi32>,
      %eq3A_635 = vector.broadcast %scan3A_517 : i32 to vector<16xi32>
      %eq3A_636 = arith.cmpi eq, %iota3A, %eq3A_635 : vector<16xi32>
      %reduce_sum3A_637 = arith.constant true
      %reduce_sum3A_638 = vector.broadcast %reduce_sum3A_637 : i1 to vector<16xi1>
      %reduce_sum3A_639 = tpu.scan <sum>, %add3A_630 masked %reduce_sum3A_638 : vector<16xi32>, vector<16xi1> -> vector<16xi32>
      %reduce_sum3A_640 = vector.extract %reduce_sum3A_639[15] : i32 from vector<16xi32>
      %broadcast_in_dim3A_641 = vector.broadcast %reduce_sum3A_640 : i32 to vector<16xi32>
      %select_n3A_642 = arith.select %eq3A_636, %broadcast_in_dim3A_641, %scan3A_518 : vector<16xi1>, vector<16xi32>
      scf.yield %select_n3A_642 : vector<16xi32>
    }
    %scan3A_29 = arith.constant 16 : i32
    %sub3A = arith.constant 1024 : i32
    %sub3A_30 = arith.constant 0 : i32
    %sub3A_31 = arith.subi %sub3A, %sub3A_30 : i32
    %rev3A = arith.constant 15 : i32
    %rev3A_32 = vector.broadcast %rev3A : i32 to vector<16xi32>
    %rev3A_33 = tpu.iota {dimensions = array<i32: 0>} : vector<16xi32>
    %rev3A_34 = arith.subi %rev3A_32, %rev3A_33 : vector<16xi32>
    %rev3A_35 = tpu.dynamic_gather %scan3A_28[%rev3A_34] in [0] : vector<16xi32>, vector<16xi32> -> vector<16xi32>
    %broadcast_in_dim3A_36 = arith.constant true
    %broadcast_in_dim3A_37 = vector.broadcast %broadcast_in_dim3A_36 : i1 to vector<16xi1>
    %masked_cumsum3A = tpu.scan <sum>, %rev3A_35 masked %broadcast_in_dim3A_37 : vector<16xi32>, vector<16xi1> -> vector<16xi32>
    %rev3A_38 = arith.constant 15 : i32
    %rev3A_39 = vector.broadcast %rev3A_38 : i32 to vector<16xi32>
    %rev3A_40 = tpu.iota {dimensions = array<i32: 0>} : vector<16xi32>
    %rev3A_41 = arith.subi %rev3A_39, %rev3A_40 : vector<16xi32>
    %rev3A_42 = tpu.dynamic_gather %masked_cumsum3A[%rev3A_41] in [0] : vector<16xi32>, vector<16xi32> -> vector<16xi32>
    %ge3A = vector.broadcast %sub3A_31 : i32 to vector<16xi32>
    %ge3A_43 = arith.cmpi sge, %rev3A_42, %ge3A : vector<16xi32>
    %convert_element_type3A = arith.extui %ge3A_43 : vector<16xi1> to vector<16xi32>
    %reduce_sum3A = arith.constant true
    %reduce_sum3A_44 = vector.broadcast %reduce_sum3A : i1 to vector<16xi1>
    %reduce_sum3A_45 = tpu.scan <sum>, %convert_element_type3A masked %reduce_sum3A_44 : vector<16xi32>, vector<16xi1> -> vector<16xi32>
    %reduce_sum3A_46 = vector.extract %reduce_sum3A_45[15] : i32 from vector<16xi32>
    %sub3A_47 = arith.constant 1 : i32
    %sub3A_48 = arith.subi %reduce_sum3A_46, %sub3A_47 : i32
    %gt3A = vector.broadcast %sub3A_48 : i32 to vector<16xi32>
    %gt3A_49 = arith.cmpi sgt, %iota3A, %gt3A : vector<16xi32>
    %jit3A = arith.constant 0 : i32
    %broadcast_in_dim3A_50 = vector.broadcast %jit3A : i32 to vector<16xi32>
    %select_n3A = arith.select %gt3A_49, %scan3A_28, %broadcast_in_dim3A_50 : vector<16xi1>, vector<16xi32>
    %reduce_sum3A_51 = arith.constant true
    %reduce_sum3A_52 = vector.broadcast %reduce_sum3A_51 : i1 to vector<16xi1>
    %reduce_sum3A_53 = tpu.scan <sum>, %select_n3A masked %reduce_sum3A_52 : vector<16xi32>, vector<16xi1> -> vector<16xi32>
    %reduce_sum3A_54 = vector.extract %reduce_sum3A_53[15] : i32 from vector<16xi32>
    %mul3A_55 = arith.constant 16 : i32
    %mul3A_56 = arith.muli %sub3A_48, %mul3A_55 : i32
    %get3A = arith.index_cast %mul3A_56 : i32 to index
    %get3A_57 = tpu.vector_load %arg7[%get3A] {strides = array<i32>} : memref<272xi32, #tpu.memory_space<vmem>>, vector<16xi32>,
    %rev3A_58 = arith.constant 15 : i32
    %rev3A_59 = vector.broadcast %rev3A_58 : i32 to vector<16xi32>
    %rev3A_60 = tpu.iota {dimensions = array<i32: 0>} : vector<16xi32>
    %rev3A_61 = arith.subi %rev3A_59, %rev3A_60 : vector<16xi32>
    %rev3A_62 = tpu.dynamic_gather %get3A_57[%rev3A_61] in [0] : vector<16xi32>, vector<16xi32> -> vector<16xi32>
    %broadcast_in_dim3A_63 = arith.constant true
    %broadcast_in_dim3A_64 = vector.broadcast %broadcast_in_dim3A_63 : i1 to vector<16xi1>
    %masked_cumsum3A_65 = tpu.scan <sum>, %rev3A_62 masked %broadcast_in_dim3A_64 : vector<16xi32>, vector<16xi1> -> vector<16xi32>
    %rev3A_66 = arith.constant 15 : i32
    %rev3A_67 = vector.broadcast %rev3A_66 : i32 to vector<16xi32>
    %rev3A_68 = tpu.iota {dimensions = array<i32: 0>} : vector<16xi32>
    %rev3A_69 = arith.subi %rev3A_67, %rev3A_68 : vector<16xi32>
    %rev3A_70 = tpu.dynamic_gather %masked_cumsum3A_65[%rev3A_69] in [0] : vector<16xi32>, vector<16xi32> -> vector<16xi32>
    %add3A_71 = vector.broadcast %reduce_sum3A_54 : i32 to vector<16xi32>
    %add3A_72 = arith.addi %add3A_71, %rev3A_70 : vector<16xi32>
    %ge3A_73 = vector.broadcast %sub3A_31 : i32 to vector<16xi32>
    %ge3A_74 = arith.cmpi sge, %add3A_72, %ge3A_73 : vector<16xi32>
    %convert_element_type3A_75 = arith.extui %ge3A_74 : vector<16xi1> to vector<16xi32>
    %reduce_sum3A_76 = arith.constant true
    %reduce_sum3A_77 = vector.broadcast %reduce_sum3A_76 : i1 to vector<16xi1>
    %reduce_sum3A_78 = tpu.scan <sum>, %convert_element_type3A_75 masked %reduce_sum3A_77 : vector<16xi32>, vector<16xi1> -> vector<16xi32>
    %reduce_sum3A_79 = vector.extract %reduce_sum3A_78[15] : i32 from vector<16xi32>
    %sub3A_80 = arith.constant 1 : i32
    %sub3A_81 = arith.subi %reduce_sum3A_79, %sub3A_80 : i32
    %mul3A_82 = arith.constant 16 : i32
    %mul3A_83 = arith.muli %sub3A_48, %mul3A_82 : i32
    %add3A_84 = arith.addi %mul3A_83, %sub3A_81 : i32
    %gt3A_85 = vector.broadcast %sub3A_81 : i32 to vector<16xi32>
    %gt3A_86 = arith.cmpi sgt, %iota3A, %gt3A_85 : vector<16xi32>
    %jit3A_87 = arith.constant 0 : i32
    %broadcast_in_dim3A_88 = vector.broadcast %jit3A_87 : i32 to vector<16xi32>
    %select_n3A_89 = arith.select %gt3A_86, %get3A_57, %broadcast_in_dim3A_88 : vector<16xi1>, vector<16xi32>
    %reduce_sum3A_90 = arith.constant true
    %reduce_sum3A_91 = vector.broadcast %reduce_sum3A_90 : i1 to vector<16xi1>
    %reduce_sum3A_92 = tpu.scan <sum>, %select_n3A_89 masked %reduce_sum3A_91 : vector<16xi32>, vector<16xi1> -> vector<16xi32>
    %reduce_sum3A_93 = vector.extract %reduce_sum3A_92[15] : i32 from vector<16xi32>
    %add3A_94 = arith.addi %reduce_sum3A_54, %reduce_sum3A_93 : i32
    %add3A_95 = arith.constant 0 : i32
    %add3A_96 = arith.addi %add3A_95, %add3A_94 : i32
    %shift_left3A = arith.constant 0 : i32
    %shift_left3A_97 = arith.constant 8 : i32
    %shift_left3A_98 = arith.shli %shift_left3A, %shift_left3A_97 : i32
    %or3A = arith.ori %shift_left3A_98, %add3A_84 : i32
    %scan3A_99 = arith.constant 0 : i32
    %scan3A_100 = arith.constant 0 : i32
    %scan3A_101 = arith.constant 256 : i32
    %scan3A_102 = arith.addi %scan3A_100, %scan3A_101 : i32
    %scan3A_103 = arith.constant 8 : i32
    scf.for %scan3A_517 = %scan3A_100 to %scan3A_102 step %scan3A_103  : i32 {
      %mul3A_518 = arith.constant 16 : i32
      %mul3A_519 = arith.muli %scan3A_517, %mul3A_518 : i32
      %swap3A_520 = arith.index_cast %mul3A_519 : i32 to index
      %swap3A_521 = tpu.vector_load %arg6[%swap3A_520] {strides = array<i32>} : memref<4096xi32, #tpu.memory_space<vmem>>, vector<16xi32>,
      tpu.vector_store %arg6[%swap3A_520], %broadcast_in_dim3A_1 {strides = array<i32>} : memref<4096xi32, #tpu.memory_space<vmem>>, vector<16xi32>,
      %scan3A_522 = arith.constant 1 : i32
      %scan3A_523 = arith.addi %scan3A_517, %scan3A_522 : i32
      %mul3A_524 = arith.constant 16 : i32
      %mul3A_525 = arith.muli %scan3A_523, %mul3A_524 : i32
      %swap3A_526 = arith.index_cast %mul3A_525 : i32 to index
      %swap3A_527 = tpu.vector_load %arg6[%swap3A_526] {strides = array<i32>} : memref<4096xi32, #tpu.memory_space<vmem>>, vector<16xi32>,
      tpu.vector_store %arg6[%swap3A_526], %broadcast_in_dim3A_1 {strides = array<i32>} : memref<4096xi32, #tpu.memory_space<vmem>>, vector<16xi32>,
      %scan3A_528 = arith.constant 2 : i32
      %scan3A_529 = arith.addi %scan3A_517, %scan3A_528 : i32
      %mul3A_530 = arith.constant 16 : i32
      %mul3A_531 = arith.muli %scan3A_529, %mul3A_530 : i32
      %swap3A_532 = arith.index_cast %mul3A_531 : i32 to index
      %swap3A_533 = tpu.vector_load %arg6[%swap3A_532] {strides = array<i32>} : memref<4096xi32, #tpu.memory_space<vmem>>, vector<16xi32>,
      tpu.vector_store %arg6[%swap3A_532], %broadcast_in_dim3A_1 {strides = array<i32>} : memref<4096xi32, #tpu.memory_space<vmem>>, vector<16xi32>,
      %scan3A_534 = arith.constant 3 : i32
      %scan3A_535 = arith.addi %scan3A_517, %scan3A_534 : i32
      %mul3A_536 = arith.constant 16 : i32
      %mul3A_537 = arith.muli %scan3A_535, %mul3A_536 : i32
      %swap3A_538 = arith.index_cast %mul3A_537 : i32 to index
      %swap3A_539 = tpu.vector_load %arg6[%swap3A_538] {strides = array<i32>} : memref<4096xi32, #tpu.memory_space<vmem>>, vector<16xi32>,
      tpu.vector_store %arg6[%swap3A_538], %broadcast_in_dim3A_1 {strides = array<i32>} : memref<4096xi32, #tpu.memory_space<vmem>>, vector<16xi32>,
      %scan3A_540 = arith.constant 4 : i32
      %scan3A_541 = arith.addi %scan3A_517, %scan3A_540 : i32
      %mul3A_542 = arith.constant 16 : i32
      %mul3A_543 = arith.muli %scan3A_541, %mul3A_542 : i32
      %swap3A_544 = arith.index_cast %mul3A_543 : i32 to index
      %swap3A_545 = tpu.vector_load %arg6[%swap3A_544] {strides = array<i32>} : memref<4096xi32, #tpu.memory_space<vmem>>, vector<16xi32>,
      tpu.vector_store %arg6[%swap3A_544], %broadcast_in_dim3A_1 {strides = array<i32>} : memref<4096xi32, #tpu.memory_space<vmem>>, vector<16xi32>,
      %scan3A_546 = arith.constant 5 : i32
      %scan3A_547 = arith.addi %scan3A_517, %scan3A_546 : i32
      %mul3A_548 = arith.constant 16 : i32
      %mul3A_549 = arith.muli %scan3A_547, %mul3A_548 : i32
      %swap3A_550 = arith.index_cast %mul3A_549 : i32 to index
      %swap3A_551 = tpu.vector_load %arg6[%swap3A_550] {strides = array<i32>} : memref<4096xi32, #tpu.memory_space<vmem>>, vector<16xi32>,
      tpu.vector_store %arg6[%swap3A_550], %broadcast_in_dim3A_1 {strides = array<i32>} : memref<4096xi32, #tpu.memory_space<vmem>>, vector<16xi32>,
      %scan3A_552 = arith.constant 6 : i32
      %scan3A_553 = arith.addi %scan3A_517, %scan3A_552 : i32
      %mul3A_554 = arith.constant 16 : i32
      %mul3A_555 = arith.muli %scan3A_553, %mul3A_554 : i32
      %swap3A_556 = arith.index_cast %mul3A_555 : i32 to index
      %swap3A_557 = tpu.vector_load %arg6[%swap3A_556] {strides = array<i32>} : memref<4096xi32, #tpu.memory_space<vmem>>, vector<16xi32>,
      tpu.vector_store %arg6[%swap3A_556], %broadcast_in_dim3A_1 {strides = array<i32>} : memref<4096xi32, #tpu.memory_space<vmem>>, vector<16xi32>,
      %scan3A_558 = arith.constant 7 : i32
      %scan3A_559 = arith.addi %scan3A_517, %scan3A_558 : i32
      %mul3A_560 = arith.constant 16 : i32
      %mul3A_561 = arith.muli %scan3A_559, %mul3A_560 : i32
      %swap3A_562 = arith.index_cast %mul3A_561 : i32 to index
      %swap3A_563 = tpu.vector_load %arg6[%swap3A_562] {strides = array<i32>} : memref<4096xi32, #tpu.memory_space<vmem>>, vector<16xi32>,
      tpu.vector_store %arg6[%swap3A_562], %broadcast_in_dim3A_1 {strides = array<i32>} : memref<4096xi32, #tpu.memory_space<vmem>>, vector<16xi32>,
    }
    %scan3A_104 = arith.constant 256 : i32
    %scan3A_105 = arith.constant 0 : i32
    %scan3A_106 = arith.constant 0 : i32
    %scan3A_107 = arith.constant 392 : i32
    %scan3A_108 = arith.addi %scan3A_106, %scan3A_107 : i32
    %scan3A_109 = arith.constant 4 : i32
    scf.for %scan3A_517 = %scan3A_106 to %scan3A_108 step %scan3A_109  : i32 {
      %mul3A_518 = arith.constant 16 : i32
      %mul3A_519 = arith.muli %scan3A_517, %mul3A_518 : i32
      %get3A_520 = arith.index_cast %mul3A_519 : i32 to index
      %get3A_521 = tpu.vector_load %arg5[%get3A_520] {strides = array<i32>} : memref<6272xi32, #tpu.memory_space<vmem>>, vector<16xi32>,
      %shift_right_logical3A = arith.constant 16 : i32
      %shift_right_logical3A_522 = vector.broadcast %shift_right_logical3A : i32 to vector<16xi32>
      %shift_right_logical3A_523 = arith.shrui %get3A_521, %shift_right_logical3A_522 : vector<16xi32>
      %and3A_524 = arith.constant 255 : i32
      %and3A_525 = vector.broadcast %and3A_524 : i32 to vector<16xi32>
      %and3A_526 = arith.andi %shift_right_logical3A_523, %and3A_525 : vector<16xi32>
      %mul3A_527 = arith.constant 256 : i32
      %mul3A_528 = vector.broadcast %mul3A_527 : i32 to vector<16xi32>
      %mul3A_529 = arith.muli %iota3A, %mul3A_528 : vector<16xi32>
      %add3A_530 = arith.addi %mul3A_529, %and3A_526 : vector<16xi32>
      %shift_right_logical3A_531 = arith.constant 24 : i32
      %shift_right_logical3A_532 = vector.broadcast %shift_right_logical3A_531 : i32 to vector<16xi32>
      %shift_right_logical3A_533 = arith.shrui %get3A_521, %shift_right_logical3A_532 : vector<16xi32>
      %eq3A_534 = vector.broadcast %or3A : i32 to vector<16xi32>
      %eq3A_535 = arith.cmpi eq, %shift_right_logical3A_533, %eq3A_534 : vector<16xi32>
      tpu.vector_store_idx %arg6[%add3A_530], %broadcast_in_dim3A_3 masked %eq3A_535 {add = true} : memref<4096xi32, #tpu.memory_space<vmem>>[vector<16xi32>], vector<16xi32>, vector<16xi1>
      %scan3A_536 = arith.constant 1 : i32
      %scan3A_537 = arith.addi %scan3A_517, %scan3A_536 : i32
      %mul3A_538 = arith.constant 16 : i32
      %mul3A_539 = arith.muli %scan3A_537, %mul3A_538 : i32
      %get3A_540 = arith.index_cast %mul3A_539 : i32 to index
      %get3A_541 = tpu.vector_load %arg5[%get3A_540] {strides = array<i32>} : memref<6272xi32, #tpu.memory_space<vmem>>, vector<16xi32>,
      %shift_right_logical3A_542 = arith.constant 16 : i32
      %shift_right_logical3A_543 = vector.broadcast %shift_right_logical3A_542 : i32 to vector<16xi32>
      %shift_right_logical3A_544 = arith.shrui %get3A_541, %shift_right_logical3A_543 : vector<16xi32>
      %and3A_545 = arith.constant 255 : i32
      %and3A_546 = vector.broadcast %and3A_545 : i32 to vector<16xi32>
      %and3A_547 = arith.andi %shift_right_logical3A_544, %and3A_546 : vector<16xi32>
      %mul3A_548 = arith.constant 256 : i32
      %mul3A_549 = vector.broadcast %mul3A_548 : i32 to vector<16xi32>
      %mul3A_550 = arith.muli %iota3A, %mul3A_549 : vector<16xi32>
      %add3A_551 = arith.addi %mul3A_550, %and3A_547 : vector<16xi32>
      %shift_right_logical3A_552 = arith.constant 24 : i32
      %shift_right_logical3A_553 = vector.broadcast %shift_right_logical3A_552 : i32 to vector<16xi32>
      %shift_right_logical3A_554 = arith.shrui %get3A_541, %shift_right_logical3A_553 : vector<16xi32>
      %eq3A_555 = vector.broadcast %or3A : i32 to vector<16xi32>
      %eq3A_556 = arith.cmpi eq, %shift_right_logical3A_554, %eq3A_555 : vector<16xi32>
      tpu.vector_store_idx %arg6[%add3A_551], %broadcast_in_dim3A_3 masked %eq3A_556 {add = true} : memref<4096xi32, #tpu.memory_space<vmem>>[vector<16xi32>], vector<16xi32>, vector<16xi1>
      %scan3A_557 = arith.constant 2 : i32
      %scan3A_558 = arith.addi %scan3A_517, %scan3A_557 : i32
      %mul3A_559 = arith.constant 16 : i32
      %mul3A_560 = arith.muli %scan3A_558, %mul3A_559 : i32
      %get3A_561 = arith.index_cast %mul3A_560 : i32 to index
      %get3A_562 = tpu.vector_load %arg5[%get3A_561] {strides = array<i32>} : memref<6272xi32, #tpu.memory_space<vmem>>, vector<16xi32>,
      %shift_right_logical3A_563 = arith.constant 16 : i32
      %shift_right_logical3A_564 = vector.broadcast %shift_right_logical3A_563 : i32 to vector<16xi32>
      %shift_right_logical3A_565 = arith.shrui %get3A_562, %shift_right_logical3A_564 : vector<16xi32>
      %and3A_566 = arith.constant 255 : i32
      %and3A_567 = vector.broadcast %and3A_566 : i32 to vector<16xi32>
      %and3A_568 = arith.andi %shift_right_logical3A_565, %and3A_567 : vector<16xi32>
      %mul3A_569 = arith.constant 256 : i32
      %mul3A_570 = vector.broadcast %mul3A_569 : i32 to vector<16xi32>
      %mul3A_571 = arith.muli %iota3A, %mul3A_570 : vector<16xi32>
      %add3A_572 = arith.addi %mul3A_571, %and3A_568 : vector<16xi32>
      %shift_right_logical3A_573 = arith.constant 24 : i32
      %shift_right_logical3A_574 = vector.broadcast %shift_right_logical3A_573 : i32 to vector<16xi32>
      %shift_right_logical3A_575 = arith.shrui %get3A_562, %shift_right_logical3A_574 : vector<16xi32>
      %eq3A_576 = vector.broadcast %or3A : i32 to vector<16xi32>
      %eq3A_577 = arith.cmpi eq, %shift_right_logical3A_575, %eq3A_576 : vector<16xi32>
      tpu.vector_store_idx %arg6[%add3A_572], %broadcast_in_dim3A_3 masked %eq3A_577 {add = true} : memref<4096xi32, #tpu.memory_space<vmem>>[vector<16xi32>], vector<16xi32>, vector<16xi1>
      %scan3A_578 = arith.constant 3 : i32
      %scan3A_579 = arith.addi %scan3A_517, %scan3A_578 : i32
      %mul3A_580 = arith.constant 16 : i32
      %mul3A_581 = arith.muli %scan3A_579, %mul3A_580 : i32
      %get3A_582 = arith.index_cast %mul3A_581 : i32 to index
      %get3A_583 = tpu.vector_load %arg5[%get3A_582] {strides = array<i32>} : memref<6272xi32, #tpu.memory_space<vmem>>, vector<16xi32>,
      %shift_right_logical3A_584 = arith.constant 16 : i32
      %shift_right_logical3A_585 = vector.broadcast %shift_right_logical3A_584 : i32 to vector<16xi32>
      %shift_right_logical3A_586 = arith.shrui %get3A_583, %shift_right_logical3A_585 : vector<16xi32>
      %and3A_587 = arith.constant 255 : i32
      %and3A_588 = vector.broadcast %and3A_587 : i32 to vector<16xi32>
      %and3A_589 = arith.andi %shift_right_logical3A_586, %and3A_588 : vector<16xi32>
      %mul3A_590 = arith.constant 256 : i32
      %mul3A_591 = vector.broadcast %mul3A_590 : i32 to vector<16xi32>
      %mul3A_592 = arith.muli %iota3A, %mul3A_591 : vector<16xi32>
      %add3A_593 = arith.addi %mul3A_592, %and3A_589 : vector<16xi32>
      %shift_right_logical3A_594 = arith.constant 24 : i32
      %shift_right_logical3A_595 = vector.broadcast %shift_right_logical3A_594 : i32 to vector<16xi32>
      %shift_right_logical3A_596 = arith.shrui %get3A_583, %shift_right_logical3A_595 : vector<16xi32>
      %eq3A_597 = vector.broadcast %or3A : i32 to vector<16xi32>
      %eq3A_598 = arith.cmpi eq, %shift_right_logical3A_596, %eq3A_597 : vector<16xi32>
      tpu.vector_store_idx %arg6[%add3A_593], %broadcast_in_dim3A_3 masked %eq3A_598 {add = true} : memref<4096xi32, #tpu.memory_space<vmem>>[vector<16xi32>], vector<16xi32>, vector<16xi1>
    }
    %scan3A_110 = arith.constant 392 : i32
    %scan3A_111 = arith.constant 0 : i32
    %scan3A_112 = arith.constant 0 : i32
    %scan3A_113 = arith.constant 16 : i32
    %scan3A_114 = arith.addi %scan3A_112, %scan3A_113 : i32
    %scan3A_115 = arith.constant 1 : i32
    scf.for %scan3A_517 = %scan3A_112 to %scan3A_114 step %scan3A_115  : i32 {
      %mul3A_518 = arith.constant 16 : i32
      %mul3A_519 = arith.muli %scan3A_517, %mul3A_518 : i32
      %add3A_520 = arith.constant 0 : i32
      %add3A_521 = arith.addi %add3A_520, %mul3A_519 : i32
      %get3A_522 = arith.index_cast %add3A_521 : i32 to index
      %get3A_523 = tpu.vector_load %arg6[%get3A_522] {strides = array<i32>} : memref<4096xi32, #tpu.memory_space<vmem>>, vector<16xi32>,
      %add3A_524 = arith.addi %broadcast_in_dim3A_1, %get3A_523 : vector<16xi32>
      %mul3A_525 = arith.constant 16 : i32
      %mul3A_526 = arith.muli %scan3A_517, %mul3A_525 : i32
      %add3A_527 = arith.constant 256 : i32
      %add3A_528 = arith.addi %add3A_527, %mul3A_526 : i32
      %get3A_529 = arith.index_cast %add3A_528 : i32 to index
      %get3A_530 = tpu.vector_load %arg6[%get3A_529] {strides = array<i32>} : memref<4096xi32, #tpu.memory_space<vmem>>, vector<16xi32>,
      %add3A_531 = arith.addi %add3A_524, %get3A_530 : vector<16xi32>
      %mul3A_532 = arith.constant 16 : i32
      %mul3A_533 = arith.muli %scan3A_517, %mul3A_532 : i32
      %add3A_534 = arith.constant 512 : i32
      %add3A_535 = arith.addi %add3A_534, %mul3A_533 : i32
      %get3A_536 = arith.index_cast %add3A_535 : i32 to index
      %get3A_537 = tpu.vector_load %arg6[%get3A_536] {strides = array<i32>} : memref<4096xi32, #tpu.memory_space<vmem>>, vector<16xi32>,
      %add3A_538 = arith.addi %add3A_531, %get3A_537 : vector<16xi32>
      %mul3A_539 = arith.constant 16 : i32
      %mul3A_540 = arith.muli %scan3A_517, %mul3A_539 : i32
      %add3A_541 = arith.constant 768 : i32
      %add3A_542 = arith.addi %add3A_541, %mul3A_540 : i32
      %get3A_543 = arith.index_cast %add3A_542 : i32 to index
      %get3A_544 = tpu.vector_load %arg6[%get3A_543] {strides = array<i32>} : memref<4096xi32, #tpu.memory_space<vmem>>, vector<16xi32>,
      %add3A_545 = arith.addi %add3A_538, %get3A_544 : vector<16xi32>
      %mul3A_546 = arith.constant 16 : i32
      %mul3A_547 = arith.muli %scan3A_517, %mul3A_546 : i32
      %add3A_548 = arith.constant 1024 : i32
      %add3A_549 = arith.addi %add3A_548, %mul3A_547 : i32
      %get3A_550 = arith.index_cast %add3A_549 : i32 to index
      %get3A_551 = tpu.vector_load %arg6[%get3A_550] {strides = array<i32>} : memref<4096xi32, #tpu.memory_space<vmem>>, vector<16xi32>,
      %add3A_552 = arith.addi %add3A_545, %get3A_551 : vector<16xi32>
      %mul3A_553 = arith.constant 16 : i32
      %mul3A_554 = arith.muli %scan3A_517, %mul3A_553 : i32
      %add3A_555 = arith.constant 1280 : i32
      %add3A_556 = arith.addi %add3A_555, %mul3A_554 : i32
      %get3A_557 = arith.index_cast %add3A_556 : i32 to index
      %get3A_558 = tpu.vector_load %arg6[%get3A_557] {strides = array<i32>} : memref<4096xi32, #tpu.memory_space<vmem>>, vector<16xi32>,
      %add3A_559 = arith.addi %add3A_552, %get3A_558 : vector<16xi32>
      %mul3A_560 = arith.constant 16 : i32
      %mul3A_561 = arith.muli %scan3A_517, %mul3A_560 : i32
      %add3A_562 = arith.constant 1536 : i32
      %add3A_563 = arith.addi %add3A_562, %mul3A_561 : i32
      %get3A_564 = arith.index_cast %add3A_563 : i32 to index
      %get3A_565 = tpu.vector_load %arg6[%get3A_564] {strides = array<i32>} : memref<4096xi32, #tpu.memory_space<vmem>>, vector<16xi32>,
      %add3A_566 = arith.addi %add3A_559, %get3A_565 : vector<16xi32>
      %mul3A_567 = arith.constant 16 : i32
      %mul3A_568 = arith.muli %scan3A_517, %mul3A_567 : i32
      %add3A_569 = arith.constant 1792 : i32
      %add3A_570 = arith.addi %add3A_569, %mul3A_568 : i32
      %get3A_571 = arith.index_cast %add3A_570 : i32 to index
      %get3A_572 = tpu.vector_load %arg6[%get3A_571] {strides = array<i32>} : memref<4096xi32, #tpu.memory_space<vmem>>, vector<16xi32>,
      %add3A_573 = arith.addi %add3A_566, %get3A_572 : vector<16xi32>
      %mul3A_574 = arith.constant 16 : i32
      %mul3A_575 = arith.muli %scan3A_517, %mul3A_574 : i32
      %add3A_576 = arith.constant 2048 : i32
      %add3A_577 = arith.addi %add3A_576, %mul3A_575 : i32
      %get3A_578 = arith.index_cast %add3A_577 : i32 to index
      %get3A_579 = tpu.vector_load %arg6[%get3A_578] {strides = array<i32>} : memref<4096xi32, #tpu.memory_space<vmem>>, vector<16xi32>,
      %add3A_580 = arith.addi %add3A_573, %get3A_579 : vector<16xi32>
      %mul3A_581 = arith.constant 16 : i32
      %mul3A_582 = arith.muli %scan3A_517, %mul3A_581 : i32
      %add3A_583 = arith.constant 2304 : i32
      %add3A_584 = arith.addi %add3A_583, %mul3A_582 : i32
      %get3A_585 = arith.index_cast %add3A_584 : i32 to index
      %get3A_586 = tpu.vector_load %arg6[%get3A_585] {strides = array<i32>} : memref<4096xi32, #tpu.memory_space<vmem>>, vector<16xi32>,
      %add3A_587 = arith.addi %add3A_580, %get3A_586 : vector<16xi32>
      %mul3A_588 = arith.constant 16 : i32
      %mul3A_589 = arith.muli %scan3A_517, %mul3A_588 : i32
      %add3A_590 = arith.constant 2560 : i32
      %add3A_591 = arith.addi %add3A_590, %mul3A_589 : i32
      %get3A_592 = arith.index_cast %add3A_591 : i32 to index
      %get3A_593 = tpu.vector_load %arg6[%get3A_592] {strides = array<i32>} : memref<4096xi32, #tpu.memory_space<vmem>>, vector<16xi32>,
      %add3A_594 = arith.addi %add3A_587, %get3A_593 : vector<16xi32>
      %mul3A_595 = arith.constant 16 : i32
      %mul3A_596 = arith.muli %scan3A_517, %mul3A_595 : i32
      %add3A_597 = arith.constant 2816 : i32
      %add3A_598 = arith.addi %add3A_597, %mul3A_596 : i32
      %get3A_599 = arith.index_cast %add3A_598 : i32 to index
      %get3A_600 = tpu.vector_load %arg6[%get3A_599] {strides = array<i32>} : memref<4096xi32, #tpu.memory_space<vmem>>, vector<16xi32>,
      %add3A_601 = arith.addi %add3A_594, %get3A_600 : vector<16xi32>
      %mul3A_602 = arith.constant 16 : i32
      %mul3A_603 = arith.muli %scan3A_517, %mul3A_602 : i32
      %add3A_604 = arith.constant 3072 : i32
      %add3A_605 = arith.addi %add3A_604, %mul3A_603 : i32
      %get3A_606 = arith.index_cast %add3A_605 : i32 to index
      %get3A_607 = tpu.vector_load %arg6[%get3A_606] {strides = array<i32>} : memref<4096xi32, #tpu.memory_space<vmem>>, vector<16xi32>,
      %add3A_608 = arith.addi %add3A_601, %get3A_607 : vector<16xi32>
      %mul3A_609 = arith.constant 16 : i32
      %mul3A_610 = arith.muli %scan3A_517, %mul3A_609 : i32
      %add3A_611 = arith.constant 3328 : i32
      %add3A_612 = arith.addi %add3A_611, %mul3A_610 : i32
      %get3A_613 = arith.index_cast %add3A_612 : i32 to index
      %get3A_614 = tpu.vector_load %arg6[%get3A_613] {strides = array<i32>} : memref<4096xi32, #tpu.memory_space<vmem>>, vector<16xi32>,
      %add3A_615 = arith.addi %add3A_608, %get3A_614 : vector<16xi32>
      %mul3A_616 = arith.constant 16 : i32
      %mul3A_617 = arith.muli %scan3A_517, %mul3A_616 : i32
      %add3A_618 = arith.constant 3584 : i32
      %add3A_619 = arith.addi %add3A_618, %mul3A_617 : i32
      %get3A_620 = arith.index_cast %add3A_619 : i32 to index
      %get3A_621 = tpu.vector_load %arg6[%get3A_620] {strides = array<i32>} : memref<4096xi32, #tpu.memory_space<vmem>>, vector<16xi32>,
      %add3A_622 = arith.addi %add3A_615, %get3A_621 : vector<16xi32>
      %mul3A_623 = arith.constant 16 : i32
      %mul3A_624 = arith.muli %scan3A_517, %mul3A_623 : i32
      %add3A_625 = arith.constant 3840 : i32
      %add3A_626 = arith.addi %add3A_625, %mul3A_624 : i32
      %get3A_627 = arith.index_cast %add3A_626 : i32 to index
      %get3A_628 = tpu.vector_load %arg6[%get3A_627] {strides = array<i32>} : memref<4096xi32, #tpu.memory_space<vmem>>, vector<16xi32>,
      %add3A_629 = arith.addi %add3A_622, %get3A_628 : vector<16xi32>
      %mul3A_630 = arith.constant 16 : i32
      %mul3A_631 = arith.muli %scan3A_517, %mul3A_630 : i32
      %swap3A_632 = arith.index_cast %mul3A_631 : i32 to index
      %swap3A_633 = tpu.vector_load %arg7[%swap3A_632] {strides = array<i32>} : memref<272xi32, #tpu.memory_space<vmem>>, vector<16xi32>,
      tpu.vector_store %arg7[%swap3A_632], %add3A_629 {strides = array<i32>} : memref<272xi32, #tpu.memory_space<vmem>>, vector<16xi32>,
    }
    %scan3A_116 = arith.constant 16 : i32
    %add3A_117 = arith.constant 16 : i32
    %add3A_118 = arith.addi %add3A_117, %arg1 : i32
    %mul3A_119 = arith.constant 256 : i32
    %mul3A_120 = arith.muli %add3A_118, %mul3A_119 : i32
    "tpu.region"() ({
      %run_scoped3A = tpu.sem_alloc : memref<!tpu.dma_semaphore, #tpu.memory_space<semaphore_mem>>
      %dma_start3A_517 = arith.constant 0 : i32
      %dma_start3A_518 = tpu.memref_slice %arg7[%dma_start3A_517] : memref<272xi32, #tpu.memory_space<vmem>> -> memref<256xi32, #tpu.memory_space<vmem>>
      %dma_start3A_519 = tpu.memref_slice %arg26[%mul3A_120] : memref<16384xi32, #tpu.memory_space<vmem_shared>> -> memref<256xi32, #tpu.memory_space<vmem_shared>>
      %dma_start3A_520 = tpu.memref_slice %arg26[%mul3A_120] : memref<16384xi32, #tpu.memory_space<vmem_shared>> -> memref<256xi32, #tpu.memory_space<vmem_shared>>
      %dma_start3A_521 = arith.constant 0 : i32
      %dma_start3A_522 = tpu.memref_slice %arg7[%dma_start3A_521] : memref<272xi32, #tpu.memory_space<vmem>> -> memref<256xi32, #tpu.memory_space<vmem>>
      tpu.enqueue_dma source(%dma_start3A_522 : memref<256xi32, #tpu.memory_space<vmem>>) target(%dma_start3A_520 : memref<256xi32, #tpu.memory_space<vmem_shared>>) target_semaphore(%run_scoped3A : memref<!tpu.dma_semaphore, #tpu.memory_space<semaphore_mem>>)
      %dma_wait3A_523 = arith.constant 0 : i32
      %dma_wait3A_524 = tpu.memref_slice %arg7[%dma_wait3A_523] : memref<272xi32, #tpu.memory_space<vmem>> -> memref<256xi32, #tpu.memory_space<vmem>>
      %dma_wait3A_525 = tpu.memref_slice %arg26[%mul3A_120] : memref<16384xi32, #tpu.memory_space<vmem_shared>> -> memref<256xi32, #tpu.memory_space<vmem_shared>>
      %dma_wait3A_526 = tpu.memref_slice %arg26[%mul3A_120] : memref<16384xi32, #tpu.memory_space<vmem_shared>> -> memref<256xi32, #tpu.memory_space<vmem_shared>>
      %dma_wait3A_527 = arith.constant 0 : i32
      %dma_wait3A_528 = tpu.memref_slice %arg7[%dma_wait3A_527] : memref<272xi32, #tpu.memory_space<vmem>> -> memref<256xi32, #tpu.memory_space<vmem>>
      tpu.wait_dma2 semaphore(%run_scoped3A : memref<!tpu.dma_semaphore, #tpu.memory_space<semaphore_mem>>) src(%dma_wait3A_528 : memref<256xi32, #tpu.memory_space<vmem>>) dst(%dma_wait3A_526 : memref<256xi32, #tpu.memory_space<vmem_shared>>)
      tpu.yield
    }) : () -> ()
    %barrier3A_121 = arith.constant 0 : index
    tpu.barrier barrier_id(%barrier3A_121)
    "tpu.region"() ({
      %run_scoped3A = tpu.sem_alloc : memref<!tpu.dma_semaphore, #tpu.memory_space<semaphore_mem>>
      %dma_start3A_517 = arith.constant 4096 : i32
      %dma_start3A_518 = tpu.memref_slice %arg26[%dma_start3A_517] : memref<16384xi32, #tpu.memory_space<vmem_shared>> -> memref<4096xi32, #tpu.memory_space<vmem_shared>>
      %dma_start3A_519 = arith.constant 4096 : i32
      %dma_start3A_520 = tpu.memref_slice %arg26[%dma_start3A_519] : memref<16384xi32, #tpu.memory_space<vmem_shared>> -> memref<4096xi32, #tpu.memory_space<vmem_shared>>
      tpu.enqueue_dma source(%dma_start3A_520 : memref<4096xi32, #tpu.memory_space<vmem_shared>>) target(%arg8 : memref<4096xi32, #tpu.memory_space<vmem>>) target_semaphore(%run_scoped3A : memref<!tpu.dma_semaphore, #tpu.memory_space<semaphore_mem>>)
      %dma_wait3A_521 = arith.constant 4096 : i32
      %dma_wait3A_522 = tpu.memref_slice %arg26[%dma_wait3A_521] : memref<16384xi32, #tpu.memory_space<vmem_shared>> -> memref<4096xi32, #tpu.memory_space<vmem_shared>>
      %dma_wait3A_523 = arith.constant 4096 : i32
      %dma_wait3A_524 = tpu.memref_slice %arg26[%dma_wait3A_523] : memref<16384xi32, #tpu.memory_space<vmem_shared>> -> memref<4096xi32, #tpu.memory_space<vmem_shared>>
      tpu.wait_dma2 semaphore(%run_scoped3A : memref<!tpu.dma_semaphore, #tpu.memory_space<semaphore_mem>>) src(%dma_wait3A_524 : memref<4096xi32, #tpu.memory_space<vmem_shared>>) dst(%arg8 : memref<4096xi32, #tpu.memory_space<vmem>>)
      tpu.yield
    }) : () -> ()
    %scan3A_122 = arith.constant 0 : i32
    %scan3A_123 = arith.constant 16 : i32
    %scan3A_124 = arith.addi %scan3A_122, %scan3A_123 : i32
    %scan3A_125 = arith.constant 1 : i32
    %scan3A_126 = scf.for %scan3A_517 = %scan3A_122 to %scan3A_124 step %scan3A_125 iter_args(%scan3A_518 = %broadcast_in_dim3A_1) -> (vector<16xi32>)  : i32 {
      %mul3A_519 = arith.constant 16 : i32
      %mul3A_520 = arith.muli %scan3A_517, %mul3A_519 : i32
      %add3A_521 = arith.constant 0 : i32
      %add3A_522 = arith.addi %add3A_521, %mul3A_520 : i32
      %get3A_523 = arith.index_cast %add3A_522 : i32 to index
      %get3A_524 = tpu.vector_load %arg8[%get3A_523] {strides = array<i32>} : memref<4096xi32, #tpu.memory_space<vmem>>, vector<16xi32>,
      %add3A_525 = arith.addi %broadcast_in_dim3A_1, %get3A_524 : vector<16xi32>
      %mul3A_526 = arith.constant 16 : i32
      %mul3A_527 = arith.muli %scan3A_517, %mul3A_526 : i32
      %add3A_528 = arith.constant 256 : i32
      %add3A_529 = arith.addi %add3A_528, %mul3A_527 : i32
      %get3A_530 = arith.index_cast %add3A_529 : i32 to index
      %get3A_531 = tpu.vector_load %arg8[%get3A_530] {strides = array<i32>} : memref<4096xi32, #tpu.memory_space<vmem>>, vector<16xi32>,
      %add3A_532 = arith.addi %add3A_525, %get3A_531 : vector<16xi32>
      %mul3A_533 = arith.constant 16 : i32
      %mul3A_534 = arith.muli %scan3A_517, %mul3A_533 : i32
      %add3A_535 = arith.constant 512 : i32
      %add3A_536 = arith.addi %add3A_535, %mul3A_534 : i32
      %get3A_537 = arith.index_cast %add3A_536 : i32 to index
      %get3A_538 = tpu.vector_load %arg8[%get3A_537] {strides = array<i32>} : memref<4096xi32, #tpu.memory_space<vmem>>, vector<16xi32>,
      %add3A_539 = arith.addi %add3A_532, %get3A_538 : vector<16xi32>
      %mul3A_540 = arith.constant 16 : i32
      %mul3A_541 = arith.muli %scan3A_517, %mul3A_540 : i32
      %add3A_542 = arith.constant 768 : i32
      %add3A_543 = arith.addi %add3A_542, %mul3A_541 : i32
      %get3A_544 = arith.index_cast %add3A_543 : i32 to index
      %get3A_545 = tpu.vector_load %arg8[%get3A_544] {strides = array<i32>} : memref<4096xi32, #tpu.memory_space<vmem>>, vector<16xi32>,
      %add3A_546 = arith.addi %add3A_539, %get3A_545 : vector<16xi32>
      %mul3A_547 = arith.constant 16 : i32
      %mul3A_548 = arith.muli %scan3A_517, %mul3A_547 : i32
      %add3A_549 = arith.constant 1024 : i32
      %add3A_550 = arith.addi %add3A_549, %mul3A_548 : i32
      %get3A_551 = arith.index_cast %add3A_550 : i32 to index
      %get3A_552 = tpu.vector_load %arg8[%get3A_551] {strides = array<i32>} : memref<4096xi32, #tpu.memory_space<vmem>>, vector<16xi32>,
      %add3A_553 = arith.addi %add3A_546, %get3A_552 : vector<16xi32>
      %mul3A_554 = arith.constant 16 : i32
      %mul3A_555 = arith.muli %scan3A_517, %mul3A_554 : i32
      %add3A_556 = arith.constant 1280 : i32
      %add3A_557 = arith.addi %add3A_556, %mul3A_555 : i32
      %get3A_558 = arith.index_cast %add3A_557 : i32 to index
      %get3A_559 = tpu.vector_load %arg8[%get3A_558] {strides = array<i32>} : memref<4096xi32, #tpu.memory_space<vmem>>, vector<16xi32>,
      %add3A_560 = arith.addi %add3A_553, %get3A_559 : vector<16xi32>
      %mul3A_561 = arith.constant 16 : i32
      %mul3A_562 = arith.muli %scan3A_517, %mul3A_561 : i32
      %add3A_563 = arith.constant 1536 : i32
      %add3A_564 = arith.addi %add3A_563, %mul3A_562 : i32
      %get3A_565 = arith.index_cast %add3A_564 : i32 to index
      %get3A_566 = tpu.vector_load %arg8[%get3A_565] {strides = array<i32>} : memref<4096xi32, #tpu.memory_space<vmem>>, vector<16xi32>,
      %add3A_567 = arith.addi %add3A_560, %get3A_566 : vector<16xi32>
      %mul3A_568 = arith.constant 16 : i32
      %mul3A_569 = arith.muli %scan3A_517, %mul3A_568 : i32
      %add3A_570 = arith.constant 1792 : i32
      %add3A_571 = arith.addi %add3A_570, %mul3A_569 : i32
      %get3A_572 = arith.index_cast %add3A_571 : i32 to index
      %get3A_573 = tpu.vector_load %arg8[%get3A_572] {strides = array<i32>} : memref<4096xi32, #tpu.memory_space<vmem>>, vector<16xi32>,
      %add3A_574 = arith.addi %add3A_567, %get3A_573 : vector<16xi32>
      %mul3A_575 = arith.constant 16 : i32
      %mul3A_576 = arith.muli %scan3A_517, %mul3A_575 : i32
      %add3A_577 = arith.constant 2048 : i32
      %add3A_578 = arith.addi %add3A_577, %mul3A_576 : i32
      %get3A_579 = arith.index_cast %add3A_578 : i32 to index
      %get3A_580 = tpu.vector_load %arg8[%get3A_579] {strides = array<i32>} : memref<4096xi32, #tpu.memory_space<vmem>>, vector<16xi32>,
      %add3A_581 = arith.addi %add3A_574, %get3A_580 : vector<16xi32>
      %mul3A_582 = arith.constant 16 : i32
      %mul3A_583 = arith.muli %scan3A_517, %mul3A_582 : i32
      %add3A_584 = arith.constant 2304 : i32
      %add3A_585 = arith.addi %add3A_584, %mul3A_583 : i32
      %get3A_586 = arith.index_cast %add3A_585 : i32 to index
      %get3A_587 = tpu.vector_load %arg8[%get3A_586] {strides = array<i32>} : memref<4096xi32, #tpu.memory_space<vmem>>, vector<16xi32>,
      %add3A_588 = arith.addi %add3A_581, %get3A_587 : vector<16xi32>
      %mul3A_589 = arith.constant 16 : i32
      %mul3A_590 = arith.muli %scan3A_517, %mul3A_589 : i32
      %add3A_591 = arith.constant 2560 : i32
      %add3A_592 = arith.addi %add3A_591, %mul3A_590 : i32
      %get3A_593 = arith.index_cast %add3A_592 : i32 to index
      %get3A_594 = tpu.vector_load %arg8[%get3A_593] {strides = array<i32>} : memref<4096xi32, #tpu.memory_space<vmem>>, vector<16xi32>,
      %add3A_595 = arith.addi %add3A_588, %get3A_594 : vector<16xi32>
      %mul3A_596 = arith.constant 16 : i32
      %mul3A_597 = arith.muli %scan3A_517, %mul3A_596 : i32
      %add3A_598 = arith.constant 2816 : i32
      %add3A_599 = arith.addi %add3A_598, %mul3A_597 : i32
      %get3A_600 = arith.index_cast %add3A_599 : i32 to index
      %get3A_601 = tpu.vector_load %arg8[%get3A_600] {strides = array<i32>} : memref<4096xi32, #tpu.memory_space<vmem>>, vector<16xi32>,
      %add3A_602 = arith.addi %add3A_595, %get3A_601 : vector<16xi32>
      %mul3A_603 = arith.constant 16 : i32
      %mul3A_604 = arith.muli %scan3A_517, %mul3A_603 : i32
      %add3A_605 = arith.constant 3072 : i32
      %add3A_606 = arith.addi %add3A_605, %mul3A_604 : i32
      %get3A_607 = arith.index_cast %add3A_606 : i32 to index
      %get3A_608 = tpu.vector_load %arg8[%get3A_607] {strides = array<i32>} : memref<4096xi32, #tpu.memory_space<vmem>>, vector<16xi32>,
      %add3A_609 = arith.addi %add3A_602, %get3A_608 : vector<16xi32>
      %mul3A_610 = arith.constant 16 : i32
      %mul3A_611 = arith.muli %scan3A_517, %mul3A_610 : i32
      %add3A_612 = arith.constant 3328 : i32
      %add3A_613 = arith.addi %add3A_612, %mul3A_611 : i32
      %get3A_614 = arith.index_cast %add3A_613 : i32 to index
      %get3A_615 = tpu.vector_load %arg8[%get3A_614] {strides = array<i32>} : memref<4096xi32, #tpu.memory_space<vmem>>, vector<16xi32>,
      %add3A_616 = arith.addi %add3A_609, %get3A_615 : vector<16xi32>
      %mul3A_617 = arith.constant 16 : i32
      %mul3A_618 = arith.muli %scan3A_517, %mul3A_617 : i32
      %add3A_619 = arith.constant 3584 : i32
      %add3A_620 = arith.addi %add3A_619, %mul3A_618 : i32
      %get3A_621 = arith.index_cast %add3A_620 : i32 to index
      %get3A_622 = tpu.vector_load %arg8[%get3A_621] {strides = array<i32>} : memref<4096xi32, #tpu.memory_space<vmem>>, vector<16xi32>,
      %add3A_623 = arith.addi %add3A_616, %get3A_622 : vector<16xi32>
      %mul3A_624 = arith.constant 16 : i32
      %mul3A_625 = arith.muli %scan3A_517, %mul3A_624 : i32
      %add3A_626 = arith.constant 3840 : i32
      %add3A_627 = arith.addi %add3A_626, %mul3A_625 : i32
      %get3A_628 = arith.index_cast %add3A_627 : i32 to index
      %get3A_629 = tpu.vector_load %arg8[%get3A_628] {strides = array<i32>} : memref<4096xi32, #tpu.memory_space<vmem>>, vector<16xi32>,
      %add3A_630 = arith.addi %add3A_623, %get3A_629 : vector<16xi32>
      %mul3A_631 = arith.constant 16 : i32
      %mul3A_632 = arith.muli %scan3A_517, %mul3A_631 : i32
      %swap3A_633 = arith.index_cast %mul3A_632 : i32 to index
      %swap3A_634 = tpu.vector_load %arg7[%swap3A_633] {strides = array<i32>} : memref<272xi32, #tpu.memory_space<vmem>>, vector<16xi32>,
      tpu.vector_store %arg7[%swap3A_633], %add3A_630 {strides = array<i32>} : memref<272xi32, #tpu.memory_space<vmem>>, vector<16xi32>,
      %eq3A_635 = vector.broadcast %scan3A_517 : i32 to vector<16xi32>
      %eq3A_636 = arith.cmpi eq, %iota3A, %eq3A_635 : vector<16xi32>
      %reduce_sum3A_637 = arith.constant true
      %reduce_sum3A_638 = vector.broadcast %reduce_sum3A_637 : i1 to vector<16xi1>
      %reduce_sum3A_639 = tpu.scan <sum>, %add3A_630 masked %reduce_sum3A_638 : vector<16xi32>, vector<16xi1> -> vector<16xi32>
      %reduce_sum3A_640 = vector.extract %reduce_sum3A_639[15] : i32 from vector<16xi32>
      %broadcast_in_dim3A_641 = vector.broadcast %reduce_sum3A_640 : i32 to vector<16xi32>
      %select_n3A_642 = arith.select %eq3A_636, %broadcast_in_dim3A_641, %scan3A_518 : vector<16xi1>, vector<16xi32>
      scf.yield %select_n3A_642 : vector<16xi32>
    }
    %scan3A_127 = arith.constant 16 : i32
    %sub3A_128 = arith.constant 1024 : i32
    %sub3A_129 = arith.subi %sub3A_128, %add3A_96 : i32
    %rev3A_130 = arith.constant 15 : i32
    %rev3A_131 = vector.broadcast %rev3A_130 : i32 to vector<16xi32>
    %rev3A_132 = tpu.iota {dimensions = array<i32: 0>} : vector<16xi32>
    %rev3A_133 = arith.subi %rev3A_131, %rev3A_132 : vector<16xi32>
    %rev3A_134 = tpu.dynamic_gather %scan3A_126[%rev3A_133] in [0] : vector<16xi32>, vector<16xi32> -> vector<16xi32>
    %broadcast_in_dim3A_135 = arith.constant true
    %broadcast_in_dim3A_136 = vector.broadcast %broadcast_in_dim3A_135 : i1 to vector<16xi1>
    %masked_cumsum3A_137 = tpu.scan <sum>, %rev3A_134 masked %broadcast_in_dim3A_136 : vector<16xi32>, vector<16xi1> -> vector<16xi32>
    %rev3A_138 = arith.constant 15 : i32
    %rev3A_139 = vector.broadcast %rev3A_138 : i32 to vector<16xi32>
    %rev3A_140 = tpu.iota {dimensions = array<i32: 0>} : vector<16xi32>
    %rev3A_141 = arith.subi %rev3A_139, %rev3A_140 : vector<16xi32>
    %rev3A_142 = tpu.dynamic_gather %masked_cumsum3A_137[%rev3A_141] in [0] : vector<16xi32>, vector<16xi32> -> vector<16xi32>
    %ge3A_143 = vector.broadcast %sub3A_129 : i32 to vector<16xi32>
    %ge3A_144 = arith.cmpi sge, %rev3A_142, %ge3A_143 : vector<16xi32>
    %convert_element_type3A_145 = arith.extui %ge3A_144 : vector<16xi1> to vector<16xi32>
    %reduce_sum3A_146 = arith.constant true
    %reduce_sum3A_147 = vector.broadcast %reduce_sum3A_146 : i1 to vector<16xi1>
    %reduce_sum3A_148 = tpu.scan <sum>, %convert_element_type3A_145 masked %reduce_sum3A_147 : vector<16xi32>, vector<16xi1> -> vector<16xi32>
    %reduce_sum3A_149 = vector.extract %reduce_sum3A_148[15] : i32 from vector<16xi32>
    %sub3A_150 = arith.constant 1 : i32
    %sub3A_151 = arith.subi %reduce_sum3A_149, %sub3A_150 : i32
    %gt3A_152 = vector.broadcast %sub3A_151 : i32 to vector<16xi32>
    %gt3A_153 = arith.cmpi sgt, %iota3A, %gt3A_152 : vector<16xi32>
    %jit3A_154 = arith.constant 0 : i32
    %broadcast_in_dim3A_155 = vector.broadcast %jit3A_154 : i32 to vector<16xi32>
    %select_n3A_156 = arith.select %gt3A_153, %scan3A_126, %broadcast_in_dim3A_155 : vector<16xi1>, vector<16xi32>
    %reduce_sum3A_157 = arith.constant true
    %reduce_sum3A_158 = vector.broadcast %reduce_sum3A_157 : i1 to vector<16xi1>
    %reduce_sum3A_159 = tpu.scan <sum>, %select_n3A_156 masked %reduce_sum3A_158 : vector<16xi32>, vector<16xi1> -> vector<16xi32>
    %reduce_sum3A_160 = vector.extract %reduce_sum3A_159[15] : i32 from vector<16xi32>
    %mul3A_161 = arith.constant 16 : i32
    %mul3A_162 = arith.muli %sub3A_151, %mul3A_161 : i32
    %get3A_163 = arith.index_cast %mul3A_162 : i32 to index
    %get3A_164 = tpu.vector_load %arg7[%get3A_163] {strides = array<i32>} : memref<272xi32, #tpu.memory_space<vmem>>, vector<16xi32>,
    %rev3A_165 = arith.constant 15 : i32
    %rev3A_166 = vector.broadcast %rev3A_165 : i32 to vector<16xi32>
    %rev3A_167 = tpu.iota {dimensions = array<i32: 0>} : vector<16xi32>
    %rev3A_168 = arith.subi %rev3A_166, %rev3A_167 : vector<16xi32>
    %rev3A_169 = tpu.dynamic_gather %get3A_164[%rev3A_168] in [0] : vector<16xi32>, vector<16xi32> -> vector<16xi32>
    %broadcast_in_dim3A_170 = arith.constant true
    %broadcast_in_dim3A_171 = vector.broadcast %broadcast_in_dim3A_170 : i1 to vector<16xi1>
    %masked_cumsum3A_172 = tpu.scan <sum>, %rev3A_169 masked %broadcast_in_dim3A_171 : vector<16xi32>, vector<16xi1> -> vector<16xi32>
    %rev3A_173 = arith.constant 15 : i32
    %rev3A_174 = vector.broadcast %rev3A_173 : i32 to vector<16xi32>
    %rev3A_175 = tpu.iota {dimensions = array<i32: 0>} : vector<16xi32>
    %rev3A_176 = arith.subi %rev3A_174, %rev3A_175 : vector<16xi32>
    %rev3A_177 = tpu.dynamic_gather %masked_cumsum3A_172[%rev3A_176] in [0] : vector<16xi32>, vector<16xi32> -> vector<16xi32>
    %add3A_178 = vector.broadcast %reduce_sum3A_160 : i32 to vector<16xi32>
    %add3A_179 = arith.addi %add3A_178, %rev3A_177 : vector<16xi32>
    %ge3A_180 = vector.broadcast %sub3A_129 : i32 to vector<16xi32>
    %ge3A_181 = arith.cmpi sge, %add3A_179, %ge3A_180 : vector<16xi32>
    %convert_element_type3A_182 = arith.extui %ge3A_181 : vector<16xi1> to vector<16xi32>
    %reduce_sum3A_183 = arith.constant true
    %reduce_sum3A_184 = vector.broadcast %reduce_sum3A_183 : i1 to vector<16xi1>
    %reduce_sum3A_185 = tpu.scan <sum>, %convert_element_type3A_182 masked %reduce_sum3A_184 : vector<16xi32>, vector<16xi1> -> vector<16xi32>
    %reduce_sum3A_186 = vector.extract %reduce_sum3A_185[15] : i32 from vector<16xi32>
    %sub3A_187 = arith.constant 1 : i32
    %sub3A_188 = arith.subi %reduce_sum3A_186, %sub3A_187 : i32
    %mul3A_189 = arith.constant 16 : i32
    %mul3A_190 = arith.muli %sub3A_151, %mul3A_189 : i32
    %add3A_191 = arith.addi %mul3A_190, %sub3A_188 : i32
    %gt3A_192 = vector.broadcast %sub3A_188 : i32 to vector<16xi32>
    %gt3A_193 = arith.cmpi sgt, %iota3A, %gt3A_192 : vector<16xi32>
    %jit3A_194 = arith.constant 0 : i32
    %broadcast_in_dim3A_195 = vector.broadcast %jit3A_194 : i32 to vector<16xi32>
    %select_n3A_196 = arith.select %gt3A_193, %get3A_164, %broadcast_in_dim3A_195 : vector<16xi1>, vector<16xi32>
    %reduce_sum3A_197 = arith.constant true
    %reduce_sum3A_198 = vector.broadcast %reduce_sum3A_197 : i1 to vector<16xi1>
    %reduce_sum3A_199 = tpu.scan <sum>, %select_n3A_196 masked %reduce_sum3A_198 : vector<16xi32>, vector<16xi1> -> vector<16xi32>
    %reduce_sum3A_200 = vector.extract %reduce_sum3A_199[15] : i32 from vector<16xi32>
    %add3A_201 = arith.addi %reduce_sum3A_160, %reduce_sum3A_200 : i32
    %add3A_202 = arith.addi %add3A_96, %add3A_201 : i32
    %shift_left3A_203 = arith.constant 8 : i32
    %shift_left3A_204 = arith.shli %or3A, %shift_left3A_203 : i32
    %or3A_205 = arith.ori %shift_left3A_204, %add3A_191 : i32
    %scan3A_206 = arith.constant 0 : i32
    %scan3A_207 = arith.constant 0 : i32
    %scan3A_208 = arith.constant 256 : i32
    %scan3A_209 = arith.addi %scan3A_207, %scan3A_208 : i32
    %scan3A_210 = arith.constant 8 : i32
    scf.for %scan3A_517 = %scan3A_207 to %scan3A_209 step %scan3A_210  : i32 {
      %mul3A_518 = arith.constant 16 : i32
      %mul3A_519 = arith.muli %scan3A_517, %mul3A_518 : i32
      %swap3A_520 = arith.index_cast %mul3A_519 : i32 to index
      %swap3A_521 = tpu.vector_load %arg6[%swap3A_520] {strides = array<i32>} : memref<4096xi32, #tpu.memory_space<vmem>>, vector<16xi32>,
      tpu.vector_store %arg6[%swap3A_520], %broadcast_in_dim3A_1 {strides = array<i32>} : memref<4096xi32, #tpu.memory_space<vmem>>, vector<16xi32>,
      %scan3A_522 = arith.constant 1 : i32
      %scan3A_523 = arith.addi %scan3A_517, %scan3A_522 : i32
      %mul3A_524 = arith.constant 16 : i32
      %mul3A_525 = arith.muli %scan3A_523, %mul3A_524 : i32
      %swap3A_526 = arith.index_cast %mul3A_525 : i32 to index
      %swap3A_527 = tpu.vector_load %arg6[%swap3A_526] {strides = array<i32>} : memref<4096xi32, #tpu.memory_space<vmem>>, vector<16xi32>,
      tpu.vector_store %arg6[%swap3A_526], %broadcast_in_dim3A_1 {strides = array<i32>} : memref<4096xi32, #tpu.memory_space<vmem>>, vector<16xi32>,
      %scan3A_528 = arith.constant 2 : i32
      %scan3A_529 = arith.addi %scan3A_517, %scan3A_528 : i32
      %mul3A_530 = arith.constant 16 : i32
      %mul3A_531 = arith.muli %scan3A_529, %mul3A_530 : i32
      %swap3A_532 = arith.index_cast %mul3A_531 : i32 to index
      %swap3A_533 = tpu.vector_load %arg6[%swap3A_532] {strides = array<i32>} : memref<4096xi32, #tpu.memory_space<vmem>>, vector<16xi32>,
      tpu.vector_store %arg6[%swap3A_532], %broadcast_in_dim3A_1 {strides = array<i32>} : memref<4096xi32, #tpu.memory_space<vmem>>, vector<16xi32>,
      %scan3A_534 = arith.constant 3 : i32
      %scan3A_535 = arith.addi %scan3A_517, %scan3A_534 : i32
      %mul3A_536 = arith.constant 16 : i32
      %mul3A_537 = arith.muli %scan3A_535, %mul3A_536 : i32
      %swap3A_538 = arith.index_cast %mul3A_537 : i32 to index
      %swap3A_539 = tpu.vector_load %arg6[%swap3A_538] {strides = array<i32>} : memref<4096xi32, #tpu.memory_space<vmem>>, vector<16xi32>,
      tpu.vector_store %arg6[%swap3A_538], %broadcast_in_dim3A_1 {strides = array<i32>} : memref<4096xi32, #tpu.memory_space<vmem>>, vector<16xi32>,
      %scan3A_540 = arith.constant 4 : i32
      %scan3A_541 = arith.addi %scan3A_517, %scan3A_540 : i32
      %mul3A_542 = arith.constant 16 : i32
      %mul3A_543 = arith.muli %scan3A_541, %mul3A_542 : i32
      %swap3A_544 = arith.index_cast %mul3A_543 : i32 to index
      %swap3A_545 = tpu.vector_load %arg6[%swap3A_544] {strides = array<i32>} : memref<4096xi32, #tpu.memory_space<vmem>>, vector<16xi32>,
      tpu.vector_store %arg6[%swap3A_544], %broadcast_in_dim3A_1 {strides = array<i32>} : memref<4096xi32, #tpu.memory_space<vmem>>, vector<16xi32>,
      %scan3A_546 = arith.constant 5 : i32
      %scan3A_547 = arith.addi %scan3A_517, %scan3A_546 : i32
      %mul3A_548 = arith.constant 16 : i32
      %mul3A_549 = arith.muli %scan3A_547, %mul3A_548 : i32
      %swap3A_550 = arith.index_cast %mul3A_549 : i32 to index
      %swap3A_551 = tpu.vector_load %arg6[%swap3A_550] {strides = array<i32>} : memref<4096xi32, #tpu.memory_space<vmem>>, vector<16xi32>,
      tpu.vector_store %arg6[%swap3A_550], %broadcast_in_dim3A_1 {strides = array<i32>} : memref<4096xi32, #tpu.memory_space<vmem>>, vector<16xi32>,
      %scan3A_552 = arith.constant 6 : i32
      %scan3A_553 = arith.addi %scan3A_517, %scan3A_552 : i32
      %mul3A_554 = arith.constant 16 : i32
      %mul3A_555 = arith.muli %scan3A_553, %mul3A_554 : i32
      %swap3A_556 = arith.index_cast %mul3A_555 : i32 to index
      %swap3A_557 = tpu.vector_load %arg6[%swap3A_556] {strides = array<i32>} : memref<4096xi32, #tpu.memory_space<vmem>>, vector<16xi32>,
      tpu.vector_store %arg6[%swap3A_556], %broadcast_in_dim3A_1 {strides = array<i32>} : memref<4096xi32, #tpu.memory_space<vmem>>, vector<16xi32>,
      %scan3A_558 = arith.constant 7 : i32
      %scan3A_559 = arith.addi %scan3A_517, %scan3A_558 : i32
      %mul3A_560 = arith.constant 16 : i32
      %mul3A_561 = arith.muli %scan3A_559, %mul3A_560 : i32
      %swap3A_562 = arith.index_cast %mul3A_561 : i32 to index
      %swap3A_563 = tpu.vector_load %arg6[%swap3A_562] {strides = array<i32>} : memref<4096xi32, #tpu.memory_space<vmem>>, vector<16xi32>,
      tpu.vector_store %arg6[%swap3A_562], %broadcast_in_dim3A_1 {strides = array<i32>} : memref<4096xi32, #tpu.memory_space<vmem>>, vector<16xi32>,
    }
    %scan3A_211 = arith.constant 256 : i32
    %scan3A_212 = arith.constant 0 : i32
    %scan3A_213 = arith.constant 0 : i32
    %scan3A_214 = arith.constant 392 : i32
    %scan3A_215 = arith.addi %scan3A_213, %scan3A_214 : i32
    %scan3A_216 = arith.constant 4 : i32
    scf.for %scan3A_517 = %scan3A_213 to %scan3A_215 step %scan3A_216  : i32 {
      %mul3A_518 = arith.constant 16 : i32
      %mul3A_519 = arith.muli %scan3A_517, %mul3A_518 : i32
      %get3A_520 = arith.index_cast %mul3A_519 : i32 to index
      %get3A_521 = tpu.vector_load %arg5[%get3A_520] {strides = array<i32>} : memref<6272xi32, #tpu.memory_space<vmem>>, vector<16xi32>,
      %shift_right_logical3A = arith.constant 8 : i32
      %shift_right_logical3A_522 = vector.broadcast %shift_right_logical3A : i32 to vector<16xi32>
      %shift_right_logical3A_523 = arith.shrui %get3A_521, %shift_right_logical3A_522 : vector<16xi32>
      %and3A_524 = arith.constant 255 : i32
      %and3A_525 = vector.broadcast %and3A_524 : i32 to vector<16xi32>
      %and3A_526 = arith.andi %shift_right_logical3A_523, %and3A_525 : vector<16xi32>
      %mul3A_527 = arith.constant 256 : i32
      %mul3A_528 = vector.broadcast %mul3A_527 : i32 to vector<16xi32>
      %mul3A_529 = arith.muli %iota3A, %mul3A_528 : vector<16xi32>
      %add3A_530 = arith.addi %mul3A_529, %and3A_526 : vector<16xi32>
      %shift_right_logical3A_531 = arith.constant 16 : i32
      %shift_right_logical3A_532 = vector.broadcast %shift_right_logical3A_531 : i32 to vector<16xi32>
      %shift_right_logical3A_533 = arith.shrui %get3A_521, %shift_right_logical3A_532 : vector<16xi32>
      %eq3A_534 = vector.broadcast %or3A_205 : i32 to vector<16xi32>
      %eq3A_535 = arith.cmpi eq, %shift_right_logical3A_533, %eq3A_534 : vector<16xi32>
      tpu.vector_store_idx %arg6[%add3A_530], %broadcast_in_dim3A_3 masked %eq3A_535 {add = true} : memref<4096xi32, #tpu.memory_space<vmem>>[vector<16xi32>], vector<16xi32>, vector<16xi1>
      %scan3A_536 = arith.constant 1 : i32
      %scan3A_537 = arith.addi %scan3A_517, %scan3A_536 : i32
      %mul3A_538 = arith.constant 16 : i32
      %mul3A_539 = arith.muli %scan3A_537, %mul3A_538 : i32
      %get3A_540 = arith.index_cast %mul3A_539 : i32 to index
      %get3A_541 = tpu.vector_load %arg5[%get3A_540] {strides = array<i32>} : memref<6272xi32, #tpu.memory_space<vmem>>, vector<16xi32>,
      %shift_right_logical3A_542 = arith.constant 8 : i32
      %shift_right_logical3A_543 = vector.broadcast %shift_right_logical3A_542 : i32 to vector<16xi32>
      %shift_right_logical3A_544 = arith.shrui %get3A_541, %shift_right_logical3A_543 : vector<16xi32>
      %and3A_545 = arith.constant 255 : i32
      %and3A_546 = vector.broadcast %and3A_545 : i32 to vector<16xi32>
      %and3A_547 = arith.andi %shift_right_logical3A_544, %and3A_546 : vector<16xi32>
      %mul3A_548 = arith.constant 256 : i32
      %mul3A_549 = vector.broadcast %mul3A_548 : i32 to vector<16xi32>
      %mul3A_550 = arith.muli %iota3A, %mul3A_549 : vector<16xi32>
      %add3A_551 = arith.addi %mul3A_550, %and3A_547 : vector<16xi32>
      %shift_right_logical3A_552 = arith.constant 16 : i32
      %shift_right_logical3A_553 = vector.broadcast %shift_right_logical3A_552 : i32 to vector<16xi32>
      %shift_right_logical3A_554 = arith.shrui %get3A_541, %shift_right_logical3A_553 : vector<16xi32>
      %eq3A_555 = vector.broadcast %or3A_205 : i32 to vector<16xi32>
      %eq3A_556 = arith.cmpi eq, %shift_right_logical3A_554, %eq3A_555 : vector<16xi32>
      tpu.vector_store_idx %arg6[%add3A_551], %broadcast_in_dim3A_3 masked %eq3A_556 {add = true} : memref<4096xi32, #tpu.memory_space<vmem>>[vector<16xi32>], vector<16xi32>, vector<16xi1>
      %scan3A_557 = arith.constant 2 : i32
      %scan3A_558 = arith.addi %scan3A_517, %scan3A_557 : i32
      %mul3A_559 = arith.constant 16 : i32
      %mul3A_560 = arith.muli %scan3A_558, %mul3A_559 : i32
      %get3A_561 = arith.index_cast %mul3A_560 : i32 to index
      %get3A_562 = tpu.vector_load %arg5[%get3A_561] {strides = array<i32>} : memref<6272xi32, #tpu.memory_space<vmem>>, vector<16xi32>,
      %shift_right_logical3A_563 = arith.constant 8 : i32
      %shift_right_logical3A_564 = vector.broadcast %shift_right_logical3A_563 : i32 to vector<16xi32>
      %shift_right_logical3A_565 = arith.shrui %get3A_562, %shift_right_logical3A_564 : vector<16xi32>
      %and3A_566 = arith.constant 255 : i32
      %and3A_567 = vector.broadcast %and3A_566 : i32 to vector<16xi32>
      %and3A_568 = arith.andi %shift_right_logical3A_565, %and3A_567 : vector<16xi32>
      %mul3A_569 = arith.constant 256 : i32
      %mul3A_570 = vector.broadcast %mul3A_569 : i32 to vector<16xi32>
      %mul3A_571 = arith.muli %iota3A, %mul3A_570 : vector<16xi32>
      %add3A_572 = arith.addi %mul3A_571, %and3A_568 : vector<16xi32>
      %shift_right_logical3A_573 = arith.constant 16 : i32
      %shift_right_logical3A_574 = vector.broadcast %shift_right_logical3A_573 : i32 to vector<16xi32>
      %shift_right_logical3A_575 = arith.shrui %get3A_562, %shift_right_logical3A_574 : vector<16xi32>
      %eq3A_576 = vector.broadcast %or3A_205 : i32 to vector<16xi32>
      %eq3A_577 = arith.cmpi eq, %shift_right_logical3A_575, %eq3A_576 : vector<16xi32>
      tpu.vector_store_idx %arg6[%add3A_572], %broadcast_in_dim3A_3 masked %eq3A_577 {add = true} : memref<4096xi32, #tpu.memory_space<vmem>>[vector<16xi32>], vector<16xi32>, vector<16xi1>
      %scan3A_578 = arith.constant 3 : i32
      %scan3A_579 = arith.addi %scan3A_517, %scan3A_578 : i32
      %mul3A_580 = arith.constant 16 : i32
      %mul3A_581 = arith.muli %scan3A_579, %mul3A_580 : i32
      %get3A_582 = arith.index_cast %mul3A_581 : i32 to index
      %get3A_583 = tpu.vector_load %arg5[%get3A_582] {strides = array<i32>} : memref<6272xi32, #tpu.memory_space<vmem>>, vector<16xi32>,
      %shift_right_logical3A_584 = arith.constant 8 : i32
      %shift_right_logical3A_585 = vector.broadcast %shift_right_logical3A_584 : i32 to vector<16xi32>
      %shift_right_logical3A_586 = arith.shrui %get3A_583, %shift_right_logical3A_585 : vector<16xi32>
      %and3A_587 = arith.constant 255 : i32
      %and3A_588 = vector.broadcast %and3A_587 : i32 to vector<16xi32>
      %and3A_589 = arith.andi %shift_right_logical3A_586, %and3A_588 : vector<16xi32>
      %mul3A_590 = arith.constant 256 : i32
      %mul3A_591 = vector.broadcast %mul3A_590 : i32 to vector<16xi32>
      %mul3A_592 = arith.muli %iota3A, %mul3A_591 : vector<16xi32>
      %add3A_593 = arith.addi %mul3A_592, %and3A_589 : vector<16xi32>
      %shift_right_logical3A_594 = arith.constant 16 : i32
      %shift_right_logical3A_595 = vector.broadcast %shift_right_logical3A_594 : i32 to vector<16xi32>
      %shift_right_logical3A_596 = arith.shrui %get3A_583, %shift_right_logical3A_595 : vector<16xi32>
      %eq3A_597 = vector.broadcast %or3A_205 : i32 to vector<16xi32>
      %eq3A_598 = arith.cmpi eq, %shift_right_logical3A_596, %eq3A_597 : vector<16xi32>
      tpu.vector_store_idx %arg6[%add3A_593], %broadcast_in_dim3A_3 masked %eq3A_598 {add = true} : memref<4096xi32, #tpu.memory_space<vmem>>[vector<16xi32>], vector<16xi32>, vector<16xi1>
    }
    %scan3A_217 = arith.constant 392 : i32
    %scan3A_218 = arith.constant 0 : i32
    %scan3A_219 = arith.constant 0 : i32
    %scan3A_220 = arith.constant 16 : i32
    %scan3A_221 = arith.addi %scan3A_219, %scan3A_220 : i32
    %scan3A_222 = arith.constant 1 : i32
    scf.for %scan3A_517 = %scan3A_219 to %scan3A_221 step %scan3A_222  : i32 {
      %mul3A_518 = arith.constant 16 : i32
      %mul3A_519 = arith.muli %scan3A_517, %mul3A_518 : i32
      %add3A_520 = arith.constant 0 : i32
      %add3A_521 = arith.addi %add3A_520, %mul3A_519 : i32
      %get3A_522 = arith.index_cast %add3A_521 : i32 to index
      %get3A_523 = tpu.vector_load %arg6[%get3A_522] {strides = array<i32>} : memref<4096xi32, #tpu.memory_space<vmem>>, vector<16xi32>,
      %add3A_524 = arith.addi %broadcast_in_dim3A_1, %get3A_523 : vector<16xi32>
      %mul3A_525 = arith.constant 16 : i32
      %mul3A_526 = arith.muli %scan3A_517, %mul3A_525 : i32
      %add3A_527 = arith.constant 256 : i32
      %add3A_528 = arith.addi %add3A_527, %mul3A_526 : i32
      %get3A_529 = arith.index_cast %add3A_528 : i32 to index
      %get3A_530 = tpu.vector_load %arg6[%get3A_529] {strides = array<i32>} : memref<4096xi32, #tpu.memory_space<vmem>>, vector<16xi32>,
      %add3A_531 = arith.addi %add3A_524, %get3A_530 : vector<16xi32>
      %mul3A_532 = arith.constant 16 : i32
      %mul3A_533 = arith.muli %scan3A_517, %mul3A_532 : i32
      %add3A_534 = arith.constant 512 : i32
      %add3A_535 = arith.addi %add3A_534, %mul3A_533 : i32
      %get3A_536 = arith.index_cast %add3A_535 : i32 to index
      %get3A_537 = tpu.vector_load %arg6[%get3A_536] {strides = array<i32>} : memref<4096xi32, #tpu.memory_space<vmem>>, vector<16xi32>,
      %add3A_538 = arith.addi %add3A_531, %get3A_537 : vector<16xi32>
      %mul3A_539 = arith.constant 16 : i32
      %mul3A_540 = arith.muli %scan3A_517, %mul3A_539 : i32
      %add3A_541 = arith.constant 768 : i32
      %add3A_542 = arith.addi %add3A_541, %mul3A_540 : i32
      %get3A_543 = arith.index_cast %add3A_542 : i32 to index
      %get3A_544 = tpu.vector_load %arg6[%get3A_543] {strides = array<i32>} : memref<4096xi32, #tpu.memory_space<vmem>>, vector<16xi32>,
      %add3A_545 = arith.addi %add3A_538, %get3A_544 : vector<16xi32>
      %mul3A_546 = arith.constant 16 : i32
      %mul3A_547 = arith.muli %scan3A_517, %mul3A_546 : i32
      %add3A_548 = arith.constant 1024 : i32
      %add3A_549 = arith.addi %add3A_548, %mul3A_547 : i32
      %get3A_550 = arith.index_cast %add3A_549 : i32 to index
      %get3A_551 = tpu.vector_load %arg6[%get3A_550] {strides = array<i32>} : memref<4096xi32, #tpu.memory_space<vmem>>, vector<16xi32>,
      %add3A_552 = arith.addi %add3A_545, %get3A_551 : vector<16xi32>
      %mul3A_553 = arith.constant 16 : i32
      %mul3A_554 = arith.muli %scan3A_517, %mul3A_553 : i32
      %add3A_555 = arith.constant 1280 : i32
      %add3A_556 = arith.addi %add3A_555, %mul3A_554 : i32
      %get3A_557 = arith.index_cast %add3A_556 : i32 to index
      %get3A_558 = tpu.vector_load %arg6[%get3A_557] {strides = array<i32>} : memref<4096xi32, #tpu.memory_space<vmem>>, vector<16xi32>,
      %add3A_559 = arith.addi %add3A_552, %get3A_558 : vector<16xi32>
      %mul3A_560 = arith.constant 16 : i32
      %mul3A_561 = arith.muli %scan3A_517, %mul3A_560 : i32
      %add3A_562 = arith.constant 1536 : i32
      %add3A_563 = arith.addi %add3A_562, %mul3A_561 : i32
      %get3A_564 = arith.index_cast %add3A_563 : i32 to index
      %get3A_565 = tpu.vector_load %arg6[%get3A_564] {strides = array<i32>} : memref<4096xi32, #tpu.memory_space<vmem>>, vector<16xi32>,
      %add3A_566 = arith.addi %add3A_559, %get3A_565 : vector<16xi32>
      %mul3A_567 = arith.constant 16 : i32
      %mul3A_568 = arith.muli %scan3A_517, %mul3A_567 : i32
      %add3A_569 = arith.constant 1792 : i32
      %add3A_570 = arith.addi %add3A_569, %mul3A_568 : i32
      %get3A_571 = arith.index_cast %add3A_570 : i32 to index
      %get3A_572 = tpu.vector_load %arg6[%get3A_571] {strides = array<i32>} : memref<4096xi32, #tpu.memory_space<vmem>>, vector<16xi32>,
      %add3A_573 = arith.addi %add3A_566, %get3A_572 : vector<16xi32>
      %mul3A_574 = arith.constant 16 : i32
      %mul3A_575 = arith.muli %scan3A_517, %mul3A_574 : i32
      %add3A_576 = arith.constant 2048 : i32
      %add3A_577 = arith.addi %add3A_576, %mul3A_575 : i32
      %get3A_578 = arith.index_cast %add3A_577 : i32 to index
      %get3A_579 = tpu.vector_load %arg6[%get3A_578] {strides = array<i32>} : memref<4096xi32, #tpu.memory_space<vmem>>, vector<16xi32>,
      %add3A_580 = arith.addi %add3A_573, %get3A_579 : vector<16xi32>
      %mul3A_581 = arith.constant 16 : i32
      %mul3A_582 = arith.muli %scan3A_517, %mul3A_581 : i32
      %add3A_583 = arith.constant 2304 : i32
      %add3A_584 = arith.addi %add3A_583, %mul3A_582 : i32
      %get3A_585 = arith.index_cast %add3A_584 : i32 to index
      %get3A_586 = tpu.vector_load %arg6[%get3A_585] {strides = array<i32>} : memref<4096xi32, #tpu.memory_space<vmem>>, vector<16xi32>,
      %add3A_587 = arith.addi %add3A_580, %get3A_586 : vector<16xi32>
      %mul3A_588 = arith.constant 16 : i32
      %mul3A_589 = arith.muli %scan3A_517, %mul3A_588 : i32
      %add3A_590 = arith.constant 2560 : i32
      %add3A_591 = arith.addi %add3A_590, %mul3A_589 : i32
      %get3A_592 = arith.index_cast %add3A_591 : i32 to index
      %get3A_593 = tpu.vector_load %arg6[%get3A_592] {strides = array<i32>} : memref<4096xi32, #tpu.memory_space<vmem>>, vector<16xi32>,
      %add3A_594 = arith.addi %add3A_587, %get3A_593 : vector<16xi32>
      %mul3A_595 = arith.constant 16 : i32
      %mul3A_596 = arith.muli %scan3A_517, %mul3A_595 : i32
      %add3A_597 = arith.constant 2816 : i32
      %add3A_598 = arith.addi %add3A_597, %mul3A_596 : i32
      %get3A_599 = arith.index_cast %add3A_598 : i32 to index
      %get3A_600 = tpu.vector_load %arg6[%get3A_599] {strides = array<i32>} : memref<4096xi32, #tpu.memory_space<vmem>>, vector<16xi32>,
      %add3A_601 = arith.addi %add3A_594, %get3A_600 : vector<16xi32>
      %mul3A_602 = arith.constant 16 : i32
      %mul3A_603 = arith.muli %scan3A_517, %mul3A_602 : i32
      %add3A_604 = arith.constant 3072 : i32
      %add3A_605 = arith.addi %add3A_604, %mul3A_603 : i32
      %get3A_606 = arith.index_cast %add3A_605 : i32 to index
      %get3A_607 = tpu.vector_load %arg6[%get3A_606] {strides = array<i32>} : memref<4096xi32, #tpu.memory_space<vmem>>, vector<16xi32>,
      %add3A_608 = arith.addi %add3A_601, %get3A_607 : vector<16xi32>
      %mul3A_609 = arith.constant 16 : i32
      %mul3A_610 = arith.muli %scan3A_517, %mul3A_609 : i32
      %add3A_611 = arith.constant 3328 : i32
      %add3A_612 = arith.addi %add3A_611, %mul3A_610 : i32
      %get3A_613 = arith.index_cast %add3A_612 : i32 to index
      %get3A_614 = tpu.vector_load %arg6[%get3A_613] {strides = array<i32>} : memref<4096xi32, #tpu.memory_space<vmem>>, vector<16xi32>,
      %add3A_615 = arith.addi %add3A_608, %get3A_614 : vector<16xi32>
      %mul3A_616 = arith.constant 16 : i32
      %mul3A_617 = arith.muli %scan3A_517, %mul3A_616 : i32
      %add3A_618 = arith.constant 3584 : i32
      %add3A_619 = arith.addi %add3A_618, %mul3A_617 : i32
      %get3A_620 = arith.index_cast %add3A_619 : i32 to index
      %get3A_621 = tpu.vector_load %arg6[%get3A_620] {strides = array<i32>} : memref<4096xi32, #tpu.memory_space<vmem>>, vector<16xi32>,
      %add3A_622 = arith.addi %add3A_615, %get3A_621 : vector<16xi32>
      %mul3A_623 = arith.constant 16 : i32
      %mul3A_624 = arith.muli %scan3A_517, %mul3A_623 : i32
      %add3A_625 = arith.constant 3840 : i32
      %add3A_626 = arith.addi %add3A_625, %mul3A_624 : i32
      %get3A_627 = arith.index_cast %add3A_626 : i32 to index
      %get3A_628 = tpu.vector_load %arg6[%get3A_627] {strides = array<i32>} : memref<4096xi32, #tpu.memory_space<vmem>>, vector<16xi32>,
      %add3A_629 = arith.addi %add3A_622, %get3A_628 : vector<16xi32>
      %mul3A_630 = arith.constant 16 : i32
      %mul3A_631 = arith.muli %scan3A_517, %mul3A_630 : i32
      %swap3A_632 = arith.index_cast %mul3A_631 : i32 to index
      %swap3A_633 = tpu.vector_load %arg7[%swap3A_632] {strides = array<i32>} : memref<272xi32, #tpu.memory_space<vmem>>, vector<16xi32>,
      tpu.vector_store %arg7[%swap3A_632], %add3A_629 {strides = array<i32>} : memref<272xi32, #tpu.memory_space<vmem>>, vector<16xi32>,
    }
    %scan3A_223 = arith.constant 16 : i32
    %add3A_224 = arith.constant 32 : i32
    %add3A_225 = arith.addi %add3A_224, %arg1 : i32
    %mul3A_226 = arith.constant 256 : i32
    %mul3A_227 = arith.muli %add3A_225, %mul3A_226 : i32
    "tpu.region"() ({
      %run_scoped3A = tpu.sem_alloc : memref<!tpu.dma_semaphore, #tpu.memory_space<semaphore_mem>>
      %dma_start3A_517 = arith.constant 0 : i32
      %dma_start3A_518 = tpu.memref_slice %arg7[%dma_start3A_517] : memref<272xi32, #tpu.memory_space<vmem>> -> memref<256xi32, #tpu.memory_space<vmem>>
      %dma_start3A_519 = tpu.memref_slice %arg26[%mul3A_227] : memref<16384xi32, #tpu.memory_space<vmem_shared>> -> memref<256xi32, #tpu.memory_space<vmem_shared>>
      %dma_start3A_520 = tpu.memref_slice %arg26[%mul3A_227] : memref<16384xi32, #tpu.memory_space<vmem_shared>> -> memref<256xi32, #tpu.memory_space<vmem_shared>>
      %dma_start3A_521 = arith.constant 0 : i32
      %dma_start3A_522 = tpu.memref_slice %arg7[%dma_start3A_521] : memref<272xi32, #tpu.memory_space<vmem>> -> memref<256xi32, #tpu.memory_space<vmem>>
      tpu.enqueue_dma source(%dma_start3A_522 : memref<256xi32, #tpu.memory_space<vmem>>) target(%dma_start3A_520 : memref<256xi32, #tpu.memory_space<vmem_shared>>) target_semaphore(%run_scoped3A : memref<!tpu.dma_semaphore, #tpu.memory_space<semaphore_mem>>)
      %dma_wait3A_523 = arith.constant 0 : i32
      %dma_wait3A_524 = tpu.memref_slice %arg7[%dma_wait3A_523] : memref<272xi32, #tpu.memory_space<vmem>> -> memref<256xi32, #tpu.memory_space<vmem>>
      %dma_wait3A_525 = tpu.memref_slice %arg26[%mul3A_227] : memref<16384xi32, #tpu.memory_space<vmem_shared>> -> memref<256xi32, #tpu.memory_space<vmem_shared>>
      %dma_wait3A_526 = tpu.memref_slice %arg26[%mul3A_227] : memref<16384xi32, #tpu.memory_space<vmem_shared>> -> memref<256xi32, #tpu.memory_space<vmem_shared>>
      %dma_wait3A_527 = arith.constant 0 : i32
      %dma_wait3A_528 = tpu.memref_slice %arg7[%dma_wait3A_527] : memref<272xi32, #tpu.memory_space<vmem>> -> memref<256xi32, #tpu.memory_space<vmem>>
      tpu.wait_dma2 semaphore(%run_scoped3A : memref<!tpu.dma_semaphore, #tpu.memory_space<semaphore_mem>>) src(%dma_wait3A_528 : memref<256xi32, #tpu.memory_space<vmem>>) dst(%dma_wait3A_526 : memref<256xi32, #tpu.memory_space<vmem_shared>>)
      tpu.yield
    }) : () -> ()
    %barrier3A_228 = arith.constant 0 : index
    tpu.barrier barrier_id(%barrier3A_228)
    "tpu.region"() ({
      %run_scoped3A = tpu.sem_alloc : memref<!tpu.dma_semaphore, #tpu.memory_space<semaphore_mem>>
      %dma_start3A_517 = arith.constant 8192 : i32
      %dma_start3A_518 = tpu.memref_slice %arg26[%dma_start3A_517] : memref<16384xi32, #tpu.memory_space<vmem_shared>> -> memref<4096xi32, #tpu.memory_space<vmem_shared>>
      %dma_start3A_519 = arith.constant 8192 : i32
      %dma_start3A_520 = tpu.memref_slice %arg26[%dma_start3A_519] : memref<16384xi32, #tpu.memory_space<vmem_shared>> -> memref<4096xi32, #tpu.memory_space<vmem_shared>>
      tpu.enqueue_dma source(%dma_start3A_520 : memref<4096xi32, #tpu.memory_space<vmem_shared>>) target(%arg8 : memref<4096xi32, #tpu.memory_space<vmem>>) target_semaphore(%run_scoped3A : memref<!tpu.dma_semaphore, #tpu.memory_space<semaphore_mem>>)
      %dma_wait3A_521 = arith.constant 8192 : i32
      %dma_wait3A_522 = tpu.memref_slice %arg26[%dma_wait3A_521] : memref<16384xi32, #tpu.memory_space<vmem_shared>> -> memref<4096xi32, #tpu.memory_space<vmem_shared>>
      %dma_wait3A_523 = arith.constant 8192 : i32
      %dma_wait3A_524 = tpu.memref_slice %arg26[%dma_wait3A_523] : memref<16384xi32, #tpu.memory_space<vmem_shared>> -> memref<4096xi32, #tpu.memory_space<vmem_shared>>
      tpu.wait_dma2 semaphore(%run_scoped3A : memref<!tpu.dma_semaphore, #tpu.memory_space<semaphore_mem>>) src(%dma_wait3A_524 : memref<4096xi32, #tpu.memory_space<vmem_shared>>) dst(%arg8 : memref<4096xi32, #tpu.memory_space<vmem>>)
      tpu.yield
    }) : () -> ()
    %scan3A_229 = arith.constant 0 : i32
    %scan3A_230 = arith.constant 16 : i32
    %scan3A_231 = arith.addi %scan3A_229, %scan3A_230 : i32
    %scan3A_232 = arith.constant 1 : i32
    %scan3A_233 = scf.for %scan3A_517 = %scan3A_229 to %scan3A_231 step %scan3A_232 iter_args(%scan3A_518 = %broadcast_in_dim3A_1) -> (vector<16xi32>)  : i32 {
      %mul3A_519 = arith.constant 16 : i32
      %mul3A_520 = arith.muli %scan3A_517, %mul3A_519 : i32
      %add3A_521 = arith.constant 0 : i32
      %add3A_522 = arith.addi %add3A_521, %mul3A_520 : i32
      %get3A_523 = arith.index_cast %add3A_522 : i32 to index
      %get3A_524 = tpu.vector_load %arg8[%get3A_523] {strides = array<i32>} : memref<4096xi32, #tpu.memory_space<vmem>>, vector<16xi32>,
      %add3A_525 = arith.addi %broadcast_in_dim3A_1, %get3A_524 : vector<16xi32>
      %mul3A_526 = arith.constant 16 : i32
      %mul3A_527 = arith.muli %scan3A_517, %mul3A_526 : i32
      %add3A_528 = arith.constant 256 : i32
      %add3A_529 = arith.addi %add3A_528, %mul3A_527 : i32
      %get3A_530 = arith.index_cast %add3A_529 : i32 to index
      %get3A_531 = tpu.vector_load %arg8[%get3A_530] {strides = array<i32>} : memref<4096xi32, #tpu.memory_space<vmem>>, vector<16xi32>,
      %add3A_532 = arith.addi %add3A_525, %get3A_531 : vector<16xi32>
      %mul3A_533 = arith.constant 16 : i32
      %mul3A_534 = arith.muli %scan3A_517, %mul3A_533 : i32
      %add3A_535 = arith.constant 512 : i32
      %add3A_536 = arith.addi %add3A_535, %mul3A_534 : i32
      %get3A_537 = arith.index_cast %add3A_536 : i32 to index
      %get3A_538 = tpu.vector_load %arg8[%get3A_537] {strides = array<i32>} : memref<4096xi32, #tpu.memory_space<vmem>>, vector<16xi32>,
      %add3A_539 = arith.addi %add3A_532, %get3A_538 : vector<16xi32>
      %mul3A_540 = arith.constant 16 : i32
      %mul3A_541 = arith.muli %scan3A_517, %mul3A_540 : i32
      %add3A_542 = arith.constant 768 : i32
      %add3A_543 = arith.addi %add3A_542, %mul3A_541 : i32
      %get3A_544 = arith.index_cast %add3A_543 : i32 to index
      %get3A_545 = tpu.vector_load %arg8[%get3A_544] {strides = array<i32>} : memref<4096xi32, #tpu.memory_space<vmem>>, vector<16xi32>,
      %add3A_546 = arith.addi %add3A_539, %get3A_545 : vector<16xi32>
      %mul3A_547 = arith.constant 16 : i32
      %mul3A_548 = arith.muli %scan3A_517, %mul3A_547 : i32
      %add3A_549 = arith.constant 1024 : i32
      %add3A_550 = arith.addi %add3A_549, %mul3A_548 : i32
      %get3A_551 = arith.index_cast %add3A_550 : i32 to index
      %get3A_552 = tpu.vector_load %arg8[%get3A_551] {strides = array<i32>} : memref<4096xi32, #tpu.memory_space<vmem>>, vector<16xi32>,
      %add3A_553 = arith.addi %add3A_546, %get3A_552 : vector<16xi32>
      %mul3A_554 = arith.constant 16 : i32
      %mul3A_555 = arith.muli %scan3A_517, %mul3A_554 : i32
      %add3A_556 = arith.constant 1280 : i32
      %add3A_557 = arith.addi %add3A_556, %mul3A_555 : i32
      %get3A_558 = arith.index_cast %add3A_557 : i32 to index
      %get3A_559 = tpu.vector_load %arg8[%get3A_558] {strides = array<i32>} : memref<4096xi32, #tpu.memory_space<vmem>>, vector<16xi32>,
      %add3A_560 = arith.addi %add3A_553, %get3A_559 : vector<16xi32>
      %mul3A_561 = arith.constant 16 : i32
      %mul3A_562 = arith.muli %scan3A_517, %mul3A_561 : i32
      %add3A_563 = arith.constant 1536 : i32
      %add3A_564 = arith.addi %add3A_563, %mul3A_562 : i32
      %get3A_565 = arith.index_cast %add3A_564 : i32 to index
      %get3A_566 = tpu.vector_load %arg8[%get3A_565] {strides = array<i32>} : memref<4096xi32, #tpu.memory_space<vmem>>, vector<16xi32>,
      %add3A_567 = arith.addi %add3A_560, %get3A_566 : vector<16xi32>
      %mul3A_568 = arith.constant 16 : i32
      %mul3A_569 = arith.muli %scan3A_517, %mul3A_568 : i32
      %add3A_570 = arith.constant 1792 : i32
      %add3A_571 = arith.addi %add3A_570, %mul3A_569 : i32
      %get3A_572 = arith.index_cast %add3A_571 : i32 to index
      %get3A_573 = tpu.vector_load %arg8[%get3A_572] {strides = array<i32>} : memref<4096xi32, #tpu.memory_space<vmem>>, vector<16xi32>,
      %add3A_574 = arith.addi %add3A_567, %get3A_573 : vector<16xi32>
      %mul3A_575 = arith.constant 16 : i32
      %mul3A_576 = arith.muli %scan3A_517, %mul3A_575 : i32
      %add3A_577 = arith.constant 2048 : i32
      %add3A_578 = arith.addi %add3A_577, %mul3A_576 : i32
      %get3A_579 = arith.index_cast %add3A_578 : i32 to index
      %get3A_580 = tpu.vector_load %arg8[%get3A_579] {strides = array<i32>} : memref<4096xi32, #tpu.memory_space<vmem>>, vector<16xi32>,
      %add3A_581 = arith.addi %add3A_574, %get3A_580 : vector<16xi32>
      %mul3A_582 = arith.constant 16 : i32
      %mul3A_583 = arith.muli %scan3A_517, %mul3A_582 : i32
      %add3A_584 = arith.constant 2304 : i32
      %add3A_585 = arith.addi %add3A_584, %mul3A_583 : i32
      %get3A_586 = arith.index_cast %add3A_585 : i32 to index
      %get3A_587 = tpu.vector_load %arg8[%get3A_586] {strides = array<i32>} : memref<4096xi32, #tpu.memory_space<vmem>>, vector<16xi32>,
      %add3A_588 = arith.addi %add3A_581, %get3A_587 : vector<16xi32>
      %mul3A_589 = arith.constant 16 : i32
      %mul3A_590 = arith.muli %scan3A_517, %mul3A_589 : i32
      %add3A_591 = arith.constant 2560 : i32
      %add3A_592 = arith.addi %add3A_591, %mul3A_590 : i32
      %get3A_593 = arith.index_cast %add3A_592 : i32 to index
      %get3A_594 = tpu.vector_load %arg8[%get3A_593] {strides = array<i32>} : memref<4096xi32, #tpu.memory_space<vmem>>, vector<16xi32>,
      %add3A_595 = arith.addi %add3A_588, %get3A_594 : vector<16xi32>
      %mul3A_596 = arith.constant 16 : i32
      %mul3A_597 = arith.muli %scan3A_517, %mul3A_596 : i32
      %add3A_598 = arith.constant 2816 : i32
      %add3A_599 = arith.addi %add3A_598, %mul3A_597 : i32
      %get3A_600 = arith.index_cast %add3A_599 : i32 to index
      %get3A_601 = tpu.vector_load %arg8[%get3A_600] {strides = array<i32>} : memref<4096xi32, #tpu.memory_space<vmem>>, vector<16xi32>,
      %add3A_602 = arith.addi %add3A_595, %get3A_601 : vector<16xi32>
      %mul3A_603 = arith.constant 16 : i32
      %mul3A_604 = arith.muli %scan3A_517, %mul3A_603 : i32
      %add3A_605 = arith.constant 3072 : i32
      %add3A_606 = arith.addi %add3A_605, %mul3A_604 : i32
      %get3A_607 = arith.index_cast %add3A_606 : i32 to index
      %get3A_608 = tpu.vector_load %arg8[%get3A_607] {strides = array<i32>} : memref<4096xi32, #tpu.memory_space<vmem>>, vector<16xi32>,
      %add3A_609 = arith.addi %add3A_602, %get3A_608 : vector<16xi32>
      %mul3A_610 = arith.constant 16 : i32
      %mul3A_611 = arith.muli %scan3A_517, %mul3A_610 : i32
      %add3A_612 = arith.constant 3328 : i32
      %add3A_613 = arith.addi %add3A_612, %mul3A_611 : i32
      %get3A_614 = arith.index_cast %add3A_613 : i32 to index
      %get3A_615 = tpu.vector_load %arg8[%get3A_614] {strides = array<i32>} : memref<4096xi32, #tpu.memory_space<vmem>>, vector<16xi32>,
      %add3A_616 = arith.addi %add3A_609, %get3A_615 : vector<16xi32>
      %mul3A_617 = arith.constant 16 : i32
      %mul3A_618 = arith.muli %scan3A_517, %mul3A_617 : i32
      %add3A_619 = arith.constant 3584 : i32
      %add3A_620 = arith.addi %add3A_619, %mul3A_618 : i32
      %get3A_621 = arith.index_cast %add3A_620 : i32 to index
      %get3A_622 = tpu.vector_load %arg8[%get3A_621] {strides = array<i32>} : memref<4096xi32, #tpu.memory_space<vmem>>, vector<16xi32>,
      %add3A_623 = arith.addi %add3A_616, %get3A_622 : vector<16xi32>
      %mul3A_624 = arith.constant 16 : i32
      %mul3A_625 = arith.muli %scan3A_517, %mul3A_624 : i32
      %add3A_626 = arith.constant 3840 : i32
      %add3A_627 = arith.addi %add3A_626, %mul3A_625 : i32
      %get3A_628 = arith.index_cast %add3A_627 : i32 to index
      %get3A_629 = tpu.vector_load %arg8[%get3A_628] {strides = array<i32>} : memref<4096xi32, #tpu.memory_space<vmem>>, vector<16xi32>,
      %add3A_630 = arith.addi %add3A_623, %get3A_629 : vector<16xi32>
      %mul3A_631 = arith.constant 16 : i32
      %mul3A_632 = arith.muli %scan3A_517, %mul3A_631 : i32
      %swap3A_633 = arith.index_cast %mul3A_632 : i32 to index
      %swap3A_634 = tpu.vector_load %arg7[%swap3A_633] {strides = array<i32>} : memref<272xi32, #tpu.memory_space<vmem>>, vector<16xi32>,
      tpu.vector_store %arg7[%swap3A_633], %add3A_630 {strides = array<i32>} : memref<272xi32, #tpu.memory_space<vmem>>, vector<16xi32>,
      %eq3A_635 = vector.broadcast %scan3A_517 : i32 to vector<16xi32>
      %eq3A_636 = arith.cmpi eq, %iota3A, %eq3A_635 : vector<16xi32>
      %reduce_sum3A_637 = arith.constant true
      %reduce_sum3A_638 = vector.broadcast %reduce_sum3A_637 : i1 to vector<16xi1>
      %reduce_sum3A_639 = tpu.scan <sum>, %add3A_630 masked %reduce_sum3A_638 : vector<16xi32>, vector<16xi1> -> vector<16xi32>
      %reduce_sum3A_640 = vector.extract %reduce_sum3A_639[15] : i32 from vector<16xi32>
      %broadcast_in_dim3A_641 = vector.broadcast %reduce_sum3A_640 : i32 to vector<16xi32>
      %select_n3A_642 = arith.select %eq3A_636, %broadcast_in_dim3A_641, %scan3A_518 : vector<16xi1>, vector<16xi32>
      scf.yield %select_n3A_642 : vector<16xi32>
    }
    %scan3A_234 = arith.constant 16 : i32
    %sub3A_235 = arith.constant 1024 : i32
    %sub3A_236 = arith.subi %sub3A_235, %add3A_202 : i32
    %rev3A_237 = arith.constant 15 : i32
    %rev3A_238 = vector.broadcast %rev3A_237 : i32 to vector<16xi32>
    %rev3A_239 = tpu.iota {dimensions = array<i32: 0>} : vector<16xi32>
    %rev3A_240 = arith.subi %rev3A_238, %rev3A_239 : vector<16xi32>
    %rev3A_241 = tpu.dynamic_gather %scan3A_233[%rev3A_240] in [0] : vector<16xi32>, vector<16xi32> -> vector<16xi32>
    %broadcast_in_dim3A_242 = arith.constant true
    %broadcast_in_dim3A_243 = vector.broadcast %broadcast_in_dim3A_242 : i1 to vector<16xi1>
    %masked_cumsum3A_244 = tpu.scan <sum>, %rev3A_241 masked %broadcast_in_dim3A_243 : vector<16xi32>, vector<16xi1> -> vector<16xi32>
    %rev3A_245 = arith.constant 15 : i32
    %rev3A_246 = vector.broadcast %rev3A_245 : i32 to vector<16xi32>
    %rev3A_247 = tpu.iota {dimensions = array<i32: 0>} : vector<16xi32>
    %rev3A_248 = arith.subi %rev3A_246, %rev3A_247 : vector<16xi32>
    %rev3A_249 = tpu.dynamic_gather %masked_cumsum3A_244[%rev3A_248] in [0] : vector<16xi32>, vector<16xi32> -> vector<16xi32>
    %ge3A_250 = vector.broadcast %sub3A_236 : i32 to vector<16xi32>
    %ge3A_251 = arith.cmpi sge, %rev3A_249, %ge3A_250 : vector<16xi32>
    %convert_element_type3A_252 = arith.extui %ge3A_251 : vector<16xi1> to vector<16xi32>
    %reduce_sum3A_253 = arith.constant true
    %reduce_sum3A_254 = vector.broadcast %reduce_sum3A_253 : i1 to vector<16xi1>
    %reduce_sum3A_255 = tpu.scan <sum>, %convert_element_type3A_252 masked %reduce_sum3A_254 : vector<16xi32>, vector<16xi1> -> vector<16xi32>
    %reduce_sum3A_256 = vector.extract %reduce_sum3A_255[15] : i32 from vector<16xi32>
    %sub3A_257 = arith.constant 1 : i32
    %sub3A_258 = arith.subi %reduce_sum3A_256, %sub3A_257 : i32
    %gt3A_259 = vector.broadcast %sub3A_258 : i32 to vector<16xi32>
    %gt3A_260 = arith.cmpi sgt, %iota3A, %gt3A_259 : vector<16xi32>
    %jit3A_261 = arith.constant 0 : i32
    %broadcast_in_dim3A_262 = vector.broadcast %jit3A_261 : i32 to vector<16xi32>
    %select_n3A_263 = arith.select %gt3A_260, %scan3A_233, %broadcast_in_dim3A_262 : vector<16xi1>, vector<16xi32>
    %reduce_sum3A_264 = arith.constant true
    %reduce_sum3A_265 = vector.broadcast %reduce_sum3A_264 : i1 to vector<16xi1>
    %reduce_sum3A_266 = tpu.scan <sum>, %select_n3A_263 masked %reduce_sum3A_265 : vector<16xi32>, vector<16xi1> -> vector<16xi32>
    %reduce_sum3A_267 = vector.extract %reduce_sum3A_266[15] : i32 from vector<16xi32>
    %mul3A_268 = arith.constant 16 : i32
    %mul3A_269 = arith.muli %sub3A_258, %mul3A_268 : i32
    %get3A_270 = arith.index_cast %mul3A_269 : i32 to index
    %get3A_271 = tpu.vector_load %arg7[%get3A_270] {strides = array<i32>} : memref<272xi32, #tpu.memory_space<vmem>>, vector<16xi32>,
    %rev3A_272 = arith.constant 15 : i32
    %rev3A_273 = vector.broadcast %rev3A_272 : i32 to vector<16xi32>
    %rev3A_274 = tpu.iota {dimensions = array<i32: 0>} : vector<16xi32>
    %rev3A_275 = arith.subi %rev3A_273, %rev3A_274 : vector<16xi32>
    %rev3A_276 = tpu.dynamic_gather %get3A_271[%rev3A_275] in [0] : vector<16xi32>, vector<16xi32> -> vector<16xi32>
    %broadcast_in_dim3A_277 = arith.constant true
    %broadcast_in_dim3A_278 = vector.broadcast %broadcast_in_dim3A_277 : i1 to vector<16xi1>
    %masked_cumsum3A_279 = tpu.scan <sum>, %rev3A_276 masked %broadcast_in_dim3A_278 : vector<16xi32>, vector<16xi1> -> vector<16xi32>
    %rev3A_280 = arith.constant 15 : i32
    %rev3A_281 = vector.broadcast %rev3A_280 : i32 to vector<16xi32>
    %rev3A_282 = tpu.iota {dimensions = array<i32: 0>} : vector<16xi32>
    %rev3A_283 = arith.subi %rev3A_281, %rev3A_282 : vector<16xi32>
    %rev3A_284 = tpu.dynamic_gather %masked_cumsum3A_279[%rev3A_283] in [0] : vector<16xi32>, vector<16xi32> -> vector<16xi32>
    %add3A_285 = vector.broadcast %reduce_sum3A_267 : i32 to vector<16xi32>
    %add3A_286 = arith.addi %add3A_285, %rev3A_284 : vector<16xi32>
    %ge3A_287 = vector.broadcast %sub3A_236 : i32 to vector<16xi32>
    %ge3A_288 = arith.cmpi sge, %add3A_286, %ge3A_287 : vector<16xi32>
    %convert_element_type3A_289 = arith.extui %ge3A_288 : vector<16xi1> to vector<16xi32>
    %reduce_sum3A_290 = arith.constant true
    %reduce_sum3A_291 = vector.broadcast %reduce_sum3A_290 : i1 to vector<16xi1>
    %reduce_sum3A_292 = tpu.scan <sum>, %convert_element_type3A_289 masked %reduce_sum3A_291 : vector<16xi32>, vector<16xi1> -> vector<16xi32>
    %reduce_sum3A_293 = vector.extract %reduce_sum3A_292[15] : i32 from vector<16xi32>
    %sub3A_294 = arith.constant 1 : i32
    %sub3A_295 = arith.subi %reduce_sum3A_293, %sub3A_294 : i32
    %mul3A_296 = arith.constant 16 : i32
    %mul3A_297 = arith.muli %sub3A_258, %mul3A_296 : i32
    %add3A_298 = arith.addi %mul3A_297, %sub3A_295 : i32
    %gt3A_299 = vector.broadcast %sub3A_295 : i32 to vector<16xi32>
    %gt3A_300 = arith.cmpi sgt, %iota3A, %gt3A_299 : vector<16xi32>
    %jit3A_301 = arith.constant 0 : i32
    %broadcast_in_dim3A_302 = vector.broadcast %jit3A_301 : i32 to vector<16xi32>
    %select_n3A_303 = arith.select %gt3A_300, %get3A_271, %broadcast_in_dim3A_302 : vector<16xi1>, vector<16xi32>
    %reduce_sum3A_304 = arith.constant true
    %reduce_sum3A_305 = vector.broadcast %reduce_sum3A_304 : i1 to vector<16xi1>
    %reduce_sum3A_306 = tpu.scan <sum>, %select_n3A_303 masked %reduce_sum3A_305 : vector<16xi32>, vector<16xi1> -> vector<16xi32>
    %reduce_sum3A_307 = vector.extract %reduce_sum3A_306[15] : i32 from vector<16xi32>
    %add3A_308 = arith.addi %reduce_sum3A_267, %reduce_sum3A_307 : i32
    %add3A_309 = arith.addi %add3A_202, %add3A_308 : i32
    %shift_left3A_310 = arith.constant 8 : i32
    %shift_left3A_311 = arith.shli %or3A_205, %shift_left3A_310 : i32
    %or3A_312 = arith.ori %shift_left3A_311, %add3A_298 : i32
    %scan3A_313 = arith.constant 0 : i32
    %scan3A_314 = arith.constant 0 : i32
    %scan3A_315 = arith.constant 256 : i32
    %scan3A_316 = arith.addi %scan3A_314, %scan3A_315 : i32
    %scan3A_317 = arith.constant 8 : i32
    scf.for %scan3A_517 = %scan3A_314 to %scan3A_316 step %scan3A_317  : i32 {
      %mul3A_518 = arith.constant 16 : i32
      %mul3A_519 = arith.muli %scan3A_517, %mul3A_518 : i32
      %swap3A_520 = arith.index_cast %mul3A_519 : i32 to index
      %swap3A_521 = tpu.vector_load %arg6[%swap3A_520] {strides = array<i32>} : memref<4096xi32, #tpu.memory_space<vmem>>, vector<16xi32>,
      tpu.vector_store %arg6[%swap3A_520], %broadcast_in_dim3A_1 {strides = array<i32>} : memref<4096xi32, #tpu.memory_space<vmem>>, vector<16xi32>,
      %scan3A_522 = arith.constant 1 : i32
      %scan3A_523 = arith.addi %scan3A_517, %scan3A_522 : i32
      %mul3A_524 = arith.constant 16 : i32
      %mul3A_525 = arith.muli %scan3A_523, %mul3A_524 : i32
      %swap3A_526 = arith.index_cast %mul3A_525 : i32 to index
      %swap3A_527 = tpu.vector_load %arg6[%swap3A_526] {strides = array<i32>} : memref<4096xi32, #tpu.memory_space<vmem>>, vector<16xi32>,
      tpu.vector_store %arg6[%swap3A_526], %broadcast_in_dim3A_1 {strides = array<i32>} : memref<4096xi32, #tpu.memory_space<vmem>>, vector<16xi32>,
      %scan3A_528 = arith.constant 2 : i32
      %scan3A_529 = arith.addi %scan3A_517, %scan3A_528 : i32
      %mul3A_530 = arith.constant 16 : i32
      %mul3A_531 = arith.muli %scan3A_529, %mul3A_530 : i32
      %swap3A_532 = arith.index_cast %mul3A_531 : i32 to index
      %swap3A_533 = tpu.vector_load %arg6[%swap3A_532] {strides = array<i32>} : memref<4096xi32, #tpu.memory_space<vmem>>, vector<16xi32>,
      tpu.vector_store %arg6[%swap3A_532], %broadcast_in_dim3A_1 {strides = array<i32>} : memref<4096xi32, #tpu.memory_space<vmem>>, vector<16xi32>,
      %scan3A_534 = arith.constant 3 : i32
      %scan3A_535 = arith.addi %scan3A_517, %scan3A_534 : i32
      %mul3A_536 = arith.constant 16 : i32
      %mul3A_537 = arith.muli %scan3A_535, %mul3A_536 : i32
      %swap3A_538 = arith.index_cast %mul3A_537 : i32 to index
      %swap3A_539 = tpu.vector_load %arg6[%swap3A_538] {strides = array<i32>} : memref<4096xi32, #tpu.memory_space<vmem>>, vector<16xi32>,
      tpu.vector_store %arg6[%swap3A_538], %broadcast_in_dim3A_1 {strides = array<i32>} : memref<4096xi32, #tpu.memory_space<vmem>>, vector<16xi32>,
      %scan3A_540 = arith.constant 4 : i32
      %scan3A_541 = arith.addi %scan3A_517, %scan3A_540 : i32
      %mul3A_542 = arith.constant 16 : i32
      %mul3A_543 = arith.muli %scan3A_541, %mul3A_542 : i32
      %swap3A_544 = arith.index_cast %mul3A_543 : i32 to index
      %swap3A_545 = tpu.vector_load %arg6[%swap3A_544] {strides = array<i32>} : memref<4096xi32, #tpu.memory_space<vmem>>, vector<16xi32>,
      tpu.vector_store %arg6[%swap3A_544], %broadcast_in_dim3A_1 {strides = array<i32>} : memref<4096xi32, #tpu.memory_space<vmem>>, vector<16xi32>,
      %scan3A_546 = arith.constant 5 : i32
      %scan3A_547 = arith.addi %scan3A_517, %scan3A_546 : i32
      %mul3A_548 = arith.constant 16 : i32
      %mul3A_549 = arith.muli %scan3A_547, %mul3A_548 : i32
      %swap3A_550 = arith.index_cast %mul3A_549 : i32 to index
      %swap3A_551 = tpu.vector_load %arg6[%swap3A_550] {strides = array<i32>} : memref<4096xi32, #tpu.memory_space<vmem>>, vector<16xi32>,
      tpu.vector_store %arg6[%swap3A_550], %broadcast_in_dim3A_1 {strides = array<i32>} : memref<4096xi32, #tpu.memory_space<vmem>>, vector<16xi32>,
      %scan3A_552 = arith.constant 6 : i32
      %scan3A_553 = arith.addi %scan3A_517, %scan3A_552 : i32
      %mul3A_554 = arith.constant 16 : i32
      %mul3A_555 = arith.muli %scan3A_553, %mul3A_554 : i32
      %swap3A_556 = arith.index_cast %mul3A_555 : i32 to index
      %swap3A_557 = tpu.vector_load %arg6[%swap3A_556] {strides = array<i32>} : memref<4096xi32, #tpu.memory_space<vmem>>, vector<16xi32>,
      tpu.vector_store %arg6[%swap3A_556], %broadcast_in_dim3A_1 {strides = array<i32>} : memref<4096xi32, #tpu.memory_space<vmem>>, vector<16xi32>,
      %scan3A_558 = arith.constant 7 : i32
      %scan3A_559 = arith.addi %scan3A_517, %scan3A_558 : i32
      %mul3A_560 = arith.constant 16 : i32
      %mul3A_561 = arith.muli %scan3A_559, %mul3A_560 : i32
      %swap3A_562 = arith.index_cast %mul3A_561 : i32 to index
      %swap3A_563 = tpu.vector_load %arg6[%swap3A_562] {strides = array<i32>} : memref<4096xi32, #tpu.memory_space<vmem>>, vector<16xi32>,
      tpu.vector_store %arg6[%swap3A_562], %broadcast_in_dim3A_1 {strides = array<i32>} : memref<4096xi32, #tpu.memory_space<vmem>>, vector<16xi32>,
    }
    %scan3A_318 = arith.constant 256 : i32
    %scan3A_319 = arith.constant 0 : i32
    %scan3A_320 = arith.constant 0 : i32
    %scan3A_321 = arith.constant 392 : i32
    %scan3A_322 = arith.addi %scan3A_320, %scan3A_321 : i32
    %scan3A_323 = arith.constant 4 : i32
    scf.for %scan3A_517 = %scan3A_320 to %scan3A_322 step %scan3A_323  : i32 {
      %mul3A_518 = arith.constant 16 : i32
      %mul3A_519 = arith.muli %scan3A_517, %mul3A_518 : i32
      %get3A_520 = arith.index_cast %mul3A_519 : i32 to index
      %get3A_521 = tpu.vector_load %arg5[%get3A_520] {strides = array<i32>} : memref<6272xi32, #tpu.memory_space<vmem>>, vector<16xi32>,
      %shift_right_logical3A = arith.constant 0 : i32
      %shift_right_logical3A_522 = vector.broadcast %shift_right_logical3A : i32 to vector<16xi32>
      %shift_right_logical3A_523 = arith.shrui %get3A_521, %shift_right_logical3A_522 : vector<16xi32>
      %and3A_524 = arith.constant 255 : i32
      %and3A_525 = vector.broadcast %and3A_524 : i32 to vector<16xi32>
      %and3A_526 = arith.andi %shift_right_logical3A_523, %and3A_525 : vector<16xi32>
      %mul3A_527 = arith.constant 256 : i32
      %mul3A_528 = vector.broadcast %mul3A_527 : i32 to vector<16xi32>
      %mul3A_529 = arith.muli %iota3A, %mul3A_528 : vector<16xi32>
      %add3A_530 = arith.addi %mul3A_529, %and3A_526 : vector<16xi32>
      %shift_right_logical3A_531 = arith.constant 8 : i32
      %shift_right_logical3A_532 = vector.broadcast %shift_right_logical3A_531 : i32 to vector<16xi32>
      %shift_right_logical3A_533 = arith.shrui %get3A_521, %shift_right_logical3A_532 : vector<16xi32>
      %eq3A_534 = vector.broadcast %or3A_312 : i32 to vector<16xi32>
      %eq3A_535 = arith.cmpi eq, %shift_right_logical3A_533, %eq3A_534 : vector<16xi32>
      tpu.vector_store_idx %arg6[%add3A_530], %broadcast_in_dim3A_3 masked %eq3A_535 {add = true} : memref<4096xi32, #tpu.memory_space<vmem>>[vector<16xi32>], vector<16xi32>, vector<16xi1>
      %scan3A_536 = arith.constant 1 : i32
      %scan3A_537 = arith.addi %scan3A_517, %scan3A_536 : i32
      %mul3A_538 = arith.constant 16 : i32
      %mul3A_539 = arith.muli %scan3A_537, %mul3A_538 : i32
      %get3A_540 = arith.index_cast %mul3A_539 : i32 to index
      %get3A_541 = tpu.vector_load %arg5[%get3A_540] {strides = array<i32>} : memref<6272xi32, #tpu.memory_space<vmem>>, vector<16xi32>,
      %shift_right_logical3A_542 = arith.constant 0 : i32
      %shift_right_logical3A_543 = vector.broadcast %shift_right_logical3A_542 : i32 to vector<16xi32>
      %shift_right_logical3A_544 = arith.shrui %get3A_541, %shift_right_logical3A_543 : vector<16xi32>
      %and3A_545 = arith.constant 255 : i32
      %and3A_546 = vector.broadcast %and3A_545 : i32 to vector<16xi32>
      %and3A_547 = arith.andi %shift_right_logical3A_544, %and3A_546 : vector<16xi32>
      %mul3A_548 = arith.constant 256 : i32
      %mul3A_549 = vector.broadcast %mul3A_548 : i32 to vector<16xi32>
      %mul3A_550 = arith.muli %iota3A, %mul3A_549 : vector<16xi32>
      %add3A_551 = arith.addi %mul3A_550, %and3A_547 : vector<16xi32>
      %shift_right_logical3A_552 = arith.constant 8 : i32
      %shift_right_logical3A_553 = vector.broadcast %shift_right_logical3A_552 : i32 to vector<16xi32>
      %shift_right_logical3A_554 = arith.shrui %get3A_541, %shift_right_logical3A_553 : vector<16xi32>
      %eq3A_555 = vector.broadcast %or3A_312 : i32 to vector<16xi32>
      %eq3A_556 = arith.cmpi eq, %shift_right_logical3A_554, %eq3A_555 : vector<16xi32>
      tpu.vector_store_idx %arg6[%add3A_551], %broadcast_in_dim3A_3 masked %eq3A_556 {add = true} : memref<4096xi32, #tpu.memory_space<vmem>>[vector<16xi32>], vector<16xi32>, vector<16xi1>
      %scan3A_557 = arith.constant 2 : i32
      %scan3A_558 = arith.addi %scan3A_517, %scan3A_557 : i32
      %mul3A_559 = arith.constant 16 : i32
      %mul3A_560 = arith.muli %scan3A_558, %mul3A_559 : i32
      %get3A_561 = arith.index_cast %mul3A_560 : i32 to index
      %get3A_562 = tpu.vector_load %arg5[%get3A_561] {strides = array<i32>} : memref<6272xi32, #tpu.memory_space<vmem>>, vector<16xi32>,
      %shift_right_logical3A_563 = arith.constant 0 : i32
      %shift_right_logical3A_564 = vector.broadcast %shift_right_logical3A_563 : i32 to vector<16xi32>
      %shift_right_logical3A_565 = arith.shrui %get3A_562, %shift_right_logical3A_564 : vector<16xi32>
      %and3A_566 = arith.constant 255 : i32
      %and3A_567 = vector.broadcast %and3A_566 : i32 to vector<16xi32>
      %and3A_568 = arith.andi %shift_right_logical3A_565, %and3A_567 : vector<16xi32>
      %mul3A_569 = arith.constant 256 : i32
      %mul3A_570 = vector.broadcast %mul3A_569 : i32 to vector<16xi32>
      %mul3A_571 = arith.muli %iota3A, %mul3A_570 : vector<16xi32>
      %add3A_572 = arith.addi %mul3A_571, %and3A_568 : vector<16xi32>
      %shift_right_logical3A_573 = arith.constant 8 : i32
      %shift_right_logical3A_574 = vector.broadcast %shift_right_logical3A_573 : i32 to vector<16xi32>
      %shift_right_logical3A_575 = arith.shrui %get3A_562, %shift_right_logical3A_574 : vector<16xi32>
      %eq3A_576 = vector.broadcast %or3A_312 : i32 to vector<16xi32>
      %eq3A_577 = arith.cmpi eq, %shift_right_logical3A_575, %eq3A_576 : vector<16xi32>
      tpu.vector_store_idx %arg6[%add3A_572], %broadcast_in_dim3A_3 masked %eq3A_577 {add = true} : memref<4096xi32, #tpu.memory_space<vmem>>[vector<16xi32>], vector<16xi32>, vector<16xi1>
      %scan3A_578 = arith.constant 3 : i32
      %scan3A_579 = arith.addi %scan3A_517, %scan3A_578 : i32
      %mul3A_580 = arith.constant 16 : i32
      %mul3A_581 = arith.muli %scan3A_579, %mul3A_580 : i32
      %get3A_582 = arith.index_cast %mul3A_581 : i32 to index
      %get3A_583 = tpu.vector_load %arg5[%get3A_582] {strides = array<i32>} : memref<6272xi32, #tpu.memory_space<vmem>>, vector<16xi32>,
      %shift_right_logical3A_584 = arith.constant 0 : i32
      %shift_right_logical3A_585 = vector.broadcast %shift_right_logical3A_584 : i32 to vector<16xi32>
      %shift_right_logical3A_586 = arith.shrui %get3A_583, %shift_right_logical3A_585 : vector<16xi32>
      %and3A_587 = arith.constant 255 : i32
      %and3A_588 = vector.broadcast %and3A_587 : i32 to vector<16xi32>
      %and3A_589 = arith.andi %shift_right_logical3A_586, %and3A_588 : vector<16xi32>
      %mul3A_590 = arith.constant 256 : i32
      %mul3A_591 = vector.broadcast %mul3A_590 : i32 to vector<16xi32>
      %mul3A_592 = arith.muli %iota3A, %mul3A_591 : vector<16xi32>
      %add3A_593 = arith.addi %mul3A_592, %and3A_589 : vector<16xi32>
      %shift_right_logical3A_594 = arith.constant 8 : i32
      %shift_right_logical3A_595 = vector.broadcast %shift_right_logical3A_594 : i32 to vector<16xi32>
      %shift_right_logical3A_596 = arith.shrui %get3A_583, %shift_right_logical3A_595 : vector<16xi32>
      %eq3A_597 = vector.broadcast %or3A_312 : i32 to vector<16xi32>
      %eq3A_598 = arith.cmpi eq, %shift_right_logical3A_596, %eq3A_597 : vector<16xi32>
      tpu.vector_store_idx %arg6[%add3A_593], %broadcast_in_dim3A_3 masked %eq3A_598 {add = true} : memref<4096xi32, #tpu.memory_space<vmem>>[vector<16xi32>], vector<16xi32>, vector<16xi1>
    }
    %scan3A_324 = arith.constant 392 : i32
    %scan3A_325 = arith.constant 0 : i32
    %scan3A_326 = arith.constant 0 : i32
    %scan3A_327 = arith.constant 16 : i32
    %scan3A_328 = arith.addi %scan3A_326, %scan3A_327 : i32
    %scan3A_329 = arith.constant 1 : i32
    scf.for %scan3A_517 = %scan3A_326 to %scan3A_328 step %scan3A_329  : i32 {
      %mul3A_518 = arith.constant 16 : i32
      %mul3A_519 = arith.muli %scan3A_517, %mul3A_518 : i32
      %add3A_520 = arith.constant 0 : i32
      %add3A_521 = arith.addi %add3A_520, %mul3A_519 : i32
      %get3A_522 = arith.index_cast %add3A_521 : i32 to index
      %get3A_523 = tpu.vector_load %arg6[%get3A_522] {strides = array<i32>} : memref<4096xi32, #tpu.memory_space<vmem>>, vector<16xi32>,
      %add3A_524 = arith.addi %broadcast_in_dim3A_1, %get3A_523 : vector<16xi32>
      %mul3A_525 = arith.constant 16 : i32
      %mul3A_526 = arith.muli %scan3A_517, %mul3A_525 : i32
      %add3A_527 = arith.constant 256 : i32
      %add3A_528 = arith.addi %add3A_527, %mul3A_526 : i32
      %get3A_529 = arith.index_cast %add3A_528 : i32 to index
      %get3A_530 = tpu.vector_load %arg6[%get3A_529] {strides = array<i32>} : memref<4096xi32, #tpu.memory_space<vmem>>, vector<16xi32>,
      %add3A_531 = arith.addi %add3A_524, %get3A_530 : vector<16xi32>
      %mul3A_532 = arith.constant 16 : i32
      %mul3A_533 = arith.muli %scan3A_517, %mul3A_532 : i32
      %add3A_534 = arith.constant 512 : i32
      %add3A_535 = arith.addi %add3A_534, %mul3A_533 : i32
      %get3A_536 = arith.index_cast %add3A_535 : i32 to index
      %get3A_537 = tpu.vector_load %arg6[%get3A_536] {strides = array<i32>} : memref<4096xi32, #tpu.memory_space<vmem>>, vector<16xi32>,
      %add3A_538 = arith.addi %add3A_531, %get3A_537 : vector<16xi32>
      %mul3A_539 = arith.constant 16 : i32
      %mul3A_540 = arith.muli %scan3A_517, %mul3A_539 : i32
      %add3A_541 = arith.constant 768 : i32
      %add3A_542 = arith.addi %add3A_541, %mul3A_540 : i32
      %get3A_543 = arith.index_cast %add3A_542 : i32 to index
      %get3A_544 = tpu.vector_load %arg6[%get3A_543] {strides = array<i32>} : memref<4096xi32, #tpu.memory_space<vmem>>, vector<16xi32>,
      %add3A_545 = arith.addi %add3A_538, %get3A_544 : vector<16xi32>
      %mul3A_546 = arith.constant 16 : i32
      %mul3A_547 = arith.muli %scan3A_517, %mul3A_546 : i32
      %add3A_548 = arith.constant 1024 : i32
      %add3A_549 = arith.addi %add3A_548, %mul3A_547 : i32
      %get3A_550 = arith.index_cast %add3A_549 : i32 to index
      %get3A_551 = tpu.vector_load %arg6[%get3A_550] {strides = array<i32>} : memref<4096xi32, #tpu.memory_space<vmem>>, vector<16xi32>,
      %add3A_552 = arith.addi %add3A_545, %get3A_551 : vector<16xi32>
      %mul3A_553 = arith.constant 16 : i32
      %mul3A_554 = arith.muli %scan3A_517, %mul3A_553 : i32
      %add3A_555 = arith.constant 1280 : i32
      %add3A_556 = arith.addi %add3A_555, %mul3A_554 : i32
      %get3A_557 = arith.index_cast %add3A_556 : i32 to index
      %get3A_558 = tpu.vector_load %arg6[%get3A_557] {strides = array<i32>} : memref<4096xi32, #tpu.memory_space<vmem>>, vector<16xi32>,
      %add3A_559 = arith.addi %add3A_552, %get3A_558 : vector<16xi32>
      %mul3A_560 = arith.constant 16 : i32
      %mul3A_561 = arith.muli %scan3A_517, %mul3A_560 : i32
      %add3A_562 = arith.constant 1536 : i32
      %add3A_563 = arith.addi %add3A_562, %mul3A_561 : i32
      %get3A_564 = arith.index_cast %add3A_563 : i32 to index
      %get3A_565 = tpu.vector_load %arg6[%get3A_564] {strides = array<i32>} : memref<4096xi32, #tpu.memory_space<vmem>>, vector<16xi32>,
      %add3A_566 = arith.addi %add3A_559, %get3A_565 : vector<16xi32>
      %mul3A_567 = arith.constant 16 : i32
      %mul3A_568 = arith.muli %scan3A_517, %mul3A_567 : i32
      %add3A_569 = arith.constant 1792 : i32
      %add3A_570 = arith.addi %add3A_569, %mul3A_568 : i32
      %get3A_571 = arith.index_cast %add3A_570 : i32 to index
      %get3A_572 = tpu.vector_load %arg6[%get3A_571] {strides = array<i32>} : memref<4096xi32, #tpu.memory_space<vmem>>, vector<16xi32>,
      %add3A_573 = arith.addi %add3A_566, %get3A_572 : vector<16xi32>
      %mul3A_574 = arith.constant 16 : i32
      %mul3A_575 = arith.muli %scan3A_517, %mul3A_574 : i32
      %add3A_576 = arith.constant 2048 : i32
      %add3A_577 = arith.addi %add3A_576, %mul3A_575 : i32
      %get3A_578 = arith.index_cast %add3A_577 : i32 to index
      %get3A_579 = tpu.vector_load %arg6[%get3A_578] {strides = array<i32>} : memref<4096xi32, #tpu.memory_space<vmem>>, vector<16xi32>,
      %add3A_580 = arith.addi %add3A_573, %get3A_579 : vector<16xi32>
      %mul3A_581 = arith.constant 16 : i32
      %mul3A_582 = arith.muli %scan3A_517, %mul3A_581 : i32
      %add3A_583 = arith.constant 2304 : i32
      %add3A_584 = arith.addi %add3A_583, %mul3A_582 : i32
      %get3A_585 = arith.index_cast %add3A_584 : i32 to index
      %get3A_586 = tpu.vector_load %arg6[%get3A_585] {strides = array<i32>} : memref<4096xi32, #tpu.memory_space<vmem>>, vector<16xi32>,
      %add3A_587 = arith.addi %add3A_580, %get3A_586 : vector<16xi32>
      %mul3A_588 = arith.constant 16 : i32
      %mul3A_589 = arith.muli %scan3A_517, %mul3A_588 : i32
      %add3A_590 = arith.constant 2560 : i32
      %add3A_591 = arith.addi %add3A_590, %mul3A_589 : i32
      %get3A_592 = arith.index_cast %add3A_591 : i32 to index
      %get3A_593 = tpu.vector_load %arg6[%get3A_592] {strides = array<i32>} : memref<4096xi32, #tpu.memory_space<vmem>>, vector<16xi32>,
      %add3A_594 = arith.addi %add3A_587, %get3A_593 : vector<16xi32>
      %mul3A_595 = arith.constant 16 : i32
      %mul3A_596 = arith.muli %scan3A_517, %mul3A_595 : i32
      %add3A_597 = arith.constant 2816 : i32
      %add3A_598 = arith.addi %add3A_597, %mul3A_596 : i32
      %get3A_599 = arith.index_cast %add3A_598 : i32 to index
      %get3A_600 = tpu.vector_load %arg6[%get3A_599] {strides = array<i32>} : memref<4096xi32, #tpu.memory_space<vmem>>, vector<16xi32>,
      %add3A_601 = arith.addi %add3A_594, %get3A_600 : vector<16xi32>
      %mul3A_602 = arith.constant 16 : i32
      %mul3A_603 = arith.muli %scan3A_517, %mul3A_602 : i32
      %add3A_604 = arith.constant 3072 : i32
      %add3A_605 = arith.addi %add3A_604, %mul3A_603 : i32
      %get3A_606 = arith.index_cast %add3A_605 : i32 to index
      %get3A_607 = tpu.vector_load %arg6[%get3A_606] {strides = array<i32>} : memref<4096xi32, #tpu.memory_space<vmem>>, vector<16xi32>,
      %add3A_608 = arith.addi %add3A_601, %get3A_607 : vector<16xi32>
      %mul3A_609 = arith.constant 16 : i32
      %mul3A_610 = arith.muli %scan3A_517, %mul3A_609 : i32
      %add3A_611 = arith.constant 3328 : i32
      %add3A_612 = arith.addi %add3A_611, %mul3A_610 : i32
      %get3A_613 = arith.index_cast %add3A_612 : i32 to index
      %get3A_614 = tpu.vector_load %arg6[%get3A_613] {strides = array<i32>} : memref<4096xi32, #tpu.memory_space<vmem>>, vector<16xi32>,
      %add3A_615 = arith.addi %add3A_608, %get3A_614 : vector<16xi32>
      %mul3A_616 = arith.constant 16 : i32
      %mul3A_617 = arith.muli %scan3A_517, %mul3A_616 : i32
      %add3A_618 = arith.constant 3584 : i32
      %add3A_619 = arith.addi %add3A_618, %mul3A_617 : i32
      %get3A_620 = arith.index_cast %add3A_619 : i32 to index
      %get3A_621 = tpu.vector_load %arg6[%get3A_620] {strides = array<i32>} : memref<4096xi32, #tpu.memory_space<vmem>>, vector<16xi32>,
      %add3A_622 = arith.addi %add3A_615, %get3A_621 : vector<16xi32>
      %mul3A_623 = arith.constant 16 : i32
      %mul3A_624 = arith.muli %scan3A_517, %mul3A_623 : i32
      %add3A_625 = arith.constant 3840 : i32
      %add3A_626 = arith.addi %add3A_625, %mul3A_624 : i32
      %get3A_627 = arith.index_cast %add3A_626 : i32 to index
      %get3A_628 = tpu.vector_load %arg6[%get3A_627] {strides = array<i32>} : memref<4096xi32, #tpu.memory_space<vmem>>, vector<16xi32>,
      %add3A_629 = arith.addi %add3A_622, %get3A_628 : vector<16xi32>
      %mul3A_630 = arith.constant 16 : i32
      %mul3A_631 = arith.muli %scan3A_517, %mul3A_630 : i32
      %swap3A_632 = arith.index_cast %mul3A_631 : i32 to index
      %swap3A_633 = tpu.vector_load %arg7[%swap3A_632] {strides = array<i32>} : memref<272xi32, #tpu.memory_space<vmem>>, vector<16xi32>,
      tpu.vector_store %arg7[%swap3A_632], %add3A_629 {strides = array<i32>} : memref<272xi32, #tpu.memory_space<vmem>>, vector<16xi32>,
    }
    %scan3A_330 = arith.constant 16 : i32
    %add3A_331 = arith.constant 48 : i32
    %add3A_332 = arith.addi %add3A_331, %arg1 : i32
    %mul3A_333 = arith.constant 256 : i32
    %mul3A_334 = arith.muli %add3A_332, %mul3A_333 : i32
    "tpu.region"() ({
      %run_scoped3A = tpu.sem_alloc : memref<!tpu.dma_semaphore, #tpu.memory_space<semaphore_mem>>
      %dma_start3A_517 = arith.constant 0 : i32
      %dma_start3A_518 = tpu.memref_slice %arg7[%dma_start3A_517] : memref<272xi32, #tpu.memory_space<vmem>> -> memref<256xi32, #tpu.memory_space<vmem>>
      %dma_start3A_519 = tpu.memref_slice %arg26[%mul3A_334] : memref<16384xi32, #tpu.memory_space<vmem_shared>> -> memref<256xi32, #tpu.memory_space<vmem_shared>>
      %dma_start3A_520 = tpu.memref_slice %arg26[%mul3A_334] : memref<16384xi32, #tpu.memory_space<vmem_shared>> -> memref<256xi32, #tpu.memory_space<vmem_shared>>
      %dma_start3A_521 = arith.constant 0 : i32
      %dma_start3A_522 = tpu.memref_slice %arg7[%dma_start3A_521] : memref<272xi32, #tpu.memory_space<vmem>> -> memref<256xi32, #tpu.memory_space<vmem>>
      tpu.enqueue_dma source(%dma_start3A_522 : memref<256xi32, #tpu.memory_space<vmem>>) target(%dma_start3A_520 : memref<256xi32, #tpu.memory_space<vmem_shared>>) target_semaphore(%run_scoped3A : memref<!tpu.dma_semaphore, #tpu.memory_space<semaphore_mem>>)
      %dma_wait3A_523 = arith.constant 0 : i32
      %dma_wait3A_524 = tpu.memref_slice %arg7[%dma_wait3A_523] : memref<272xi32, #tpu.memory_space<vmem>> -> memref<256xi32, #tpu.memory_space<vmem>>
      %dma_wait3A_525 = tpu.memref_slice %arg26[%mul3A_334] : memref<16384xi32, #tpu.memory_space<vmem_shared>> -> memref<256xi32, #tpu.memory_space<vmem_shared>>
      %dma_wait3A_526 = tpu.memref_slice %arg26[%mul3A_334] : memref<16384xi32, #tpu.memory_space<vmem_shared>> -> memref<256xi32, #tpu.memory_space<vmem_shared>>
      %dma_wait3A_527 = arith.constant 0 : i32
      %dma_wait3A_528 = tpu.memref_slice %arg7[%dma_wait3A_527] : memref<272xi32, #tpu.memory_space<vmem>> -> memref<256xi32, #tpu.memory_space<vmem>>
      tpu.wait_dma2 semaphore(%run_scoped3A : memref<!tpu.dma_semaphore, #tpu.memory_space<semaphore_mem>>) src(%dma_wait3A_528 : memref<256xi32, #tpu.memory_space<vmem>>) dst(%dma_wait3A_526 : memref<256xi32, #tpu.memory_space<vmem_shared>>)
      tpu.yield
    }) : () -> ()
    %barrier3A_335 = arith.constant 0 : index
    tpu.barrier barrier_id(%barrier3A_335)
    "tpu.region"() ({
      %run_scoped3A = tpu.sem_alloc : memref<!tpu.dma_semaphore, #tpu.memory_space<semaphore_mem>>
      %dma_start3A_517 = arith.constant 12288 : i32
      %dma_start3A_518 = tpu.memref_slice %arg26[%dma_start3A_517] : memref<16384xi32, #tpu.memory_space<vmem_shared>> -> memref<4096xi32, #tpu.memory_space<vmem_shared>>
      %dma_start3A_519 = arith.constant 12288 : i32
      %dma_start3A_520 = tpu.memref_slice %arg26[%dma_start3A_519] : memref<16384xi32, #tpu.memory_space<vmem_shared>> -> memref<4096xi32, #tpu.memory_space<vmem_shared>>
      tpu.enqueue_dma source(%dma_start3A_520 : memref<4096xi32, #tpu.memory_space<vmem_shared>>) target(%arg8 : memref<4096xi32, #tpu.memory_space<vmem>>) target_semaphore(%run_scoped3A : memref<!tpu.dma_semaphore, #tpu.memory_space<semaphore_mem>>)
      %dma_wait3A_521 = arith.constant 12288 : i32
      %dma_wait3A_522 = tpu.memref_slice %arg26[%dma_wait3A_521] : memref<16384xi32, #tpu.memory_space<vmem_shared>> -> memref<4096xi32, #tpu.memory_space<vmem_shared>>
      %dma_wait3A_523 = arith.constant 12288 : i32
      %dma_wait3A_524 = tpu.memref_slice %arg26[%dma_wait3A_523] : memref<16384xi32, #tpu.memory_space<vmem_shared>> -> memref<4096xi32, #tpu.memory_space<vmem_shared>>
      tpu.wait_dma2 semaphore(%run_scoped3A : memref<!tpu.dma_semaphore, #tpu.memory_space<semaphore_mem>>) src(%dma_wait3A_524 : memref<4096xi32, #tpu.memory_space<vmem_shared>>) dst(%arg8 : memref<4096xi32, #tpu.memory_space<vmem>>)
      tpu.yield
    }) : () -> ()
    %scan3A_336 = arith.constant 0 : i32
    %scan3A_337 = arith.constant 16 : i32
    %scan3A_338 = arith.addi %scan3A_336, %scan3A_337 : i32
    %scan3A_339 = arith.constant 1 : i32
    %scan3A_340 = scf.for %scan3A_517 = %scan3A_336 to %scan3A_338 step %scan3A_339 iter_args(%scan3A_518 = %broadcast_in_dim3A_1) -> (vector<16xi32>)  : i32 {
      %mul3A_519 = arith.constant 16 : i32
      %mul3A_520 = arith.muli %scan3A_517, %mul3A_519 : i32
      %add3A_521 = arith.constant 0 : i32
      %add3A_522 = arith.addi %add3A_521, %mul3A_520 : i32
      %get3A_523 = arith.index_cast %add3A_522 : i32 to index
      %get3A_524 = tpu.vector_load %arg8[%get3A_523] {strides = array<i32>} : memref<4096xi32, #tpu.memory_space<vmem>>, vector<16xi32>,
      %add3A_525 = arith.addi %broadcast_in_dim3A_1, %get3A_524 : vector<16xi32>
      %mul3A_526 = arith.constant 16 : i32
      %mul3A_527 = arith.muli %scan3A_517, %mul3A_526 : i32
      %add3A_528 = arith.constant 256 : i32
      %add3A_529 = arith.addi %add3A_528, %mul3A_527 : i32
      %get3A_530 = arith.index_cast %add3A_529 : i32 to index
      %get3A_531 = tpu.vector_load %arg8[%get3A_530] {strides = array<i32>} : memref<4096xi32, #tpu.memory_space<vmem>>, vector<16xi32>,
      %add3A_532 = arith.addi %add3A_525, %get3A_531 : vector<16xi32>
      %mul3A_533 = arith.constant 16 : i32
      %mul3A_534 = arith.muli %scan3A_517, %mul3A_533 : i32
      %add3A_535 = arith.constant 512 : i32
      %add3A_536 = arith.addi %add3A_535, %mul3A_534 : i32
      %get3A_537 = arith.index_cast %add3A_536 : i32 to index
      %get3A_538 = tpu.vector_load %arg8[%get3A_537] {strides = array<i32>} : memref<4096xi32, #tpu.memory_space<vmem>>, vector<16xi32>,
      %add3A_539 = arith.addi %add3A_532, %get3A_538 : vector<16xi32>
      %mul3A_540 = arith.constant 16 : i32
      %mul3A_541 = arith.muli %scan3A_517, %mul3A_540 : i32
      %add3A_542 = arith.constant 768 : i32
      %add3A_543 = arith.addi %add3A_542, %mul3A_541 : i32
      %get3A_544 = arith.index_cast %add3A_543 : i32 to index
      %get3A_545 = tpu.vector_load %arg8[%get3A_544] {strides = array<i32>} : memref<4096xi32, #tpu.memory_space<vmem>>, vector<16xi32>,
      %add3A_546 = arith.addi %add3A_539, %get3A_545 : vector<16xi32>
      %mul3A_547 = arith.constant 16 : i32
      %mul3A_548 = arith.muli %scan3A_517, %mul3A_547 : i32
      %add3A_549 = arith.constant 1024 : i32
      %add3A_550 = arith.addi %add3A_549, %mul3A_548 : i32
      %get3A_551 = arith.index_cast %add3A_550 : i32 to index
      %get3A_552 = tpu.vector_load %arg8[%get3A_551] {strides = array<i32>} : memref<4096xi32, #tpu.memory_space<vmem>>, vector<16xi32>,
      %add3A_553 = arith.addi %add3A_546, %get3A_552 : vector<16xi32>
      %mul3A_554 = arith.constant 16 : i32
      %mul3A_555 = arith.muli %scan3A_517, %mul3A_554 : i32
      %add3A_556 = arith.constant 1280 : i32
      %add3A_557 = arith.addi %add3A_556, %mul3A_555 : i32
      %get3A_558 = arith.index_cast %add3A_557 : i32 to index
      %get3A_559 = tpu.vector_load %arg8[%get3A_558] {strides = array<i32>} : memref<4096xi32, #tpu.memory_space<vmem>>, vector<16xi32>,
      %add3A_560 = arith.addi %add3A_553, %get3A_559 : vector<16xi32>
      %mul3A_561 = arith.constant 16 : i32
      %mul3A_562 = arith.muli %scan3A_517, %mul3A_561 : i32
      %add3A_563 = arith.constant 1536 : i32
      %add3A_564 = arith.addi %add3A_563, %mul3A_562 : i32
      %get3A_565 = arith.index_cast %add3A_564 : i32 to index
      %get3A_566 = tpu.vector_load %arg8[%get3A_565] {strides = array<i32>} : memref<4096xi32, #tpu.memory_space<vmem>>, vector<16xi32>,
      %add3A_567 = arith.addi %add3A_560, %get3A_566 : vector<16xi32>
      %mul3A_568 = arith.constant 16 : i32
      %mul3A_569 = arith.muli %scan3A_517, %mul3A_568 : i32
      %add3A_570 = arith.constant 1792 : i32
      %add3A_571 = arith.addi %add3A_570, %mul3A_569 : i32
      %get3A_572 = arith.index_cast %add3A_571 : i32 to index
      %get3A_573 = tpu.vector_load %arg8[%get3A_572] {strides = array<i32>} : memref<4096xi32, #tpu.memory_space<vmem>>, vector<16xi32>,
      %add3A_574 = arith.addi %add3A_567, %get3A_573 : vector<16xi32>
      %mul3A_575 = arith.constant 16 : i32
      %mul3A_576 = arith.muli %scan3A_517, %mul3A_575 : i32
      %add3A_577 = arith.constant 2048 : i32
      %add3A_578 = arith.addi %add3A_577, %mul3A_576 : i32
      %get3A_579 = arith.index_cast %add3A_578 : i32 to index
      %get3A_580 = tpu.vector_load %arg8[%get3A_579] {strides = array<i32>} : memref<4096xi32, #tpu.memory_space<vmem>>, vector<16xi32>,
      %add3A_581 = arith.addi %add3A_574, %get3A_580 : vector<16xi32>
      %mul3A_582 = arith.constant 16 : i32
      %mul3A_583 = arith.muli %scan3A_517, %mul3A_582 : i32
      %add3A_584 = arith.constant 2304 : i32
      %add3A_585 = arith.addi %add3A_584, %mul3A_583 : i32
      %get3A_586 = arith.index_cast %add3A_585 : i32 to index
      %get3A_587 = tpu.vector_load %arg8[%get3A_586] {strides = array<i32>} : memref<4096xi32, #tpu.memory_space<vmem>>, vector<16xi32>,
      %add3A_588 = arith.addi %add3A_581, %get3A_587 : vector<16xi32>
      %mul3A_589 = arith.constant 16 : i32
      %mul3A_590 = arith.muli %scan3A_517, %mul3A_589 : i32
      %add3A_591 = arith.constant 2560 : i32
      %add3A_592 = arith.addi %add3A_591, %mul3A_590 : i32
      %get3A_593 = arith.index_cast %add3A_592 : i32 to index
      %get3A_594 = tpu.vector_load %arg8[%get3A_593] {strides = array<i32>} : memref<4096xi32, #tpu.memory_space<vmem>>, vector<16xi32>,
      %add3A_595 = arith.addi %add3A_588, %get3A_594 : vector<16xi32>
      %mul3A_596 = arith.constant 16 : i32
      %mul3A_597 = arith.muli %scan3A_517, %mul3A_596 : i32
      %add3A_598 = arith.constant 2816 : i32
      %add3A_599 = arith.addi %add3A_598, %mul3A_597 : i32
      %get3A_600 = arith.index_cast %add3A_599 : i32 to index
      %get3A_601 = tpu.vector_load %arg8[%get3A_600] {strides = array<i32>} : memref<4096xi32, #tpu.memory_space<vmem>>, vector<16xi32>,
      %add3A_602 = arith.addi %add3A_595, %get3A_601 : vector<16xi32>
      %mul3A_603 = arith.constant 16 : i32
      %mul3A_604 = arith.muli %scan3A_517, %mul3A_603 : i32
      %add3A_605 = arith.constant 3072 : i32
      %add3A_606 = arith.addi %add3A_605, %mul3A_604 : i32
      %get3A_607 = arith.index_cast %add3A_606 : i32 to index
      %get3A_608 = tpu.vector_load %arg8[%get3A_607] {strides = array<i32>} : memref<4096xi32, #tpu.memory_space<vmem>>, vector<16xi32>,
      %add3A_609 = arith.addi %add3A_602, %get3A_608 : vector<16xi32>
      %mul3A_610 = arith.constant 16 : i32
      %mul3A_611 = arith.muli %scan3A_517, %mul3A_610 : i32
      %add3A_612 = arith.constant 3328 : i32
      %add3A_613 = arith.addi %add3A_612, %mul3A_611 : i32
      %get3A_614 = arith.index_cast %add3A_613 : i32 to index
      %get3A_615 = tpu.vector_load %arg8[%get3A_614] {strides = array<i32>} : memref<4096xi32, #tpu.memory_space<vmem>>, vector<16xi32>,
      %add3A_616 = arith.addi %add3A_609, %get3A_615 : vector<16xi32>
      %mul3A_617 = arith.constant 16 : i32
      %mul3A_618 = arith.muli %scan3A_517, %mul3A_617 : i32
      %add3A_619 = arith.constant 3584 : i32
      %add3A_620 = arith.addi %add3A_619, %mul3A_618 : i32
      %get3A_621 = arith.index_cast %add3A_620 : i32 to index
      %get3A_622 = tpu.vector_load %arg8[%get3A_621] {strides = array<i32>} : memref<4096xi32, #tpu.memory_space<vmem>>, vector<16xi32>,
      %add3A_623 = arith.addi %add3A_616, %get3A_622 : vector<16xi32>
      %mul3A_624 = arith.constant 16 : i32
      %mul3A_625 = arith.muli %scan3A_517, %mul3A_624 : i32
      %add3A_626 = arith.constant 3840 : i32
      %add3A_627 = arith.addi %add3A_626, %mul3A_625 : i32
      %get3A_628 = arith.index_cast %add3A_627 : i32 to index
      %get3A_629 = tpu.vector_load %arg8[%get3A_628] {strides = array<i32>} : memref<4096xi32, #tpu.memory_space<vmem>>, vector<16xi32>,
      %add3A_630 = arith.addi %add3A_623, %get3A_629 : vector<16xi32>
      %mul3A_631 = arith.constant 16 : i32
      %mul3A_632 = arith.muli %scan3A_517, %mul3A_631 : i32
      %swap3A_633 = arith.index_cast %mul3A_632 : i32 to index
      %swap3A_634 = tpu.vector_load %arg7[%swap3A_633] {strides = array<i32>} : memref<272xi32, #tpu.memory_space<vmem>>, vector<16xi32>,
      tpu.vector_store %arg7[%swap3A_633], %add3A_630 {strides = array<i32>} : memref<272xi32, #tpu.memory_space<vmem>>, vector<16xi32>,
      %eq3A_635 = vector.broadcast %scan3A_517 : i32 to vector<16xi32>
      %eq3A_636 = arith.cmpi eq, %iota3A, %eq3A_635 : vector<16xi32>
      %reduce_sum3A_637 = arith.constant true
      %reduce_sum3A_638 = vector.broadcast %reduce_sum3A_637 : i1 to vector<16xi1>
      %reduce_sum3A_639 = tpu.scan <sum>, %add3A_630 masked %reduce_sum3A_638 : vector<16xi32>, vector<16xi1> -> vector<16xi32>
      %reduce_sum3A_640 = vector.extract %reduce_sum3A_639[15] : i32 from vector<16xi32>
      %broadcast_in_dim3A_641 = vector.broadcast %reduce_sum3A_640 : i32 to vector<16xi32>
      %select_n3A_642 = arith.select %eq3A_636, %broadcast_in_dim3A_641, %scan3A_518 : vector<16xi1>, vector<16xi32>
      scf.yield %select_n3A_642 : vector<16xi32>
    }
    %scan3A_341 = arith.constant 16 : i32
    %sub3A_342 = arith.constant 1024 : i32
    %sub3A_343 = arith.subi %sub3A_342, %add3A_309 : i32
    %rev3A_344 = arith.constant 15 : i32
    %rev3A_345 = vector.broadcast %rev3A_344 : i32 to vector<16xi32>
    %rev3A_346 = tpu.iota {dimensions = array<i32: 0>} : vector<16xi32>
    %rev3A_347 = arith.subi %rev3A_345, %rev3A_346 : vector<16xi32>
    %rev3A_348 = tpu.dynamic_gather %scan3A_340[%rev3A_347] in [0] : vector<16xi32>, vector<16xi32> -> vector<16xi32>
    %broadcast_in_dim3A_349 = arith.constant true
    %broadcast_in_dim3A_350 = vector.broadcast %broadcast_in_dim3A_349 : i1 to vector<16xi1>
    %masked_cumsum3A_351 = tpu.scan <sum>, %rev3A_348 masked %broadcast_in_dim3A_350 : vector<16xi32>, vector<16xi1> -> vector<16xi32>
    %rev3A_352 = arith.constant 15 : i32
    %rev3A_353 = vector.broadcast %rev3A_352 : i32 to vector<16xi32>
    %rev3A_354 = tpu.iota {dimensions = array<i32: 0>} : vector<16xi32>
    %rev3A_355 = arith.subi %rev3A_353, %rev3A_354 : vector<16xi32>
    %rev3A_356 = tpu.dynamic_gather %masked_cumsum3A_351[%rev3A_355] in [0] : vector<16xi32>, vector<16xi32> -> vector<16xi32>
    %ge3A_357 = vector.broadcast %sub3A_343 : i32 to vector<16xi32>
    %ge3A_358 = arith.cmpi sge, %rev3A_356, %ge3A_357 : vector<16xi32>
    %convert_element_type3A_359 = arith.extui %ge3A_358 : vector<16xi1> to vector<16xi32>
    %reduce_sum3A_360 = arith.constant true
    %reduce_sum3A_361 = vector.broadcast %reduce_sum3A_360 : i1 to vector<16xi1>
    %reduce_sum3A_362 = tpu.scan <sum>, %convert_element_type3A_359 masked %reduce_sum3A_361 : vector<16xi32>, vector<16xi1> -> vector<16xi32>
    %reduce_sum3A_363 = vector.extract %reduce_sum3A_362[15] : i32 from vector<16xi32>
    %sub3A_364 = arith.constant 1 : i32
    %sub3A_365 = arith.subi %reduce_sum3A_363, %sub3A_364 : i32
    %gt3A_366 = vector.broadcast %sub3A_365 : i32 to vector<16xi32>
    %gt3A_367 = arith.cmpi sgt, %iota3A, %gt3A_366 : vector<16xi32>
    %jit3A_368 = arith.constant 0 : i32
    %broadcast_in_dim3A_369 = vector.broadcast %jit3A_368 : i32 to vector<16xi32>
    %select_n3A_370 = arith.select %gt3A_367, %scan3A_340, %broadcast_in_dim3A_369 : vector<16xi1>, vector<16xi32>
    %reduce_sum3A_371 = arith.constant true
    %reduce_sum3A_372 = vector.broadcast %reduce_sum3A_371 : i1 to vector<16xi1>
    %reduce_sum3A_373 = tpu.scan <sum>, %select_n3A_370 masked %reduce_sum3A_372 : vector<16xi32>, vector<16xi1> -> vector<16xi32>
    %reduce_sum3A_374 = vector.extract %reduce_sum3A_373[15] : i32 from vector<16xi32>
    %mul3A_375 = arith.constant 16 : i32
    %mul3A_376 = arith.muli %sub3A_365, %mul3A_375 : i32
    %get3A_377 = arith.index_cast %mul3A_376 : i32 to index
    %get3A_378 = tpu.vector_load %arg7[%get3A_377] {strides = array<i32>} : memref<272xi32, #tpu.memory_space<vmem>>, vector<16xi32>,
    %rev3A_379 = arith.constant 15 : i32
    %rev3A_380 = vector.broadcast %rev3A_379 : i32 to vector<16xi32>
    %rev3A_381 = tpu.iota {dimensions = array<i32: 0>} : vector<16xi32>
    %rev3A_382 = arith.subi %rev3A_380, %rev3A_381 : vector<16xi32>
    %rev3A_383 = tpu.dynamic_gather %get3A_378[%rev3A_382] in [0] : vector<16xi32>, vector<16xi32> -> vector<16xi32>
    %broadcast_in_dim3A_384 = arith.constant true
    %broadcast_in_dim3A_385 = vector.broadcast %broadcast_in_dim3A_384 : i1 to vector<16xi1>
    %masked_cumsum3A_386 = tpu.scan <sum>, %rev3A_383 masked %broadcast_in_dim3A_385 : vector<16xi32>, vector<16xi1> -> vector<16xi32>
    %rev3A_387 = arith.constant 15 : i32
    %rev3A_388 = vector.broadcast %rev3A_387 : i32 to vector<16xi32>
    %rev3A_389 = tpu.iota {dimensions = array<i32: 0>} : vector<16xi32>
    %rev3A_390 = arith.subi %rev3A_388, %rev3A_389 : vector<16xi32>
    %rev3A_391 = tpu.dynamic_gather %masked_cumsum3A_386[%rev3A_390] in [0] : vector<16xi32>, vector<16xi32> -> vector<16xi32>
    %add3A_392 = vector.broadcast %reduce_sum3A_374 : i32 to vector<16xi32>
    %add3A_393 = arith.addi %add3A_392, %rev3A_391 : vector<16xi32>
    %ge3A_394 = vector.broadcast %sub3A_343 : i32 to vector<16xi32>
    %ge3A_395 = arith.cmpi sge, %add3A_393, %ge3A_394 : vector<16xi32>
    %convert_element_type3A_396 = arith.extui %ge3A_395 : vector<16xi1> to vector<16xi32>
    %reduce_sum3A_397 = arith.constant true
    %reduce_sum3A_398 = vector.broadcast %reduce_sum3A_397 : i1 to vector<16xi1>
    %reduce_sum3A_399 = tpu.scan <sum>, %convert_element_type3A_396 masked %reduce_sum3A_398 : vector<16xi32>, vector<16xi1> -> vector<16xi32>
    %reduce_sum3A_400 = vector.extract %reduce_sum3A_399[15] : i32 from vector<16xi32>
    %sub3A_401 = arith.constant 1 : i32
    %sub3A_402 = arith.subi %reduce_sum3A_400, %sub3A_401 : i32
    %mul3A_403 = arith.constant 16 : i32
    %mul3A_404 = arith.muli %sub3A_365, %mul3A_403 : i32
    %add3A_405 = arith.addi %mul3A_404, %sub3A_402 : i32
    %gt3A_406 = vector.broadcast %sub3A_402 : i32 to vector<16xi32>
    %gt3A_407 = arith.cmpi sgt, %iota3A, %gt3A_406 : vector<16xi32>
    %jit3A_408 = arith.constant 0 : i32
    %broadcast_in_dim3A_409 = vector.broadcast %jit3A_408 : i32 to vector<16xi32>
    %select_n3A_410 = arith.select %gt3A_407, %get3A_378, %broadcast_in_dim3A_409 : vector<16xi1>, vector<16xi32>
    %reduce_sum3A_411 = arith.constant true
    %reduce_sum3A_412 = vector.broadcast %reduce_sum3A_411 : i1 to vector<16xi1>
    %reduce_sum3A_413 = tpu.scan <sum>, %select_n3A_410 masked %reduce_sum3A_412 : vector<16xi32>, vector<16xi1> -> vector<16xi32>
    %reduce_sum3A_414 = vector.extract %reduce_sum3A_413[15] : i32 from vector<16xi32>
    %add3A_415 = arith.addi %reduce_sum3A_374, %reduce_sum3A_414 : i32
    %add3A_416 = arith.addi %add3A_309, %add3A_415 : i32
    %shift_left3A_417 = arith.constant 8 : i32
    %shift_left3A_418 = arith.shli %or3A_312, %shift_left3A_417 : i32
    %or3A_419 = arith.ori %shift_left3A_418, %add3A_405 : i32
    %scan3A_420 = arith.constant 0 : i32
    %scan3A_421 = arith.constant 0 : i32
    %scan3A_422 = arith.constant 0 : i32
    %scan3A_423 = arith.constant 392 : i32
    %scan3A_424 = arith.addi %scan3A_422, %scan3A_423 : i32
    %scan3A_425 = arith.constant 1 : i32
    %scan3A_426:2 = scf.for %scan3A_517 = %scan3A_422 to %scan3A_424 step %scan3A_425 iter_args(%scan3A_518 = %scan3A_420, %scan3A_519 = %scan3A_421) -> (i32, i32)  : i32 {
      %mul3A_520 = arith.constant 16 : i32
      %mul3A_521 = arith.muli %scan3A_517, %mul3A_520 : i32
      %get3A_522 = arith.index_cast %mul3A_521 : i32 to index
      %get3A_523 = tpu.vector_load %arg5[%get3A_522] {strides = array<i32>} : memref<6272xi32, #tpu.memory_space<vmem>>, vector<16xi32>,
      %mul3A_524 = arith.constant 16 : i32
      %mul3A_525 = arith.muli %scan3A_517, %mul3A_524 : i32
      %add3A_526 = arith.addi %mul3A_0, %mul3A_525 : i32
      %add3A_527 = vector.broadcast %add3A_526 : i32 to vector<16xi32>
      %add3A_528 = arith.addi %add3A_527, %iota3A : vector<16xi32>
      %gt3A_529 = vector.broadcast %or3A_419 : i32 to vector<16xi32>
      %gt3A_530 = arith.cmpi ugt, %get3A_523, %gt3A_529 : vector<16xi32>
      %eq3A_531 = vector.broadcast %or3A_419 : i32 to vector<16xi32>
      %eq3A_532 = arith.cmpi eq, %get3A_523, %eq3A_531 : vector<16xi32>
      %swap3A_533 = arith.index_cast %scan3A_518 : i32 to index
      %swap3A_534 = tpu.vector_load %arg9[%swap3A_533] masked %gt3A_530 {strides = array<i32>} : memref<1040xi32, #tpu.memory_space<vmem>>, vector<16xi32>, vector<16xi1>
      tpu.vector_store %arg9[%swap3A_533], %get3A_523 masked %gt3A_530 {strides = array<i32>} : memref<1040xi32, #tpu.memory_space<vmem>>, vector<16xi32>, vector<16xi1>
      %swap3A_535 = arith.index_cast %scan3A_518 : i32 to index
      %swap3A_536 = tpu.vector_load %arg10[%swap3A_535] masked %gt3A_530 {strides = array<i32>} : memref<1040xi32, #tpu.memory_space<vmem>>, vector<16xi32>, vector<16xi1>
      tpu.vector_store %arg10[%swap3A_535], %add3A_528 masked %gt3A_530 {strides = array<i32>} : memref<1040xi32, #tpu.memory_space<vmem>>, vector<16xi32>, vector<16xi1>
      %convert_element_type3A_537 = arith.extui %gt3A_530 : vector<16xi1> to vector<16xi32>
      %reduce_sum3A_538 = arith.constant true
      %reduce_sum3A_539 = vector.broadcast %reduce_sum3A_538 : i1 to vector<16xi1>
      %reduce_sum3A_540 = tpu.scan <sum>, %convert_element_type3A_537 masked %reduce_sum3A_539 : vector<16xi32>, vector<16xi1> -> vector<16xi32>
      %reduce_sum3A_541 = vector.extract %reduce_sum3A_540[15] : i32 from vector<16xi32>
      %convert_element_type3A_542 = arith.extui %eq3A_532 : vector<16xi1> to vector<16xi32>
      %reduce_sum3A_543 = arith.constant true
      %reduce_sum3A_544 = vector.broadcast %reduce_sum3A_543 : i1 to vector<16xi1>
      %reduce_sum3A_545 = tpu.scan <sum>, %convert_element_type3A_542 masked %reduce_sum3A_544 : vector<16xi32>, vector<16xi1> -> vector<16xi32>
      %reduce_sum3A_546 = vector.extract %reduce_sum3A_545[15] : i32 from vector<16xi32>
      %le3A = arith.constant 80 : i32
      %le3A_547 = arith.cmpi sle, %scan3A_519, %le3A : i32
      %convert_element_type3A_548 = arith.extui %le3A_547 : i1 to i32
      %cond3A_549 = arith.constant 0 : i32
      %cond3A_550 = arith.cmpi ne, %convert_element_type3A_548, %cond3A_549 : i32
      scf.if %cond3A_550 {
        %swap3A_554 = arith.index_cast %scan3A_519 : i32 to index
        %swap3A_555 = tpu.vector_load %arg11[%swap3A_554] masked %eq3A_532 {strides = array<i32>} : memref<96xi32, #tpu.memory_space<vmem>>, vector<16xi32>, vector<16xi1>
        tpu.vector_store %arg11[%swap3A_554], %add3A_528 masked %eq3A_532 {strides = array<i32>} : memref<96xi32, #tpu.memory_space<vmem>>, vector<16xi32>, vector<16xi1>
      } else {
      }
      %add3A_551 = arith.addi %scan3A_518, %reduce_sum3A_541 : i32
      %add3A_552 = arith.addi %scan3A_519, %reduce_sum3A_546 : i32
      %select_n3A_553 = arith.select %le3A_547, %add3A_552, %scan3A_519 : i32
      scf.yield %add3A_551, %select_n3A_553 : i32, i32
    }
    %scan3A_427 = arith.constant 392 : i32
    %eq3A = arith.constant 0 : i32
    %eq3A_428 = vector.broadcast %eq3A : i32 to vector<16xi32>
    %eq3A_429 = arith.cmpi eq, %iota3A, %eq3A_428 : vector<16xi32>
    %eq3A_430 = arith.constant 1 : i32
    %eq3A_431 = vector.broadcast %eq3A_430 : i32 to vector<16xi32>
    %eq3A_432 = arith.cmpi eq, %iota3A, %eq3A_431 : vector<16xi32>
    %jit3A_433 = arith.constant 0 : i32
    %broadcast_in_dim3A_434 = vector.broadcast %scan3A_426#1 : i32 to vector<16xi32>
    %broadcast_in_dim3A_435 = vector.broadcast %jit3A_433 : i32 to vector<16xi32>
    %select_n3A_436 = arith.select %eq3A_432, %broadcast_in_dim3A_434, %broadcast_in_dim3A_435 : vector<16xi1>, vector<16xi32>
    %broadcast_in_dim3A_437 = vector.broadcast %scan3A_426#0 : i32 to vector<16xi32>
    %select_n3A_438 = arith.select %eq3A_429, %broadcast_in_dim3A_437, %select_n3A_436 : vector<16xi1>, vector<16xi32>
    %swap3A = arith.constant 0 : index
    %swap3A_439 = tpu.vector_load %arg15[%swap3A] {strides = array<i32>} : memref<16xi32, #tpu.memory_space<vmem>>, vector<16xi32>,
    tpu.vector_store %arg15[%swap3A], %select_n3A_438 {strides = array<i32>} : memref<16xi32, #tpu.memory_space<vmem>>, vector<16xi32>,
    %mul3A_440 = arith.constant 16 : i32
    %mul3A_441 = arith.muli %arg1, %mul3A_440 : i32
    "tpu.region"() ({
      %run_scoped3A = tpu.sem_alloc : memref<!tpu.dma_semaphore, #tpu.memory_space<semaphore_mem>>
      %dma_start3A_517 = tpu.memref_slice %arg27[%mul3A_441] : memref<256xi32, #tpu.memory_space<vmem_shared>> -> memref<16xi32, #tpu.memory_space<vmem_shared>>
      %dma_start3A_518 = tpu.memref_slice %arg27[%mul3A_441] : memref<256xi32, #tpu.memory_space<vmem_shared>> -> memref<16xi32, #tpu.memory_space<vmem_shared>>
      tpu.enqueue_dma source(%arg15 : memref<16xi32, #tpu.memory_space<vmem>>) target(%dma_start3A_518 : memref<16xi32, #tpu.memory_space<vmem_shared>>) target_semaphore(%run_scoped3A : memref<!tpu.dma_semaphore, #tpu.memory_space<semaphore_mem>>)
      %dma_wait3A_519 = tpu.memref_slice %arg27[%mul3A_441] : memref<256xi32, #tpu.memory_space<vmem_shared>> -> memref<16xi32, #tpu.memory_space<vmem_shared>>
      %dma_wait3A_520 = tpu.memref_slice %arg27[%mul3A_441] : memref<256xi32, #tpu.memory_space<vmem_shared>> -> memref<16xi32, #tpu.memory_space<vmem_shared>>
      tpu.wait_dma2 semaphore(%run_scoped3A : memref<!tpu.dma_semaphore, #tpu.memory_space<semaphore_mem>>) src(%arg15 : memref<16xi32, #tpu.memory_space<vmem>>) dst(%dma_wait3A_520 : memref<16xi32, #tpu.memory_space<vmem_shared>>)
      tpu.yield
    }) : () -> ()
    %eq3A_442 = arith.constant 0 : i32
    %eq3A_443 = arith.cmpi eq, %arg1, %eq3A_442 : i32
    %convert_element_type3A_444 = arith.extui %eq3A_443 : i1 to i32
    %cond3A = arith.constant 0 : i32
    %cond3A_445 = arith.cmpi ne, %convert_element_type3A_444, %cond3A : i32
    scf.if %cond3A_445 {
      %scan3A_517 = arith.constant 0 : i32
      %scan3A_518 = arith.constant 0 : i32
      %scan3A_519 = arith.constant 136 : i32
      %scan3A_520 = arith.addi %scan3A_518, %scan3A_519 : i32
      %scan3A_521 = arith.constant 8 : i32
      scf.for %scan3A_523 = %scan3A_518 to %scan3A_520 step %scan3A_521  : i32 {
        %broadcast_in_dim3A_524 = arith.constant 0 : i32
        %broadcast_in_dim3A_525 = vector.broadcast %broadcast_in_dim3A_524 : i32 to vector<16xi32>
        %mul3A_526 = arith.constant 16 : i32
        %mul3A_527 = arith.muli %scan3A_523, %mul3A_526 : i32
        %swap3A_528 = arith.index_cast %mul3A_527 : i32 to index
        %swap3A_529 = tpu.vector_load %arg17[%swap3A_528] {strides = array<i32>} : memref<2176xi32, #tpu.memory_space<vmem>>, vector<16xi32>,
        tpu.vector_store %arg17[%swap3A_528], %broadcast_in_dim3A_525 {strides = array<i32>} : memref<2176xi32, #tpu.memory_space<vmem>>, vector<16xi32>,
        %broadcast_in_dim3A_530 = arith.constant 2147483647 : i32
        %broadcast_in_dim3A_531 = vector.broadcast %broadcast_in_dim3A_530 : i32 to vector<16xi32>
        %mul3A_532 = arith.constant 16 : i32
        %mul3A_533 = arith.muli %scan3A_523, %mul3A_532 : i32
        %swap3A_534 = arith.index_cast %mul3A_533 : i32 to index
        %swap3A_535 = tpu.vector_load %arg18[%swap3A_534] {strides = array<i32>} : memref<2176xi32, #tpu.memory_space<vmem>>, vector<16xi32>,
        tpu.vector_store %arg18[%swap3A_534], %broadcast_in_dim3A_531 {strides = array<i32>} : memref<2176xi32, #tpu.memory_space<vmem>>, vector<16xi32>,
        %scan3A_536 = arith.constant 1 : i32
        %scan3A_537 = arith.addi %scan3A_523, %scan3A_536 : i32
        %broadcast_in_dim3A_538 = arith.constant 0 : i32
        %broadcast_in_dim3A_539 = vector.broadcast %broadcast_in_dim3A_538 : i32 to vector<16xi32>
        %mul3A_540 = arith.constant 16 : i32
        %mul3A_541 = arith.muli %scan3A_537, %mul3A_540 : i32
        %swap3A_542 = arith.index_cast %mul3A_541 : i32 to index
        %swap3A_543 = tpu.vector_load %arg17[%swap3A_542] {strides = array<i32>} : memref<2176xi32, #tpu.memory_space<vmem>>, vector<16xi32>,
        tpu.vector_store %arg17[%swap3A_542], %broadcast_in_dim3A_539 {strides = array<i32>} : memref<2176xi32, #tpu.memory_space<vmem>>, vector<16xi32>,
        %broadcast_in_dim3A_544 = arith.constant 2147483647 : i32
        %broadcast_in_dim3A_545 = vector.broadcast %broadcast_in_dim3A_544 : i32 to vector<16xi32>
        %mul3A_546 = arith.constant 16 : i32
        %mul3A_547 = arith.muli %scan3A_537, %mul3A_546 : i32
        %swap3A_548 = arith.index_cast %mul3A_547 : i32 to index
        %swap3A_549 = tpu.vector_load %arg18[%swap3A_548] {strides = array<i32>} : memref<2176xi32, #tpu.memory_space<vmem>>, vector<16xi32>,
        tpu.vector_store %arg18[%swap3A_548], %broadcast_in_dim3A_545 {strides = array<i32>} : memref<2176xi32, #tpu.memory_space<vmem>>, vector<16xi32>,
        %scan3A_550 = arith.constant 2 : i32
        %scan3A_551 = arith.addi %scan3A_523, %scan3A_550 : i32
        %broadcast_in_dim3A_552 = arith.constant 0 : i32
        %broadcast_in_dim3A_553 = vector.broadcast %broadcast_in_dim3A_552 : i32 to vector<16xi32>
        %mul3A_554 = arith.constant 16 : i32
        %mul3A_555 = arith.muli %scan3A_551, %mul3A_554 : i32
        %swap3A_556 = arith.index_cast %mul3A_555 : i32 to index
        %swap3A_557 = tpu.vector_load %arg17[%swap3A_556] {strides = array<i32>} : memref<2176xi32, #tpu.memory_space<vmem>>, vector<16xi32>,
        tpu.vector_store %arg17[%swap3A_556], %broadcast_in_dim3A_553 {strides = array<i32>} : memref<2176xi32, #tpu.memory_space<vmem>>, vector<16xi32>,
        %broadcast_in_dim3A_558 = arith.constant 2147483647 : i32
        %broadcast_in_dim3A_559 = vector.broadcast %broadcast_in_dim3A_558 : i32 to vector<16xi32>
        %mul3A_560 = arith.constant 16 : i32
        %mul3A_561 = arith.muli %scan3A_551, %mul3A_560 : i32
        %swap3A_562 = arith.index_cast %mul3A_561 : i32 to index
        %swap3A_563 = tpu.vector_load %arg18[%swap3A_562] {strides = array<i32>} : memref<2176xi32, #tpu.memory_space<vmem>>, vector<16xi32>,
        tpu.vector_store %arg18[%swap3A_562], %broadcast_in_dim3A_559 {strides = array<i32>} : memref<2176xi32, #tpu.memory_space<vmem>>, vector<16xi32>,
        %scan3A_564 = arith.constant 3 : i32
        %scan3A_565 = arith.addi %scan3A_523, %scan3A_564 : i32
        %broadcast_in_dim3A_566 = arith.constant 0 : i32
        %broadcast_in_dim3A_567 = vector.broadcast %broadcast_in_dim3A_566 : i32 to vector<16xi32>
        %mul3A_568 = arith.constant 16 : i32
        %mul3A_569 = arith.muli %scan3A_565, %mul3A_568 : i32
        %swap3A_570 = arith.index_cast %mul3A_569 : i32 to index
        %swap3A_571 = tpu.vector_load %arg17[%swap3A_570] {strides = array<i32>} : memref<2176xi32, #tpu.memory_space<vmem>>, vector<16xi32>,
        tpu.vector_store %arg17[%swap3A_570], %broadcast_in_dim3A_567 {strides = array<i32>} : memref<2176xi32, #tpu.memory_space<vmem>>, vector<16xi32>,
        %broadcast_in_dim3A_572 = arith.constant 2147483647 : i32
        %broadcast_in_dim3A_573 = vector.broadcast %broadcast_in_dim3A_572 : i32 to vector<16xi32>
        %mul3A_574 = arith.constant 16 : i32
        %mul3A_575 = arith.muli %scan3A_565, %mul3A_574 : i32
        %swap3A_576 = arith.index_cast %mul3A_575 : i32 to index
        %swap3A_577 = tpu.vector_load %arg18[%swap3A_576] {strides = array<i32>} : memref<2176xi32, #tpu.memory_space<vmem>>, vector<16xi32>,
        tpu.vector_store %arg18[%swap3A_576], %broadcast_in_dim3A_573 {strides = array<i32>} : memref<2176xi32, #tpu.memory_space<vmem>>, vector<16xi32>,
        %scan3A_578 = arith.constant 4 : i32
        %scan3A_579 = arith.addi %scan3A_523, %scan3A_578 : i32
        %broadcast_in_dim3A_580 = arith.constant 0 : i32
        %broadcast_in_dim3A_581 = vector.broadcast %broadcast_in_dim3A_580 : i32 to vector<16xi32>
        %mul3A_582 = arith.constant 16 : i32
        %mul3A_583 = arith.muli %scan3A_579, %mul3A_582 : i32
        %swap3A_584 = arith.index_cast %mul3A_583 : i32 to index
        %swap3A_585 = tpu.vector_load %arg17[%swap3A_584] {strides = array<i32>} : memref<2176xi32, #tpu.memory_space<vmem>>, vector<16xi32>,
        tpu.vector_store %arg17[%swap3A_584], %broadcast_in_dim3A_581 {strides = array<i32>} : memref<2176xi32, #tpu.memory_space<vmem>>, vector<16xi32>,
        %broadcast_in_dim3A_586 = arith.constant 2147483647 : i32
        %broadcast_in_dim3A_587 = vector.broadcast %broadcast_in_dim3A_586 : i32 to vector<16xi32>
        %mul3A_588 = arith.constant 16 : i32
        %mul3A_589 = arith.muli %scan3A_579, %mul3A_588 : i32
        %swap3A_590 = arith.index_cast %mul3A_589 : i32 to index
        %swap3A_591 = tpu.vector_load %arg18[%swap3A_590] {strides = array<i32>} : memref<2176xi32, #tpu.memory_space<vmem>>, vector<16xi32>,
        tpu.vector_store %arg18[%swap3A_590], %broadcast_in_dim3A_587 {strides = array<i32>} : memref<2176xi32, #tpu.memory_space<vmem>>, vector<16xi32>,
        %scan3A_592 = arith.constant 5 : i32
        %scan3A_593 = arith.addi %scan3A_523, %scan3A_592 : i32
        %broadcast_in_dim3A_594 = arith.constant 0 : i32
        %broadcast_in_dim3A_595 = vector.broadcast %broadcast_in_dim3A_594 : i32 to vector<16xi32>
        %mul3A_596 = arith.constant 16 : i32
        %mul3A_597 = arith.muli %scan3A_593, %mul3A_596 : i32
        %swap3A_598 = arith.index_cast %mul3A_597 : i32 to index
        %swap3A_599 = tpu.vector_load %arg17[%swap3A_598] {strides = array<i32>} : memref<2176xi32, #tpu.memory_space<vmem>>, vector<16xi32>,
        tpu.vector_store %arg17[%swap3A_598], %broadcast_in_dim3A_595 {strides = array<i32>} : memref<2176xi32, #tpu.memory_space<vmem>>, vector<16xi32>,
        %broadcast_in_dim3A_600 = arith.constant 2147483647 : i32
        %broadcast_in_dim3A_601 = vector.broadcast %broadcast_in_dim3A_600 : i32 to vector<16xi32>
        %mul3A_602 = arith.constant 16 : i32
        %mul3A_603 = arith.muli %scan3A_593, %mul3A_602 : i32
        %swap3A_604 = arith.index_cast %mul3A_603 : i32 to index
        %swap3A_605 = tpu.vector_load %arg18[%swap3A_604] {strides = array<i32>} : memref<2176xi32, #tpu.memory_space<vmem>>, vector<16xi32>,
        tpu.vector_store %arg18[%swap3A_604], %broadcast_in_dim3A_601 {strides = array<i32>} : memref<2176xi32, #tpu.memory_space<vmem>>, vector<16xi32>,
        %scan3A_606 = arith.constant 6 : i32
        %scan3A_607 = arith.addi %scan3A_523, %scan3A_606 : i32
        %broadcast_in_dim3A_608 = arith.constant 0 : i32
        %broadcast_in_dim3A_609 = vector.broadcast %broadcast_in_dim3A_608 : i32 to vector<16xi32>
        %mul3A_610 = arith.constant 16 : i32
        %mul3A_611 = arith.muli %scan3A_607, %mul3A_610 : i32
        %swap3A_612 = arith.index_cast %mul3A_611 : i32 to index
        %swap3A_613 = tpu.vector_load %arg17[%swap3A_612] {strides = array<i32>} : memref<2176xi32, #tpu.memory_space<vmem>>, vector<16xi32>,
        tpu.vector_store %arg17[%swap3A_612], %broadcast_in_dim3A_609 {strides = array<i32>} : memref<2176xi32, #tpu.memory_space<vmem>>, vector<16xi32>,
        %broadcast_in_dim3A_614 = arith.constant 2147483647 : i32
        %broadcast_in_dim3A_615 = vector.broadcast %broadcast_in_dim3A_614 : i32 to vector<16xi32>
        %mul3A_616 = arith.constant 16 : i32
        %mul3A_617 = arith.muli %scan3A_607, %mul3A_616 : i32
        %swap3A_618 = arith.index_cast %mul3A_617 : i32 to index
        %swap3A_619 = tpu.vector_load %arg18[%swap3A_618] {strides = array<i32>} : memref<2176xi32, #tpu.memory_space<vmem>>, vector<16xi32>,
        tpu.vector_store %arg18[%swap3A_618], %broadcast_in_dim3A_615 {strides = array<i32>} : memref<2176xi32, #tpu.memory_space<vmem>>, vector<16xi32>,
        %scan3A_620 = arith.constant 7 : i32
        %scan3A_621 = arith.addi %scan3A_523, %scan3A_620 : i32
        %broadcast_in_dim3A_622 = arith.constant 0 : i32
        %broadcast_in_dim3A_623 = vector.broadcast %broadcast_in_dim3A_622 : i32 to vector<16xi32>
        %mul3A_624 = arith.constant 16 : i32
        %mul3A_625 = arith.muli %scan3A_621, %mul3A_624 : i32
        %swap3A_626 = arith.index_cast %mul3A_625 : i32 to index
        %swap3A_627 = tpu.vector_load %arg17[%swap3A_626] {strides = array<i32>} : memref<2176xi32, #tpu.memory_space<vmem>>, vector<16xi32>,
        tpu.vector_store %arg17[%swap3A_626], %broadcast_in_dim3A_623 {strides = array<i32>} : memref<2176xi32, #tpu.memory_space<vmem>>, vector<16xi32>,
        %broadcast_in_dim3A_628 = arith.constant 2147483647 : i32
        %broadcast_in_dim3A_629 = vector.broadcast %broadcast_in_dim3A_628 : i32 to vector<16xi32>
        %mul3A_630 = arith.constant 16 : i32
        %mul3A_631 = arith.muli %scan3A_621, %mul3A_630 : i32
        %swap3A_632 = arith.index_cast %mul3A_631 : i32 to index
        %swap3A_633 = tpu.vector_load %arg18[%swap3A_632] {strides = array<i32>} : memref<2176xi32, #tpu.memory_space<vmem>>, vector<16xi32>,
        tpu.vector_store %arg18[%swap3A_632], %broadcast_in_dim3A_629 {strides = array<i32>} : memref<2176xi32, #tpu.memory_space<vmem>>, vector<16xi32>,
      }
      %scan3A_522 = arith.constant 136 : i32
      "tpu.region"() ({
        %run_scoped3A = tpu.sem_alloc : memref<!tpu.dma_semaphore, #tpu.memory_space<semaphore_mem>>
        tpu.enqueue_dma source(%arg17 : memref<2176xi32, #tpu.memory_space<vmem>>) target(%arg28 : memref<2176xi32, #tpu.memory_space<vmem_shared>>) target_semaphore(%run_scoped3A : memref<!tpu.dma_semaphore, #tpu.memory_space<semaphore_mem>>)
        tpu.wait_dma2 semaphore(%run_scoped3A : memref<!tpu.dma_semaphore, #tpu.memory_space<semaphore_mem>>) src(%arg17 : memref<2176xi32, #tpu.memory_space<vmem>>) dst(%arg28 : memref<2176xi32, #tpu.memory_space<vmem_shared>>)
        tpu.yield
      }) : () -> ()
      "tpu.region"() ({
        %run_scoped3A = tpu.sem_alloc : memref<!tpu.dma_semaphore, #tpu.memory_space<semaphore_mem>>
        tpu.enqueue_dma source(%arg18 : memref<2176xi32, #tpu.memory_space<vmem>>) target(%arg29 : memref<2176xi32, #tpu.memory_space<vmem_shared>>) target_semaphore(%run_scoped3A : memref<!tpu.dma_semaphore, #tpu.memory_space<semaphore_mem>>)
        tpu.wait_dma2 semaphore(%run_scoped3A : memref<!tpu.dma_semaphore, #tpu.memory_space<semaphore_mem>>) src(%arg18 : memref<2176xi32, #tpu.memory_space<vmem>>) dst(%arg29 : memref<2176xi32, #tpu.memory_space<vmem_shared>>)
        tpu.yield
      }) : () -> ()
    } else {
    }
    %barrier3A_446 = arith.constant 0 : index
    tpu.barrier barrier_id(%barrier3A_446)
    "tpu.region"() ({
      %run_scoped3A = tpu.sem_alloc : memref<!tpu.dma_semaphore, #tpu.memory_space<semaphore_mem>>
      tpu.enqueue_dma source(%arg27 : memref<256xi32, #tpu.memory_space<vmem_shared>>) target(%arg16 : memref<256xi32, #tpu.memory_space<vmem>>) target_semaphore(%run_scoped3A : memref<!tpu.dma_semaphore, #tpu.memory_space<semaphore_mem>>)
      tpu.wait_dma2 semaphore(%run_scoped3A : memref<!tpu.dma_semaphore, #tpu.memory_space<semaphore_mem>>) src(%arg27 : memref<256xi32, #tpu.memory_space<vmem_shared>>) dst(%arg16 : memref<256xi32, #tpu.memory_space<vmem>>)
      tpu.yield
    }) : () -> ()
    %scan3A_447 = arith.constant 0 : i32
    %scan3A_448 = arith.constant 0 : i32
    %scan3A_449 = arith.constant 0 : i32
    %scan3A_450 = arith.constant 0 : i32
    %scan3A_451 = arith.constant 0 : i32
    %scan3A_452 = arith.constant 16 : i32
    %scan3A_453 = arith.addi %scan3A_451, %scan3A_452 : i32
    %scan3A_454 = arith.constant 1 : i32
    %scan3A_455:4 = scf.for %scan3A_517 = %scan3A_451 to %scan3A_453 step %scan3A_454 iter_args(%scan3A_518 = %scan3A_447, %scan3A_519 = %scan3A_448, %scan3A_520 = %scan3A_449, %scan3A_521 = %scan3A_450) -> (i32, i32, i32, i32)  : i32 {
      %mul3A_522 = arith.constant 16 : i32
      %mul3A_523 = arith.muli %scan3A_517, %mul3A_522 : i32
      %get3A_524 = arith.index_cast %mul3A_523 : i32 to index
      %get3A_525 = tpu.vector_load %arg16[%get3A_524] {strides = array<i32>} : memref<256xi32, #tpu.memory_space<vmem>>, vector<16xi32>,
      %slice3A = vector.extract_strided_slice %get3A_525 {offsets = [0], sizes = [1], strides = [1]} : vector<16xi32> to vector<1xi32>
      %squeeze3A = vector.extract %slice3A[0] : i32 from vector<1xi32>
      %slice3A_526 = vector.extract_strided_slice %get3A_525 {offsets = [1], sizes = [1], strides = [1]} : vector<16xi32> to vector<1xi32>
      %squeeze3A_527 = vector.extract %slice3A_526[0] : i32 from vector<1xi32>
      %lt3A = arith.cmpi slt, %scan3A_517, %arg1 : i32
      %jit3A_528 = arith.constant 0 : i32
      %select_n3A_529 = arith.select %lt3A, %squeeze3A, %jit3A_528 : i32
      %add3A_530 = arith.addi %scan3A_518, %select_n3A_529 : i32
      %jit3A_531 = arith.constant 0 : i32
      %select_n3A_532 = arith.select %lt3A, %squeeze3A_527, %jit3A_531 : i32
      %add3A_533 = arith.addi %scan3A_519, %select_n3A_532 : i32
      %add3A_534 = arith.addi %scan3A_520, %squeeze3A : i32
      %add3A_535 = arith.addi %scan3A_521, %squeeze3A_527 : i32
      scf.yield %add3A_530, %add3A_533, %add3A_534, %add3A_535 : i32, i32, i32, i32
    }
    %scan3A_456 = arith.constant 16 : i32
    %mul3A_457 = arith.constant 8 : i32
    %mul3A_458 = arith.muli %arg1, %mul3A_457 : i32
    %add3A_459 = arith.constant 2048 : i32
    %add3A_460 = arith.addi %add3A_459, %mul3A_458 : i32
    %scan3A_461 = arith.constant 0 : i32
    %scan3A_462 = arith.constant 0 : i32
    %scan3A_463 = arith.constant 65 : i32
    %scan3A_464 = arith.addi %scan3A_462, %scan3A_463 : i32
    %scan3A_465 = arith.constant 1 : i32
    scf.for %scan3A_517 = %scan3A_462 to %scan3A_464 step %scan3A_465  : i32 {
      %mul3A_518 = arith.constant 16 : i32
      %mul3A_519 = arith.muli %scan3A_517, %mul3A_518 : i32
      %add3A_520 = arith.addi %scan3A_455#0, %mul3A_519 : i32
      %add3A_521 = vector.broadcast %add3A_520 : i32 to vector<16xi32>
      %add3A_522 = arith.addi %add3A_521, %iota3A : vector<16xi32>
      %mul3A_523 = arith.constant 16 : i32
      %mul3A_524 = arith.muli %scan3A_517, %mul3A_523 : i32
      %add3A_525 = vector.broadcast %mul3A_524 : i32 to vector<16xi32>
      %add3A_526 = arith.addi %add3A_525, %iota3A : vector<16xi32>
      %lt3A = vector.broadcast %scan3A_426#0 : i32 to vector<16xi32>
      %lt3A_527 = arith.cmpi slt, %add3A_526, %lt3A : vector<16xi32>
      %broadcast_in_dim3A_528 = vector.broadcast %add3A_460 : i32 to vector<16xi32>
      %select_n3A_529 = arith.select %lt3A_527, %add3A_522, %broadcast_in_dim3A_528 : vector<16xi1>, vector<16xi32>
      %mul3A_530 = arith.constant 16 : i32
      %mul3A_531 = arith.muli %scan3A_517, %mul3A_530 : i32
      %swap3A_532 = arith.index_cast %mul3A_531 : i32 to index
      %swap3A_533 = tpu.vector_load %arg13[%swap3A_532] {strides = array<i32>} : memref<1040xi32, #tpu.memory_space<vmem>>, vector<16xi32>,
      tpu.vector_store %arg13[%swap3A_532], %select_n3A_529 {strides = array<i32>} : memref<1040xi32, #tpu.memory_space<vmem>>, vector<16xi32>,
    }
    %scan3A_466 = arith.constant 65 : i32
    %scan3A_467 = arith.constant 0 : i32
    %scan3A_468 = arith.constant 0 : i32
    %scan3A_469 = arith.constant 6 : i32
    %scan3A_470 = arith.addi %scan3A_468, %scan3A_469 : i32
    %scan3A_471 = arith.constant 1 : i32
    scf.for %scan3A_517 = %scan3A_468 to %scan3A_470 step %scan3A_471  : i32 {
      %add3A_518 = arith.constant 1024 : i32
      %add3A_519 = arith.addi %add3A_518, %scan3A_455#1 : i32
      %mul3A_520 = arith.constant 16 : i32
      %mul3A_521 = arith.muli %scan3A_517, %mul3A_520 : i32
      %add3A_522 = arith.addi %add3A_519, %mul3A_521 : i32
      %add3A_523 = vector.broadcast %add3A_522 : i32 to vector<16xi32>
      %add3A_524 = arith.addi %add3A_523, %iota3A : vector<16xi32>
      %mul3A_525 = arith.constant 16 : i32
      %mul3A_526 = arith.muli %scan3A_517, %mul3A_525 : i32
      %add3A_527 = vector.broadcast %mul3A_526 : i32 to vector<16xi32>
      %add3A_528 = arith.addi %add3A_527, %iota3A : vector<16xi32>
      %lt3A = vector.broadcast %scan3A_426#1 : i32 to vector<16xi32>
      %lt3A_529 = arith.cmpi slt, %add3A_528, %lt3A : vector<16xi32>
      %broadcast_in_dim3A_530 = vector.broadcast %add3A_460 : i32 to vector<16xi32>
      %select_n3A_531 = arith.select %lt3A_529, %add3A_524, %broadcast_in_dim3A_530 : vector<16xi1>, vector<16xi32>
      %mul3A_532 = arith.constant 16 : i32
      %mul3A_533 = arith.muli %scan3A_517, %mul3A_532 : i32
      %swap3A_534 = arith.index_cast %mul3A_533 : i32 to index
      %swap3A_535 = tpu.vector_load %arg14[%swap3A_534] {strides = array<i32>} : memref<96xi32, #tpu.memory_space<vmem>>, vector<16xi32>,
      tpu.vector_store %arg14[%swap3A_534], %select_n3A_531 {strides = array<i32>} : memref<96xi32, #tpu.memory_space<vmem>>, vector<16xi32>,
      %broadcast_in_dim3A_536 = vector.broadcast %or3A_419 : i32 to vector<16xi32>
      %mul3A_537 = arith.constant 16 : i32
      %mul3A_538 = arith.muli %scan3A_517, %mul3A_537 : i32
      %swap3A_539 = arith.index_cast %mul3A_538 : i32 to index
      %swap3A_540 = tpu.vector_load %arg12[%swap3A_539] {strides = array<i32>} : memref<96xi32, #tpu.memory_space<vmem>>, vector<16xi32>,
      tpu.vector_store %arg12[%swap3A_539], %broadcast_in_dim3A_536 {strides = array<i32>} : memref<96xi32, #tpu.memory_space<vmem>>, vector<16xi32>,
    }
    %scan3A_472 = arith.constant 6 : i32
    "tpu.region"() ({
      %run_scoped3A = tpu.sem_alloc : memref<!tpu.dma_semaphore, #tpu.memory_space<semaphore_mem>>
      %dma_start3A_517 = arith.constant 0 : i32
      %dma_start3A_518 = tpu.memref_slice %arg28[%dma_start3A_517] : memref<2176xi32, #tpu.memory_space<vmem_shared>> -> memref<2176xi32, #tpu.memory_space<vmem_shared>>
      tpu.enqueue_indirect_dma source(%arg9 : memref<1040xi32, #tpu.memory_space<vmem>>) target(%dma_start3A_518 : memref<2176xi32, #tpu.memory_space<vmem_shared>>) offsets(%arg13 : memref<1040xi32, #tpu.memory_space<vmem>>) semaphore(%run_scoped3A : memref<!tpu.dma_semaphore, #tpu.memory_space<semaphore_mem>>)
      %dma_wait3A_519 = arith.constant 0 : i32
      %dma_wait3A_520 = tpu.memref_slice %arg28[%dma_wait3A_519] : memref<2176xi32, #tpu.memory_space<vmem_shared>> -> memref<2176xi32, #tpu.memory_space<vmem_shared>>
      tpu.wait_indirect_dma semaphore(%run_scoped3A : memref<!tpu.dma_semaphore, #tpu.memory_space<semaphore_mem>>) src(%arg9 : memref<1040xi32, #tpu.memory_space<vmem>>) dst(%dma_wait3A_520 : memref<2176xi32, #tpu.memory_space<vmem_shared>>)
      tpu.yield
    }) : () -> ()
    "tpu.region"() ({
      %run_scoped3A = tpu.sem_alloc : memref<!tpu.dma_semaphore, #tpu.memory_space<semaphore_mem>>
      %dma_start3A_517 = arith.constant 0 : i32
      %dma_start3A_518 = tpu.memref_slice %arg29[%dma_start3A_517] : memref<2176xi32, #tpu.memory_space<vmem_shared>> -> memref<2176xi32, #tpu.memory_space<vmem_shared>>
      tpu.enqueue_indirect_dma source(%arg10 : memref<1040xi32, #tpu.memory_space<vmem>>) target(%dma_start3A_518 : memref<2176xi32, #tpu.memory_space<vmem_shared>>) offsets(%arg13 : memref<1040xi32, #tpu.memory_space<vmem>>) semaphore(%run_scoped3A : memref<!tpu.dma_semaphore, #tpu.memory_space<semaphore_mem>>)
      %dma_wait3A_519 = arith.constant 0 : i32
      %dma_wait3A_520 = tpu.memref_slice %arg29[%dma_wait3A_519] : memref<2176xi32, #tpu.memory_space<vmem_shared>> -> memref<2176xi32, #tpu.memory_space<vmem_shared>>
      tpu.wait_indirect_dma semaphore(%run_scoped3A : memref<!tpu.dma_semaphore, #tpu.memory_space<semaphore_mem>>) src(%arg10 : memref<1040xi32, #tpu.memory_space<vmem>>) dst(%dma_wait3A_520 : memref<2176xi32, #tpu.memory_space<vmem_shared>>)
      tpu.yield
    }) : () -> ()
    "tpu.region"() ({
      %run_scoped3A = tpu.sem_alloc : memref<!tpu.dma_semaphore, #tpu.memory_space<semaphore_mem>>
      %dma_start3A_517 = arith.constant 0 : i32
      %dma_start3A_518 = tpu.memref_slice %arg28[%dma_start3A_517] : memref<2176xi32, #tpu.memory_space<vmem_shared>> -> memref<2176xi32, #tpu.memory_space<vmem_shared>>
      tpu.enqueue_indirect_dma source(%arg12 : memref<96xi32, #tpu.memory_space<vmem>>) target(%dma_start3A_518 : memref<2176xi32, #tpu.memory_space<vmem_shared>>) offsets(%arg14 : memref<96xi32, #tpu.memory_space<vmem>>) semaphore(%run_scoped3A : memref<!tpu.dma_semaphore, #tpu.memory_space<semaphore_mem>>)
      %dma_wait3A_519 = arith.constant 0 : i32
      %dma_wait3A_520 = tpu.memref_slice %arg28[%dma_wait3A_519] : memref<2176xi32, #tpu.memory_space<vmem_shared>> -> memref<2176xi32, #tpu.memory_space<vmem_shared>>
      tpu.wait_indirect_dma semaphore(%run_scoped3A : memref<!tpu.dma_semaphore, #tpu.memory_space<semaphore_mem>>) src(%arg12 : memref<96xi32, #tpu.memory_space<vmem>>) dst(%dma_wait3A_520 : memref<2176xi32, #tpu.memory_space<vmem_shared>>)
      tpu.yield
    }) : () -> ()
    "tpu.region"() ({
      %run_scoped3A = tpu.sem_alloc : memref<!tpu.dma_semaphore, #tpu.memory_space<semaphore_mem>>
      %dma_start3A_517 = arith.constant 0 : i32
      %dma_start3A_518 = tpu.memref_slice %arg29[%dma_start3A_517] : memref<2176xi32, #tpu.memory_space<vmem_shared>> -> memref<2176xi32, #tpu.memory_space<vmem_shared>>
      tpu.enqueue_indirect_dma source(%arg11 : memref<96xi32, #tpu.memory_space<vmem>>) target(%dma_start3A_518 : memref<2176xi32, #tpu.memory_space<vmem_shared>>) offsets(%arg14 : memref<96xi32, #tpu.memory_space<vmem>>) semaphore(%run_scoped3A : memref<!tpu.dma_semaphore, #tpu.memory_space<semaphore_mem>>)
      %dma_wait3A_519 = arith.constant 0 : i32
      %dma_wait3A_520 = tpu.memref_slice %arg29[%dma_wait3A_519] : memref<2176xi32, #tpu.memory_space<vmem_shared>> -> memref<2176xi32, #tpu.memory_space<vmem_shared>>
      tpu.wait_indirect_dma semaphore(%run_scoped3A : memref<!tpu.dma_semaphore, #tpu.memory_space<semaphore_mem>>) src(%arg11 : memref<96xi32, #tpu.memory_space<vmem>>) dst(%dma_wait3A_520 : memref<2176xi32, #tpu.memory_space<vmem_shared>>)
      tpu.yield
    }) : () -> ()
    %barrier3A_473 = arith.constant 0 : index
    tpu.barrier barrier_id(%barrier3A_473)
    "tpu.region"() ({
      %run_scoped3A = tpu.sem_alloc : memref<!tpu.dma_semaphore, #tpu.memory_space<semaphore_mem>>
      %dma_start3A_517 = arith.constant 0 : i32
      %dma_start3A_518 = tpu.memref_slice %arg19[%dma_start3A_517] : memref<2064xi32, #tpu.memory_space<vmem>> -> memref<2048xi32, #tpu.memory_space<vmem>>
      %dma_start3A_519 = arith.constant 0 : i32
      %dma_start3A_520 = tpu.memref_slice %arg28[%dma_start3A_519] : memref<2176xi32, #tpu.memory_space<vmem_shared>> -> memref<2048xi32, #tpu.memory_space<vmem_shared>>
      %dma_start3A_521 = arith.constant 0 : i32
      %dma_start3A_522 = tpu.memref_slice %arg19[%dma_start3A_521] : memref<2064xi32, #tpu.memory_space<vmem>> -> memref<2048xi32, #tpu.memory_space<vmem>>
      %dma_start3A_523 = arith.constant 0 : i32
      %dma_start3A_524 = tpu.memref_slice %arg28[%dma_start3A_523] : memref<2176xi32, #tpu.memory_space<vmem_shared>> -> memref<2048xi32, #tpu.memory_space<vmem_shared>>
      tpu.enqueue_dma source(%dma_start3A_524 : memref<2048xi32, #tpu.memory_space<vmem_shared>>) target(%dma_start3A_522 : memref<2048xi32, #tpu.memory_space<vmem>>) target_semaphore(%run_scoped3A : memref<!tpu.dma_semaphore, #tpu.memory_space<semaphore_mem>>)
      %dma_wait3A_525 = arith.constant 0 : i32
      %dma_wait3A_526 = tpu.memref_slice %arg19[%dma_wait3A_525] : memref<2064xi32, #tpu.memory_space<vmem>> -> memref<2048xi32, #tpu.memory_space<vmem>>
      %dma_wait3A_527 = arith.constant 0 : i32
      %dma_wait3A_528 = tpu.memref_slice %arg28[%dma_wait3A_527] : memref<2176xi32, #tpu.memory_space<vmem_shared>> -> memref<2048xi32, #tpu.memory_space<vmem_shared>>
      %dma_wait3A_529 = arith.constant 0 : i32
      %dma_wait3A_530 = tpu.memref_slice %arg19[%dma_wait3A_529] : memref<2064xi32, #tpu.memory_space<vmem>> -> memref<2048xi32, #tpu.memory_space<vmem>>
      %dma_wait3A_531 = arith.constant 0 : i32
      %dma_wait3A_532 = tpu.memref_slice %arg28[%dma_wait3A_531] : memref<2176xi32, #tpu.memory_space<vmem_shared>> -> memref<2048xi32, #tpu.memory_space<vmem_shared>>
      tpu.wait_dma2 semaphore(%run_scoped3A : memref<!tpu.dma_semaphore, #tpu.memory_space<semaphore_mem>>) src(%dma_wait3A_532 : memref<2048xi32, #tpu.memory_space<vmem_shared>>) dst(%dma_wait3A_530 : memref<2048xi32, #tpu.memory_space<vmem>>)
      tpu.yield
    }) : () -> ()
    "tpu.region"() ({
      %run_scoped3A = tpu.sem_alloc : memref<!tpu.dma_semaphore, #tpu.memory_space<semaphore_mem>>
      %dma_start3A_517 = arith.constant 0 : i32
      %dma_start3A_518 = tpu.memref_slice %arg20[%dma_start3A_517] : memref<2064xi32, #tpu.memory_space<vmem>> -> memref<2048xi32, #tpu.memory_space<vmem>>
      %dma_start3A_519 = arith.constant 0 : i32
      %dma_start3A_520 = tpu.memref_slice %arg29[%dma_start3A_519] : memref<2176xi32, #tpu.memory_space<vmem_shared>> -> memref<2048xi32, #tpu.memory_space<vmem_shared>>
      %dma_start3A_521 = arith.constant 0 : i32
      %dma_start3A_522 = tpu.memref_slice %arg20[%dma_start3A_521] : memref<2064xi32, #tpu.memory_space<vmem>> -> memref<2048xi32, #tpu.memory_space<vmem>>
      %dma_start3A_523 = arith.constant 0 : i32
      %dma_start3A_524 = tpu.memref_slice %arg29[%dma_start3A_523] : memref<2176xi32, #tpu.memory_space<vmem_shared>> -> memref<2048xi32, #tpu.memory_space<vmem_shared>>
      tpu.enqueue_dma source(%dma_start3A_524 : memref<2048xi32, #tpu.memory_space<vmem_shared>>) target(%dma_start3A_522 : memref<2048xi32, #tpu.memory_space<vmem>>) target_semaphore(%run_scoped3A : memref<!tpu.dma_semaphore, #tpu.memory_space<semaphore_mem>>)
      %dma_wait3A_525 = arith.constant 0 : i32
      %dma_wait3A_526 = tpu.memref_slice %arg20[%dma_wait3A_525] : memref<2064xi32, #tpu.memory_space<vmem>> -> memref<2048xi32, #tpu.memory_space<vmem>>
      %dma_wait3A_527 = arith.constant 0 : i32
      %dma_wait3A_528 = tpu.memref_slice %arg29[%dma_wait3A_527] : memref<2176xi32, #tpu.memory_space<vmem_shared>> -> memref<2048xi32, #tpu.memory_space<vmem_shared>>
      %dma_wait3A_529 = arith.constant 0 : i32
      %dma_wait3A_530 = tpu.memref_slice %arg20[%dma_wait3A_529] : memref<2064xi32, #tpu.memory_space<vmem>> -> memref<2048xi32, #tpu.memory_space<vmem>>
      %dma_wait3A_531 = arith.constant 0 : i32
      %dma_wait3A_532 = tpu.memref_slice %arg29[%dma_wait3A_531] : memref<2176xi32, #tpu.memory_space<vmem_shared>> -> memref<2048xi32, #tpu.memory_space<vmem_shared>>
      tpu.wait_dma2 semaphore(%run_scoped3A : memref<!tpu.dma_semaphore, #tpu.memory_space<semaphore_mem>>) src(%dma_wait3A_532 : memref<2048xi32, #tpu.memory_space<vmem_shared>>) dst(%dma_wait3A_530 : memref<2048xi32, #tpu.memory_space<vmem>>)
      tpu.yield
    }) : () -> ()
    %add3A_474 = arith.constant 15 : i32
    %add3A_475 = arith.addi %scan3A_455#3, %add3A_474 : i32
    %jit3A_476 = arith.constant 16 : i32
    %div3A = arith.divsi %add3A_475, %jit3A_476 : i32
    %sign3A = arith.constant 0 : i32
    %sign3A_477 = arith.cmpi sgt, %add3A_475, %sign3A : i32
    %sign3A_478 = arith.extui %sign3A_477 : i1 to i32
    %sign3A_479 = arith.constant 0 : i32
    %sign3A_480 = arith.cmpi slt, %add3A_475, %sign3A_479 : i32
    %sign3A_481 = arith.extui %sign3A_480 : i1 to i32
    %sign3A_482 = arith.subi %sign3A_478, %sign3A_481 : i32
    %sign3A_483 = arith.constant 0 : i32
    %sign3A_484 = arith.cmpi sgt, %jit3A_476, %sign3A_483 : i32
    %sign3A_485 = arith.extui %sign3A_484 : i1 to i32
    %sign3A_486 = arith.constant 0 : i32
    %sign3A_487 = arith.cmpi slt, %jit3A_476, %sign3A_486 : i32
    %sign3A_488 = arith.extui %sign3A_487 : i1 to i32
    %sign3A_489 = arith.subi %sign3A_485, %sign3A_488 : i32
    %ne3A = arith.cmpi ne, %sign3A_482, %sign3A_489 : i32
    %rem3A = arith.remsi %add3A_475, %jit3A_476 : i32
    %ne3A_490 = arith.constant 0 : i32
    %ne3A_491 = arith.cmpi ne, %rem3A, %ne3A_490 : i32
    %and3A = arith.andi %ne3A, %ne3A_491 : i1
    %sub3A_492 = arith.constant 1 : i32
    %sub3A_493 = arith.subi %div3A, %sub3A_492 : i32
    %select_n3A_494 = arith.select %and3A, %sub3A_493, %div3A : i32
    %scan3A_495 = arith.constant 0 : i32
    %scan3A_496 = arith.constant 0 : i32
    %scan3A_497 = arith.constant 128 : i32
    %scan3A_498 = arith.addi %scan3A_496, %scan3A_497 : i32
    %scan3A_499 = arith.constant 1 : i32
    scf.for %scan3A_517 = %scan3A_496 to %scan3A_498 step %scan3A_499  : i32 {
      %mul3A_518 = arith.constant 16 : i32
      %mul3A_519 = arith.muli %scan3A_517, %mul3A_518 : i32
      %add3A_520 = arith.addi %arg1, %mul3A_519 : i32
      %lt3A = arith.cmpi slt, %add3A_520, %scan3A_455#2 : i32
      %ge3A_521 = arith.constant 1024 : i32
      %ge3A_522 = arith.cmpi sge, %add3A_520, %ge3A_521 : i32
      %add3A_523 = arith.constant 1024 : i32
      %add3A_524 = arith.addi %add3A_523, %scan3A_455#3 : i32
      %lt3A_525 = arith.cmpi slt, %add3A_520, %add3A_524 : i32
      %and3A_526 = arith.andi %ge3A_522, %lt3A_525 : i1
      %or3A_527 = arith.ori %lt3A, %and3A_526 : i1
      %broadcast_in_dim3A_528 = vector.broadcast %scan3A_517 : i32 to vector<16xi32>
      %eq3A_529 = arith.constant 0 : i32
      %eq3A_530 = vector.broadcast %eq3A_529 : i32 to vector<16xi32>
      %eq3A_531 = arith.cmpi eq, %iota3A, %eq3A_530 : vector<16xi32>
      %convert_element_type3A_532 = arith.extui %or3A_527 : i1 to i32
      %cond3A_533 = arith.constant 0 : i32
      %cond3A_534 = arith.cmpi ne, %convert_element_type3A_532, %cond3A_533 : i32
      scf.if %cond3A_534 {
        %get3A_539 = arith.index_cast %add3A_520 : i32 to index
        %get3A_540 = tpu.vector_load %arg19[%get3A_539] {strides = array<i32>} : memref<2064xi32, #tpu.memory_space<vmem>>, vector<16xi32>,
        %slice3A = vector.extract_strided_slice %get3A_540 {offsets = [0], sizes = [1], strides = [1]} : vector<16xi32> to vector<1xi32>
        %squeeze3A = vector.extract %slice3A[0] : i32 from vector<1xi32>
        %get3A_541 = arith.index_cast %add3A_520 : i32 to index
        %get3A_542 = tpu.vector_load %arg20[%get3A_541] {strides = array<i32>} : memref<2064xi32, #tpu.memory_space<vmem>>, vector<16xi32>,
        %slice3A_543 = vector.extract_strided_slice %get3A_542 {offsets = [0], sizes = [1], strides = [1]} : vector<16xi32> to vector<1xi32>
        %squeeze3A_544 = vector.extract %slice3A_543[0] : i32 from vector<1xi32>
        %scan3A_545 = arith.constant 0 : i32
        %scan3A_546 = arith.constant 64 : i32
        %scan3A_547 = arith.addi %scan3A_545, %scan3A_546 : i32
        %scan3A_548 = arith.constant 8 : i32
        %scan3A_549 = scf.for %scan3A_575 = %scan3A_545 to %scan3A_547 step %scan3A_548 iter_args(%scan3A_576 = %broadcast_in_dim3A_1) -> (vector<16xi32>)  : i32 {
          %mul3A_577 = arith.constant 16 : i32
          %mul3A_578 = arith.muli %scan3A_575, %mul3A_577 : i32
          %get3A_579 = arith.index_cast %mul3A_578 : i32 to index
          %get3A_580 = tpu.vector_load %arg19[%get3A_579] {strides = array<i32>} : memref<2064xi32, #tpu.memory_space<vmem>>, vector<16xi32>,
          %mul3A_581 = arith.constant 16 : i32
          %mul3A_582 = arith.muli %scan3A_575, %mul3A_581 : i32
          %get3A_583 = arith.index_cast %mul3A_582 : i32 to index
          %get3A_584 = tpu.vector_load %arg20[%get3A_583] {strides = array<i32>} : memref<2064xi32, #tpu.memory_space<vmem>>, vector<16xi32>,
          %gt3A_585 = vector.broadcast %squeeze3A : i32 to vector<16xi32>
          %gt3A_586 = arith.cmpi ugt, %get3A_580, %gt3A_585 : vector<16xi32>
          %eq3A_587 = vector.broadcast %squeeze3A : i32 to vector<16xi32>
          %eq3A_588 = arith.cmpi eq, %get3A_580, %eq3A_587 : vector<16xi32>
          %lt3A_589 = vector.broadcast %squeeze3A_544 : i32 to vector<16xi32>
          %lt3A_590 = arith.cmpi slt, %get3A_584, %lt3A_589 : vector<16xi32>
          %and3A_591 = arith.andi %eq3A_588, %lt3A_590 : vector<16xi1>
          %or3A_592 = arith.ori %gt3A_586, %and3A_591 : vector<16xi1>
          %convert_element_type3A_593 = arith.extui %or3A_592 : vector<16xi1> to vector<16xi32>
          %add3A_594 = arith.addi %scan3A_576, %convert_element_type3A_593 : vector<16xi32>
          %scan3A_595 = arith.constant 1 : i32
          %scan3A_596 = arith.addi %scan3A_575, %scan3A_595 : i32
          %mul3A_597 = arith.constant 16 : i32
          %mul3A_598 = arith.muli %scan3A_596, %mul3A_597 : i32
          %get3A_599 = arith.index_cast %mul3A_598 : i32 to index
          %get3A_600 = tpu.vector_load %arg19[%get3A_599] {strides = array<i32>} : memref<2064xi32, #tpu.memory_space<vmem>>, vector<16xi32>,
          %mul3A_601 = arith.constant 16 : i32
          %mul3A_602 = arith.muli %scan3A_596, %mul3A_601 : i32
          %get3A_603 = arith.index_cast %mul3A_602 : i32 to index
          %get3A_604 = tpu.vector_load %arg20[%get3A_603] {strides = array<i32>} : memref<2064xi32, #tpu.memory_space<vmem>>, vector<16xi32>,
          %gt3A_605 = vector.broadcast %squeeze3A : i32 to vector<16xi32>
          %gt3A_606 = arith.cmpi ugt, %get3A_600, %gt3A_605 : vector<16xi32>
          %eq3A_607 = vector.broadcast %squeeze3A : i32 to vector<16xi32>
          %eq3A_608 = arith.cmpi eq, %get3A_600, %eq3A_607 : vector<16xi32>
          %lt3A_609 = vector.broadcast %squeeze3A_544 : i32 to vector<16xi32>
          %lt3A_610 = arith.cmpi slt, %get3A_604, %lt3A_609 : vector<16xi32>
          %and3A_611 = arith.andi %eq3A_608, %lt3A_610 : vector<16xi1>
          %or3A_612 = arith.ori %gt3A_606, %and3A_611 : vector<16xi1>
          %convert_element_type3A_613 = arith.extui %or3A_612 : vector<16xi1> to vector<16xi32>
          %add3A_614 = arith.addi %add3A_594, %convert_element_type3A_613 : vector<16xi32>
          %scan3A_615 = arith.constant 2 : i32
          %scan3A_616 = arith.addi %scan3A_575, %scan3A_615 : i32
          %mul3A_617 = arith.constant 16 : i32
          %mul3A_618 = arith.muli %scan3A_616, %mul3A_617 : i32
          %get3A_619 = arith.index_cast %mul3A_618 : i32 to index
          %get3A_620 = tpu.vector_load %arg19[%get3A_619] {strides = array<i32>} : memref<2064xi32, #tpu.memory_space<vmem>>, vector<16xi32>,
          %mul3A_621 = arith.constant 16 : i32
          %mul3A_622 = arith.muli %scan3A_616, %mul3A_621 : i32
          %get3A_623 = arith.index_cast %mul3A_622 : i32 to index
          %get3A_624 = tpu.vector_load %arg20[%get3A_623] {strides = array<i32>} : memref<2064xi32, #tpu.memory_space<vmem>>, vector<16xi32>,
          %gt3A_625 = vector.broadcast %squeeze3A : i32 to vector<16xi32>
          %gt3A_626 = arith.cmpi ugt, %get3A_620, %gt3A_625 : vector<16xi32>
          %eq3A_627 = vector.broadcast %squeeze3A : i32 to vector<16xi32>
          %eq3A_628 = arith.cmpi eq, %get3A_620, %eq3A_627 : vector<16xi32>
          %lt3A_629 = vector.broadcast %squeeze3A_544 : i32 to vector<16xi32>
          %lt3A_630 = arith.cmpi slt, %get3A_624, %lt3A_629 : vector<16xi32>
          %and3A_631 = arith.andi %eq3A_628, %lt3A_630 : vector<16xi1>
          %or3A_632 = arith.ori %gt3A_626, %and3A_631 : vector<16xi1>
          %convert_element_type3A_633 = arith.extui %or3A_632 : vector<16xi1> to vector<16xi32>
          %add3A_634 = arith.addi %add3A_614, %convert_element_type3A_633 : vector<16xi32>
          %scan3A_635 = arith.constant 3 : i32
          %scan3A_636 = arith.addi %scan3A_575, %scan3A_635 : i32
          %mul3A_637 = arith.constant 16 : i32
          %mul3A_638 = arith.muli %scan3A_636, %mul3A_637 : i32
          %get3A_639 = arith.index_cast %mul3A_638 : i32 to index
          %get3A_640 = tpu.vector_load %arg19[%get3A_639] {strides = array<i32>} : memref<2064xi32, #tpu.memory_space<vmem>>, vector<16xi32>,
          %mul3A_641 = arith.constant 16 : i32
          %mul3A_642 = arith.muli %scan3A_636, %mul3A_641 : i32
          %get3A_643 = arith.index_cast %mul3A_642 : i32 to index
          %get3A_644 = tpu.vector_load %arg20[%get3A_643] {strides = array<i32>} : memref<2064xi32, #tpu.memory_space<vmem>>, vector<16xi32>,
          %gt3A_645 = vector.broadcast %squeeze3A : i32 to vector<16xi32>
          %gt3A_646 = arith.cmpi ugt, %get3A_640, %gt3A_645 : vector<16xi32>
          %eq3A_647 = vector.broadcast %squeeze3A : i32 to vector<16xi32>
          %eq3A_648 = arith.cmpi eq, %get3A_640, %eq3A_647 : vector<16xi32>
          %lt3A_649 = vector.broadcast %squeeze3A_544 : i32 to vector<16xi32>
          %lt3A_650 = arith.cmpi slt, %get3A_644, %lt3A_649 : vector<16xi32>
          %and3A_651 = arith.andi %eq3A_648, %lt3A_650 : vector<16xi1>
          %or3A_652 = arith.ori %gt3A_646, %and3A_651 : vector<16xi1>
          %convert_element_type3A_653 = arith.extui %or3A_652 : vector<16xi1> to vector<16xi32>
          %add3A_654 = arith.addi %add3A_634, %convert_element_type3A_653 : vector<16xi32>
          %scan3A_655 = arith.constant 4 : i32
          %scan3A_656 = arith.addi %scan3A_575, %scan3A_655 : i32
          %mul3A_657 = arith.constant 16 : i32
          %mul3A_658 = arith.muli %scan3A_656, %mul3A_657 : i32
          %get3A_659 = arith.index_cast %mul3A_658 : i32 to index
          %get3A_660 = tpu.vector_load %arg19[%get3A_659] {strides = array<i32>} : memref<2064xi32, #tpu.memory_space<vmem>>, vector<16xi32>,
          %mul3A_661 = arith.constant 16 : i32
          %mul3A_662 = arith.muli %scan3A_656, %mul3A_661 : i32
          %get3A_663 = arith.index_cast %mul3A_662 : i32 to index
          %get3A_664 = tpu.vector_load %arg20[%get3A_663] {strides = array<i32>} : memref<2064xi32, #tpu.memory_space<vmem>>, vector<16xi32>,
          %gt3A_665 = vector.broadcast %squeeze3A : i32 to vector<16xi32>
          %gt3A_666 = arith.cmpi ugt, %get3A_660, %gt3A_665 : vector<16xi32>
          %eq3A_667 = vector.broadcast %squeeze3A : i32 to vector<16xi32>
          %eq3A_668 = arith.cmpi eq, %get3A_660, %eq3A_667 : vector<16xi32>
          %lt3A_669 = vector.broadcast %squeeze3A_544 : i32 to vector<16xi32>
          %lt3A_670 = arith.cmpi slt, %get3A_664, %lt3A_669 : vector<16xi32>
          %and3A_671 = arith.andi %eq3A_668, %lt3A_670 : vector<16xi1>
          %or3A_672 = arith.ori %gt3A_666, %and3A_671 : vector<16xi1>
          %convert_element_type3A_673 = arith.extui %or3A_672 : vector<16xi1> to vector<16xi32>
          %add3A_674 = arith.addi %add3A_654, %convert_element_type3A_673 : vector<16xi32>
          %scan3A_675 = arith.constant 5 : i32
          %scan3A_676 = arith.addi %scan3A_575, %scan3A_675 : i32
          %mul3A_677 = arith.constant 16 : i32
          %mul3A_678 = arith.muli %scan3A_676, %mul3A_677 : i32
          %get3A_679 = arith.index_cast %mul3A_678 : i32 to index
          %get3A_680 = tpu.vector_load %arg19[%get3A_679] {strides = array<i32>} : memref<2064xi32, #tpu.memory_space<vmem>>, vector<16xi32>,
          %mul3A_681 = arith.constant 16 : i32
          %mul3A_682 = arith.muli %scan3A_676, %mul3A_681 : i32
          %get3A_683 = arith.index_cast %mul3A_682 : i32 to index
          %get3A_684 = tpu.vector_load %arg20[%get3A_683] {strides = array<i32>} : memref<2064xi32, #tpu.memory_space<vmem>>, vector<16xi32>,
          %gt3A_685 = vector.broadcast %squeeze3A : i32 to vector<16xi32>
          %gt3A_686 = arith.cmpi ugt, %get3A_680, %gt3A_685 : vector<16xi32>
          %eq3A_687 = vector.broadcast %squeeze3A : i32 to vector<16xi32>
          %eq3A_688 = arith.cmpi eq, %get3A_680, %eq3A_687 : vector<16xi32>
          %lt3A_689 = vector.broadcast %squeeze3A_544 : i32 to vector<16xi32>
          %lt3A_690 = arith.cmpi slt, %get3A_684, %lt3A_689 : vector<16xi32>
          %and3A_691 = arith.andi %eq3A_688, %lt3A_690 : vector<16xi1>
          %or3A_692 = arith.ori %gt3A_686, %and3A_691 : vector<16xi1>
          %convert_element_type3A_693 = arith.extui %or3A_692 : vector<16xi1> to vector<16xi32>
          %add3A_694 = arith.addi %add3A_674, %convert_element_type3A_693 : vector<16xi32>
          %scan3A_695 = arith.constant 6 : i32
          %scan3A_696 = arith.addi %scan3A_575, %scan3A_695 : i32
          %mul3A_697 = arith.constant 16 : i32
          %mul3A_698 = arith.muli %scan3A_696, %mul3A_697 : i32
          %get3A_699 = arith.index_cast %mul3A_698 : i32 to index
          %get3A_700 = tpu.vector_load %arg19[%get3A_699] {strides = array<i32>} : memref<2064xi32, #tpu.memory_space<vmem>>, vector<16xi32>,
          %mul3A_701 = arith.constant 16 : i32
          %mul3A_702 = arith.muli %scan3A_696, %mul3A_701 : i32
          %get3A_703 = arith.index_cast %mul3A_702 : i32 to index
          %get3A_704 = tpu.vector_load %arg20[%get3A_703] {strides = array<i32>} : memref<2064xi32, #tpu.memory_space<vmem>>, vector<16xi32>,
          %gt3A_705 = vector.broadcast %squeeze3A : i32 to vector<16xi32>
          %gt3A_706 = arith.cmpi ugt, %get3A_700, %gt3A_705 : vector<16xi32>
          %eq3A_707 = vector.broadcast %squeeze3A : i32 to vector<16xi32>
          %eq3A_708 = arith.cmpi eq, %get3A_700, %eq3A_707 : vector<16xi32>
          %lt3A_709 = vector.broadcast %squeeze3A_544 : i32 to vector<16xi32>
          %lt3A_710 = arith.cmpi slt, %get3A_704, %lt3A_709 : vector<16xi32>
          %and3A_711 = arith.andi %eq3A_708, %lt3A_710 : vector<16xi1>
          %or3A_712 = arith.ori %gt3A_706, %and3A_711 : vector<16xi1>
          %convert_element_type3A_713 = arith.extui %or3A_712 : vector<16xi1> to vector<16xi32>
          %add3A_714 = arith.addi %add3A_694, %convert_element_type3A_713 : vector<16xi32>
          %scan3A_715 = arith.constant 7 : i32
          %scan3A_716 = arith.addi %scan3A_575, %scan3A_715 : i32
          %mul3A_717 = arith.constant 16 : i32
          %mul3A_718 = arith.muli %scan3A_716, %mul3A_717 : i32
          %get3A_719 = arith.index_cast %mul3A_718 : i32 to index
          %get3A_720 = tpu.vector_load %arg19[%get3A_719] {strides = array<i32>} : memref<2064xi32, #tpu.memory_space<vmem>>, vector<16xi32>,
          %mul3A_721 = arith.constant 16 : i32
          %mul3A_722 = arith.muli %scan3A_716, %mul3A_721 : i32
          %get3A_723 = arith.index_cast %mul3A_722 : i32 to index
          %get3A_724 = tpu.vector_load %arg20[%get3A_723] {strides = array<i32>} : memref<2064xi32, #tpu.memory_space<vmem>>, vector<16xi32>,
          %gt3A_725 = vector.broadcast %squeeze3A : i32 to vector<16xi32>
          %gt3A_726 = arith.cmpi ugt, %get3A_720, %gt3A_725 : vector<16xi32>
          %eq3A_727 = vector.broadcast %squeeze3A : i32 to vector<16xi32>
          %eq3A_728 = arith.cmpi eq, %get3A_720, %eq3A_727 : vector<16xi32>
          %lt3A_729 = vector.broadcast %squeeze3A_544 : i32 to vector<16xi32>
          %lt3A_730 = arith.cmpi slt, %get3A_724, %lt3A_729 : vector<16xi32>
          %and3A_731 = arith.andi %eq3A_728, %lt3A_730 : vector<16xi1>
          %or3A_732 = arith.ori %gt3A_726, %and3A_731 : vector<16xi1>
          %convert_element_type3A_733 = arith.extui %or3A_732 : vector<16xi1> to vector<16xi32>
          %add3A_734 = arith.addi %add3A_714, %convert_element_type3A_733 : vector<16xi32>
          scf.yield %add3A_734 : vector<16xi32>
        }
        %scan3A_550 = arith.constant 64 : i32
        %add3A_551 = arith.constant 64 : i32
        %add3A_552 = arith.addi %add3A_551, %select_n3A_494 : i32
        %while3A = arith.constant 64 : i32
        %while3A_553 = arith.subi %add3A_552, %while3A : i32
        %while3A_554 = arith.addi %while3A, %while3A_553 : i32
        %while3A_555 = arith.constant 1 : i32
        %while3A_556 = arith.divsi %while3A_553, %while3A_555 : i32
        %while3A_557 = arith.muli %while3A_556, %while3A_555 : i32
        %while3A_558 = arith.addi %while3A, %while3A_557 : i32
        %while3A_559 = arith.constant 1 : i32
        %while3A_560 = scf.for %while3A_575 = %while3A to %while3A_558 step %while3A_559 iter_args(%while3A_576 = %scan3A_549) -> (vector<16xi32>)  : i32 {
          %mul3A_577 = arith.constant 16 : i32
          %mul3A_578 = arith.muli %while3A_575, %mul3A_577 : i32
          %get3A_579 = arith.index_cast %mul3A_578 : i32 to index
          %get3A_580 = tpu.vector_load %arg19[%get3A_579] {strides = array<i32>} : memref<2064xi32, #tpu.memory_space<vmem>>, vector<16xi32>,
          %mul3A_581 = arith.constant 16 : i32
          %mul3A_582 = arith.muli %while3A_575, %mul3A_581 : i32
          %get3A_583 = arith.index_cast %mul3A_582 : i32 to index
          %get3A_584 = tpu.vector_load %arg20[%get3A_583] {strides = array<i32>} : memref<2064xi32, #tpu.memory_space<vmem>>, vector<16xi32>,
          %gt3A_585 = vector.broadcast %squeeze3A : i32 to vector<16xi32>
          %gt3A_586 = arith.cmpi ugt, %get3A_580, %gt3A_585 : vector<16xi32>
          %eq3A_587 = vector.broadcast %squeeze3A : i32 to vector<16xi32>
          %eq3A_588 = arith.cmpi eq, %get3A_580, %eq3A_587 : vector<16xi32>
          %lt3A_589 = vector.broadcast %squeeze3A_544 : i32 to vector<16xi32>
          %lt3A_590 = arith.cmpi slt, %get3A_584, %lt3A_589 : vector<16xi32>
          %and3A_591 = arith.andi %eq3A_588, %lt3A_590 : vector<16xi1>
          %or3A_592 = arith.ori %gt3A_586, %and3A_591 : vector<16xi1>
          %convert_element_type3A_593 = arith.extui %or3A_592 : vector<16xi1> to vector<16xi32>
          %add3A_594 = arith.addi %while3A_576, %convert_element_type3A_593 : vector<16xi32>
          scf.yield %add3A_594 : vector<16xi32>
        }
        %while3A_561 = arith.constant 1 : i32
        %while3A_562 = scf.for %while3A_575 = %while3A_558 to %while3A_554 step %while3A_561 iter_args(%while3A_576 = %while3A_560) -> (vector<16xi32>)  : i32 {
          %mul3A_577 = arith.constant 16 : i32
          %mul3A_578 = arith.muli %while3A_575, %mul3A_577 : i32
          %get3A_579 = arith.index_cast %mul3A_578 : i32 to index
          %get3A_580 = tpu.vector_load %arg19[%get3A_579] {strides = array<i32>} : memref<2064xi32, #tpu.memory_space<vmem>>, vector<16xi32>,
          %mul3A_581 = arith.constant 16 : i32
          %mul3A_582 = arith.muli %while3A_575, %mul3A_581 : i32
          %get3A_583 = arith.index_cast %mul3A_582 : i32 to index
          %get3A_584 = tpu.vector_load %arg20[%get3A_583] {strides = array<i32>} : memref<2064xi32, #tpu.memory_space<vmem>>, vector<16xi32>,
          %gt3A_585 = vector.broadcast %squeeze3A : i32 to vector<16xi32>
          %gt3A_586 = arith.cmpi ugt, %get3A_580, %gt3A_585 : vector<16xi32>
          %eq3A_587 = vector.broadcast %squeeze3A : i32 to vector<16xi32>
          %eq3A_588 = arith.cmpi eq, %get3A_580, %eq3A_587 : vector<16xi32>
          %lt3A_589 = vector.broadcast %squeeze3A_544 : i32 to vector<16xi32>
          %lt3A_590 = arith.cmpi slt, %get3A_584, %lt3A_589 : vector<16xi32>
          %and3A_591 = arith.andi %eq3A_588, %lt3A_590 : vector<16xi1>
          %or3A_592 = arith.ori %gt3A_586, %and3A_591 : vector<16xi1>
          %convert_element_type3A_593 = arith.extui %or3A_592 : vector<16xi1> to vector<16xi32>
          %add3A_594 = arith.addi %while3A_576, %convert_element_type3A_593 : vector<16xi32>
          scf.yield %add3A_594 : vector<16xi32>
        }
        %reduce_sum3A_563 = arith.constant true
        %reduce_sum3A_564 = vector.broadcast %reduce_sum3A_563 : i1 to vector<16xi1>
        %reduce_sum3A_565 = tpu.scan <sum>, %while3A_562 masked %reduce_sum3A_564 : vector<16xi32>, vector<16xi1> -> vector<16xi32>
        %reduce_sum3A_566 = vector.extract %reduce_sum3A_565[15] : i32 from vector<16xi32>
        %lt3A_567 = arith.constant 1024 : i32
        %lt3A_568 = arith.cmpi slt, %reduce_sum3A_566, %lt3A_567 : i32
        %add3A_569 = arith.constant 1024 : i32
        %add3A_570 = arith.addi %add3A_569, %arg1 : i32
        %select_n3A_571 = arith.select %lt3A_568, %reduce_sum3A_566, %add3A_570 : i32
        %broadcast_in_dim3A_572 = vector.broadcast %select_n3A_571 : i32 to vector<16xi32>
        tpu.vector_store_idx %arg22[%broadcast_in_dim3A_528], %broadcast_in_dim3A_572 masked %eq3A_531 : memref<128xi32, #tpu.memory_space<vmem>>[vector<16xi32>], vector<16xi32>, vector<16xi1>
        %broadcast_in_dim3A_573 = vector.broadcast %squeeze3A_544 : i32 to vector<16xi32>
        tpu.vector_store_idx %arg23[%broadcast_in_dim3A_528], %broadcast_in_dim3A_573 masked %eq3A_531 : memref<128xi32, #tpu.memory_space<vmem>>[vector<16xi32>], vector<16xi32>, vector<16xi1>
        %bitcast_convert_type3A = arith.bitcast %squeeze3A : i32 to i32
        %broadcast_in_dim3A_574 = vector.broadcast %bitcast_convert_type3A : i32 to vector<16xi32>
        tpu.vector_store_idx %arg21[%broadcast_in_dim3A_528], %broadcast_in_dim3A_574 masked %eq3A_531 : memref<128xi32, #tpu.memory_space<vmem>>[vector<16xi32>], vector<16xi32>, vector<16xi1>
      } else {
      }
      %not3A = arith.constant true
      %not3A_535 = arith.xori %or3A_527, %not3A : i1
      %convert_element_type3A_536 = arith.extui %not3A_535 : i1 to i32
      %cond3A_537 = arith.constant 0 : i32
      %cond3A_538 = arith.cmpi ne, %convert_element_type3A_536, %cond3A_537 : i32
      scf.if %cond3A_538 {
        %add3A_539 = arith.constant 1024 : i32
        %add3A_540 = arith.addi %add3A_539, %arg1 : i32
        %broadcast_in_dim3A_541 = vector.broadcast %add3A_540 : i32 to vector<16xi32>
        tpu.vector_store_idx %arg22[%broadcast_in_dim3A_528], %broadcast_in_dim3A_541 masked %eq3A_531 : memref<128xi32, #tpu.memory_space<vmem>>[vector<16xi32>], vector<16xi32>, vector<16xi1>
        %broadcast_in_dim3A_542 = vector.broadcast %add3A_520 : i32 to vector<16xi32>
        tpu.vector_store_idx %arg23[%broadcast_in_dim3A_528], %broadcast_in_dim3A_542 masked %eq3A_531 : memref<128xi32, #tpu.memory_space<vmem>>[vector<16xi32>], vector<16xi32>, vector<16xi1>
        tpu.vector_store_idx %arg21[%broadcast_in_dim3A_528], %broadcast_in_dim3A_1 masked %eq3A_531 : memref<128xi32, #tpu.memory_space<vmem>>[vector<16xi32>], vector<16xi32>, vector<16xi1>
      } else {
      }
    }
    %scan3A_500 = arith.constant 128 : i32
    %scan3A_501 = arith.constant 0 : i32
    %scan3A_502 = arith.constant 0 : i32
    %scan3A_503 = arith.constant 8 : i32
    %scan3A_504 = arith.addi %scan3A_502, %scan3A_503 : i32
    %scan3A_505 = arith.constant 1 : i32
    scf.for %scan3A_517 = %scan3A_502 to %scan3A_504 step %scan3A_505  : i32 {
      %mul3A_518 = arith.constant 16 : i32
      %mul3A_519 = arith.muli %scan3A_517, %mul3A_518 : i32
      %get3A_520 = arith.index_cast %mul3A_519 : i32 to index
      %get3A_521 = tpu.vector_load %arg21[%get3A_520] {strides = array<i32>} : memref<128xi32, #tpu.memory_space<vmem>>, vector<16xi32>,
      %bitcast_convert_type3A = tpu.bitcast %get3A_521 : vector<16xi32> -> vector<16xi32>
      %shift_right_logical3A = arith.constant 31 : i32
      %shift_right_logical3A_522 = vector.broadcast %shift_right_logical3A : i32 to vector<16xi32>
      %shift_right_logical3A_523 = arith.shrui %bitcast_convert_type3A, %shift_right_logical3A_522 : vector<16xi32>
      %eq3A_524 = arith.constant 1 : i32
      %eq3A_525 = vector.broadcast %eq3A_524 : i32 to vector<16xi32>
      %eq3A_526 = arith.cmpi eq, %shift_right_logical3A_523, %eq3A_525 : vector<16xi32>
      %xor3A = arith.constant -2147483648 : i32
      %xor3A_527 = vector.broadcast %xor3A : i32 to vector<16xi32>
      %xor3A_528 = arith.xori %bitcast_convert_type3A, %xor3A_527 : vector<16xi32>
      %not3A = arith.constant dense<-1> : vector<16xi32>
      %not3A_529 = arith.xori %bitcast_convert_type3A, %not3A : vector<16xi32>
      %select_n3A_530 = arith.select %eq3A_526, %xor3A_528, %not3A_529 : vector<16xi1>, vector<16xi32>
      %bitcast_convert_type3A_531 = tpu.bitcast %select_n3A_530 : vector<16xi32> -> vector<16xf32>
      %mul3A_532 = arith.constant 16 : i32
      %mul3A_533 = arith.muli %scan3A_517, %mul3A_532 : i32
      %swap3A_534 = arith.index_cast %mul3A_533 : i32 to index
      %swap3A_535 = tpu.vector_load %arg24[%swap3A_534] {strides = array<i32>} : memref<144xf32, #tpu.memory_space<vmem>>, vector<16xf32>,
      tpu.vector_store %arg24[%swap3A_534], %bitcast_convert_type3A_531 {strides = array<i32>} : memref<144xf32, #tpu.memory_space<vmem>>, vector<16xf32>,
    }
    %scan3A_506 = arith.constant 8 : i32
    %dma_start3A = arith.constant 0 : i32
    %dma_start3A_507 = arith.constant 0 : i32
    %dma_start3A_508 = tpu.memref_slice %arg3[%dma_start3A, %dma_start3A_507] : memref<100000x128xf32, #tpu.memory_space<hbm>> -> memref<100000x128xf32, #tpu.memory_space<hbm>>
    tpu.enqueue_indirect_dma source(%dma_start3A_508 : memref<100000x128xf32, #tpu.memory_space<hbm>>) target(%arg25 : memref<128x128xf32, #tpu.memory_space<vmem>>) offsets(%arg23 : memref<128xi32, #tpu.memory_space<vmem>>) semaphore(%arg30 : memref<!tpu.dma_semaphore, #tpu.memory_space<semaphore_mem>>)
    %dma_wait3A = arith.constant 0 : i32
    %dma_wait3A_509 = arith.constant 0 : i32
    %dma_wait3A_510 = tpu.memref_slice %arg3[%dma_wait3A, %dma_wait3A_509] : memref<100000x128xf32, #tpu.memory_space<hbm>> -> memref<100000x128xf32, #tpu.memory_space<hbm>>
    tpu.wait_indirect_dma semaphore(%arg30 : memref<!tpu.dma_semaphore, #tpu.memory_space<semaphore_mem>>) src(%dma_wait3A_510 : memref<100000x128xf32, #tpu.memory_space<hbm>>) dst(%arg25 : memref<128x128xf32, #tpu.memory_space<vmem>>)
    %scan3A_511 = arith.constant 0 : i32
    %scan3A_512 = arith.constant 0 : i32
    %scan3A_513 = arith.constant 128 : i32
    %scan3A_514 = arith.addi %scan3A_512, %scan3A_513 : i32
    %scan3A_515 = arith.constant 4 : i32
    scf.for %scan3A_517 = %scan3A_512 to %scan3A_514 step %scan3A_515  : i32 {
      %get3A_518 = arith.index_cast %scan3A_517 : i32 to index
      %get3A_519 = tpu.vector_load %arg24[%get3A_518] {strides = array<i32>} : memref<144xf32, #tpu.memory_space<vmem>>, vector<16xf32>,
      %slice3A = vector.extract_strided_slice %get3A_519 {offsets = [0], sizes = [1], strides = [1]} : vector<16xf32> to vector<1xf32>
      %squeeze3A = vector.extract %slice3A[0] : f32 from vector<1xf32>
      %get3A_520 = arith.index_cast %scan3A_517 : i32 to index
      %get3A_521 = arith.constant 0 : index
      %get3A_522 = tpu.vector_load %arg25[%get3A_520, %get3A_521] {strides = array<i32>} : memref<128x128xf32, #tpu.memory_space<vmem>>, vector<16xf32>,
      %mul3A_523 = vector.broadcast %squeeze3A : f32 to vector<16xf32>
      %mul3A_524 = arith.mulf %get3A_522, %mul3A_523 : vector<16xf32>
      %swap3A_525 = arith.index_cast %scan3A_517 : i32 to index
      %swap3A_526 = arith.constant 0 : index
      %swap3A_527 = tpu.vector_load %arg25[%swap3A_525, %swap3A_526] {strides = array<i32>} : memref<128x128xf32, #tpu.memory_space<vmem>>, vector<16xf32>,
      tpu.vector_store %arg25[%swap3A_525, %swap3A_526], %mul3A_524 {strides = array<i32>} : memref<128x128xf32, #tpu.memory_space<vmem>>, vector<16xf32>,
      %get3A_528 = arith.index_cast %scan3A_517 : i32 to index
      %get3A_529 = arith.constant 16 : index
      %get3A_530 = tpu.vector_load %arg25[%get3A_528, %get3A_529] {strides = array<i32>} : memref<128x128xf32, #tpu.memory_space<vmem>>, vector<16xf32>,
      %mul3A_531 = vector.broadcast %squeeze3A : f32 to vector<16xf32>
      %mul3A_532 = arith.mulf %get3A_530, %mul3A_531 : vector<16xf32>
      %swap3A_533 = arith.index_cast %scan3A_517 : i32 to index
      %swap3A_534 = arith.constant 16 : index
      %swap3A_535 = tpu.vector_load %arg25[%swap3A_533, %swap3A_534] {strides = array<i32>} : memref<128x128xf32, #tpu.memory_space<vmem>>, vector<16xf32>,
      tpu.vector_store %arg25[%swap3A_533, %swap3A_534], %mul3A_532 {strides = array<i32>} : memref<128x128xf32, #tpu.memory_space<vmem>>, vector<16xf32>,
      %get3A_536 = arith.index_cast %scan3A_517 : i32 to index
      %get3A_537 = arith.constant 32 : index
      %get3A_538 = tpu.vector_load %arg25[%get3A_536, %get3A_537] {strides = array<i32>} : memref<128x128xf32, #tpu.memory_space<vmem>>, vector<16xf32>,
      %mul3A_539 = vector.broadcast %squeeze3A : f32 to vector<16xf32>
      %mul3A_540 = arith.mulf %get3A_538, %mul3A_539 : vector<16xf32>
      %swap3A_541 = arith.index_cast %scan3A_517 : i32 to index
      %swap3A_542 = arith.constant 32 : index
      %swap3A_543 = tpu.vector_load %arg25[%swap3A_541, %swap3A_542] {strides = array<i32>} : memref<128x128xf32, #tpu.memory_space<vmem>>, vector<16xf32>,
      tpu.vector_store %arg25[%swap3A_541, %swap3A_542], %mul3A_540 {strides = array<i32>} : memref<128x128xf32, #tpu.memory_space<vmem>>, vector<16xf32>,
      %get3A_544 = arith.index_cast %scan3A_517 : i32 to index
      %get3A_545 = arith.constant 48 : index
      %get3A_546 = tpu.vector_load %arg25[%get3A_544, %get3A_545] {strides = array<i32>} : memref<128x128xf32, #tpu.memory_space<vmem>>, vector<16xf32>,
      %mul3A_547 = vector.broadcast %squeeze3A : f32 to vector<16xf32>
      %mul3A_548 = arith.mulf %get3A_546, %mul3A_547 : vector<16xf32>
      %swap3A_549 = arith.index_cast %scan3A_517 : i32 to index
      %swap3A_550 = arith.constant 48 : index
      %swap3A_551 = tpu.vector_load %arg25[%swap3A_549, %swap3A_550] {strides = array<i32>} : memref<128x128xf32, #tpu.memory_space<vmem>>, vector<16xf32>,
      tpu.vector_store %arg25[%swap3A_549, %swap3A_550], %mul3A_548 {strides = array<i32>} : memref<128x128xf32, #tpu.memory_space<vmem>>, vector<16xf32>,
      %get3A_552 = arith.index_cast %scan3A_517 : i32 to index
      %get3A_553 = arith.constant 64 : index
      %get3A_554 = tpu.vector_load %arg25[%get3A_552, %get3A_553] {strides = array<i32>} : memref<128x128xf32, #tpu.memory_space<vmem>>, vector<16xf32>,
      %mul3A_555 = vector.broadcast %squeeze3A : f32 to vector<16xf32>
      %mul3A_556 = arith.mulf %get3A_554, %mul3A_555 : vector<16xf32>
      %swap3A_557 = arith.index_cast %scan3A_517 : i32 to index
      %swap3A_558 = arith.constant 64 : index
      %swap3A_559 = tpu.vector_load %arg25[%swap3A_557, %swap3A_558] {strides = array<i32>} : memref<128x128xf32, #tpu.memory_space<vmem>>, vector<16xf32>,
      tpu.vector_store %arg25[%swap3A_557, %swap3A_558], %mul3A_556 {strides = array<i32>} : memref<128x128xf32, #tpu.memory_space<vmem>>, vector<16xf32>,
      %get3A_560 = arith.index_cast %scan3A_517 : i32 to index
      %get3A_561 = arith.constant 80 : index
      %get3A_562 = tpu.vector_load %arg25[%get3A_560, %get3A_561] {strides = array<i32>} : memref<128x128xf32, #tpu.memory_space<vmem>>, vector<16xf32>,
      %mul3A_563 = vector.broadcast %squeeze3A : f32 to vector<16xf32>
      %mul3A_564 = arith.mulf %get3A_562, %mul3A_563 : vector<16xf32>
      %swap3A_565 = arith.index_cast %scan3A_517 : i32 to index
      %swap3A_566 = arith.constant 80 : index
      %swap3A_567 = tpu.vector_load %arg25[%swap3A_565, %swap3A_566] {strides = array<i32>} : memref<128x128xf32, #tpu.memory_space<vmem>>, vector<16xf32>,
      tpu.vector_store %arg25[%swap3A_565, %swap3A_566], %mul3A_564 {strides = array<i32>} : memref<128x128xf32, #tpu.memory_space<vmem>>, vector<16xf32>,
      %get3A_568 = arith.index_cast %scan3A_517 : i32 to index
      %get3A_569 = arith.constant 96 : index
      %get3A_570 = tpu.vector_load %arg25[%get3A_568, %get3A_569] {strides = array<i32>} : memref<128x128xf32, #tpu.memory_space<vmem>>, vector<16xf32>,
      %mul3A_571 = vector.broadcast %squeeze3A : f32 to vector<16xf32>
      %mul3A_572 = arith.mulf %get3A_570, %mul3A_571 : vector<16xf32>
      %swap3A_573 = arith.index_cast %scan3A_517 : i32 to index
      %swap3A_574 = arith.constant 96 : index
      %swap3A_575 = tpu.vector_load %arg25[%swap3A_573, %swap3A_574] {strides = array<i32>} : memref<128x128xf32, #tpu.memory_space<vmem>>, vector<16xf32>,
      tpu.vector_store %arg25[%swap3A_573, %swap3A_574], %mul3A_572 {strides = array<i32>} : memref<128x128xf32, #tpu.memory_space<vmem>>, vector<16xf32>,
      %get3A_576 = arith.index_cast %scan3A_517 : i32 to index
      %get3A_577 = arith.constant 112 : index
      %get3A_578 = tpu.vector_load %arg25[%get3A_576, %get3A_577] {strides = array<i32>} : memref<128x128xf32, #tpu.memory_space<vmem>>, vector<16xf32>,
      %mul3A_579 = vector.broadcast %squeeze3A : f32 to vector<16xf32>
      %mul3A_580 = arith.mulf %get3A_578, %mul3A_579 : vector<16xf32>
      %swap3A_581 = arith.index_cast %scan3A_517 : i32 to index
      %swap3A_582 = arith.constant 112 : index
      %swap3A_583 = tpu.vector_load %arg25[%swap3A_581, %swap3A_582] {strides = array<i32>} : memref<128x128xf32, #tpu.memory_space<vmem>>, vector<16xf32>,
      tpu.vector_store %arg25[%swap3A_581, %swap3A_582], %mul3A_580 {strides = array<i32>} : memref<128x128xf32, #tpu.memory_space<vmem>>, vector<16xf32>,
      %scan3A_584 = arith.constant 1 : i32
      %scan3A_585 = arith.addi %scan3A_517, %scan3A_584 : i32
      %get3A_586 = arith.index_cast %scan3A_585 : i32 to index
      %get3A_587 = tpu.vector_load %arg24[%get3A_586] {strides = array<i32>} : memref<144xf32, #tpu.memory_space<vmem>>, vector<16xf32>,
      %slice3A_588 = vector.extract_strided_slice %get3A_587 {offsets = [0], sizes = [1], strides = [1]} : vector<16xf32> to vector<1xf32>
      %squeeze3A_589 = vector.extract %slice3A_588[0] : f32 from vector<1xf32>
      %get3A_590 = arith.index_cast %scan3A_585 : i32 to index
      %get3A_591 = arith.constant 0 : index
      %get3A_592 = tpu.vector_load %arg25[%get3A_590, %get3A_591] {strides = array<i32>} : memref<128x128xf32, #tpu.memory_space<vmem>>, vector<16xf32>,
      %mul3A_593 = vector.broadcast %squeeze3A_589 : f32 to vector<16xf32>
      %mul3A_594 = arith.mulf %get3A_592, %mul3A_593 : vector<16xf32>
      %swap3A_595 = arith.index_cast %scan3A_585 : i32 to index
      %swap3A_596 = arith.constant 0 : index
      %swap3A_597 = tpu.vector_load %arg25[%swap3A_595, %swap3A_596] {strides = array<i32>} : memref<128x128xf32, #tpu.memory_space<vmem>>, vector<16xf32>,
      tpu.vector_store %arg25[%swap3A_595, %swap3A_596], %mul3A_594 {strides = array<i32>} : memref<128x128xf32, #tpu.memory_space<vmem>>, vector<16xf32>,
      %get3A_598 = arith.index_cast %scan3A_585 : i32 to index
      %get3A_599 = arith.constant 16 : index
      %get3A_600 = tpu.vector_load %arg25[%get3A_598, %get3A_599] {strides = array<i32>} : memref<128x128xf32, #tpu.memory_space<vmem>>, vector<16xf32>,
      %mul3A_601 = vector.broadcast %squeeze3A_589 : f32 to vector<16xf32>
      %mul3A_602 = arith.mulf %get3A_600, %mul3A_601 : vector<16xf32>
      %swap3A_603 = arith.index_cast %scan3A_585 : i32 to index
      %swap3A_604 = arith.constant 16 : index
      %swap3A_605 = tpu.vector_load %arg25[%swap3A_603, %swap3A_604] {strides = array<i32>} : memref<128x128xf32, #tpu.memory_space<vmem>>, vector<16xf32>,
      tpu.vector_store %arg25[%swap3A_603, %swap3A_604], %mul3A_602 {strides = array<i32>} : memref<128x128xf32, #tpu.memory_space<vmem>>, vector<16xf32>,
      %get3A_606 = arith.index_cast %scan3A_585 : i32 to index
      %get3A_607 = arith.constant 32 : index
      %get3A_608 = tpu.vector_load %arg25[%get3A_606, %get3A_607] {strides = array<i32>} : memref<128x128xf32, #tpu.memory_space<vmem>>, vector<16xf32>,
      %mul3A_609 = vector.broadcast %squeeze3A_589 : f32 to vector<16xf32>
      %mul3A_610 = arith.mulf %get3A_608, %mul3A_609 : vector<16xf32>
      %swap3A_611 = arith.index_cast %scan3A_585 : i32 to index
      %swap3A_612 = arith.constant 32 : index
      %swap3A_613 = tpu.vector_load %arg25[%swap3A_611, %swap3A_612] {strides = array<i32>} : memref<128x128xf32, #tpu.memory_space<vmem>>, vector<16xf32>,
      tpu.vector_store %arg25[%swap3A_611, %swap3A_612], %mul3A_610 {strides = array<i32>} : memref<128x128xf32, #tpu.memory_space<vmem>>, vector<16xf32>,
      %get3A_614 = arith.index_cast %scan3A_585 : i32 to index
      %get3A_615 = arith.constant 48 : index
      %get3A_616 = tpu.vector_load %arg25[%get3A_614, %get3A_615] {strides = array<i32>} : memref<128x128xf32, #tpu.memory_space<vmem>>, vector<16xf32>,
      %mul3A_617 = vector.broadcast %squeeze3A_589 : f32 to vector<16xf32>
      %mul3A_618 = arith.mulf %get3A_616, %mul3A_617 : vector<16xf32>
      %swap3A_619 = arith.index_cast %scan3A_585 : i32 to index
      %swap3A_620 = arith.constant 48 : index
      %swap3A_621 = tpu.vector_load %arg25[%swap3A_619, %swap3A_620] {strides = array<i32>} : memref<128x128xf32, #tpu.memory_space<vmem>>, vector<16xf32>,
      tpu.vector_store %arg25[%swap3A_619, %swap3A_620], %mul3A_618 {strides = array<i32>} : memref<128x128xf32, #tpu.memory_space<vmem>>, vector<16xf32>,
      %get3A_622 = arith.index_cast %scan3A_585 : i32 to index
      %get3A_623 = arith.constant 64 : index
      %get3A_624 = tpu.vector_load %arg25[%get3A_622, %get3A_623] {strides = array<i32>} : memref<128x128xf32, #tpu.memory_space<vmem>>, vector<16xf32>,
      %mul3A_625 = vector.broadcast %squeeze3A_589 : f32 to vector<16xf32>
      %mul3A_626 = arith.mulf %get3A_624, %mul3A_625 : vector<16xf32>
      %swap3A_627 = arith.index_cast %scan3A_585 : i32 to index
      %swap3A_628 = arith.constant 64 : index
      %swap3A_629 = tpu.vector_load %arg25[%swap3A_627, %swap3A_628] {strides = array<i32>} : memref<128x128xf32, #tpu.memory_space<vmem>>, vector<16xf32>,
      tpu.vector_store %arg25[%swap3A_627, %swap3A_628], %mul3A_626 {strides = array<i32>} : memref<128x128xf32, #tpu.memory_space<vmem>>, vector<16xf32>,
      %get3A_630 = arith.index_cast %scan3A_585 : i32 to index
      %get3A_631 = arith.constant 80 : index
      %get3A_632 = tpu.vector_load %arg25[%get3A_630, %get3A_631] {strides = array<i32>} : memref<128x128xf32, #tpu.memory_space<vmem>>, vector<16xf32>,
      %mul3A_633 = vector.broadcast %squeeze3A_589 : f32 to vector<16xf32>
      %mul3A_634 = arith.mulf %get3A_632, %mul3A_633 : vector<16xf32>
      %swap3A_635 = arith.index_cast %scan3A_585 : i32 to index
      %swap3A_636 = arith.constant 80 : index
      %swap3A_637 = tpu.vector_load %arg25[%swap3A_635, %swap3A_636] {strides = array<i32>} : memref<128x128xf32, #tpu.memory_space<vmem>>, vector<16xf32>,
      tpu.vector_store %arg25[%swap3A_635, %swap3A_636], %mul3A_634 {strides = array<i32>} : memref<128x128xf32, #tpu.memory_space<vmem>>, vector<16xf32>,
      %get3A_638 = arith.index_cast %scan3A_585 : i32 to index
      %get3A_639 = arith.constant 96 : index
      %get3A_640 = tpu.vector_load %arg25[%get3A_638, %get3A_639] {strides = array<i32>} : memref<128x128xf32, #tpu.memory_space<vmem>>, vector<16xf32>,
      %mul3A_641 = vector.broadcast %squeeze3A_589 : f32 to vector<16xf32>
      %mul3A_642 = arith.mulf %get3A_640, %mul3A_641 : vector<16xf32>
      %swap3A_643 = arith.index_cast %scan3A_585 : i32 to index
      %swap3A_644 = arith.constant 96 : index
      %swap3A_645 = tpu.vector_load %arg25[%swap3A_643, %swap3A_644] {strides = array<i32>} : memref<128x128xf32, #tpu.memory_space<vmem>>, vector<16xf32>,
      tpu.vector_store %arg25[%swap3A_643, %swap3A_644], %mul3A_642 {strides = array<i32>} : memref<128x128xf32, #tpu.memory_space<vmem>>, vector<16xf32>,
      %get3A_646 = arith.index_cast %scan3A_585 : i32 to index
      %get3A_647 = arith.constant 112 : index
      %get3A_648 = tpu.vector_load %arg25[%get3A_646, %get3A_647] {strides = array<i32>} : memref<128x128xf32, #tpu.memory_space<vmem>>, vector<16xf32>,
      %mul3A_649 = vector.broadcast %squeeze3A_589 : f32 to vector<16xf32>
      %mul3A_650 = arith.mulf %get3A_648, %mul3A_649 : vector<16xf32>
      %swap3A_651 = arith.index_cast %scan3A_585 : i32 to index
      %swap3A_652 = arith.constant 112 : index
      %swap3A_653 = tpu.vector_load %arg25[%swap3A_651, %swap3A_652] {strides = array<i32>} : memref<128x128xf32, #tpu.memory_space<vmem>>, vector<16xf32>,
      tpu.vector_store %arg25[%swap3A_651, %swap3A_652], %mul3A_650 {strides = array<i32>} : memref<128x128xf32, #tpu.memory_space<vmem>>, vector<16xf32>,
      %scan3A_654 = arith.constant 2 : i32
      %scan3A_655 = arith.addi %scan3A_517, %scan3A_654 : i32
      %get3A_656 = arith.index_cast %scan3A_655 : i32 to index
      %get3A_657 = tpu.vector_load %arg24[%get3A_656] {strides = array<i32>} : memref<144xf32, #tpu.memory_space<vmem>>, vector<16xf32>,
      %slice3A_658 = vector.extract_strided_slice %get3A_657 {offsets = [0], sizes = [1], strides = [1]} : vector<16xf32> to vector<1xf32>
      %squeeze3A_659 = vector.extract %slice3A_658[0] : f32 from vector<1xf32>
      %get3A_660 = arith.index_cast %scan3A_655 : i32 to index
      %get3A_661 = arith.constant 0 : index
      %get3A_662 = tpu.vector_load %arg25[%get3A_660, %get3A_661] {strides = array<i32>} : memref<128x128xf32, #tpu.memory_space<vmem>>, vector<16xf32>,
      %mul3A_663 = vector.broadcast %squeeze3A_659 : f32 to vector<16xf32>
      %mul3A_664 = arith.mulf %get3A_662, %mul3A_663 : vector<16xf32>
      %swap3A_665 = arith.index_cast %scan3A_655 : i32 to index
      %swap3A_666 = arith.constant 0 : index
      %swap3A_667 = tpu.vector_load %arg25[%swap3A_665, %swap3A_666] {strides = array<i32>} : memref<128x128xf32, #tpu.memory_space<vmem>>, vector<16xf32>,
      tpu.vector_store %arg25[%swap3A_665, %swap3A_666], %mul3A_664 {strides = array<i32>} : memref<128x128xf32, #tpu.memory_space<vmem>>, vector<16xf32>,
      %get3A_668 = arith.index_cast %scan3A_655 : i32 to index
      %get3A_669 = arith.constant 16 : index
      %get3A_670 = tpu.vector_load %arg25[%get3A_668, %get3A_669] {strides = array<i32>} : memref<128x128xf32, #tpu.memory_space<vmem>>, vector<16xf32>,
      %mul3A_671 = vector.broadcast %squeeze3A_659 : f32 to vector<16xf32>
      %mul3A_672 = arith.mulf %get3A_670, %mul3A_671 : vector<16xf32>
      %swap3A_673 = arith.index_cast %scan3A_655 : i32 to index
      %swap3A_674 = arith.constant 16 : index
      %swap3A_675 = tpu.vector_load %arg25[%swap3A_673, %swap3A_674] {strides = array<i32>} : memref<128x128xf32, #tpu.memory_space<vmem>>, vector<16xf32>,
      tpu.vector_store %arg25[%swap3A_673, %swap3A_674], %mul3A_672 {strides = array<i32>} : memref<128x128xf32, #tpu.memory_space<vmem>>, vector<16xf32>,
      %get3A_676 = arith.index_cast %scan3A_655 : i32 to index
      %get3A_677 = arith.constant 32 : index
      %get3A_678 = tpu.vector_load %arg25[%get3A_676, %get3A_677] {strides = array<i32>} : memref<128x128xf32, #tpu.memory_space<vmem>>, vector<16xf32>,
      %mul3A_679 = vector.broadcast %squeeze3A_659 : f32 to vector<16xf32>
      %mul3A_680 = arith.mulf %get3A_678, %mul3A_679 : vector<16xf32>
      %swap3A_681 = arith.index_cast %scan3A_655 : i32 to index
      %swap3A_682 = arith.constant 32 : index
      %swap3A_683 = tpu.vector_load %arg25[%swap3A_681, %swap3A_682] {strides = array<i32>} : memref<128x128xf32, #tpu.memory_space<vmem>>, vector<16xf32>,
      tpu.vector_store %arg25[%swap3A_681, %swap3A_682], %mul3A_680 {strides = array<i32>} : memref<128x128xf32, #tpu.memory_space<vmem>>, vector<16xf32>,
      %get3A_684 = arith.index_cast %scan3A_655 : i32 to index
      %get3A_685 = arith.constant 48 : index
      %get3A_686 = tpu.vector_load %arg25[%get3A_684, %get3A_685] {strides = array<i32>} : memref<128x128xf32, #tpu.memory_space<vmem>>, vector<16xf32>,
      %mul3A_687 = vector.broadcast %squeeze3A_659 : f32 to vector<16xf32>
      %mul3A_688 = arith.mulf %get3A_686, %mul3A_687 : vector<16xf32>
      %swap3A_689 = arith.index_cast %scan3A_655 : i32 to index
      %swap3A_690 = arith.constant 48 : index
      %swap3A_691 = tpu.vector_load %arg25[%swap3A_689, %swap3A_690] {strides = array<i32>} : memref<128x128xf32, #tpu.memory_space<vmem>>, vector<16xf32>,
      tpu.vector_store %arg25[%swap3A_689, %swap3A_690], %mul3A_688 {strides = array<i32>} : memref<128x128xf32, #tpu.memory_space<vmem>>, vector<16xf32>,
      %get3A_692 = arith.index_cast %scan3A_655 : i32 to index
      %get3A_693 = arith.constant 64 : index
      %get3A_694 = tpu.vector_load %arg25[%get3A_692, %get3A_693] {strides = array<i32>} : memref<128x128xf32, #tpu.memory_space<vmem>>, vector<16xf32>,
      %mul3A_695 = vector.broadcast %squeeze3A_659 : f32 to vector<16xf32>
      %mul3A_696 = arith.mulf %get3A_694, %mul3A_695 : vector<16xf32>
      %swap3A_697 = arith.index_cast %scan3A_655 : i32 to index
      %swap3A_698 = arith.constant 64 : index
      %swap3A_699 = tpu.vector_load %arg25[%swap3A_697, %swap3A_698] {strides = array<i32>} : memref<128x128xf32, #tpu.memory_space<vmem>>, vector<16xf32>,
      tpu.vector_store %arg25[%swap3A_697, %swap3A_698], %mul3A_696 {strides = array<i32>} : memref<128x128xf32, #tpu.memory_space<vmem>>, vector<16xf32>,
      %get3A_700 = arith.index_cast %scan3A_655 : i32 to index
      %get3A_701 = arith.constant 80 : index
      %get3A_702 = tpu.vector_load %arg25[%get3A_700, %get3A_701] {strides = array<i32>} : memref<128x128xf32, #tpu.memory_space<vmem>>, vector<16xf32>,
      %mul3A_703 = vector.broadcast %squeeze3A_659 : f32 to vector<16xf32>
      %mul3A_704 = arith.mulf %get3A_702, %mul3A_703 : vector<16xf32>
      %swap3A_705 = arith.index_cast %scan3A_655 : i32 to index
      %swap3A_706 = arith.constant 80 : index
      %swap3A_707 = tpu.vector_load %arg25[%swap3A_705, %swap3A_706] {strides = array<i32>} : memref<128x128xf32, #tpu.memory_space<vmem>>, vector<16xf32>,
      tpu.vector_store %arg25[%swap3A_705, %swap3A_706], %mul3A_704 {strides = array<i32>} : memref<128x128xf32, #tpu.memory_space<vmem>>, vector<16xf32>,
      %get3A_708 = arith.index_cast %scan3A_655 : i32 to index
      %get3A_709 = arith.constant 96 : index
      %get3A_710 = tpu.vector_load %arg25[%get3A_708, %get3A_709] {strides = array<i32>} : memref<128x128xf32, #tpu.memory_space<vmem>>, vector<16xf32>,
      %mul3A_711 = vector.broadcast %squeeze3A_659 : f32 to vector<16xf32>
      %mul3A_712 = arith.mulf %get3A_710, %mul3A_711 : vector<16xf32>
      %swap3A_713 = arith.index_cast %scan3A_655 : i32 to index
      %swap3A_714 = arith.constant 96 : index
      %swap3A_715 = tpu.vector_load %arg25[%swap3A_713, %swap3A_714] {strides = array<i32>} : memref<128x128xf32, #tpu.memory_space<vmem>>, vector<16xf32>,
      tpu.vector_store %arg25[%swap3A_713, %swap3A_714], %mul3A_712 {strides = array<i32>} : memref<128x128xf32, #tpu.memory_space<vmem>>, vector<16xf32>,
      %get3A_716 = arith.index_cast %scan3A_655 : i32 to index
      %get3A_717 = arith.constant 112 : index
      %get3A_718 = tpu.vector_load %arg25[%get3A_716, %get3A_717] {strides = array<i32>} : memref<128x128xf32, #tpu.memory_space<vmem>>, vector<16xf32>,
      %mul3A_719 = vector.broadcast %squeeze3A_659 : f32 to vector<16xf32>
      %mul3A_720 = arith.mulf %get3A_718, %mul3A_719 : vector<16xf32>
      %swap3A_721 = arith.index_cast %scan3A_655 : i32 to index
      %swap3A_722 = arith.constant 112 : index
      %swap3A_723 = tpu.vector_load %arg25[%swap3A_721, %swap3A_722] {strides = array<i32>} : memref<128x128xf32, #tpu.memory_space<vmem>>, vector<16xf32>,
      tpu.vector_store %arg25[%swap3A_721, %swap3A_722], %mul3A_720 {strides = array<i32>} : memref<128x128xf32, #tpu.memory_space<vmem>>, vector<16xf32>,
      %scan3A_724 = arith.constant 3 : i32
      %scan3A_725 = arith.addi %scan3A_517, %scan3A_724 : i32
      %get3A_726 = arith.index_cast %scan3A_725 : i32 to index
      %get3A_727 = tpu.vector_load %arg24[%get3A_726] {strides = array<i32>} : memref<144xf32, #tpu.memory_space<vmem>>, vector<16xf32>,
      %slice3A_728 = vector.extract_strided_slice %get3A_727 {offsets = [0], sizes = [1], strides = [1]} : vector<16xf32> to vector<1xf32>
      %squeeze3A_729 = vector.extract %slice3A_728[0] : f32 from vector<1xf32>
      %get3A_730 = arith.index_cast %scan3A_725 : i32 to index
      %get3A_731 = arith.constant 0 : index
      %get3A_732 = tpu.vector_load %arg25[%get3A_730, %get3A_731] {strides = array<i32>} : memref<128x128xf32, #tpu.memory_space<vmem>>, vector<16xf32>,
      %mul3A_733 = vector.broadcast %squeeze3A_729 : f32 to vector<16xf32>
      %mul3A_734 = arith.mulf %get3A_732, %mul3A_733 : vector<16xf32>
      %swap3A_735 = arith.index_cast %scan3A_725 : i32 to index
      %swap3A_736 = arith.constant 0 : index
      %swap3A_737 = tpu.vector_load %arg25[%swap3A_735, %swap3A_736] {strides = array<i32>} : memref<128x128xf32, #tpu.memory_space<vmem>>, vector<16xf32>,
      tpu.vector_store %arg25[%swap3A_735, %swap3A_736], %mul3A_734 {strides = array<i32>} : memref<128x128xf32, #tpu.memory_space<vmem>>, vector<16xf32>,
      %get3A_738 = arith.index_cast %scan3A_725 : i32 to index
      %get3A_739 = arith.constant 16 : index
      %get3A_740 = tpu.vector_load %arg25[%get3A_738, %get3A_739] {strides = array<i32>} : memref<128x128xf32, #tpu.memory_space<vmem>>, vector<16xf32>,
      %mul3A_741 = vector.broadcast %squeeze3A_729 : f32 to vector<16xf32>
      %mul3A_742 = arith.mulf %get3A_740, %mul3A_741 : vector<16xf32>
      %swap3A_743 = arith.index_cast %scan3A_725 : i32 to index
      %swap3A_744 = arith.constant 16 : index
      %swap3A_745 = tpu.vector_load %arg25[%swap3A_743, %swap3A_744] {strides = array<i32>} : memref<128x128xf32, #tpu.memory_space<vmem>>, vector<16xf32>,
      tpu.vector_store %arg25[%swap3A_743, %swap3A_744], %mul3A_742 {strides = array<i32>} : memref<128x128xf32, #tpu.memory_space<vmem>>, vector<16xf32>,
      %get3A_746 = arith.index_cast %scan3A_725 : i32 to index
      %get3A_747 = arith.constant 32 : index
      %get3A_748 = tpu.vector_load %arg25[%get3A_746, %get3A_747] {strides = array<i32>} : memref<128x128xf32, #tpu.memory_space<vmem>>, vector<16xf32>,
      %mul3A_749 = vector.broadcast %squeeze3A_729 : f32 to vector<16xf32>
      %mul3A_750 = arith.mulf %get3A_748, %mul3A_749 : vector<16xf32>
      %swap3A_751 = arith.index_cast %scan3A_725 : i32 to index
      %swap3A_752 = arith.constant 32 : index
      %swap3A_753 = tpu.vector_load %arg25[%swap3A_751, %swap3A_752] {strides = array<i32>} : memref<128x128xf32, #tpu.memory_space<vmem>>, vector<16xf32>,
      tpu.vector_store %arg25[%swap3A_751, %swap3A_752], %mul3A_750 {strides = array<i32>} : memref<128x128xf32, #tpu.memory_space<vmem>>, vector<16xf32>,
      %get3A_754 = arith.index_cast %scan3A_725 : i32 to index
      %get3A_755 = arith.constant 48 : index
      %get3A_756 = tpu.vector_load %arg25[%get3A_754, %get3A_755] {strides = array<i32>} : memref<128x128xf32, #tpu.memory_space<vmem>>, vector<16xf32>,
      %mul3A_757 = vector.broadcast %squeeze3A_729 : f32 to vector<16xf32>
      %mul3A_758 = arith.mulf %get3A_756, %mul3A_757 : vector<16xf32>
      %swap3A_759 = arith.index_cast %scan3A_725 : i32 to index
      %swap3A_760 = arith.constant 48 : index
      %swap3A_761 = tpu.vector_load %arg25[%swap3A_759, %swap3A_760] {strides = array<i32>} : memref<128x128xf32, #tpu.memory_space<vmem>>, vector<16xf32>,
      tpu.vector_store %arg25[%swap3A_759, %swap3A_760], %mul3A_758 {strides = array<i32>} : memref<128x128xf32, #tpu.memory_space<vmem>>, vector<16xf32>,
      %get3A_762 = arith.index_cast %scan3A_725 : i32 to index
      %get3A_763 = arith.constant 64 : index
      %get3A_764 = tpu.vector_load %arg25[%get3A_762, %get3A_763] {strides = array<i32>} : memref<128x128xf32, #tpu.memory_space<vmem>>, vector<16xf32>,
      %mul3A_765 = vector.broadcast %squeeze3A_729 : f32 to vector<16xf32>
      %mul3A_766 = arith.mulf %get3A_764, %mul3A_765 : vector<16xf32>
      %swap3A_767 = arith.index_cast %scan3A_725 : i32 to index
      %swap3A_768 = arith.constant 64 : index
      %swap3A_769 = tpu.vector_load %arg25[%swap3A_767, %swap3A_768] {strides = array<i32>} : memref<128x128xf32, #tpu.memory_space<vmem>>, vector<16xf32>,
      tpu.vector_store %arg25[%swap3A_767, %swap3A_768], %mul3A_766 {strides = array<i32>} : memref<128x128xf32, #tpu.memory_space<vmem>>, vector<16xf32>,
      %get3A_770 = arith.index_cast %scan3A_725 : i32 to index
      %get3A_771 = arith.constant 80 : index
      %get3A_772 = tpu.vector_load %arg25[%get3A_770, %get3A_771] {strides = array<i32>} : memref<128x128xf32, #tpu.memory_space<vmem>>, vector<16xf32>,
      %mul3A_773 = vector.broadcast %squeeze3A_729 : f32 to vector<16xf32>
      %mul3A_774 = arith.mulf %get3A_772, %mul3A_773 : vector<16xf32>
      %swap3A_775 = arith.index_cast %scan3A_725 : i32 to index
      %swap3A_776 = arith.constant 80 : index
      %swap3A_777 = tpu.vector_load %arg25[%swap3A_775, %swap3A_776] {strides = array<i32>} : memref<128x128xf32, #tpu.memory_space<vmem>>, vector<16xf32>,
      tpu.vector_store %arg25[%swap3A_775, %swap3A_776], %mul3A_774 {strides = array<i32>} : memref<128x128xf32, #tpu.memory_space<vmem>>, vector<16xf32>,
      %get3A_778 = arith.index_cast %scan3A_725 : i32 to index
      %get3A_779 = arith.constant 96 : index
      %get3A_780 = tpu.vector_load %arg25[%get3A_778, %get3A_779] {strides = array<i32>} : memref<128x128xf32, #tpu.memory_space<vmem>>, vector<16xf32>,
      %mul3A_781 = vector.broadcast %squeeze3A_729 : f32 to vector<16xf32>
      %mul3A_782 = arith.mulf %get3A_780, %mul3A_781 : vector<16xf32>
      %swap3A_783 = arith.index_cast %scan3A_725 : i32 to index
      %swap3A_784 = arith.constant 96 : index
      %swap3A_785 = tpu.vector_load %arg25[%swap3A_783, %swap3A_784] {strides = array<i32>} : memref<128x128xf32, #tpu.memory_space<vmem>>, vector<16xf32>,
      tpu.vector_store %arg25[%swap3A_783, %swap3A_784], %mul3A_782 {strides = array<i32>} : memref<128x128xf32, #tpu.memory_space<vmem>>, vector<16xf32>,
      %get3A_786 = arith.index_cast %scan3A_725 : i32 to index
      %get3A_787 = arith.constant 112 : index
      %get3A_788 = tpu.vector_load %arg25[%get3A_786, %get3A_787] {strides = array<i32>} : memref<128x128xf32, #tpu.memory_space<vmem>>, vector<16xf32>,
      %mul3A_789 = vector.broadcast %squeeze3A_729 : f32 to vector<16xf32>
      %mul3A_790 = arith.mulf %get3A_788, %mul3A_789 : vector<16xf32>
      %swap3A_791 = arith.index_cast %scan3A_725 : i32 to index
      %swap3A_792 = arith.constant 112 : index
      %swap3A_793 = tpu.vector_load %arg25[%swap3A_791, %swap3A_792] {strides = array<i32>} : memref<128x128xf32, #tpu.memory_space<vmem>>, vector<16xf32>,
      tpu.vector_store %arg25[%swap3A_791, %swap3A_792], %mul3A_790 {strides = array<i32>} : memref<128x128xf32, #tpu.memory_space<vmem>>, vector<16xf32>,
    }
    %scan3A_516 = arith.constant 128 : i32
    "tpu.region"() ({
      %run_scoped3A = tpu.sem_alloc : memref<!tpu.dma_semaphore, #tpu.memory_space<semaphore_mem>>
      %dma_start3A_517 = arith.constant 0 : i32
      %dma_start3A_518 = arith.constant 0 : i32
      %dma_start3A_519 = tpu.memref_slice %arg4[%dma_start3A_517, %dma_start3A_518] : memref<1040x128xf32, #tpu.memory_space<hbm>> -> memref<1040x128xf32, #tpu.memory_space<hbm>>
      tpu.enqueue_indirect_dma source(%arg25 : memref<128x128xf32, #tpu.memory_space<vmem>>) target(%dma_start3A_519 : memref<1040x128xf32, #tpu.memory_space<hbm>>) offsets(%arg22 : memref<128xi32, #tpu.memory_space<vmem>>) semaphore(%run_scoped3A : memref<!tpu.dma_semaphore, #tpu.memory_space<semaphore_mem>>)
      %dma_wait3A_520 = arith.constant 0 : i32
      %dma_wait3A_521 = arith.constant 0 : i32
      %dma_wait3A_522 = tpu.memref_slice %arg4[%dma_wait3A_520, %dma_wait3A_521] : memref<1040x128xf32, #tpu.memory_space<hbm>> -> memref<1040x128xf32, #tpu.memory_space<hbm>>
      tpu.wait_indirect_dma semaphore(%run_scoped3A : memref<!tpu.dma_semaphore, #tpu.memory_space<semaphore_mem>>) src(%arg25 : memref<128x128xf32, #tpu.memory_space<vmem>>) dst(%dma_wait3A_522 : memref<1040x128xf32, #tpu.memory_space<hbm>>)
      tpu.yield
    }) : () -> ()
    return
  }
}

module attributes {stable_mosaic.version = 14 : i64} {
  func.func @_keys_body(%arg0: i32, %arg1: memref<7168x128xf32, #tpu.memory_space<vmem>>, %arg2: memref<1x128xf32, #tpu.memory_space<vmem>>, %arg3: memref<1x1xf32, #tpu.memory_space<vmem>>, %arg4: memref<7168xi32, #tpu.memory_space<vmem>>) attributes {dimension_semantics = [#tpu.dimension_semantics<arbitrary>], iteration_bounds = array<i64: 14>, scalar_prefetch = 0 : i64, scratch_operands = 0 : i64, tpu.core_type = #tpu.core_type<tc>, window_params = [{transform_indices = @transform_0, window_bounds = array<i64: 7168, 128>}, {pipeline_mode = #tpu.pipeline_mode<synchronous>, transform_indices = @transform_1, window_bounds = array<i64: 1, 128>}, {pipeline_mode = #tpu.pipeline_mode<synchronous>, transform_indices = @transform_2, window_bounds = array<i64: 1, 1>}, {transform_indices = @transform_3, window_bounds = array<i64: 7168>}]} {
    %get3A = arith.constant 0 : index
    %get3A_0 = arith.constant 0 : index
    %get3A_1 = vector.load %arg2[%get3A, %get3A_0] : memref<1x128xf32, #tpu.memory_space<vmem>>, vector<1x128xf32>
    %get3A_2 = arith.constant 0 : index
    %get3A_3 = arith.constant 0 : index
    %get3A_4 = vector.load %arg1[%get3A_2, %get3A_3] : memref<7168x128xf32, #tpu.memory_space<vmem>>, vector<7168x128xf32>
    %dot_general3A = arith.constant dense<0.000000e+00> : vector<1x7168xf32>
    %dot_general3A_5 = tpu.matmul %get3A_1, %get3A_4, %dot_general3A {dimension_numbers = #tpu.dot_dimension_numbers<[1], [1], [0], [0], [0, 0, 1, 0], [], []>, transpose_lhs_hint = false} : vector<1x128xf32>, vector<7168x128xf32>, vector<1x7168xf32> -> vector<1x7168xf32>
    %reshape3A = vector.shape_cast %dot_general3A_5 : vector<1x7168xf32> to vector<7168xf32>
    %get3A_6 = arith.constant 0 : index
    %get3A_7 = arith.constant 0 : index
    %get3A_8 = vector.load %arg3[%get3A_6, %get3A_7] : memref<1x1xf32, #tpu.memory_space<vmem>>, vector<1x1xf32>
    %get3A_9 = vector.extract %get3A_8[0, 0] : f32 from vector<1x1xf32>
    %div3A = vector.broadcast %get3A_9 : f32 to vector<7168xf32>
    %div3A_10 = arith.divf %reshape3A, %div3A : vector<7168xf32>
    %bitcast_convert_type3A = tpu.bitcast %div3A_10 : vector<7168xf32> -> vector<7168xi32>
    %bitcast_convert_type3A_11 = tpu.bitcast %div3A_10 : vector<7168xf32> -> vector<7168xi32>
    %shift_right_arithmetic3A = arith.constant 31 : i32
    %shift_right_arithmetic3A_12 = vector.broadcast %shift_right_arithmetic3A : i32 to vector<7168xi32>
    %shift_right_arithmetic3A_13 = arith.shrsi %bitcast_convert_type3A_11, %shift_right_arithmetic3A_12 : vector<7168xi32>
    %bitcast_convert_type3A_14 = tpu.bitcast %shift_right_arithmetic3A_13 : vector<7168xi32> -> vector<7168xi32>
    %or3A = arith.constant -2147483648 : i32
    %or3A_15 = vector.broadcast %or3A : i32 to vector<7168xi32>
    %or3A_16 = arith.ori %bitcast_convert_type3A_14, %or3A_15 : vector<7168xi32>
    %xor3A = arith.xori %bitcast_convert_type3A, %or3A_16 : vector<7168xi32>
    %swap3A = arith.constant 0 : index
    %swap3A_17 = vector.load %arg4[%swap3A] : memref<7168xi32, #tpu.memory_space<vmem>>, vector<7168xi32>
    tpu.vector_store %arg4[%swap3A], %xor3A {strides = array<i32>} : memref<7168xi32, #tpu.memory_space<vmem>>, vector<7168xi32>,
    %eq3A = arith.constant 13 : i32
    %eq3A_18 = arith.cmpi eq, %arg0, %eq3A : i32
    %convert_element_type3A = arith.extui %eq3A_18 : i1 to i32
    %cond3A = arith.constant 0 : i32
    %cond3A_19 = arith.cmpi ne, %convert_element_type3A, %cond3A : i32
    scf.if %cond3A_19 {
      %broadcast_in_dim3A = arith.constant 0 : i32
      %broadcast_in_dim3A_20 = vector.broadcast %broadcast_in_dim3A : i32 to vector<352xi32>
      %swap3A_21 = arith.constant 6816 : index
      %swap3A_22 = vector.load %arg4[%swap3A_21] : memref<7168xi32, #tpu.memory_space<vmem>>, vector<352xi32>
      tpu.vector_store %arg4[%swap3A_21], %broadcast_in_dim3A_20 {strides = array<i32>} : memref<7168xi32, #tpu.memory_space<vmem>>, vector<352xi32>,
    } else {
    }
    return
  }
  func.func @transform_0(%arg0: i32) -> (i32, i32) {
    %c0_i32 = arith.constant 0 : i32
    %c0_i32_0 = arith.constant 0 : i32
    return %arg0, %c0_i32 : i32, i32
  }
  func.func @transform_1(%arg0: i32) -> (i32, i32) {
    %c0_i32 = arith.constant 0 : i32
    %c0_i32_0 = arith.constant 0 : i32
    %c0_i32_1 = arith.constant 0 : i32
    return %c0_i32, %c0_i32_0 : i32, i32
  }
  func.func @transform_2(%arg0: i32) -> (i32, i32) {
    %c0_i32 = arith.constant 0 : i32
    %c0_i32_0 = arith.constant 0 : i32
    %c0_i32_1 = arith.constant 0 : i32
    return %c0_i32, %c0_i32_0 : i32, i32
  }
  func.func @transform_3(%arg0: i32) -> i32 {
    %c0_i32 = arith.constant 0 : i32
    return %arg0 : i32
  }
}

</mosaic_0001>

<sc_bundles>
// kernel: _pipeline.4.cloned.1.call-start
scs
__scs_entry_jumppad:
0x0: {  	(pc) =	sbr.rel $0x88, $3  }
0x1: {  	(tag) =	ssettag $0x0;
	lr =	simm.s32 $0x1  }
0x2: {  	[smem:$0x3F9F] =	sst lr;
	_ =	strace $0xD0000000  }
0x3: {  	_ = 	snop  }
0x4: {  	_ = 	snop  }
0x5: {  	_ = 	snop  }
0x6: {  	_ = 	snop  }
0x7: {  	_ = 	snop  }
__scs_overlays_trampoline_lowered:
0x8: {  	[smem:$0x3FAE] =	sst s0  }
0x9: {  	[smem:$0x3FAF] =	sst s1  }
0xa: {  	[smem:$0x3FB0] =	sst s2  }
0xb: {  	[smem:$0x3FB1] =	sst s3  }
0xc: {  	[smem:$0x3FB2] =	sst s4  }
0xd: {  	[smem:$0x3FB3] =	sst s5  }
0xe: {  	[smem:$0x3FB4] =	sst s6  }
0xf: {  	[smem:$0x3FB5] =	sst s7  }
0x10: {  	[smem:$0x3FB6] =	sst s8  }
0x11: {  	[smem:$0x3FB7] =	sst s9;
	s0 =	simm.s32 @!p0 $0x0  }
0x12: {  	s1 =	sld [smem:$0x3F9D];
	s0 =	simm.s32 @p0 $0x1  }
0x13: {  	[smem:$0x3FB8] =	sst s0;
	s0 =	simm.s32 @!p1 $0x0  }
0x14: {  	s2 =	sld [smem:$0x3F9C];
	s0 =	simm.s32 @p1 $0x1  }
0x15: {  	[smem:$0x3FB9] =	sst s0;
	s0 =	simm.s32 @!p2 $0x0  }
0x16: {  	s3 =	sld [smem:$0x3FDB];
	s0 =	simm.s32 @p2 $0x1  }
0x17: {  	s4 =	simm.s32 $0x1BF5;
	[smem:$0x3FBB] =	sst s0  }
0x18: {  	s0 =	sld [smem:$0x3F9E];
	_ =	swait.ge [sflag:s4], $0x0  }
0x19: {  	s7 =	sld [smem:$0x3F9F]  }
0x1a: {  	s8 =	sadd.s32 $0xFFFFE003, lr  }
0x1b: {  	s9 =	sadd.s32 $0xFFFFFEF7, lr;
	s5 =	simm.s32 $0xFFFFFFFF;
	p2 =	slt.u32 s8, $0xFFFFF086  }
0x1c: {  	p1 =	slt.u32 s9, $0xF7A;
	s5 =	simm.s32 @!p2 $0x0  }
0x1d: {  	s5 =	simm.s32 @p1 $0x1;
	p0 =	seq.s32 s7, s2  }
0x1e: {  	s7 =	smul.u32 @!p0 $0xF7A, s2;
	p2 =	seq.s32 @!p0 s5, $0x0  }
0x1f: {  	s9 =	smul.u32 $0xF7A, s1;
	s8 =	simm.s32 @!p0 $0x1BF5;
	p2 =	por !p2, p0  }
0x20: {  	[sflag:s8] =	ssyncset.s32 @!p0 $0xFFFFF086;
	s6 =	sadd.s32 @!p0 s3, s7;
	s7 =	simm.s32 @!p0 $0x108  }
0x21: {  	s3 =	sadd.s32 s3, s9;
	s6 =	sadd.s32 @!p0 $0x88, s6;
	s7 =	simm.s32 @p2 $0x1082  }
0x22: {  	[simem:s7], [sflag:s8] =	dma.local @!p0 [hbm:s6], $0xF7A  }
0x23: {  	s9 =	sor.u32 $0xD0000000, s2;
	s6 =	simm.s32 $0x108;
	_ =	swait.ge @!p0 [sflag:s8], $0x0  }
0x24: {  	s3 =	sadd.s32 $0x88, s3;
	s6 =	simm.s32 @!p1 $0x1082;
	[sflag:s4] =	ssyncset.s32 $0xFFFFF086  }
0x25: {  	[simem:s6], [sflag:s4] =	dma.local [hbm:s3], $0xF7A  }
0x26: {  	[smem:$0x3F9F] =	sst s1;
	(tag) =	ssettag s2;
	_ =	strace s9  }
0x27: {  	s1 =	sld [smem:$0x3FAF]  }
0x28: {  	s2 =	sld [smem:$0x3FB0]  }
0x29: {  	s4 =	sld [smem:$0x3FB2]  }
0x2a: {  	p0 =	seq.s32 s5, $0x0;
	s5 =	sld [smem:$0x3FB3]  }
0x2b: {  	s6 =	sld [smem:$0x3FB4]  }
0x2c: {  	s7 =	sld [smem:$0x3FB5]  }
0x2d: {  	s3 =	simm.s32 $0x108;
	s8 =	sld [smem:$0x3FB6]  }
0x2e: {  	s3 =	simm.s32 @!p0 $0x1082;
	s9 =	sld [smem:$0x3FB7]  }
0x2f: {  	lr =	sadd.s32 s0, s3;
	s0 =	sld [smem:$0x3FAE]  }
0x30: {  	s3 =	sld [smem:$0x3FB1]  }
0x31: {  	[smem:$0x3FBA] =	sst s10  }
0x32: {  	s10 =	sld [smem:$0x3FB8];
	_ =	sdelay $0x3  }
0x33: {  	p0 =	seq.s32 s10, $0x1;
	s10 =	sld [smem:$0x3FBA];
	_ =	sdelay $0x3  }
0x34: {  	[smem:$0x3FBA] =	sst s10  }
0x35: {  	s10 =	sld [smem:$0x3FB9];
	_ =	sdelay $0x3  }
0x36: {  	p1 =	seq.s32 s10, $0x1;
	s10 =	sld [smem:$0x3FBA];
	_ =	sdelay $0x3  }
0x37: {  	[smem:$0x3FBA] =	sst s10  }
0x38: {  	s10 =	sld [smem:$0x3FBB]  }
0x39: {  	_ = 	snop;
	(pc) =	sbr.ind lr, $3  }
0x3a: {  	_ = 	snop  }
0x3b: {  	_ = 	snop  }
0x3c: {  	p2 =	seq.s32 s10, $0x1;
	s10 =	sld [smem:$0x3FBA]  }
0x3d: {  	_ =	shalt  }
0x3e: {  	_ =	shalt  }
0x3f: {  	_ =	shalt  }
0x40: {  	_ =	shalt  }
0x41: {  	_ =	shalt  }
0x42: {  	_ =	shalt  }
0x43: {  	_ =	shalt  }
0x44: {  	_ =	shalt  }
0x45: {  	_ =	shalt  }
0x46: {  	_ =	shalt  }
0x47: {  	_ =	shalt  }
0x48: {  	_ =	shalt  }
0x49: {  	_ =	shalt  }
0x4a: {  	_ =	shalt  }
0x4b: {  	_ =	shalt  }
0x4c: {  	_ =	shalt  }
0x4d: {  	_ =	shalt  }
0x4e: {  	_ =	shalt  }
0x4f: {  	_ =	shalt  }
0x50: {  	_ =	shalt  }
0x51: {  	_ =	shalt  }
0x52: {  	_ =	shalt  }
0x53: {  	_ =	shalt  }
0x54: {  	_ =	shalt  }
0x55: {  	_ =	shalt  }
0x56: {  	_ =	shalt  }
0x57: {  	_ =	shalt  }
0x58: {  	_ =	shalt  }
0x59: {  	_ =	shalt  }
0x5a: {  	_ =	shalt  }
0x5b: {  	_ =	shalt  }
0x5c: {  	_ =	shalt  }
0x5d: {  	_ =	shalt  }
0x5e: {  	_ =	shalt  }
0x5f: {  	_ =	shalt  }
0x60: {  	_ =	shalt  }
0x61: {  	_ =	shalt  }
0x62: {  	_ =	shalt  }
0x63: {  	_ =	shalt  }
0x64: {  	_ =	shalt  }
0x65: {  	_ =	shalt  }
0x66: {  	_ =	shalt  }
0x67: {  	_ =	shalt  }
0x68: {  	_ =	shalt  }
0x69: {  	_ =	shalt  }
0x6a: {  	_ =	shalt  }
0x6b: {  	_ =	shalt  }
0x6c: {  	_ =	shalt  }
0x6d: {  	_ =	shalt  }
0x6e: {  	_ =	shalt  }
0x6f: {  	_ =	shalt  }
0x70: {  	_ =	shalt  }
0x71: {  	_ =	shalt  }
0x72: {  	_ =	shalt  }
0x73: {  	_ =	shalt  }
0x74: {  	_ =	shalt  }
0x75: {  	_ =	shalt  }
0x76: {  	_ =	shalt  }
0x77: {  	_ =	shalt  }
0x78: {  	_ =	shalt  }
0x79: {  	_ =	shalt  }
0x7a: {  	_ =	shalt  }
0x7b: {  	_ =	shalt  }
0x7c: {  	_ =	shalt  }
0x7d: {  	_ =	shalt  }
0x7e: {  	_ =	shalt  }
0x7f: {  	_ =	shalt  }
0x80: {  	_ =	shalt  }
0x81: {  	_ =	shalt  }
0x82: {  	_ =	shalt  }
0x83: {  	_ =	shalt  }
0x84: {  	_ =	shalt  }
0x85: {  	_ =	shalt  }
0x86: {  	_ =	shalt  }
0x87: {  	_ =	shalt  }
.Lfunc_end0:
.L_simem_size_0:
called_computation_lowered:
.L_overlay_start_0:
0x88: {  	s0 =	sld [smem:$0x3FD9]  }
0x89: {  	s1 =	sld [smem:$0x3FFE];
	_ =	sdelay $0x3  }
0x8a: {  	s0 =	sadd.s32 s1, s0  }
0x8b: {  	[smem:$0x3FC6] =	sst s0  }
0x8c: {  	_ = 	snop  }
0x8d: {  	s0 =	sld [smem:$0x3FC9]  }
0x8e: {  	s16 =	sld [smem:$0x3FD0];
	(tm) =	ssettm $0x1  }
0x8f: {  	s2 =	sld [smem:$0x3FFB];
	_ =	sdelay $0x3  }
0x90: {  	_ =	strace s2  }
0x91: {  	s2 =	sld [smem:$0x3FFC];
	_ =	sdelay $0x3  }
0x92: {  	_ =	strace s2  }
0x93: {  	s2 =	sld [smem:$0x3FFD];
	_ =	sdelay $0x3  }
0x94: {  	_ =	strace s2  }
0x95: {  	_ =	strace $0x8FFFFFFF  }
0x96: {  	s17 =	sld [smem:$0x3FDB];
	_ =	sdelay $0x1  }
0x97: {  	s3 =	simm.s32 $_scs_section_size  }
0x98: {  	s4 =	simm.s32 $_size__tile_overlayer_lowered;
	s5 =	simm.s32 $_tile_overlayer_lowered  }
0x99: {  	s20 =	simm.s32 $0x1BFF;
	s19 =	sshll.u32 s5, $0x1;
	s2 =	sadd.s32 s3, s17  }
0x9a: {  	s6 =	simm.s32 $0x0;
	s18 =	sshll.u32 s4, $0x1;
	s4 =	sadd.s32 s19, s2  }
0x9b: {  	[timem:s6], [sflag:s20] =	dma.local [hbm:s4], s18  }
0x9c: {  	_ =	swait.ge [sflag:s20], s18  }
0x9d: {  	s3 =	ssub.s32 $0x0, s18;
	[sflag:s20] =	ssyncset.done $0x0  }
0x9e: {  	[sflag:s20] =	ssyncadd.s32 s3;
	_ =	sdelay $0x1  }
0x9f: {  	s21 =	simm.s32 $0x1B8B  }
0xa0: {  	_ =	swait.ge [sflag:s21], $0x1  }
0xa1: {  	[sflag:s21] =	ssyncset.done $0x0  }
0xa2: {  	s23 =	simm.s32 $0x1B8E;
	s22 =	sld [smem:$0x3FFE];
	[sflag:s21] =	ssyncadd.s32 $0xFFFFFFFF  }
0xa3: {  	s24 =	simm.s32 $execute0_lowered;
	[smem:$0x3FD2] =	sst s23  }
0xa4: {  	s4 =	sshll.u32 s24, $0x1;
	_ =	strace $0x80000046;
	[dreg:$0x1] =	wrdreg $0xFFFFFFFF  }
0xa5: {  	s25 =	simm.s32 $_size_execute0_lowered;
	s2 =	sadd.s32 s2, s4;
	[dreg:$0x0] =	wrdreg $0x0  }
0xa6: {  	s4 =	sshll.u32 s25, $0x1;
	[dreg:$0x2] =	wrdreg s2  }
0xa7: {  	[dreg:$0x3] =	wrdreg s4  }
0xa8: {  	[dreg:$0x4] =	wrdreg $0xC0  }
0xa9: {  	_ =	task [dreg:s6], $0x5FFFF  }
0xaa: {  	[dreg:$0x1] =	wrdreg $0xFFFFFFFF  }
0xab: {  	[dreg:$0x0] =	wrdreg $0x60  }
0xac: {  	[dreg:$0x2] =	wrdreg s16  }
0xad: {  	[dreg:$0x3] =	wrdreg s0  }
0xae: {  	[dreg:$0x4] =	wrdreg s22  }
0xaf: {  	[dreg:$0x5] =	wrdreg $0xAF000  }
0xb0: {  	[dreg:$0x6] =	wrdreg $0xB3000  }
0xb1: {  	[dreg:$0x7] =	wrdreg $0xB3100  }
0xb2: {  	[dreg:$0x8] =	wrdreg $0xB3980  }
0xb3: {  	[dreg:$0x9] =	wrdreg $0x9  }
0xb4: {  	_ =	task.clear_ibuf [dreg:s6], $0xAFFFF;
	_ =	strace $0x90000046  }
0xb5: {  	s26 =	simm.s32 $0x9;
	_ =	strace $0x80000048  }
0xb6: {  	_ =	swait.ge [sflag:s26], $0x1  }
0xb7: {  	[sflag:s26] =	ssyncadd.s32 $0xFFFFFFFF  }
0xb8: {  	_ =	strace $0x90000048  }
0xb9: {  	_ =	sfence  }
0xba: {  	s28 =	sld [smem:$0x0];
	_ =	sdelay $0x1  }
0xbb: {  	s29 =	srdreg.scid  }
0xbc: {  	s30 =	sshll.u32 s29, $0xD;
	s31 =	sshrl.u32 s29, $0x2  }
0xbd: {  	s1 =	sand.u32 $0x1, s29;
	s2 =	sand.u32 $0x4000, s30;
	s0 =	sadd.s32 s31, s28  }
0xbe: {  	s1 =	sor.u32 s2, s1;
	s0 =	sshll.u32 s0, $0x11  }
0xbf: {  	s0 =	sor.u32 s0, s1  }
0xc0: {  	s0 =	sadd.s32 $0x8F2B, s0  }
0xc1: {  	[sflag:s0] =	ssyncadd.remote.s32 $0x1  }
0xc2: {  	_ =	sfence.sel $0xFFFF  }
0xc3: {  	[dreg:$0x0] =	wrdreg $0xFFFFFFFF;
	(pc) =	sbr.abs _section_cstart, $3  }
0xc4: {  	[dreg:$0x1] =	wrdreg $0xFFFFFFFF  }
0xc5: {  	_ =	task.clear_ibuf [dreg:s6], $0x2FFFF;
	_ =	strace $0x9FFFFFFF  }
0xc6: {  	(tm) =	ssettm $0x7FFFFFFF  }
0xc7: {  	_ =	shalt  }
tec
execute0_lowered:
.L_overlay_start_1:
0x0: {  	(tag) =	ssettag $0x1  }
0x1: {  	s1 =	rddreg [dreg:$0x0]  }
0x2: {  	s2 =	rddreg [dreg:$0x1]  }
0x3: {  	s10 =	rddreg [dreg:$0x2]  }
0x4: {  	s8 =	rddreg [dreg:$0x3]  }
0x5: {  	s6 =	rddreg [dreg:$0x4]  }
0x6: {  	s5 =	rddreg [dreg:$0x5];
	s3 =	stileid.u32  }
0x7: {  	s4 =	rddreg [dreg:$0x6];
	s7 =	smul.u32 $0x1880, s3  }
0x8: {  	s0 =	rddreg [dreg:$0x7];
	s9 =	simm.s32 $0x0  }
0x9: {  	[smem:$0x7FF] =	sst s9;
	s11 =	sshrl.u32 s7, $0x3  }
0xa: {  	s31 =	simm.s32 $0x2;
	_ =	strace $0x80000047;
	s1 =	sadd.s32 s1, s11  }
0xb: {  	[tilespmem:s9], [sflag:$0x2] =	stream.linear.gather [hbm4b:s1+s9], $0x1880, $0x38;
	[tilespmem:$0xB420] =	vst v63  }
0xc: {  	_ =	swait.ge [sflag:s31], $0x1880  }
0xd: {  	[sflag:s31] =	ssyncset.done $0x0  }
0xe: {  	v0 =	vimm.s32 $0x0;
	s9 =	simm.s32 $0x18C0;
	[sflag:s31] =	ssyncadd.s32 $0xFFFFE780  }
0xf: {  	[tilespmem:s9+$0xFFFFFFC0] =	vst v0  }
0x10: {  	[tilespmem:s9+$0x30] =	vst v0  }
0x11: {  	[tilespmem:s9+$0x20] =	vst v0  }
0x12: {  	[tilespmem:s9+$0x10] =	vst v0  }
0x13: {  	[tilespmem:s9+$0x0] =	vst v0  }
0x14: {  	[tilespmem:s9+$0xFFFFFFF0] =	vst v0  }
0x15: {  	s1 =	sadd.s32 $0x400, s10;
	s10 =	simm.s32 $0x0;
	[tilespmem:s9+$0xFFFFFFE0] =	vst v0  }
.LBB2_1:
0x16: {  	s10 =	sadd.s32 $0x8, s10;
	[tilespmem:s9+$0xFFFFFFD0] =	vst v0;
	s9 =	sadd.s32 $0x80, s9  }
0x17: {  	[tilespmem:s9+$0xFFFFFFC0] =	vst v0;
	p0 =	slt.u32 s10, $0xF8  }
0x18: {  	[tilespmem:s9+$0x30] =	vst v0  }
.Ltmp0:
0x19: {  	[tilespmem:s9+$0x20] =	vst v0;
	(pc) =	sbr.rel @p0 .LBB2_1-.Ltmp0, $4  }
0x1a: {  	[tilespmem:s9+$0x10] =	vst v0  }
0x1b: {  	[tilespmem:s9+$0x0] =	vst v0  }
0x1c: {  	[tilespmem:s9+$0xFFFFFFF0] =	vst v0  }
0x1d: {  	[tilespmem:s9+$0xFFFFFFE0] =	vst v0  }
0x1e: {  	v1 =	vlaneseq.u32  }
0x1f: {  	[tilespmem:s9+$0xFFFFFFD0] =	vst v0;
	s9 =	simm.s32 $0xFFFFFFFC;
	s10 =	simm.s32 $0x20;
	s11 =	simm.s32 $0x1880;
	v0 =	vmul.u32 $0x100, v1;
	v1 =	vimm.s32 $0x1  }
.LBB2_3:
0x20: {  	v2 =	vld [tilespmem:s10+$0xFFFFFFE0];
	_ =	sdelay $0x4  }
0x21: {  	v2 =	vshrl.u32 v2, $0x18  }
0x22: {  	v3 =	vand.u32 $0x80, v2  }
0x23: {  	v2 =	vand.u32 $0x7F, v2;
	v3 =	vor.u32 v0, v3  }
0x24: {  	v2 =	vor.u32 v2, v3;
	_ =	sdelay $0x4  }
0x25: {  	[tilespmem:v2+s11+$0x0] =	vst.idx.add.s32.msk $0xffff, v1  }
0x26: {  	v2 =	vld [tilespmem:s10+$0xFFFFFFF0];
	_ =	sdelay $0x4  }
0x27: {  	v2 =	vshrl.u32 v2, $0x18  }
0x28: {  	v3 =	vand.u32 $0x80, v2  }
0x29: {  	v2 =	vand.u32 $0x7F, v2;
	v3 =	vor.u32 v0, v3  }
0x2a: {  	v2 =	vor.u32 v2, v3;
	_ =	sdelay $0x4  }
0x2b: {  	[tilespmem:v2+s11+$0x0] =	vst.idx.add.s32.msk $0xffff, v1  }
0x2c: {  	v2 =	vld [tilespmem:s10+$0x0];
	_ =	sdelay $0x4  }
0x2d: {  	v2 =	vshrl.u32 v2, $0x18  }
0x2e: {  	v3 =	vand.u32 $0x80, v2  }
0x2f: {  	v2 =	vand.u32 $0x7F, v2;
	v3 =	vor.u32 v0, v3  }
0x30: {  	v2 =	vor.u32 v2, v3;
	_ =	sdelay $0x4  }
0x31: {  	[tilespmem:v2+s11+$0x0] =	vst.idx.add.s32.msk $0xffff, v1  }
0x32: {  	v2 =	vld [tilespmem:s10+$0x10];
	_ =	sdelay $0x4  }
0x33: {  	v2 =	vshrl.u32 v2, $0x18  }
0x34: {  	v3 =	vand.u32 $0x80, v2  }
0x35: {  	s9 =	sadd.s32 $0x4, s9;
	v2 =	vand.u32 $0x7F, v2;
	v3 =	vor.u32 v0, v3  }
0x36: {  	p0 =	slt.u32 s9, $0x184;
	v2 =	vor.u32 v2, v3  }
.Ltmp1:
0x37: {  	_ = 	snop;
	(pc) =	sbr.rel @p0 .LBB2_3-.Ltmp1, $2  }
0x38: {  	_ =	sdelay $0x2  }
0x39: {  	s10 =	sadd.s32 $0x40, s10;
	[tilespmem:v2+s11+$0x0] =	vst.idx.add.s32.msk $0xffff, v1  }
0x3a: {  	s9 =	simm.s32 $0x0  }
0x3b: {  	v1 =	vld [tilespmem:s11+$0x0];
	s9 =	sand.u32 $0xF0, s9  }
0x3c: {  	v0 =	vld [tilespmem:s9+$0x1980]  }
0x3d: {  	v2 =	vld [tilespmem:s9+$0x1A80]  }
0x3e: {  	v3 =	vld [tilespmem:s9+$0x1B80]  }
0x3f: {  	v4 =	vld [tilespmem:s9+$0x1C80]  }
0x40: {  	v5 =	vld [tilespmem:s9+$0x1D80]  }
0x41: {  	v0 =	vadd.s32 v1, v0;
	v1 =	vld [tilespmem:s9+$0x1E80]  }
0x42: {  	v0 =	vadd.s32 v2, v0;
	v2 =	vld [tilespmem:s9+$0x1F80]  }
0x43: {  	v0 =	vadd.s32 v3, v0;
	v3 =	vld [tilespmem:s9+$0x2080]  }
0x44: {  	v60 =	vld [tilespmem:s9+$0x2180];
	v0 =	vadd.s32 v4, v0  }
0x45: {  	v61 =	vld [tilespmem:s9+$0x2280];
	v0 =	vadd.s32 v5, v0  }
0x46: {  	v0 =	vadd.s32 v1, v0;
	v1 =	vld [tilespmem:s9+$0x2380]  }
0x47: {  	v0 =	vadd.s32 v2, v0;
	v2 =	vld [tilespmem:s9+$0x2480]  }
0x48: {  	v0 =	vadd.s32 v3, v0;
	v3 =	vld [tilespmem:s9+$0x2580]  }
0x49: {  	v62 =	vld [tilespmem:s9+$0x2680];
	v0 =	vadd.s32 v60, v0  }
0x4a: {  	v63 =	vld [tilespmem:s9+$0x2780];
	v0 =	vadd.s32 v61, v0  }
0x4b: {  	v0 =	vadd.s32 v1, v0  }
0x4c: {  	v0 =	vadd.s32 v2, v0  }
0x4d: {  	v0 =	vadd.s32 v3, v0  }
0x4e: {  	v0 =	vadd.s32 v62, v0  }
0x4f: {  	s10 =	simm.s32 $0x10;
	s9 =	simm.s32 $0x2880;
	v0 =	vadd.s32 v63, v0  }
0x50: {  	s10 =	sand.u32 $0xF0, s10;
	[tilespmem:s9+$0x0] =	vst v0  }
0x51: {  	s12 =	simm.s32 $0x20;
	s11 =	simm.s32 $0x1890;
	v0 =	vld [tilespmem:s10+$0x1980]  }
.LBB2_5:
0x52: {  	p0 =	sne.s32 s12, $0xF0;
	v1 =	vld [tilespmem:s11+$0x0]  }
0x53: {  	v2 =	vld [tilespmem:s10+$0x1A80]  }
0x54: {  	v3 =	vld [tilespmem:s10+$0x1B80]  }
0x55: {  	v4 =	vld [tilespmem:s10+$0x1C80]  }
0x56: {  	v5 =	vld [tilespmem:s10+$0x1D80]  }
0x57: {  	v0 =	vadd.s32 v1, v0;
	v1 =	vld [tilespmem:s10+$0x1E80]  }
0x58: {  	v0 =	vadd.s32 v2, v0;
	v2 =	vld [tilespmem:s10+$0x1F80]  }
0x59: {  	v0 =	vadd.s32 v3, v0;
	v3 =	vld [tilespmem:s10+$0x2080]  }
0x5a: {  	v0 =	vadd.s32 v4, v0;
	v4 =	vld [tilespmem:s10+$0x2180]  }
0x5b: {  	v0 =	vadd.s32 v5, v0;
	v5 =	vld [tilespmem:s10+$0x2280]  }
0x5c: {  	v0 =	vadd.s32 v1, v0;
	v1 =	vld [tilespmem:s10+$0x2380]  }
0x5d: {  	v0 =	vadd.s32 v2, v0;
	v2 =	vld [tilespmem:s10+$0x2480]  }
0x5e: {  	v0 =	vadd.s32 v3, v0;
	v3 =	vld [tilespmem:s10+$0x2580]  }
0x5f: {  	v0 =	vadd.s32 v4, v0;
	v4 =	vld [tilespmem:s10+$0x2680]  }
0x60: {  	v0 =	vadd.s32 v5, v0;
	v5 =	vld [tilespmem:s10+$0x2780]  }
0x61: {  	v0 =	vadd.s32 v1, v0  }
0x62: {  	v0 =	vadd.s32 v2, v0  }
.Ltmp2:
0x63: {  	v0 =	vadd.s32 v3, v0;
	(pc) =	sbr.rel @p0 .LBB2_5-.Ltmp2, $4  }
0x64: {  	v0 =	vadd.s32 v4, v0  }
0x65: {  	s9 =	sadd.s32 $0x10, s9;
	v0 =	vadd.s32 v5, v0  }
0x66: {  	s10 =	sand.u32 $0xF0, s12;
	[tilespmem:s9+$0x0] =	vst v0  }
0x67: {  	s11 =	sadd.s32 $0x10, s11;
	s12 =	sadd.s32 $0x10, s12;
	v0 =	vld [tilespmem:s10+$0x1980]  }
0x68: {  	v1 =	vld [tilespmem:s11+$0x0]  }
0x69: {  	v2 =	vld [tilespmem:s10+$0x1A80]  }
0x6a: {  	v3 =	vld [tilespmem:s10+$0x1B80]  }
0x6b: {  	v4 =	vld [tilespmem:s10+$0x1C80]  }
0x6c: {  	v5 =	vld [tilespmem:s10+$0x1D80]  }
0x6d: {  	v0 =	vadd.s32 v1, v0;
	v1 =	vld [tilespmem:s10+$0x1E80]  }
0x6e: {  	v0 =	vadd.s32 v2, v0;
	v2 =	vld [tilespmem:s10+$0x1F80]  }
0x6f: {  	v0 =	vadd.s32 v3, v0;
	v3 =	vld [tilespmem:s10+$0x2080]  }
0x70: {  	v0 =	vadd.s32 v4, v0;
	v4 =	vld [tilespmem:s10+$0x2180]  }
0x71: {  	v0 =	vadd.s32 v5, v0;
	v5 =	vld [tilespmem:s10+$0x2280]  }
0x72: {  	v0 =	vadd.s32 v1, v0;
	v1 =	vld [tilespmem:s10+$0x2380]  }
0x73: {  	v0 =	vadd.s32 v2, v0;
	v2 =	vld [tilespmem:s10+$0x2480]  }
0x74: {  	v0 =	vadd.s32 v3, v0;
	v3 =	vld [tilespmem:s10+$0x2580]  }
0x75: {  	v0 =	vadd.s32 v4, v0;
	v4 =	vld [tilespmem:s10+$0x2680]  }
0x76: {  	v0 =	vadd.s32 v5, v0;
	v5 =	vld [tilespmem:s10+$0x2780]  }
0x77: {  	v0 =	vadd.s32 v1, v0  }
0x78: {  	v0 =	vadd.s32 v2, v0  }
0x79: {  	v0 =	vadd.s32 v3, v0  }
0x7a: {  	v0 =	vadd.s32 v4, v0  }
0x7b: {  	s9 =	sadd.s32 $0x10, s9;
	s29 =	sshll.u32 s3, $0x8;
	v0 =	vadd.s32 v5, v0  }
0x7c: {  	s30 =	simm.s32 $0x2;
	s10 =	simm.s32 $0x2880;
	[tilespmem:s9+$0x0] =	vst v0;
	s9 =	sadd.s32 s29, s8  }
0x7d: {  	[spmem:s9] =	stream.linear.scatter [tilespmem:s10], [sflag:$0x2], $0x100, $0x38;
	[tilespmem:$0xB420] =	vst v63  }
0x7e: {  	_ =	swait.ge [sflag:s30], $0x100  }
0x7f: {  	[sflag:s30] =	ssyncset.done $0x0  }
0x80: {  	[sflag:s30] =	ssyncadd.s32 $0xFFFFFF00  }
0x81: {  	s12 =	simm.s32 $0x2A00;
	[bflag:$0x0] =	sbarrier.arrive $0xFFFF  }
0x82: {  	[tilespmem:s12], [sflag:$0x2] =	stream.linear.gather [spmem:s8], $0x1000, $0x38;
	[tilespmem:$0xB420] =	vst v63  }
0x83: {  	_ =	swait.ge [sflag:s30], $0x1000  }
0x84: {  	s16 =	simm.s32 $0x0;
	[sflag:s30] =	ssyncset.done $0x0  }
0x85: {  	s31 =	sand.u32 $0xF0, s16;
	[sflag:s30] =	ssyncadd.s32 $0xFFFFF000  }
0x86: {  	v0 =	vld [tilespmem:s31+$0x2B00]  }
0x87: {  	v1 =	vld [tilespmem:s12+$0x0]  }
0x88: {  	v2 =	vld [tilespmem:s31+$0x2C00]  }
0x89: {  	v3 =	vld [tilespmem:s31+$0x2D00]  }
0x8a: {  	v4 =	vld [tilespmem:s31+$0x2E00]  }
0x8b: {  	v5 =	vld [tilespmem:s31+$0x2F00]  }
0x8c: {  	v0 =	vadd.s32 v1, v0;
	v1 =	vld [tilespmem:s31+$0x3000]  }
0x8d: {  	v0 =	vadd.s32 v2, v0;
	v2 =	vld [tilespmem:s31+$0x3100]  }
0x8e: {  	v0 =	vadd.s32 v3, v0;
	v3 =	vld [tilespmem:s31+$0x3200]  }
0x8f: {  	v0 =	vadd.s32 v4, v0;
	v4 =	vld [tilespmem:s31+$0x3300]  }
0x90: {  	v0 =	vadd.s32 v5, v0;
	v5 =	vld [tilespmem:s31+$0x3400]  }
0x91: {  	v0 =	vadd.s32 v1, v0;
	v1 =	vld [tilespmem:s31+$0x3500]  }
0x92: {  	v0 =	vadd.s32 v2, v0;
	v2 =	vld [tilespmem:s31+$0x3600]  }
0x93: {  	v0 =	vadd.s32 v3, v0;
	v3 =	vld [tilespmem:s31+$0x3700]  }
0x94: {  	v0 =	vadd.s32 v4, v0;
	v4 =	vld [tilespmem:s31+$0x3800]  }
0x95: {  	v0 =	vadd.s32 v5, v0;
	v5 =	vld [tilespmem:s31+$0x3900]  }
0x96: {  	v0 =	vadd.s32 v1, v0  }
0x97: {  	v0 =	vadd.s32 v2, v0  }
0x98: {  	v0 =	vadd.s32 v3, v0  }
0x99: {  	v0 =	vadd.s32 v4, v0  }
0x9a: {  	s14 =	simm.s32 $0x10;
	v0 =	vadd.s32 v5, v0  }
0x9b: {  	s15 =	sand.u32 $0xF0, s14;
	[tilespmem:s10+$0x0] =	vst v0  }
0x9c: {  	s13 =	simm.s32 $0x2A10;
	v1 =	vld [tilespmem:s15+$0x2B00]  }
0x9d: {  	v2 =	vld [tilespmem:s13+$0x0]  }
0x9e: {  	v3 =	vld [tilespmem:s15+$0x2C00]  }
0x9f: {  	v4 =	vld [tilespmem:s15+$0x2D00]  }
0xa0: {  	(xrf0) =	vadd.scan.msk.s32 $0xffff, v0;
	v0 =	vld [tilespmem:s15+$0x2E00]  }
0xa1: {  	v5 =	vld [tilespmem:s15+$0x2F00]  }
0xa2: {  	v6 =	vld [tilespmem:s15+$0x3000];
	v1 =	vadd.s32 v2, v1  }
0xa3: {  	v7 =	vld [tilespmem:s15+$0x3100];
	v1 =	vadd.s32 v3, v1  }
0xa4: {  	v8 =	vld [tilespmem:s15+$0x3200];
	v1 =	vadd.s32 v4, v1  }
0xa5: {  	v2 =	vld [tilespmem:s15+$0x3300];
	v1 =	vadd.s32 v0, v1  }
0xa6: {  	v3 =	vld [tilespmem:s15+$0x3400];
	v4, _, _ =	vpop (xrf0);
	v0 =	vlaneseq.u32;
	v1 =	vadd.s32 v5, v1  }
0xa7: {  	v9 =	vbroadcast v4, $0xF;
	v4 =	vld [tilespmem:s15+$0x3500];
	v5 =	vmov s16;
	v1 =	vadd.s32 v6, v1  }
0xa8: {  	v6 =	vimm.s32 $0x0;
	vm0 =	veq.s32 v5, v0;
	v5 =	vld [tilespmem:s15+$0x3600];
	v7 =	vadd.s32 v7, v1  }
0xa9: {  	s11 =	simm.s32 $0x2;
	s12 =	simm.s32 $0x1;
	s16 =	simm.s32 $0x3;
	v1 =	vsel vm0, v9, v6;
	v6 =	vld [tilespmem:s15+$0x3700];
	v7 =	vadd.s32 v8, v7  }
.LBB2_7:
0xaa: {  	p0 =	sne.s32 s16, $0xF;
	v2 =	vadd.s32 v2, v7;
	v7 =	vld [tilespmem:s15+$0x3800]  }
0xab: {  	v2 =	vadd.s32 v3, v2;
	v3 =	vld [tilespmem:s15+$0x3900]  }
0xac: {  	v2 =	vadd.s32 v4, v2  }
0xad: {  	v2 =	vadd.s32 v5, v2  }
0xae: {  	v2 =	vadd.s32 v6, v2  }
0xaf: {  	v2 =	vadd.s32 v7, v2  }
0xb0: {  	s14 =	sadd.s32 $0x10, s14;
	s10 =	sadd.s32 $0x10, s10;
	v2 =	vadd.s32 v3, v2  }
0xb1: {  	s15 =	sand.u32 $0xF0, s14;
	[tilespmem:s10+$0x0] =	vst v2;
	(xrf0) =	vadd.scan.msk.s32 $0xffff, v2  }
0xb2: {  	s13 =	sadd.s32 $0x10, s13;
	v2 =	vld [tilespmem:s15+$0x2B00]  }
0xb3: {  	v3 =	vld [tilespmem:s13+$0x0]  }
0xb4: {  	v4 =	vld [tilespmem:s15+$0x2C00]  }
0xb5: {  	v5 =	vld [tilespmem:s15+$0x2D00]  }
0xb6: {  	v6 =	vld [tilespmem:s15+$0x2E00]  }
0xb7: {  	v7 =	vld [tilespmem:s15+$0x2F00];
	v8, _, _ =	vpop (xrf0)  }
0xb8: {  	v2 =	vadd.s32 v3, v2;
	v9 =	vld [tilespmem:s15+$0x3000];
	v3 =	vmov s12;
	v8 =	vbroadcast v8, $0xF;
	s12 =	smov.u32 s11;
	s11 =	smov.u32 s16  }
0xb9: {  	v2 =	vadd.s32 v4, v2;
	v10 =	vld [tilespmem:s15+$0x3100];
	vm0 =	veq.s32 v3, v0  }
0xba: {  	v2 =	vadd.s32 v5, v2;
	v11 =	vld [tilespmem:s15+$0x3200];
	v1 =	vsel vm0, v8, v1  }
.Ltmp3:
0xbb: {  	v3 =	vadd.s32 v6, v2;
	v2 =	vld [tilespmem:s15+$0x3300];
	(pc) =	sbr.rel @p0 .LBB2_7-.Ltmp3, $4  }
0xbc: {  	v4 =	vadd.s32 v7, v3;
	v3 =	vld [tilespmem:s15+$0x3400]  }
0xbd: {  	v5 =	vadd.s32 v9, v4;
	v4 =	vld [tilespmem:s15+$0x3500]  }
0xbe: {  	v6 =	vadd.s32 v10, v5;
	v5 =	vld [tilespmem:s15+$0x3600]  }
0xbf: {  	s16 =	sadd.s32 $0x1, s16;
	v7 =	vadd.s32 v11, v6;
	v6 =	vld [tilespmem:s15+$0x3700]  }
0xc0: {  	v2 =	vadd.s32 v2, v7;
	v54 =	vld [tilespmem:s15+$0x3800]  }
0xc1: {  	v2 =	vadd.s32 v3, v2;
	v3 =	vld [tilespmem:s15+$0x3900]  }
0xc2: {  	v2 =	vadd.s32 v4, v2  }
0xc3: {  	v2 =	vadd.s32 v5, v2  }
0xc4: {  	v2 =	vadd.s32 v6, v2  }
0xc5: {  	v2 =	vadd.s32 v54, v2  }
0xc6: {  	s14 =	sadd.s32 $0x10, s14;
	s10 =	sadd.s32 $0x10, s10;
	v2 =	vadd.s32 v3, v2  }
0xc7: {  	s14 =	sand.u32 $0xF0, s14;
	[tilespmem:s10+$0x0] =	vst v2  }
0xc8: {  	s13 =	sadd.s32 $0x10, s13;
	v3 =	vld [tilespmem:s14+$0x2B00]  }
0xc9: {  	v4 =	vld [tilespmem:s13+$0x0]  }
0xca: {  	v5 =	vld [tilespmem:s14+$0x2C00]  }
0xcb: {  	v55 =	vld [tilespmem:s14+$0x2D00]  }
0xcc: {  	v56 =	vld [tilespmem:s14+$0x2E00]  }
0xcd: {  	v8 =	vld [tilespmem:s14+$0x2F00]  }
0xce: {  	v3 =	vadd.s32 v4, v3;
	v4 =	vld [tilespmem:s14+$0x3000]  }
0xcf: {  	v3 =	vadd.s32 v5, v3;
	v5 =	vld [tilespmem:s14+$0x3100]  }
0xd0: {  	v57 =	vld [tilespmem:s14+$0x3200];
	v3 =	vadd.s32 v55, v3  }
0xd1: {  	v58 =	vld [tilespmem:s14+$0x3300];
	v3 =	vadd.s32 v56, v3  }
0xd2: {  	v59 =	vld [tilespmem:s14+$0x3400];
	v3 =	vadd.s32 v8, v3  }
0xd3: {  	v3 =	vadd.s32 v4, v3;
	v4 =	vld [tilespmem:s14+$0x3500]  }
0xd4: {  	v3 =	vadd.s32 v5, v3;
	v5 =	vld [tilespmem:s14+$0x3600]  }
0xd5: {  	v60 =	vld [tilespmem:s14+$0x3700];
	v3 =	vadd.s32 v57, v3  }
0xd6: {  	v61 =	vld [tilespmem:s14+$0x3800];
	v3 =	vadd.s32 v58, v3  }
0xd7: {  	v62 =	vld [tilespmem:s14+$0x3900];
	v3 =	vadd.s32 v59, v3  }
0xd8: {  	v3 =	vadd.s32 v4, v3  }
0xd9: {  	v3 =	vadd.s32 v5, v3  }
0xda: {  	v3 =	vadd.s32 v60, v3  }
0xdb: {  	v3 =	vadd.s32 v61, v3  }
0xdc: {  	(xrf0) =	vadd.scan.msk.s32 $0xffff, v2;
	v3 =	vadd.s32 v62, v3  }
0xdd: {  	(xrf0) =	vadd.scan.msk.s32 $0xffff, v3;
	_ =	sdelay $0x2  }
0xde: {  	v4 =	vmov s12;
	_ =	sdelay $0x1  }
0xdf: {  	v2, _, _ =	vpop (xrf0)  }
0xe0: {  	v2 =	vbroadcast v2, $0xF;
	vm0 =	veq.s32 v4, v0;
	v5 =	vlaneseq.u32;
	v4, _, _ =	vpop (xrf0)  }
0xe1: {  	v63 =	vmov s11;
	v5 =	vmul.u32 $0xFFFFFFFF, v5;
	v4 =	vbroadcast v4, $0xF  }
0xe2: {  	vm14 =	veq.s32 v63, v0;
	v1 =	vsel vm0, v2, v1  }
0xe3: {  	v1 =	vsel vm14, v4, v1;
	v4 =	vadd.s32 $0xF, v5  }
0xe4: {  	v0 =	vperm.xlane v1, v4;
	_ =	sdelay $0x1  }
0xe5: {  	(xrf0) =	vadd.scan.msk.s32 $0xffff, v0;
	_ =	sdelay $0x5  }
0xe6: {  	v0, _, _ =	vpop (xrf0)  }
0xe7: {  	v0 =	vperm.xlane v0, v4;
	_ =	sdelay $0x1  }
0xe8: {  	v2 =	vimm.s32 $0x0;
	vm15 =	vgt.s32 v0, $0x3FF  }
0xe9: {  	v0 =	vsel vm15, $0x1, v2  }
0xea: {  	(xrf0) =	vadd.scan.msk.s32 $0xffff, v0;
	_ =	sdelay $0x5  }
0xeb: {  	v0, _, _ =	vpop (xrf0)  }
0xec: {  	(v2sf) =	vpush v0, $0xF;
	_ =	sdelay $0xe  }
0xed: {  	s31 =	spop (v2sf)  }
0xee: {  	s10 =	sadd.s32 $0x10, s10;
	s11 =	sadd.s32 $0xFFFFFFFF, s31  }
0xef: {  	[tilespmem:s10+$0x0] =	vst v3;
	s10 =	sshll.u32 s11, $0x4  }
0xf0: {  	v0 =	vld [tilespmem:s10+$0x2880];
	_ =	sdelay $0x4  }
0xf1: {  	v3 =	vperm.xlane v0, v4;
	_ =	sdelay $0x1  }
0xf2: {  	s12 =	simm.s32 $0x18C0;
	(xrf0) =	vadd.scan.msk.s32 $0xffff, v3  }
0xf3: {  	[tilespmem:s12+$0xFFFFFFC0] =	vst v2  }
0xf4: {  	[tilespmem:s12+$0x30] =	vst v2  }
0xf5: {  	[tilespmem:s12+$0x20] =	vst v2  }
0xf6: {  	[tilespmem:s12+$0x10] =	vst v2  }
0xf7: {  	[tilespmem:s12+$0x0] =	vst v2  }
0xf8: {  	[tilespmem:s12+$0xFFFFFFF0] =	vst v2;
	v3, _, _ =	vpop (xrf0)  }
0xf9: {  	s13 =	simm.s32 $0x0;
	[tilespmem:s12+$0xFFFFFFE0] =	vst v2;
	v3 =	vperm.xlane v3, v4  }
.LBB2_9:
0xfa: {  	s13 =	sadd.s32 $0x8, s13;
	[tilespmem:s12+$0xFFFFFFD0] =	vst v2;
	s12 =	sadd.s32 $0x80, s12  }
0xfb: {  	[tilespmem:s12+$0xFFFFFFC0] =	vst v2;
	p0 =	slt.u32 s13, $0xF8  }
0xfc: {  	[tilespmem:s12+$0x30] =	vst v2  }
.Ltmp4:
0xfd: {  	[tilespmem:s12+$0x20] =	vst v2;
	(pc) =	sbr.rel @p0 .LBB2_9-.Ltmp4, $4  }
0xfe: {  	[tilespmem:s12+$0x10] =	vst v2  }
0xff: {  	[tilespmem:s12+$0x0] =	vst v2  }
0x100: {  	[tilespmem:s12+$0xFFFFFFF0] =	vst v2  }
0x101: {  	[tilespmem:s12+$0xFFFFFFE0] =	vst v2  }
0x102: {  	[tilespmem:s12+$0xFFFFFFD0] =	vst v2;
	v2 =	vmov s11;
	v4 =	vlaneseq.u32  }
0x103: {  	vm0 =	vlt.s32 v2, v4  }
0x104: {  	v1 =	vnsel vm0, $0x0, v1  }
0x105: {  	(xrf0) =	vadd.scan.msk.s32 $0xffff, v1;
	_ =	sdelay $0x5  }
0x106: {  	v1, _, _ =	vpop (xrf0)  }
0x107: {  	v2 =	vbroadcast v1, $0xF;
	_ =	sdelay $0x1  }
0x108: {  	v2 =	vadd.s32 v3, v2  }
0x109: {  	vm15 =	vgt.s32 v2, $0x3FF;
	v2 =	vimm.s32 $0x0  }
0x10a: {  	v2 =	vsel vm15, $0x1, v2  }
0x10b: {  	(xrf0) =	vadd.scan.msk.s32 $0xffff, v2;
	_ =	sdelay $0x5  }
0x10c: {  	v2, _, _ =	vpop (xrf0)  }
0x10d: {  	(v2sf) =	vpush v2, $0xF;
	_ =	sdelay $0xe  }
0x10e: {  	s31 =	spop (v2sf)  }
0x10f: {  	s11 =	sadd.s32 $0xFFFFFFFF, s31  }
0x110: {  	s10 =	sadd.s32 s10, s11  }
0x111: {  	s12 =	simm.s32 $0xFFFFFFFC;
	s13 =	simm.s32 $0x20;
	s14 =	simm.s32 $0x1880;
	v3 =	vmul.u32 $0x100, v4;
	v4 =	vimm.s32 $0x1;
	v2 =	vmov s10  }
.LBB2_11:
0x112: {  	v5 =	vld [tilespmem:s13+$0xFFFFFFE0];
	_ =	sdelay $0x4  }
0x113: {  	v6 =	vshrl.u32 v5, $0x10;
	v5 =	vshrl.u32 v5, $0x18  }
0x114: {  	vm0 =	veq.s32 v5, v2;
	v5 =	vand.u32 $0xFF, v6  }
0x115: {  	v5 =	vor.u32 v3, v5;
	_ =	sdelay $0x4  }
0x116: {  	[tilespmem:v5+s14+$0x0] =	vst.idx.add.s32.msk vm0, v4  }
0x117: {  	v5 =	vld [tilespmem:s13+$0xFFFFFFF0];
	_ =	sdelay $0x4  }
0x118: {  	v6 =	vshrl.u32 v5, $0x10;
	v5 =	vshrl.u32 v5, $0x18  }
0x119: {  	vm13 =	veq.s32 v5, v2;
	v5 =	vand.u32 $0xFF, v6  }
0x11a: {  	v5 =	vor.u32 v3, v5;
	_ =	sdelay $0x4  }
0x11b: {  	[tilespmem:v5+s14+$0x0] =	vst.idx.add.s32.msk vm13, v4  }
0x11c: {  	v5 =	vld [tilespmem:s13+$0x0];
	_ =	sdelay $0x4  }
0x11d: {  	v6 =	vshrl.u32 v5, $0x10;
	v5 =	vshrl.u32 v5, $0x18  }
0x11e: {  	vm14 =	veq.s32 v5, v2;
	v5 =	vand.u32 $0xFF, v6  }
0x11f: {  	v5 =	vor.u32 v3, v5;
	_ =	sdelay $0x4  }
0x120: {  	[tilespmem:v5+s14+$0x0] =	vst.idx.add.s32.msk vm14, v4  }
0x121: {  	v5 =	vld [tilespmem:s13+$0x10];
	_ =	sdelay $0x4  }
0x122: {  	v6 =	vshrl.u32 v5, $0x10;
	v5 =	vshrl.u32 v5, $0x18  }
0x123: {  	s12 =	sadd.s32 $0x4, s12;
	vm15 =	veq.s32 v5, v2;
	v5 =	vand.u32 $0xFF, v6  }
0x124: {  	p0 =	slt.u32 s12, $0x184;
	v5 =	vor.u32 v3, v5  }
.Ltmp5:
0x125: {  	_ = 	snop;
	(pc) =	sbr.rel @p0 .LBB2_11-.Ltmp5, $2  }
0x126: {  	_ =	sdelay $0x2  }
0x127: {  	s13 =	sadd.s32 $0x40, s13;
	[tilespmem:v5+s14+$0x0] =	vst.idx.add.s32.msk vm15, v4  }
0x128: {  	s12 =	simm.s32 $0x0  }
0x129: {  	v3 =	vld [tilespmem:s14+$0x0];
	s12 =	sand.u32 $0xF0, s12  }
0x12a: {  	v2 =	vld [tilespmem:s12+$0x1980]  }
0x12b: {  	v4 =	vld [tilespmem:s12+$0x1A80]  }
0x12c: {  	v5 =	vld [tilespmem:s12+$0x1B80]  }
0x12d: {  	v6 =	vld [tilespmem:s12+$0x1C80]  }
0x12e: {  	v7 =	vld [tilespmem:s12+$0x1D80]  }
0x12f: {  	v2 =	vadd.s32 v3, v2;
	v3 =	vld [tilespmem:s12+$0x1E80]  }
0x130: {  	v56 =	vld [tilespmem:s12+$0x1F80];
	v2 =	vadd.s32 v4, v2  }
0x131: {  	v57 =	vld [tilespmem:s12+$0x2080];
	v2 =	vadd.s32 v5, v2  }
0x132: {  	v58 =	vld [tilespmem:s12+$0x2180];
	v2 =	vadd.s32 v6, v2  }
0x133: {  	v59 =	vld [tilespmem:s12+$0x2280];
	v2 =	vadd.s32 v7, v2  }
0x134: {  	v2 =	vadd.s32 v3, v2;
	v3 =	vld [tilespmem:s12+$0x2380]  }
0x135: {  	v60 =	vld [tilespmem:s12+$0x2480];
	v2 =	vadd.s32 v56, v2  }
0x136: {  	v61 =	vld [tilespmem:s12+$0x2580];
	v2 =	vadd.s32 v57, v2  }
0x137: {  	v62 =	vld [tilespmem:s12+$0x2680];
	v2 =	vadd.s32 v58, v2  }
0x138: {  	v63 =	vld [tilespmem:s12+$0x2780];
	v2 =	vadd.s32 v59, v2  }
0x139: {  	v2 =	vadd.s32 v3, v2  }
0x13a: {  	v2 =	vadd.s32 v60, v2  }
0x13b: {  	v2 =	vadd.s32 v61, v2  }
0x13c: {  	v2 =	vadd.s32 v62, v2  }
0x13d: {  	s13 =	simm.s32 $0x10;
	s12 =	simm.s32 $0x2880;
	v2 =	vadd.s32 v63, v2  }
0x13e: {  	s13 =	sand.u32 $0xF0, s13;
	[tilespmem:s12+$0x0] =	vst v2  }
0x13f: {  	s15 =	simm.s32 $0x20;
	s14 =	simm.s32 $0x1890;
	v2 =	vld [tilespmem:s13+$0x1980]  }
.LBB2_13:
0x140: {  	p0 =	sne.s32 s15, $0xF0;
	v3 =	vld [tilespmem:s14+$0x0]  }
0x141: {  	v4 =	vld [tilespmem:s13+$0x1A80]  }
0x142: {  	v5 =	vld [tilespmem:s13+$0x1B80]  }
0x143: {  	v6 =	vld [tilespmem:s13+$0x1C80]  }
0x144: {  	v7 =	vld [tilespmem:s13+$0x1D80]  }
0x145: {  	v2 =	vadd.s32 v3, v2;
	v3 =	vld [tilespmem:s13+$0x1E80]  }
0x146: {  	v2 =	vadd.s32 v4, v2;
	v4 =	vld [tilespmem:s13+$0x1F80]  }
0x147: {  	v2 =	vadd.s32 v5, v2;
	v5 =	vld [tilespmem:s13+$0x2080]  }
0x148: {  	v2 =	vadd.s32 v6, v2;
	v6 =	vld [tilespmem:s13+$0x2180]  }
0x149: {  	v2 =	vadd.s32 v7, v2;
	v7 =	vld [tilespmem:s13+$0x2280]  }
0x14a: {  	v2 =	vadd.s32 v3, v2;
	v3 =	vld [tilespmem:s13+$0x2380]  }
0x14b: {  	v2 =	vadd.s32 v4, v2;
	v4 =	vld [tilespmem:s13+$0x2480]  }
0x14c: {  	v2 =	vadd.s32 v5, v2;
	v5 =	vld [tilespmem:s13+$0x2580]  }
0x14d: {  	v2 =	vadd.s32 v6, v2;
	v6 =	vld [tilespmem:s13+$0x2680]  }
0x14e: {  	v2 =	vadd.s32 v7, v2;
	v7 =	vld [tilespmem:s13+$0x2780]  }
0x14f: {  	v2 =	vadd.s32 v3, v2  }
0x150: {  	v2 =	vadd.s32 v4, v2  }
.Ltmp6:
0x151: {  	v2 =	vadd.s32 v5, v2;
	(pc) =	sbr.rel @p0 .LBB2_13-.Ltmp6, $4  }
0x152: {  	v2 =	vadd.s32 v6, v2  }
0x153: {  	s12 =	sadd.s32 $0x10, s12;
	v2 =	vadd.s32 v7, v2  }
0x154: {  	s13 =	sand.u32 $0xF0, s15;
	[tilespmem:s12+$0x0] =	vst v2  }
0x155: {  	s14 =	sadd.s32 $0x10, s14;
	s15 =	sadd.s32 $0x10, s15;
	v2 =	vld [tilespmem:s13+$0x1980]  }
0x156: {  	v3 =	vld [tilespmem:s14+$0x0]  }
0x157: {  	v4 =	vld [tilespmem:s13+$0x1A80]  }
0x158: {  	v5 =	vld [tilespmem:s13+$0x1B80]  }
0x159: {  	v6 =	vld [tilespmem:s13+$0x1C80]  }
0x15a: {  	v7 =	vld [tilespmem:s13+$0x1D80]  }
0x15b: {  	v2 =	vadd.s32 v3, v2;
	v3 =	vld [tilespmem:s13+$0x1E80]  }
0x15c: {  	v2 =	vadd.s32 v4, v2;
	v4 =	vld [tilespmem:s13+$0x1F80]  }
0x15d: {  	v2 =	vadd.s32 v5, v2;
	v5 =	vld [tilespmem:s13+$0x2080]  }
0x15e: {  	v2 =	vadd.s32 v6, v2;
	v6 =	vld [tilespmem:s13+$0x2180]  }
0x15f: {  	v2 =	vadd.s32 v7, v2;
	v7 =	vld [tilespmem:s13+$0x2280]  }
0x160: {  	v2 =	vadd.s32 v3, v2;
	v3 =	vld [tilespmem:s13+$0x2380]  }
0x161: {  	v2 =	vadd.s32 v4, v2;
	v4 =	vld [tilespmem:s13+$0x2480]  }
0x162: {  	v2 =	vadd.s32 v5, v2;
	v5 =	vld [tilespmem:s13+$0x2580]  }
0x163: {  	v2 =	vadd.s32 v6, v2;
	v6 =	vld [tilespmem:s13+$0x2680]  }
0x164: {  	v2 =	vadd.s32 v7, v2;
	v7 =	vld [tilespmem:s13+$0x2780]  }
0x165: {  	v2 =	vadd.s32 v3, v2  }
0x166: {  	v2 =	vadd.s32 v4, v2  }
0x167: {  	v2 =	vadd.s32 v5, v2  }
0x168: {  	v2 =	vadd.s32 v6, v2  }
0x169: {  	s12 =	sadd.s32 $0x10, s12;
	v2 =	vadd.s32 v7, v2  }
0x16a: {  	s26 =	sadd.s32 $0x1000, s9;
	s28 =	simm.s32 $0x2;
	[tilespmem:s12+$0x0] =	vst v2;
	s12 =	simm.s32 $0x2880  }
0x16b: {  	[spmem:s26] =	stream.linear.scatter [tilespmem:s12], [sflag:$0x2], $0x100, $0x38;
	[tilespmem:$0xB420] =	vst v63  }
0x16c: {  	_ =	swait.ge [sflag:s28], $0x100  }
0x16d: {  	[sflag:s28] =	ssyncset.done $0x0  }
0x16e: {  	[sflag:s28] =	ssyncadd.s32 $0xFFFFFF00  }
0x16f: {  	s29 =	sadd.s32 $0x1000, s8;
	s15 =	simm.s32 $0x2A00;
	[bflag:$0x0] =	sbarrier.arrive $0xFFFF  }
0x170: {  	[tilespmem:s15], [sflag:$0x2] =	stream.linear.gather [spmem:s29], $0x1000, $0x38;
	[tilespmem:$0xB420] =	vst v63  }
0x171: {  	_ =	swait.ge [sflag:s28], $0x1000  }
0x172: {  	s30 =	simm.s32 $0x0;
	[sflag:s28] =	ssyncset.done $0x0  }
0x173: {  	s31 =	sand.u32 $0xF0, s30;
	[sflag:s28] =	ssyncadd.s32 $0xFFFFF000  }
0x174: {  	v2 =	vld [tilespmem:s31+$0x2B00]  }
0x175: {  	v3 =	vld [tilespmem:s15+$0x0]  }
0x176: {  	v4 =	vld [tilespmem:s31+$0x2C00]  }
0x177: {  	v5 =	vld [tilespmem:s31+$0x2D00]  }
0x178: {  	v6 =	vld [tilespmem:s31+$0x2E00]  }
0x179: {  	v7 =	vld [tilespmem:s31+$0x2F00]  }
0x17a: {  	v2 =	vadd.s32 v3, v2;
	v3 =	vld [tilespmem:s31+$0x3000]  }
0x17b: {  	v2 =	vadd.s32 v4, v2;
	v4 =	vld [tilespmem:s31+$0x3100]  }
0x17c: {  	v2 =	vadd.s32 v5, v2;
	v5 =	vld [tilespmem:s31+$0x3200]  }
0x17d: {  	v2 =	vadd.s32 v6, v2;
	v6 =	vld [tilespmem:s31+$0x3300]  }
0x17e: {  	v2 =	vadd.s32 v7, v2;
	v7 =	vld [tilespmem:s31+$0x3400]  }
0x17f: {  	v2 =	vadd.s32 v3, v2;
	v3 =	vld [tilespmem:s31+$0x3500]  }
0x180: {  	v2 =	vadd.s32 v4, v2;
	v4 =	vld [tilespmem:s31+$0x3600]  }
0x181: {  	v2 =	vadd.s32 v5, v2;
	v5 =	vld [tilespmem:s31+$0x3700]  }
0x182: {  	v2 =	vadd.s32 v6, v2;
	v6 =	vld [tilespmem:s31+$0x3800]  }
0x183: {  	v2 =	vadd.s32 v7, v2;
	v7 =	vld [tilespmem:s31+$0x3900]  }
0x184: {  	v2 =	vadd.s32 v3, v2  }
0x185: {  	v2 =	vadd.s32 v4, v2  }
0x186: {  	v2 =	vadd.s32 v5, v2  }
0x187: {  	v2 =	vadd.s32 v6, v2  }
0x188: {  	s16 =	simm.s32 $0x10;
	v2 =	vadd.s32 v7, v2  }
0x189: {  	s17 =	sand.u32 $0xF0, s16;
	[tilespmem:s12+$0x0] =	vst v2  }
0x18a: {  	s15 =	simm.s32 $0x2A10;
	v3 =	vld [tilespmem:s17+$0x2B00]  }
0x18b: {  	v4 =	vld [tilespmem:s15+$0x0]  }
0x18c: {  	v5 =	vld [tilespmem:s17+$0x2C00]  }
0x18d: {  	v6 =	vld [tilespmem:s17+$0x2D00]  }
0x18e: {  	(xrf0) =	vadd.scan.msk.s32 $0xffff, v2;
	v2 =	vld [tilespmem:s17+$0x2E00]  }
0x18f: {  	v7 =	vld [tilespmem:s17+$0x2F00]  }
0x190: {  	v8 =	vld [tilespmem:s17+$0x3000];
	v3 =	vadd.s32 v4, v3  }
0x191: {  	v9 =	vld [tilespmem:s17+$0x3100];
	v3 =	vadd.s32 v5, v3  }
0x192: {  	v10 =	vld [tilespmem:s17+$0x3200];
	v3 =	vadd.s32 v6, v3  }
0x193: {  	v4 =	vld [tilespmem:s17+$0x3300];
	v3 =	vadd.s32 v2, v3  }
0x194: {  	v5 =	vld [tilespmem:s17+$0x3400];
	v6, _, _ =	vpop (xrf0);
	v2 =	vlaneseq.u32;
	v3 =	vadd.s32 v7, v3  }
0x195: {  	v11 =	vbroadcast v6, $0xF;
	v6 =	vld [tilespmem:s17+$0x3500];
	v7 =	vmov s30;
	v3 =	vadd.s32 v8, v3  }
0x196: {  	v8 =	vimm.s32 $0x0;
	vm0 =	veq.s32 v7, v2;
	v7 =	vld [tilespmem:s17+$0x3600];
	v9 =	vadd.s32 v9, v3  }
0x197: {  	s14 =	simm.s32 $0x1;
	s18 =	simm.s32 $0x3;
	s13 =	simm.s32 $0x2;
	v3 =	vsel vm0, v11, v8;
	v8 =	vld [tilespmem:s17+$0x3700];
	v9 =	vadd.s32 v10, v9  }
.LBB2_15:
0x198: {  	p0 =	sne.s32 s18, $0xF;
	v4 =	vadd.s32 v4, v9;
	v9 =	vld [tilespmem:s17+$0x3800]  }
0x199: {  	v4 =	vadd.s32 v5, v4;
	v5 =	vld [tilespmem:s17+$0x3900]  }
0x19a: {  	v4 =	vadd.s32 v6, v4  }
0x19b: {  	v4 =	vadd.s32 v7, v4  }
0x19c: {  	v4 =	vadd.s32 v8, v4  }
0x19d: {  	v4 =	vadd.s32 v9, v4  }
0x19e: {  	s16 =	sadd.s32 $0x10, s16;
	s12 =	sadd.s32 $0x10, s12;
	v4 =	vadd.s32 v5, v4  }
0x19f: {  	s17 =	sand.u32 $0xF0, s16;
	[tilespmem:s12+$0x0] =	vst v4;
	(xrf0) =	vadd.scan.msk.s32 $0xffff, v4  }
0x1a0: {  	s15 =	sadd.s32 $0x10, s15;
	v4 =	vld [tilespmem:s17+$0x2B00]  }
0x1a1: {  	v5 =	vld [tilespmem:s15+$0x0]  }
0x1a2: {  	v6 =	vld [tilespmem:s17+$0x2C00]  }
0x1a3: {  	v7 =	vld [tilespmem:s17+$0x2D00]  }
0x1a4: {  	v8 =	vld [tilespmem:s17+$0x2E00]  }
0x1a5: {  	v9 =	vld [tilespmem:s17+$0x2F00];
	v10, _, _ =	vpop (xrf0)  }
0x1a6: {  	v4 =	vadd.s32 v5, v4;
	v11 =	vld [tilespmem:s17+$0x3000];
	v5 =	vmov s14;
	v10 =	vbroadcast v10, $0xF;
	s14 =	smov.u32 s13;
	s13 =	smov.u32 s18  }
0x1a7: {  	v4 =	vadd.s32 v6, v4;
	v12 =	vld [tilespmem:s17+$0x3100];
	vm0 =	veq.s32 v5, v2  }
0x1a8: {  	v4 =	vadd.s32 v7, v4;
	v13 =	vld [tilespmem:s17+$0x3200];
	v3 =	vsel vm0, v10, v3  }
.Ltmp7:
0x1a9: {  	v5 =	vadd.s32 v8, v4;
	v4 =	vld [tilespmem:s17+$0x3300];
	(pc) =	sbr.rel @p0 .LBB2_15-.Ltmp7, $4  }
0x1aa: {  	v6 =	vadd.s32 v9, v5;
	v5 =	vld [tilespmem:s17+$0x3400]  }
0x1ab: {  	v7 =	vadd.s32 v11, v6;
	v6 =	vld [tilespmem:s17+$0x3500]  }
0x1ac: {  	v8 =	vadd.s32 v12, v7;
	v7 =	vld [tilespmem:s17+$0x3600]  }
0x1ad: {  	s18 =	sadd.s32 $0x1, s18;
	v9 =	vadd.s32 v13, v8;
	v8 =	vld [tilespmem:s17+$0x3700]  }
0x1ae: {  	v4 =	vadd.s32 v4, v9;
	v55 =	vld [tilespmem:s17+$0x3800]  }
0x1af: {  	v4 =	vadd.s32 v5, v4;
	v5 =	vld [tilespmem:s17+$0x3900]  }
0x1b0: {  	v4 =	vadd.s32 v6, v4  }
0x1b1: {  	v4 =	vadd.s32 v7, v4  }
0x1b2: {  	v4 =	vadd.s32 v8, v4  }
0x1b3: {  	v4 =	vadd.s32 v55, v4  }
0x1b4: {  	s16 =	sadd.s32 $0x10, s16;
	s12 =	sadd.s32 $0x10, s12;
	v4 =	vadd.s32 v5, v4  }
0x1b5: {  	s16 =	sand.u32 $0xF0, s16;
	[tilespmem:s12+$0x0] =	vst v4  }
0x1b6: {  	s15 =	sadd.s32 $0x10, s15;
	v5 =	vld [tilespmem:s16+$0x2B00]  }
0x1b7: {  	v6 =	vld [tilespmem:s15+$0x0]  }
0x1b8: {  	v7 =	vld [tilespmem:s16+$0x2C00]  }
0x1b9: {  	v56 =	vld [tilespmem:s16+$0x2D00]  }
0x1ba: {  	v57 =	vld [tilespmem:s16+$0x2E00]  }
0x1bb: {  	v10 =	vld [tilespmem:s16+$0x2F00]  }
0x1bc: {  	v5 =	vadd.s32 v6, v5;
	v6 =	vld [tilespmem:s16+$0x3000]  }
0x1bd: {  	v5 =	vadd.s32 v7, v5;
	v7 =	vld [tilespmem:s16+$0x3100]  }
0x1be: {  	v58 =	vld [tilespmem:s16+$0x3200];
	v5 =	vadd.s32 v56, v5  }
0x1bf: {  	v59 =	vld [tilespmem:s16+$0x3300];
	v5 =	vadd.s32 v57, v5  }
0x1c0: {  	v60 =	vld [tilespmem:s16+$0x3400];
	v5 =	vadd.s32 v10, v5  }
0x1c1: {  	v5 =	vadd.s32 v6, v5;
	v6 =	vld [tilespmem:s16+$0x3500]  }
0x1c2: {  	v5 =	vadd.s32 v7, v5;
	v7 =	vld [tilespmem:s16+$0x3600]  }
0x1c3: {  	v61 =	vld [tilespmem:s16+$0x3700];
	v5 =	vadd.s32 v58, v5  }
0x1c4: {  	v62 =	vld [tilespmem:s16+$0x3800];
	v5 =	vadd.s32 v59, v5  }
0x1c5: {  	v63 =	vld [tilespmem:s16+$0x3900];
	v5 =	vadd.s32 v60, v5  }
0x1c6: {  	v5 =	vadd.s32 v6, v5  }
0x1c7: {  	v5 =	vadd.s32 v7, v5  }
0x1c8: {  	v5 =	vadd.s32 v61, v5  }
0x1c9: {  	v6 =	vmov s11;
	v7 =	vlaneseq.u32;
	v5 =	vadd.s32 v62, v5  }
0x1ca: {  	(xrf0) =	vadd.scan.msk.s32 $0xffff, v4;
	vm0 =	vlt.s32 v6, v7;
	v4 =	vadd.s32 v63, v5  }
0x1cb: {  	v0 =	vnsel vm0, $0x0, v0;
	(xrf0) =	vadd.scan.msk.s32 $0xffff, v4  }
0x1cc: {  	(xrf0) =	vadd.scan.msk.s32 $0xffff, v0;
	_ =	sdelay $0x3  }
0x1cd: {  	v0, _, _ =	vpop (xrf0)  }
0x1ce: {  	v5, _, _ =	vpop (xrf0)  }
0x1cf: {  	(v2sf) =	vpush v1, $0xF;
	v1, _, _ =	vpop (xrf0)  }
0x1d0: {  	(v2sf) =	vpush v1, $0xF;
	_ =	sdelay $0x2  }
0x1d1: {  	v6 =	vmul.u32 $0xFFFFFFFF, v7;
	v0 =	vbroadcast v0, $0xF;
	v1 =	vmov s14  }
0x1d2: {  	v5 =	vbroadcast v5, $0xF;
	vm13 =	veq.s32 v1, v2;
	v1 =	vmov s13  }
0x1d3: {  	v0 =	vsel vm13, v0, v3;
	vm14 =	veq.s32 v1, v2  }
0x1d4: {  	v1 =	vsel vm14, v5, v0;
	v5 =	vadd.s32 $0xF, v6  }
0x1d5: {  	v0 =	vperm.xlane v1, v5;
	_ =	sdelay $0x1  }
0x1d6: {  	(xrf0) =	vadd.scan.msk.s32 $0xffff, v0;
	_ =	sdelay $0x4  }
0x1d7: {  	s26 =	spop (v2sf)  }
0x1d8: {  	v0, _, _ =	vpop (xrf0);
	s28 =	spop (v2sf)  }
0x1d9: {  	v0 =	vperm.xlane v0, v5;
	s11 =	sadd.s32 s26, s28  }
0x1da: {  	s29 =	ssub.s32 $0x400, s11  }
0x1db: {  	v2 =	vimm.s32 $0x0;
	vm15 =	vge.s32 v0, s29  }
0x1dc: {  	v0 =	vsel vm15, $0x1, v2  }
0x1dd: {  	(xrf0) =	vadd.scan.msk.s32 $0xffff, v0;
	_ =	sdelay $0x5  }
0x1de: {  	v0, _, _ =	vpop (xrf0)  }
0x1df: {  	(v2sf) =	vpush v0, $0xF;
	_ =	sdelay $0xe  }
0x1e0: {  	s30 =	spop (v2sf)  }
0x1e1: {  	s31 =	sadd.s32 $0x10, s12;
	s12 =	sadd.s32 $0xFFFFFFFF, s30  }
0x1e2: {  	[tilespmem:s31+$0x0] =	vst v4;
	s13 =	sshll.u32 s12, $0x4  }
0x1e3: {  	v0 =	vld [tilespmem:s13+$0x2880];
	_ =	sdelay $0x4  }
0x1e4: {  	v3 =	vperm.xlane v0, v5;
	_ =	sdelay $0x1  }
0x1e5: {  	s14 =	simm.s32 $0x18C0;
	(xrf0) =	vadd.scan.msk.s32 $0xffff, v3  }
0x1e6: {  	[tilespmem:s14+$0xFFFFFFC0] =	vst v2  }
0x1e7: {  	[tilespmem:s14+$0x30] =	vst v2  }
0x1e8: {  	[tilespmem:s14+$0x20] =	vst v2  }
0x1e9: {  	[tilespmem:s14+$0x10] =	vst v2  }
0x1ea: {  	[tilespmem:s14+$0x0] =	vst v2  }
0x1eb: {  	[tilespmem:s14+$0xFFFFFFF0] =	vst v2;
	v4, _, _ =	vpop (xrf0)  }
0x1ec: {  	s15 =	simm.s32 $0x0;
	[tilespmem:s14+$0xFFFFFFE0] =	vst v2;
	v3 =	vmov s29;
	v4 =	vperm.xlane v4, v5  }
.LBB2_17:
0x1ed: {  	s15 =	sadd.s32 $0x8, s15;
	[tilespmem:s14+$0xFFFFFFD0] =	vst v2;
	s14 =	sadd.s32 $0x80, s14  }
0x1ee: {  	[tilespmem:s14+$0xFFFFFFC0] =	vst v2;
	p0 =	slt.u32 s15, $0xF8  }
0x1ef: {  	[tilespmem:s14+$0x30] =	vst v2  }
.Ltmp8:
0x1f0: {  	[tilespmem:s14+$0x20] =	vst v2;
	(pc) =	sbr.rel @p0 .LBB2_17-.Ltmp8, $4  }
0x1f1: {  	[tilespmem:s14+$0x10] =	vst v2  }
0x1f2: {  	[tilespmem:s14+$0x0] =	vst v2  }
0x1f3: {  	[tilespmem:s14+$0xFFFFFFF0] =	vst v2  }
0x1f4: {  	[tilespmem:s14+$0xFFFFFFE0] =	vst v2  }
0x1f5: {  	[tilespmem:s14+$0xFFFFFFD0] =	vst v2;
	v2 =	vmov s12;
	v5 =	vlaneseq.u32  }
0x1f6: {  	vm0 =	vlt.s32 v2, v5  }
0x1f7: {  	v1 =	vnsel vm0, $0x0, v1  }
0x1f8: {  	(xrf0) =	vadd.scan.msk.s32 $0xffff, v1;
	_ =	sdelay $0x5  }
0x1f9: {  	v1, _, _ =	vpop (xrf0)  }
0x1fa: {  	v2 =	vbroadcast v1, $0xF;
	_ =	sdelay $0x1  }
0x1fb: {  	v2 =	vadd.s32 v4, v2  }
0x1fc: {  	vm15 =	vge.s32 v2, v3;
	v2 =	vimm.s32 $0x0  }
0x1fd: {  	v2 =	vsel vm15, $0x1, v2  }
0x1fe: {  	(xrf0) =	vadd.scan.msk.s32 $0xffff, v2;
	_ =	sdelay $0x5  }
0x1ff: {  	v2, _, _ =	vpop (xrf0)  }
0x200: {  	(v2sf) =	vpush v2, $0xF;
	_ =	sdelay $0xe  }
0x201: {  	s31 =	spop (v2sf)  }
0x202: {  	s12 =	sadd.s32 $0xFFFFFFFF, s31  }
0x203: {  	s10 =	sshll.u32 s10, $0x8;
	s13 =	sadd.s32 s13, s12  }
0x204: {  	s10 =	sor.u32 s10, s13  }
0x205: {  	s14 =	simm.s32 $0x20;
	s15 =	simm.s32 $0x1880;
	v4 =	vimm.s32 $0x1;
	v3 =	vmul.u32 $0x100, v5;
	s13 =	simm.s32 $0xFFFFFFFC;
	v2 =	vmov s10  }
.LBB2_19:
0x206: {  	v5 =	vld [tilespmem:s14+$0xFFFFFFE0];
	_ =	sdelay $0x4  }
0x207: {  	v6 =	vshrl.u32 v5, $0x8;
	v5 =	vshrl.u32 v5, $0x10  }
0x208: {  	vm0 =	veq.s32 v5, v2;
	v5 =	vand.u32 $0xFF, v6  }
0x209: {  	v5 =	vor.u32 v3, v5;
	_ =	sdelay $0x4  }
0x20a: {  	[tilespmem:v5+s15+$0x0] =	vst.idx.add.s32.msk vm0, v4  }
0x20b: {  	v5 =	vld [tilespmem:s14+$0xFFFFFFF0];
	_ =	sdelay $0x4  }
0x20c: {  	v6 =	vshrl.u32 v5, $0x8;
	v5 =	vshrl.u32 v5, $0x10  }
0x20d: {  	vm13 =	veq.s32 v5, v2;
	v5 =	vand.u32 $0xFF, v6  }
0x20e: {  	v5 =	vor.u32 v3, v5;
	_ =	sdelay $0x4  }
0x20f: {  	[tilespmem:v5+s15+$0x0] =	vst.idx.add.s32.msk vm13, v4  }
0x210: {  	v5 =	vld [tilespmem:s14+$0x0];
	_ =	sdelay $0x4  }
0x211: {  	v6 =	vshrl.u32 v5, $0x8;
	v5 =	vshrl.u32 v5, $0x10  }
0x212: {  	vm14 =	veq.s32 v5, v2;
	v5 =	vand.u32 $0xFF, v6  }
0x213: {  	v5 =	vor.u32 v3, v5;
	_ =	sdelay $0x4  }
0x214: {  	[tilespmem:v5+s15+$0x0] =	vst.idx.add.s32.msk vm14, v4  }
0x215: {  	v5 =	vld [tilespmem:s14+$0x10];
	_ =	sdelay $0x4  }
0x216: {  	v6 =	vshrl.u32 v5, $0x8;
	v5 =	vshrl.u32 v5, $0x10  }
0x217: {  	s13 =	sadd.s32 $0x4, s13;
	vm15 =	veq.s32 v5, v2;
	v5 =	vand.u32 $0xFF, v6  }
0x218: {  	p0 =	slt.u32 s13, $0x184;
	v5 =	vor.u32 v3, v5  }
.Ltmp9:
0x219: {  	_ = 	snop;
	(pc) =	sbr.rel @p0 .LBB2_19-.Ltmp9, $2  }
0x21a: {  	_ =	sdelay $0x2  }
0x21b: {  	s14 =	sadd.s32 $0x40, s14;
	[tilespmem:v5+s15+$0x0] =	vst.idx.add.s32.msk vm15, v4  }
0x21c: {  	s13 =	simm.s32 $0x0  }
0x21d: {  	v3 =	vld [tilespmem:s15+$0x0];
	s13 =	sand.u32 $0xF0, s13  }
0x21e: {  	v2 =	vld [tilespmem:s13+$0x1980]  }
0x21f: {  	v4 =	vld [tilespmem:s13+$0x1A80]  }
0x220: {  	v5 =	vld [tilespmem:s13+$0x1B80]  }
0x221: {  	v6 =	vld [tilespmem:s13+$0x1C80]  }
0x222: {  	v7 =	vld [tilespmem:s13+$0x1D80]  }
0x223: {  	v2 =	vadd.s32 v3, v2;
	v3 =	vld [tilespmem:s13+$0x1E80]  }
0x224: {  	v56 =	vld [tilespmem:s13+$0x1F80];
	v2 =	vadd.s32 v4, v2  }
0x225: {  	v57 =	vld [tilespmem:s13+$0x2080];
	v2 =	vadd.s32 v5, v2  }
0x226: {  	v58 =	vld [tilespmem:s13+$0x2180];
	v2 =	vadd.s32 v6, v2  }
0x227: {  	v59 =	vld [tilespmem:s13+$0x2280];
	v2 =	vadd.s32 v7, v2  }
0x228: {  	v2 =	vadd.s32 v3, v2;
	v3 =	vld [tilespmem:s13+$0x2380]  }
0x229: {  	v60 =	vld [tilespmem:s13+$0x2480];
	v2 =	vadd.s32 v56, v2  }
0x22a: {  	v61 =	vld [tilespmem:s13+$0x2580];
	v2 =	vadd.s32 v57, v2  }
0x22b: {  	v62 =	vld [tilespmem:s13+$0x2680];
	v2 =	vadd.s32 v58, v2  }
0x22c: {  	v63 =	vld [tilespmem:s13+$0x2780];
	v2 =	vadd.s32 v59, v2  }
0x22d: {  	v2 =	vadd.s32 v3, v2  }
0x22e: {  	v2 =	vadd.s32 v60, v2  }
0x22f: {  	v2 =	vadd.s32 v61, v2  }
0x230: {  	v2 =	vadd.s32 v62, v2  }
0x231: {  	s14 =	simm.s32 $0x10;
	s13 =	simm.s32 $0x2880;
	v2 =	vadd.s32 v63, v2  }
0x232: {  	s14 =	sand.u32 $0xF0, s14;
	[tilespmem:s13+$0x0] =	vst v2  }
0x233: {  	s16 =	simm.s32 $0x20;
	s15 =	simm.s32 $0x1890;
	v2 =	vld [tilespmem:s14+$0x1980]  }
.LBB2_21:
0x234: {  	p0 =	sne.s32 s16, $0xF0;
	v3 =	vld [tilespmem:s15+$0x0]  }
0x235: {  	v4 =	vld [tilespmem:s14+$0x1A80]  }
0x236: {  	v5 =	vld [tilespmem:s14+$0x1B80]  }
0x237: {  	v6 =	vld [tilespmem:s14+$0x1C80]  }
0x238: {  	v7 =	vld [tilespmem:s14+$0x1D80]  }
0x239: {  	v2 =	vadd.s32 v3, v2;
	v3 =	vld [tilespmem:s14+$0x1E80]  }
0x23a: {  	v2 =	vadd.s32 v4, v2;
	v4 =	vld [tilespmem:s14+$0x1F80]  }
0x23b: {  	v2 =	vadd.s32 v5, v2;
	v5 =	vld [tilespmem:s14+$0x2080]  }
0x23c: {  	v2 =	vadd.s32 v6, v2;
	v6 =	vld [tilespmem:s14+$0x2180]  }
0x23d: {  	v2 =	vadd.s32 v7, v2;
	v7 =	vld [tilespmem:s14+$0x2280]  }
0x23e: {  	v2 =	vadd.s32 v3, v2;
	v3 =	vld [tilespmem:s14+$0x2380]  }
0x23f: {  	v2 =	vadd.s32 v4, v2;
	v4 =	vld [tilespmem:s14+$0x2480]  }
0x240: {  	v2 =	vadd.s32 v5, v2;
	v5 =	vld [tilespmem:s14+$0x2580]  }
0x241: {  	v2 =	vadd.s32 v6, v2;
	v6 =	vld [tilespmem:s14+$0x2680]  }
0x242: {  	v2 =	vadd.s32 v7, v2;
	v7 =	vld [tilespmem:s14+$0x2780]  }
0x243: {  	v2 =	vadd.s32 v3, v2  }
0x244: {  	v2 =	vadd.s32 v4, v2  }
.Ltmp10:
0x245: {  	v2 =	vadd.s32 v5, v2;
	(pc) =	sbr.rel @p0 .LBB2_21-.Ltmp10, $4  }
0x246: {  	v2 =	vadd.s32 v6, v2  }
0x247: {  	s13 =	sadd.s32 $0x10, s13;
	v2 =	vadd.s32 v7, v2  }
0x248: {  	s14 =	sand.u32 $0xF0, s16;
	[tilespmem:s13+$0x0] =	vst v2  }
0x249: {  	s15 =	sadd.s32 $0x10, s15;
	s16 =	sadd.s32 $0x10, s16;
	v2 =	vld [tilespmem:s14+$0x1980]  }
0x24a: {  	v3 =	vld [tilespmem:s15+$0x0]  }
0x24b: {  	v4 =	vld [tilespmem:s14+$0x1A80]  }
0x24c: {  	v5 =	vld [tilespmem:s14+$0x1B80]  }
0x24d: {  	v6 =	vld [tilespmem:s14+$0x1C80]  }
0x24e: {  	v7 =	vld [tilespmem:s14+$0x1D80]  }
0x24f: {  	v2 =	vadd.s32 v3, v2;
	v3 =	vld [tilespmem:s14+$0x1E80]  }
0x250: {  	v2 =	vadd.s32 v4, v2;
	v4 =	vld [tilespmem:s14+$0x1F80]  }
0x251: {  	v2 =	vadd.s32 v5, v2;
	v5 =	vld [tilespmem:s14+$0x2080]  }
0x252: {  	v2 =	vadd.s32 v6, v2;
	v6 =	vld [tilespmem:s14+$0x2180]  }
0x253: {  	v2 =	vadd.s32 v7, v2;
	v7 =	vld [tilespmem:s14+$0x2280]  }
0x254: {  	v2 =	vadd.s32 v3, v2;
	v3 =	vld [tilespmem:s14+$0x2380]  }
0x255: {  	v2 =	vadd.s32 v4, v2;
	v4 =	vld [tilespmem:s14+$0x2480]  }
0x256: {  	v2 =	vadd.s32 v5, v2;
	v5 =	vld [tilespmem:s14+$0x2580]  }
0x257: {  	v2 =	vadd.s32 v6, v2;
	v6 =	vld [tilespmem:s14+$0x2680]  }
0x258: {  	v2 =	vadd.s32 v7, v2;
	v7 =	vld [tilespmem:s14+$0x2780]  }
0x259: {  	v2 =	vadd.s32 v3, v2  }
0x25a: {  	v2 =	vadd.s32 v4, v2  }
0x25b: {  	v2 =	vadd.s32 v5, v2  }
0x25c: {  	v2 =	vadd.s32 v6, v2  }
0x25d: {  	s13 =	sadd.s32 $0x10, s13;
	v2 =	vadd.s32 v7, v2  }
0x25e: {  	s26 =	sadd.s32 $0x2000, s9;
	s28 =	simm.s32 $0x2;
	[tilespmem:s13+$0x0] =	vst v2;
	s13 =	simm.s32 $0x2880  }
0x25f: {  	[spmem:s26] =	stream.linear.scatter [tilespmem:s13], [sflag:$0x2], $0x100, $0x38;
	[tilespmem:$0xB420] =	vst v63  }
0x260: {  	_ =	swait.ge [sflag:s28], $0x100  }
0x261: {  	[sflag:s28] =	ssyncset.done $0x0  }
0x262: {  	[sflag:s28] =	ssyncadd.s32 $0xFFFFFF00  }
0x263: {  	s29 =	sadd.s32 $0x2000, s8;
	s16 =	simm.s32 $0x2A00;
	[bflag:$0x0] =	sbarrier.arrive $0xFFFF  }
0x264: {  	[tilespmem:s16], [sflag:$0x2] =	stream.linear.gather [spmem:s29], $0x1000, $0x38;
	[tilespmem:$0xB420] =	vst v63  }
0x265: {  	_ =	swait.ge [sflag:s28], $0x1000  }
0x266: {  	s30 =	simm.s32 $0x0;
	[sflag:s28] =	ssyncset.done $0x0  }
0x267: {  	s31 =	sand.u32 $0xF0, s30;
	[sflag:s28] =	ssyncadd.s32 $0xFFFFF000  }
0x268: {  	v2 =	vld [tilespmem:s31+$0x2B00]  }
0x269: {  	v3 =	vld [tilespmem:s16+$0x0]  }
0x26a: {  	v4 =	vld [tilespmem:s31+$0x2C00]  }
0x26b: {  	v5 =	vld [tilespmem:s31+$0x2D00]  }
0x26c: {  	v6 =	vld [tilespmem:s31+$0x2E00]  }
0x26d: {  	v7 =	vld [tilespmem:s31+$0x2F00]  }
0x26e: {  	v2 =	vadd.s32 v3, v2;
	v3 =	vld [tilespmem:s31+$0x3000]  }
0x26f: {  	v2 =	vadd.s32 v4, v2;
	v4 =	vld [tilespmem:s31+$0x3100]  }
0x270: {  	v2 =	vadd.s32 v5, v2;
	v5 =	vld [tilespmem:s31+$0x3200]  }
0x271: {  	v2 =	vadd.s32 v6, v2;
	v6 =	vld [tilespmem:s31+$0x3300]  }
0x272: {  	v2 =	vadd.s32 v7, v2;
	v7 =	vld [tilespmem:s31+$0x3400]  }
0x273: {  	v2 =	vadd.s32 v3, v2;
	v3 =	vld [tilespmem:s31+$0x3500]  }
0x274: {  	v2 =	vadd.s32 v4, v2;
	v4 =	vld [tilespmem:s31+$0x3600]  }
0x275: {  	v2 =	vadd.s32 v5, v2;
	v5 =	vld [tilespmem:s31+$0x3700]  }
0x276: {  	v2 =	vadd.s32 v6, v2;
	v6 =	vld [tilespmem:s31+$0x3800]  }
0x277: {  	v2 =	vadd.s32 v7, v2;
	v7 =	vld [tilespmem:s31+$0x3900]  }
0x278: {  	v2 =	vadd.s32 v3, v2  }
0x279: {  	v2 =	vadd.s32 v4, v2  }
0x27a: {  	v2 =	vadd.s32 v5, v2  }
0x27b: {  	v2 =	vadd.s32 v6, v2  }
0x27c: {  	s17 =	simm.s32 $0x10;
	v2 =	vadd.s32 v7, v2  }
0x27d: {  	s18 =	sand.u32 $0xF0, s17;
	[tilespmem:s13+$0x0] =	vst v2  }
0x27e: {  	s16 =	simm.s32 $0x2A10;
	v3 =	vld [tilespmem:s18+$0x2B00]  }
0x27f: {  	v4 =	vld [tilespmem:s16+$0x0]  }
0x280: {  	v5 =	vld [tilespmem:s18+$0x2C00]  }
0x281: {  	v6 =	vld [tilespmem:s18+$0x2D00]  }
0x282: {  	(xrf0) =	vadd.scan.msk.s32 $0xffff, v2;
	v2 =	vld [tilespmem:s18+$0x2E00]  }
0x283: {  	v7 =	vld [tilespmem:s18+$0x2F00]  }
0x284: {  	v8 =	vld [tilespmem:s18+$0x3000];
	v3 =	vadd.s32 v4, v3  }
0x285: {  	v9 =	vld [tilespmem:s18+$0x3100];
	v3 =	vadd.s32 v5, v3  }
0x286: {  	v10 =	vld [tilespmem:s18+$0x3200];
	v3 =	vadd.s32 v6, v3  }
0x287: {  	v4 =	vld [tilespmem:s18+$0x3300];
	v3 =	vadd.s32 v2, v3  }
0x288: {  	v5 =	vld [tilespmem:s18+$0x3400];
	v6, _, _ =	vpop (xrf0);
	v2 =	vlaneseq.u32;
	v3 =	vadd.s32 v7, v3  }
0x289: {  	v11 =	vbroadcast v6, $0xF;
	v6 =	vld [tilespmem:s18+$0x3500];
	v7 =	vmov s30;
	v3 =	vadd.s32 v8, v3  }
0x28a: {  	v8 =	vimm.s32 $0x0;
	vm0 =	veq.s32 v7, v2;
	v7 =	vld [tilespmem:s18+$0x3600];
	v9 =	vadd.s32 v9, v3  }
0x28b: {  	s15 =	simm.s32 $0x1;
	s19 =	simm.s32 $0x3;
	s14 =	simm.s32 $0x2;
	v3 =	vsel vm0, v11, v8;
	v8 =	vld [tilespmem:s18+$0x3700];
	v9 =	vadd.s32 v10, v9  }
.LBB2_23:
0x28c: {  	p0 =	sne.s32 s19, $0xF;
	v4 =	vadd.s32 v4, v9;
	v9 =	vld [tilespmem:s18+$0x3800]  }
0x28d: {  	v4 =	vadd.s32 v5, v4;
	v5 =	vld [tilespmem:s18+$0x3900]  }
0x28e: {  	v4 =	vadd.s32 v6, v4  }
0x28f: {  	v4 =	vadd.s32 v7, v4  }
0x290: {  	v4 =	vadd.s32 v8, v4  }
0x291: {  	v4 =	vadd.s32 v9, v4  }
0x292: {  	s17 =	sadd.s32 $0x10, s17;
	s13 =	sadd.s32 $0x10, s13;
	v4 =	vadd.s32 v5, v4  }
0x293: {  	s18 =	sand.u32 $0xF0, s17;
	[tilespmem:s13+$0x0] =	vst v4;
	(xrf0) =	vadd.scan.msk.s32 $0xffff, v4  }
0x294: {  	s16 =	sadd.s32 $0x10, s16;
	v4 =	vld [tilespmem:s18+$0x2B00]  }
0x295: {  	v5 =	vld [tilespmem:s16+$0x0]  }
0x296: {  	v6 =	vld [tilespmem:s18+$0x2C00]  }
0x297: {  	v7 =	vld [tilespmem:s18+$0x2D00]  }
0x298: {  	v8 =	vld [tilespmem:s18+$0x2E00]  }
0x299: {  	v9 =	vld [tilespmem:s18+$0x2F00];
	v10, _, _ =	vpop (xrf0)  }
0x29a: {  	v4 =	vadd.s32 v5, v4;
	v11 =	vld [tilespmem:s18+$0x3000];
	v5 =	vmov s15;
	v10 =	vbroadcast v10, $0xF;
	s15 =	smov.u32 s14;
	s14 =	smov.u32 s19  }
0x29b: {  	v4 =	vadd.s32 v6, v4;
	v12 =	vld [tilespmem:s18+$0x3100];
	vm0 =	veq.s32 v5, v2  }
0x29c: {  	v4 =	vadd.s32 v7, v4;
	v13 =	vld [tilespmem:s18+$0x3200];
	v3 =	vsel vm0, v10, v3  }
.Ltmp11:
0x29d: {  	v5 =	vadd.s32 v8, v4;
	v4 =	vld [tilespmem:s18+$0x3300];
	(pc) =	sbr.rel @p0 .LBB2_23-.Ltmp11, $4  }
0x29e: {  	v6 =	vadd.s32 v9, v5;
	v5 =	vld [tilespmem:s18+$0x3400]  }
0x29f: {  	v7 =	vadd.s32 v11, v6;
	v6 =	vld [tilespmem:s18+$0x3500]  }
0x2a0: {  	v8 =	vadd.s32 v12, v7;
	v7 =	vld [tilespmem:s18+$0x3600]  }
0x2a1: {  	s19 =	sadd.s32 $0x1, s19;
	v9 =	vadd.s32 v13, v8;
	v8 =	vld [tilespmem:s18+$0x3700]  }
0x2a2: {  	v4 =	vadd.s32 v4, v9;
	v55 =	vld [tilespmem:s18+$0x3800]  }
0x2a3: {  	v4 =	vadd.s32 v5, v4;
	v5 =	vld [tilespmem:s18+$0x3900]  }
0x2a4: {  	v4 =	vadd.s32 v6, v4  }
0x2a5: {  	v4 =	vadd.s32 v7, v4  }
0x2a6: {  	v4 =	vadd.s32 v8, v4  }
0x2a7: {  	v4 =	vadd.s32 v55, v4  }
0x2a8: {  	s17 =	sadd.s32 $0x10, s17;
	s13 =	sadd.s32 $0x10, s13;
	v4 =	vadd.s32 v5, v4  }
0x2a9: {  	s17 =	sand.u32 $0xF0, s17;
	[tilespmem:s13+$0x0] =	vst v4  }
0x2aa: {  	s16 =	sadd.s32 $0x10, s16;
	v5 =	vld [tilespmem:s17+$0x2B00]  }
0x2ab: {  	v6 =	vld [tilespmem:s16+$0x0]  }
0x2ac: {  	v7 =	vld [tilespmem:s17+$0x2C00]  }
0x2ad: {  	v56 =	vld [tilespmem:s17+$0x2D00]  }
0x2ae: {  	v57 =	vld [tilespmem:s17+$0x2E00]  }
0x2af: {  	v10 =	vld [tilespmem:s17+$0x2F00]  }
0x2b0: {  	v5 =	vadd.s32 v6, v5;
	v6 =	vld [tilespmem:s17+$0x3000]  }
0x2b1: {  	v5 =	vadd.s32 v7, v5;
	v7 =	vld [tilespmem:s17+$0x3100]  }
0x2b2: {  	v58 =	vld [tilespmem:s17+$0x3200];
	v5 =	vadd.s32 v56, v5  }
0x2b3: {  	v59 =	vld [tilespmem:s17+$0x3300];
	v5 =	vadd.s32 v57, v5  }
0x2b4: {  	v60 =	vld [tilespmem:s17+$0x3400];
	v5 =	vadd.s32 v10, v5  }
0x2b5: {  	v5 =	vadd.s32 v6, v5;
	v6 =	vld [tilespmem:s17+$0x3500]  }
0x2b6: {  	v5 =	vadd.s32 v7, v5;
	v7 =	vld [tilespmem:s17+$0x3600]  }
0x2b7: {  	v61 =	vld [tilespmem:s17+$0x3700];
	v5 =	vadd.s32 v58, v5  }
0x2b8: {  	v62 =	vld [tilespmem:s17+$0x3800];
	v5 =	vadd.s32 v59, v5  }
0x2b9: {  	v63 =	vld [tilespmem:s17+$0x3900];
	v5 =	vadd.s32 v60, v5  }
0x2ba: {  	v5 =	vadd.s32 v6, v5  }
0x2bb: {  	v5 =	vadd.s32 v7, v5  }
0x2bc: {  	v5 =	vadd.s32 v61, v5  }
0x2bd: {  	v6 =	vmov s12;
	v7 =	vlaneseq.u32;
	v5 =	vadd.s32 v62, v5  }
0x2be: {  	(xrf0) =	vadd.scan.msk.s32 $0xffff, v4;
	vm0 =	vlt.s32 v6, v7;
	v4 =	vadd.s32 v63, v5  }
0x2bf: {  	v0 =	vnsel vm0, $0x0, v0;
	(xrf0) =	vadd.scan.msk.s32 $0xffff, v4  }
0x2c0: {  	(xrf0) =	vadd.scan.msk.s32 $0xffff, v0;
	_ =	sdelay $0x3  }
0x2c1: {  	v0, _, _ =	vpop (xrf0)  }
0x2c2: {  	v5, _, _ =	vpop (xrf0)  }
0x2c3: {  	(v2sf) =	vpush v1, $0xF;
	v1, _, _ =	vpop (xrf0)  }
0x2c4: {  	(v2sf) =	vpush v1, $0xF;
	_ =	sdelay $0x2  }
0x2c5: {  	v6 =	vmul.u32 $0xFFFFFFFF, v7;
	v0 =	vbroadcast v0, $0xF;
	v1 =	vmov s15  }
0x2c6: {  	v5 =	vbroadcast v5, $0xF;
	vm13 =	veq.s32 v1, v2;
	v1 =	vmov s14  }
0x2c7: {  	v0 =	vsel vm13, v0, v3;
	vm14 =	veq.s32 v1, v2  }
0x2c8: {  	v1 =	vsel vm14, v5, v0;
	v5 =	vadd.s32 $0xF, v6  }
0x2c9: {  	v0 =	vperm.xlane v1, v5;
	_ =	sdelay $0x1  }
0x2ca: {  	(xrf0) =	vadd.scan.msk.s32 $0xffff, v0;
	_ =	sdelay $0x4  }
0x2cb: {  	s29 =	spop (v2sf)  }
0x2cc: {  	s11 =	sadd.s32 s11, s29;
	v0, _, _ =	vpop (xrf0);
	s30 =	spop (v2sf)  }
0x2cd: {  	v0 =	vperm.xlane v0, v5;
	s11 =	sadd.s32 s30, s11  }
0x2ce: {  	s14 =	ssub.s32 $0x400, s11  }
0x2cf: {  	v2 =	vimm.s32 $0x0;
	vm15 =	vge.s32 v0, s14  }
0x2d0: {  	v0 =	vsel vm15, $0x1, v2  }
0x2d1: {  	(xrf0) =	vadd.scan.msk.s32 $0xffff, v0;
	_ =	sdelay $0x5  }
0x2d2: {  	v0, _, _ =	vpop (xrf0)  }
0x2d3: {  	(v2sf) =	vpush v0, $0xF;
	_ =	sdelay $0xe  }
0x2d4: {  	s31 =	spop (v2sf)  }
0x2d5: {  	s13 =	sadd.s32 $0x10, s13;
	s12 =	sadd.s32 $0xFFFFFFFF, s31  }
0x2d6: {  	[tilespmem:s13+$0x0] =	vst v4;
	s13 =	sshll.u32 s12, $0x4  }
0x2d7: {  	v0 =	vld [tilespmem:s13+$0x2880];
	_ =	sdelay $0x4  }
0x2d8: {  	v3 =	vperm.xlane v0, v5;
	_ =	sdelay $0x1  }
0x2d9: {  	(xrf0) =	vadd.scan.msk.s32 $0xffff, v3;
	v3 =	vmov s14;
	s14 =	simm.s32 $0x18C0  }
0x2da: {  	[tilespmem:s14+$0xFFFFFFC0] =	vst v2  }
0x2db: {  	[tilespmem:s14+$0x30] =	vst v2  }
0x2dc: {  	[tilespmem:s14+$0x20] =	vst v2  }
0x2dd: {  	[tilespmem:s14+$0x10] =	vst v2  }
0x2de: {  	[tilespmem:s14+$0x0] =	vst v2  }
0x2df: {  	[tilespmem:s14+$0xFFFFFFF0] =	vst v2;
	v4, _, _ =	vpop (xrf0)  }
0x2e0: {  	s15 =	simm.s32 $0x0;
	[tilespmem:s14+$0xFFFFFFE0] =	vst v2;
	v4 =	vperm.xlane v4, v5  }
.LBB2_25:
0x2e1: {  	s15 =	sadd.s32 $0x8, s15;
	[tilespmem:s14+$0xFFFFFFD0] =	vst v2;
	s14 =	sadd.s32 $0x80, s14  }
0x2e2: {  	[tilespmem:s14+$0xFFFFFFC0] =	vst v2;
	p0 =	slt.u32 s15, $0xF8  }
0x2e3: {  	[tilespmem:s14+$0x30] =	vst v2  }
.Ltmp12:
0x2e4: {  	[tilespmem:s14+$0x20] =	vst v2;
	(pc) =	sbr.rel @p0 .LBB2_25-.Ltmp12, $4  }
0x2e5: {  	[tilespmem:s14+$0x10] =	vst v2  }
0x2e6: {  	[tilespmem:s14+$0x0] =	vst v2  }
0x2e7: {  	[tilespmem:s14+$0xFFFFFFF0] =	vst v2  }
0x2e8: {  	[tilespmem:s14+$0xFFFFFFE0] =	vst v2  }
0x2e9: {  	[tilespmem:s14+$0xFFFFFFD0] =	vst v2;
	v2 =	vmov s12;
	v5 =	vlaneseq.u32  }
0x2ea: {  	vm0 =	vlt.s32 v2, v5  }
0x2eb: {  	v1 =	vnsel vm0, $0x0, v1  }
0x2ec: {  	(xrf0) =	vadd.scan.msk.s32 $0xffff, v1;
	_ =	sdelay $0x5  }
0x2ed: {  	v1, _, _ =	vpop (xrf0)  }
0x2ee: {  	v2 =	vbroadcast v1, $0xF;
	_ =	sdelay $0x1  }
0x2ef: {  	v2 =	vadd.s32 v4, v2  }
0x2f0: {  	vm15 =	vge.s32 v2, v3;
	v2 =	vimm.s32 $0x0  }
0x2f1: {  	v2 =	vsel vm15, $0x1, v2  }
0x2f2: {  	(xrf0) =	vadd.scan.msk.s32 $0xffff, v2;
	_ =	sdelay $0x5  }
0x2f3: {  	v2, _, _ =	vpop (xrf0)  }
0x2f4: {  	(v2sf) =	vpush v2, $0xF;
	_ =	sdelay $0xe  }
0x2f5: {  	s31 =	spop (v2sf)  }
0x2f6: {  	s12 =	sadd.s32 $0xFFFFFFFF, s31  }
0x2f7: {  	s10 =	sshll.u32 s10, $0x8;
	s13 =	sadd.s32 s13, s12  }
0x2f8: {  	s10 =	sor.u32 s10, s13  }
0x2f9: {  	s14 =	simm.s32 $0x20;
	s15 =	simm.s32 $0x1880;
	v4 =	vimm.s32 $0x1;
	v3 =	vmul.u32 $0x100, v5;
	s13 =	simm.s32 $0xFFFFFFFC;
	v2 =	vmov s10  }
.LBB2_27:
0x2fa: {  	v5 =	vld [tilespmem:s14+$0xFFFFFFE0];
	_ =	sdelay $0x4  }
0x2fb: {  	v6 =	vshrl.u32 v5, $0x8  }
0x2fc: {  	v5 =	vand.u32 $0xFF, v5;
	vm0 =	veq.s32 v6, v2  }
0x2fd: {  	v5 =	vor.u32 v3, v5;
	_ =	sdelay $0x4  }
0x2fe: {  	[tilespmem:v5+s15+$0x0] =	vst.idx.add.s32.msk vm0, v4  }
0x2ff: {  	v5 =	vld [tilespmem:s14+$0xFFFFFFF0];
	_ =	sdelay $0x4  }
0x300: {  	v6 =	vshrl.u32 v5, $0x8  }
0x301: {  	v5 =	vand.u32 $0xFF, v5;
	vm13 =	veq.s32 v6, v2  }
0x302: {  	v5 =	vor.u32 v3, v5;
	_ =	sdelay $0x4  }
0x303: {  	[tilespmem:v5+s15+$0x0] =	vst.idx.add.s32.msk vm13, v4  }
0x304: {  	v5 =	vld [tilespmem:s14+$0x0];
	_ =	sdelay $0x4  }
0x305: {  	v6 =	vshrl.u32 v5, $0x8  }
0x306: {  	v5 =	vand.u32 $0xFF, v5;
	vm14 =	veq.s32 v6, v2  }
0x307: {  	v5 =	vor.u32 v3, v5;
	_ =	sdelay $0x4  }
0x308: {  	[tilespmem:v5+s15+$0x0] =	vst.idx.add.s32.msk vm14, v4  }
0x309: {  	v5 =	vld [tilespmem:s14+$0x10];
	_ =	sdelay $0x4  }
0x30a: {  	v6 =	vshrl.u32 v5, $0x8  }
0x30b: {  	s13 =	sadd.s32 $0x4, s13;
	v5 =	vand.u32 $0xFF, v5;
	vm15 =	veq.s32 v6, v2  }
0x30c: {  	p0 =	slt.u32 s13, $0x184;
	v5 =	vor.u32 v3, v5  }
.Ltmp13:
0x30d: {  	_ = 	snop;
	(pc) =	sbr.rel @p0 .LBB2_27-.Ltmp13, $2  }
0x30e: {  	_ =	sdelay $0x2  }
0x30f: {  	s14 =	sadd.s32 $0x40, s14;
	[tilespmem:v5+s15+$0x0] =	vst.idx.add.s32.msk vm15, v4  }
0x310: {  	s13 =	simm.s32 $0x0  }
0x311: {  	v3 =	vld [tilespmem:s15+$0x0];
	s13 =	sand.u32 $0xF0, s13  }
0x312: {  	v2 =	vld [tilespmem:s13+$0x1980]  }
0x313: {  	v4 =	vld [tilespmem:s13+$0x1A80]  }
0x314: {  	v5 =	vld [tilespmem:s13+$0x1B80]  }
0x315: {  	v6 =	vld [tilespmem:s13+$0x1C80]  }
0x316: {  	v7 =	vld [tilespmem:s13+$0x1D80]  }
0x317: {  	v2 =	vadd.s32 v3, v2;
	v3 =	vld [tilespmem:s13+$0x1E80]  }
0x318: {  	v56 =	vld [tilespmem:s13+$0x1F80];
	v2 =	vadd.s32 v4, v2  }
0x319: {  	v57 =	vld [tilespmem:s13+$0x2080];
	v2 =	vadd.s32 v5, v2  }
0x31a: {  	v58 =	vld [tilespmem:s13+$0x2180];
	v2 =	vadd.s32 v6, v2  }
0x31b: {  	v59 =	vld [tilespmem:s13+$0x2280];
	v2 =	vadd.s32 v7, v2  }
0x31c: {  	v2 =	vadd.s32 v3, v2;
	v3 =	vld [tilespmem:s13+$0x2380]  }
0x31d: {  	v60 =	vld [tilespmem:s13+$0x2480];
	v2 =	vadd.s32 v56, v2  }
0x31e: {  	v61 =	vld [tilespmem:s13+$0x2580];
	v2 =	vadd.s32 v57, v2  }
0x31f: {  	v62 =	vld [tilespmem:s13+$0x2680];
	v2 =	vadd.s32 v58, v2  }
0x320: {  	v63 =	vld [tilespmem:s13+$0x2780];
	v2 =	vadd.s32 v59, v2  }
0x321: {  	v2 =	vadd.s32 v3, v2  }
0x322: {  	v2 =	vadd.s32 v60, v2  }
0x323: {  	v2 =	vadd.s32 v61, v2  }
0x324: {  	v2 =	vadd.s32 v62, v2  }
0x325: {  	s14 =	simm.s32 $0x10;
	s13 =	simm.s32 $0x2880;
	v2 =	vadd.s32 v63, v2  }
0x326: {  	s14 =	sand.u32 $0xF0, s14;
	[tilespmem:s13+$0x0] =	vst v2  }
0x327: {  	s16 =	simm.s32 $0x20;
	s15 =	simm.s32 $0x1890;
	v2 =	vld [tilespmem:s14+$0x1980]  }
.LBB2_29:
0x328: {  	p0 =	sne.s32 s16, $0xF0;
	v3 =	vld [tilespmem:s15+$0x0]  }
0x329: {  	v4 =	vld [tilespmem:s14+$0x1A80]  }
0x32a: {  	v5 =	vld [tilespmem:s14+$0x1B80]  }
0x32b: {  	v6 =	vld [tilespmem:s14+$0x1C80]  }
0x32c: {  	v7 =	vld [tilespmem:s14+$0x1D80]  }
0x32d: {  	v2 =	vadd.s32 v3, v2;
	v3 =	vld [tilespmem:s14+$0x1E80]  }
0x32e: {  	v2 =	vadd.s32 v4, v2;
	v4 =	vld [tilespmem:s14+$0x1F80]  }
0x32f: {  	v2 =	vadd.s32 v5, v2;
	v5 =	vld [tilespmem:s14+$0x2080]  }
0x330: {  	v2 =	vadd.s32 v6, v2;
	v6 =	vld [tilespmem:s14+$0x2180]  }
0x331: {  	v2 =	vadd.s32 v7, v2;
	v7 =	vld [tilespmem:s14+$0x2280]  }
0x332: {  	v2 =	vadd.s32 v3, v2;
	v3 =	vld [tilespmem:s14+$0x2380]  }
0x333: {  	v2 =	vadd.s32 v4, v2;
	v4 =	vld [tilespmem:s14+$0x2480]  }
0x334: {  	v2 =	vadd.s32 v5, v2;
	v5 =	vld [tilespmem:s14+$0x2580]  }
0x335: {  	v2 =	vadd.s32 v6, v2;
	v6 =	vld [tilespmem:s14+$0x2680]  }
0x336: {  	v2 =	vadd.s32 v7, v2;
	v7 =	vld [tilespmem:s14+$0x2780]  }
0x337: {  	v2 =	vadd.s32 v3, v2  }
0x338: {  	v2 =	vadd.s32 v4, v2  }
.Ltmp14:
0x339: {  	v2 =	vadd.s32 v5, v2;
	(pc) =	sbr.rel @p0 .LBB2_29-.Ltmp14, $4  }
0x33a: {  	v2 =	vadd.s32 v6, v2  }
0x33b: {  	s13 =	sadd.s32 $0x10, s13;
	v2 =	vadd.s32 v7, v2  }
0x33c: {  	s14 =	sand.u32 $0xF0, s16;
	[tilespmem:s13+$0x0] =	vst v2  }
0x33d: {  	s15 =	sadd.s32 $0x10, s15;
	s16 =	sadd.s32 $0x10, s16;
	v2 =	vld [tilespmem:s14+$0x1980]  }
0x33e: {  	v3 =	vld [tilespmem:s15+$0x0]  }
0x33f: {  	v4 =	vld [tilespmem:s14+$0x1A80]  }
0x340: {  	v5 =	vld [tilespmem:s14+$0x1B80]  }
0x341: {  	v6 =	vld [tilespmem:s14+$0x1C80]  }
0x342: {  	v7 =	vld [tilespmem:s14+$0x1D80]  }
0x343: {  	v2 =	vadd.s32 v3, v2;
	v3 =	vld [tilespmem:s14+$0x1E80]  }
0x344: {  	v2 =	vadd.s32 v4, v2;
	v4 =	vld [tilespmem:s14+$0x1F80]  }
0x345: {  	v2 =	vadd.s32 v5, v2;
	v5 =	vld [tilespmem:s14+$0x2080]  }
0x346: {  	v2 =	vadd.s32 v6, v2;
	v6 =	vld [tilespmem:s14+$0x2180]  }
0x347: {  	v2 =	vadd.s32 v7, v2;
	v7 =	vld [tilespmem:s14+$0x2280]  }
0x348: {  	v2 =	vadd.s32 v3, v2;
	v3 =	vld [tilespmem:s14+$0x2380]  }
0x349: {  	v2 =	vadd.s32 v4, v2;
	v4 =	vld [tilespmem:s14+$0x2480]  }
0x34a: {  	v2 =	vadd.s32 v5, v2;
	v5 =	vld [tilespmem:s14+$0x2580]  }
0x34b: {  	v2 =	vadd.s32 v6, v2;
	v6 =	vld [tilespmem:s14+$0x2680]  }
0x34c: {  	v2 =	vadd.s32 v7, v2;
	v7 =	vld [tilespmem:s14+$0x2780]  }
0x34d: {  	v2 =	vadd.s32 v3, v2  }
0x34e: {  	v2 =	vadd.s32 v4, v2  }
0x34f: {  	v2 =	vadd.s32 v5, v2  }
0x350: {  	v2 =	vadd.s32 v6, v2  }
0x351: {  	s13 =	sadd.s32 $0x10, s13;
	v2 =	vadd.s32 v7, v2  }
0x352: {  	s26 =	sadd.s32 $0x3000, s9;
	s9 =	simm.s32 $0x2880;
	s28 =	simm.s32 $0x2;
	[tilespmem:s13+$0x0] =	vst v2  }
0x353: {  	[spmem:s26] =	stream.linear.scatter [tilespmem:s9], [sflag:$0x2], $0x100, $0x38;
	[tilespmem:$0xB420] =	vst v63  }
0x354: {  	_ =	swait.ge [sflag:s28], $0x100  }
0x355: {  	[sflag:s28] =	ssyncset.done $0x0  }
0x356: {  	[sflag:s28] =	ssyncadd.s32 $0xFFFFFF00  }
0x357: {  	s8 =	sadd.s32 $0x3000, s8;
	s29 =	simm.s32 $0x2A00;
	[bflag:$0x0] =	sbarrier.arrive $0xFFFF  }
0x358: {  	[tilespmem:s29], [sflag:$0x2] =	stream.linear.gather [spmem:s8], $0x1000, $0x38;
	[tilespmem:$0xB420] =	vst v63  }
0x359: {  	_ =	swait.ge [sflag:s28], $0x1000  }
0x35a: {  	s30 =	simm.s32 $0x0;
	[sflag:s28] =	ssyncset.done $0x0  }
0x35b: {  	s31 =	sand.u32 $0xF0, s30;
	[sflag:s28] =	ssyncadd.s32 $0xFFFFF000  }
0x35c: {  	v2 =	vld [tilespmem:s31+$0x2B00]  }
0x35d: {  	v3 =	vld [tilespmem:s29+$0x0]  }
0x35e: {  	v4 =	vld [tilespmem:s31+$0x2C00]  }
0x35f: {  	v5 =	vld [tilespmem:s31+$0x2D00]  }
0x360: {  	v6 =	vld [tilespmem:s31+$0x2E00]  }
0x361: {  	v7 =	vld [tilespmem:s31+$0x2F00]  }
0x362: {  	v2 =	vadd.s32 v3, v2;
	v3 =	vld [tilespmem:s31+$0x3000]  }
0x363: {  	v2 =	vadd.s32 v4, v2;
	v4 =	vld [tilespmem:s31+$0x3100]  }
0x364: {  	v2 =	vadd.s32 v5, v2;
	v5 =	vld [tilespmem:s31+$0x3200]  }
0x365: {  	v2 =	vadd.s32 v6, v2;
	v6 =	vld [tilespmem:s31+$0x3300]  }
0x366: {  	v2 =	vadd.s32 v7, v2;
	v7 =	vld [tilespmem:s31+$0x3400]  }
0x367: {  	v2 =	vadd.s32 v3, v2;
	v3 =	vld [tilespmem:s31+$0x3500]  }
0x368: {  	v2 =	vadd.s32 v4, v2;
	v4 =	vld [tilespmem:s31+$0x3600]  }
0x369: {  	v2 =	vadd.s32 v5, v2;
	v5 =	vld [tilespmem:s31+$0x3700]  }
0x36a: {  	v2 =	vadd.s32 v6, v2;
	v6 =	vld [tilespmem:s31+$0x3800]  }
0x36b: {  	v2 =	vadd.s32 v7, v2;
	v7 =	vld [tilespmem:s31+$0x3900]  }
0x36c: {  	v2 =	vadd.s32 v3, v2  }
0x36d: {  	v2 =	vadd.s32 v4, v2  }
0x36e: {  	v2 =	vadd.s32 v5, v2  }
0x36f: {  	v2 =	vadd.s32 v6, v2  }
0x370: {  	s15 =	simm.s32 $0x10;
	v2 =	vadd.s32 v7, v2  }
0x371: {  	s16 =	sand.u32 $0xF0, s15;
	[tilespmem:s9+$0x0] =	vst v2  }
0x372: {  	s14 =	simm.s32 $0x2A10;
	v3 =	vld [tilespmem:s16+$0x2B00]  }
0x373: {  	v4 =	vld [tilespmem:s14+$0x0]  }
0x374: {  	v5 =	vld [tilespmem:s16+$0x2C00]  }
0x375: {  	v6 =	vld [tilespmem:s16+$0x2D00]  }
0x376: {  	(xrf0) =	vadd.scan.msk.s32 $0xffff, v2;
	v2 =	vld [tilespmem:s16+$0x2E00]  }
0x377: {  	v7 =	vld [tilespmem:s16+$0x2F00]  }
0x378: {  	v3 =	vadd.s32 v4, v3;
	v4 =	vld [tilespmem:s16+$0x3000]  }
0x379: {  	v8 =	vld [tilespmem:s16+$0x3100];
	v3 =	vadd.s32 v5, v3  }
0x37a: {  	v9 =	vld [tilespmem:s16+$0x3200];
	v3 =	vadd.s32 v6, v3  }
0x37b: {  	v5 =	vadd.s32 v2, v3;
	v2 =	vld [tilespmem:s16+$0x3300]  }
0x37c: {  	v10 =	vmov s30;
	v6, _, _ =	vpop (xrf0);
	v7 =	vadd.s32 v7, v5;
	v5 =	vld [tilespmem:s16+$0x3400]  }
0x37d: {  	v3 =	vlaneseq.u32;
	v11 =	vbroadcast v6, $0xF;
	v6 =	vld [tilespmem:s16+$0x3500];
	v4 =	vadd.s32 v4, v7  }
0x37e: {  	v12 =	vimm.s32 $0x0;
	vm0 =	veq.s32 v10, v3;
	v7 =	vld [tilespmem:s16+$0x3600];
	v8 =	vadd.s32 v8, v4  }
0x37f: {  	s17 =	simm.s32 $0x3;
	s13 =	simm.s32 $0x1;
	s8 =	simm.s32 $0x2;
	v4 =	vsel vm0, v11, v12;
	v9 =	vadd.s32 v9, v8;
	v8 =	vld [tilespmem:s16+$0x3700]  }
.LBB2_31:
0x380: {  	p0 =	sne.s32 s17, $0xF;
	v2 =	vadd.s32 v2, v9;
	v9 =	vld [tilespmem:s16+$0x3800]  }
0x381: {  	v2 =	vadd.s32 v5, v2;
	v5 =	vld [tilespmem:s16+$0x3900]  }
0x382: {  	v2 =	vadd.s32 v6, v2  }
0x383: {  	v2 =	vadd.s32 v7, v2  }
0x384: {  	v2 =	vadd.s32 v8, v2  }
0x385: {  	v2 =	vadd.s32 v9, v2  }
0x386: {  	s15 =	sadd.s32 $0x10, s15;
	s9 =	sadd.s32 $0x10, s9;
	v2 =	vadd.s32 v5, v2  }
0x387: {  	s16 =	sand.u32 $0xF0, s15;
	[tilespmem:s9+$0x0] =	vst v2;
	(xrf0) =	vadd.scan.msk.s32 $0xffff, v2  }
0x388: {  	s14 =	sadd.s32 $0x10, s14;
	v2 =	vld [tilespmem:s16+$0x2B00]  }
0x389: {  	v5 =	vld [tilespmem:s14+$0x0]  }
0x38a: {  	v6 =	vld [tilespmem:s16+$0x2C00]  }
0x38b: {  	v7 =	vld [tilespmem:s16+$0x2D00]  }
0x38c: {  	v8 =	vld [tilespmem:s16+$0x2E00]  }
0x38d: {  	v9 =	vld [tilespmem:s16+$0x2F00];
	v10, _, _ =	vpop (xrf0)  }
0x38e: {  	v2 =	vadd.s32 v5, v2;
	v11 =	vld [tilespmem:s16+$0x3000];
	v5 =	vmov s13;
	v10 =	vbroadcast v10, $0xF;
	s13 =	smov.u32 s8;
	s8 =	smov.u32 s17  }
0x38f: {  	v2 =	vadd.s32 v6, v2;
	v12 =	vld [tilespmem:s16+$0x3100];
	vm0 =	veq.s32 v5, v3  }
0x390: {  	v2 =	vadd.s32 v7, v2;
	v13 =	vld [tilespmem:s16+$0x3200];
	v4 =	vsel vm0, v10, v4  }
.Ltmp15:
0x391: {  	v5 =	vadd.s32 v8, v2;
	v2 =	vld [tilespmem:s16+$0x3300];
	(pc) =	sbr.rel @p0 .LBB2_31-.Ltmp15, $4  }
0x392: {  	v6 =	vadd.s32 v9, v5;
	v5 =	vld [tilespmem:s16+$0x3400]  }
0x393: {  	v7 =	vadd.s32 v11, v6;
	v6 =	vld [tilespmem:s16+$0x3500]  }
0x394: {  	v8 =	vadd.s32 v12, v7;
	v7 =	vld [tilespmem:s16+$0x3600]  }
0x395: {  	s17 =	sadd.s32 $0x1, s17;
	v9 =	vadd.s32 v13, v8;
	v8 =	vld [tilespmem:s16+$0x3700]  }
0x396: {  	v2 =	vadd.s32 v2, v9;
	v45 =	vld [tilespmem:s16+$0x3800]  }
0x397: {  	v2 =	vadd.s32 v5, v2;
	v5 =	vld [tilespmem:s16+$0x3900]  }
0x398: {  	v2 =	vadd.s32 v6, v2  }
0x399: {  	v2 =	vadd.s32 v7, v2  }
0x39a: {  	v2 =	vadd.s32 v8, v2  }
0x39b: {  	v2 =	vadd.s32 v45, v2  }
0x39c: {  	s15 =	sadd.s32 $0x10, s15;
	s9 =	sadd.s32 $0x10, s9;
	v5 =	vadd.s32 v5, v2  }
0x39d: {  	s15 =	sand.u32 $0xF0, s15;
	[tilespmem:s9+$0x0] =	vst v5  }
0x39e: {  	s14 =	sadd.s32 $0x10, s14;
	v2 =	vld [tilespmem:s15+$0x2B00]  }
0x39f: {  	v46 =	vld [tilespmem:s14+$0x0]  }
0x3a0: {  	v47 =	vld [tilespmem:s15+$0x2C00]  }
0x3a1: {  	v48 =	vld [tilespmem:s15+$0x2D00]  }
0x3a2: {  	v49 =	vld [tilespmem:s15+$0x2E00]  }
0x3a3: {  	v10 =	vld [tilespmem:s15+$0x2F00]  }
0x3a4: {  	v50 =	vld [tilespmem:s15+$0x3000];
	v2 =	vadd.s32 v46, v2  }
0x3a5: {  	v51 =	vld [tilespmem:s15+$0x3100];
	v2 =	vadd.s32 v47, v2  }
0x3a6: {  	v52 =	vld [tilespmem:s15+$0x3200];
	v2 =	vadd.s32 v48, v2  }
0x3a7: {  	v53 =	vld [tilespmem:s15+$0x3300];
	v2 =	vadd.s32 v49, v2  }
0x3a8: {  	v54 =	vld [tilespmem:s15+$0x3400];
	v2 =	vadd.s32 v10, v2  }
0x3a9: {  	v55 =	vld [tilespmem:s15+$0x3500];
	v2 =	vadd.s32 v50, v2  }
0x3aa: {  	v56 =	vld [tilespmem:s15+$0x3600];
	v2 =	vadd.s32 v51, v2  }
0x3ab: {  	v57 =	vld [tilespmem:s15+$0x3700];
	v2 =	vadd.s32 v52, v2  }
0x3ac: {  	v58 =	vld [tilespmem:s15+$0x3800];
	v2 =	vadd.s32 v53, v2  }
0x3ad: {  	v59 =	vld [tilespmem:s15+$0x3900];
	v2 =	vadd.s32 v54, v2  }
0x3ae: {  	v2 =	vadd.s32 v55, v2  }
0x3af: {  	v2 =	vadd.s32 v56, v2  }
0x3b0: {  	v2 =	vadd.s32 v57, v2  }
0x3b1: {  	v61 =	vmov s12;
	v60 =	vadd.s32 v58, v2;
	v2 =	vlaneseq.u32  }
0x3b2: {  	(xrf0) =	vadd.scan.msk.s32 $0xffff, v5;
	v5 =	vadd.s32 v59, v60;
	vm0 =	vlt.s32 v61, v2  }
0x3b3: {  	(xrf0) =	vadd.scan.msk.s32 $0xffff, v5;
	v0 =	vnsel vm0, $0x0, v0  }
0x3b4: {  	(xrf0) =	vadd.scan.msk.s32 $0xffff, v0;
	_ =	sdelay $0x3  }
0x3b5: {  	v0, _, _ =	vpop (xrf0)  }
0x3b6: {  	v62, _, _ =	vpop (xrf0)  }
0x3b7: {  	(v2sf) =	vpush v1, $0xF;
	v1, _, _ =	vpop (xrf0)  }
0x3b8: {  	(v2sf) =	vpush v1, $0xF;
	_ =	sdelay $0x2  }
0x3b9: {  	v63 =	vmul.u32 $0xFFFFFFFF, v2;
	v0 =	vbroadcast v0, $0xF;
	v1 =	vmov s13  }
0x3ba: {  	v6 =	vbroadcast v62, $0xF;
	vm11 =	veq.s32 v1, v3;
	v1 =	vmov s8  }
0x3bb: {  	v0 =	vsel vm11, v0, v4;
	vm12 =	veq.s32 v1, v3  }
0x3bc: {  	v3 =	vadd.s32 $0xF, v63;
	v1 =	vsel vm12, v6, v0  }
0x3bd: {  	v0 =	vperm.xlane v1, v3;
	_ =	sdelay $0x1  }
0x3be: {  	(xrf0) =	vadd.scan.msk.s32 $0xffff, v0;
	_ =	sdelay $0x4  }
0x3bf: {  	s22 =	spop (v2sf)  }
0x3c0: {  	s8 =	sadd.s32 s22, s11;
	v0, _, _ =	vpop (xrf0);
	s23 =	spop (v2sf)  }
0x3c1: {  	v0 =	vperm.xlane v0, v3;
	s8 =	sadd.s32 s23, s8  }
0x3c2: {  	s8 =	ssub.s32 $0x400, s8  }
0x3c3: {  	vm13 =	vge.s32 v0, s8;
	v0 =	vimm.s32 $0x0  }
0x3c4: {  	v4 =	vsel vm13, $0x1, v0  }
0x3c5: {  	(xrf0) =	vadd.scan.msk.s32 $0xffff, v4;
	_ =	sdelay $0x5  }
0x3c6: {  	v4, _, _ =	vpop (xrf0)  }
0x3c7: {  	(v2sf) =	vpush v4, $0xF;
	_ =	sdelay $0xe  }
0x3c8: {  	s24 =	spop (v2sf)  }
0x3c9: {  	s9 =	sadd.s32 $0x10, s9;
	s11 =	sadd.s32 $0xFFFFFFFF, s24  }
0x3ca: {  	[tilespmem:s9+$0x0] =	vst v5;
	s25 =	sshll.u32 s11, $0x4  }
0x3cb: {  	v4 =	vld [tilespmem:s25+$0x2880];
	_ =	sdelay $0x2  }
0x3cc: {  	v5 =	vmov s11  }
0x3cd: {  	vm14 =	vlt.s32 v5, v2  }
0x3ce: {  	v1 =	vnsel vm14, $0x0, v1;
	v4 =	vperm.xlane v4, v3  }
0x3cf: {  	(xrf0) =	vadd.scan.msk.s32 $0xffff, v1  }
0x3d0: {  	(xrf0) =	vadd.scan.msk.s32 $0xffff, v4;
	_ =	sdelay $0x4  }
0x3d1: {  	v1, _, _ =	vpop (xrf0)  }
0x3d2: {  	v4, _, _ =	vpop (xrf0)  }
0x3d3: {  	v1 =	vbroadcast v1, $0xF;
	v3 =	vperm.xlane v4, v3;
	_ =	sdelay $0x1  }
0x3d4: {  	v1 =	vadd.s32 v3, v1  }
0x3d5: {  	vm15 =	vge.s32 v1, s8  }
0x3d6: {  	v1 =	vsel vm15, $0x1, v0  }
0x3d7: {  	(xrf0) =	vadd.scan.msk.s32 $0xffff, v1;
	_ =	sdelay $0x5  }
0x3d8: {  	v1, _, _ =	vpop (xrf0)  }
0x3d9: {  	(v2sf) =	vpush v1, $0xF;
	_ =	sdelay $0xd  }
0x3da: {  	s26 =	simm.s32 $0x0  }
0x3db: {  	v3 =	vld [tilespmem:s26+$0x0];
	s28 =	spop (v2sf)  }
0x3dc: {  	s29 =	sadd.s32 s28, s25  }
0x3dd: {  	s30 =	sshll.u32 s10, $0x8;
	s8 =	sadd.s32 $0xFFFFFFFF, s29  }
0x3de: {  	s8 =	sor.u32 s30, s8  }
0x3df: {  	p0 =	por $0x0, $0x0;
	v1 =	vmov s8  }
0x3e0: {  	v4 =	vimm.s32 @!p0 $0x0;
	vm0 =	veq.s32 @!p0 v3, v1  }
0x3e1: {  	vm1 =	vgt.u32 v3, v1;
	v4 =	vsel @!p0 vm0, $0x1, v4  }
0x3e2: {  	(xrf0) =	vadd.scan.msk.s32 @!p0 $0xffff, v4;
	v4 =	vsel vm1, $0x1, v0  }
0x3e3: {  	(xrf0) =	vadd.scan.msk.s32 $0xffff, v4;
	_ =	sdelay $0x4  }
0x3e4: {  	v4, _, _ =	vpop @!p0 (xrf0)  }
0x3e5: {  	(v2sf) =	vpush @!p0 v4, $0xF;
	v4, _, _ =	vpop (xrf0)  }
0x3e6: {  	(v2sf) =	vpush v4, $0xF;
	_ =	sdelay $0x9  }
0x3e7: {  	s8 =	simm.s32 $0x0  }
0x3e8: {  	[tilespmem:s8+$0x3A00] =	vst.msk vm1, v3;
	v4 =	vor.u32 s7, v2  }
0x3e9: {  	[tilespmem:s8+$0x3E80] =	vst.msk vm1, v4  }
0x3ea: {  	s31 =	simm.s32 $0x10;
	[tilespmem:s8+$0x4300] =	vst.msk @!p0 vm0, v4  }
0x3eb: {  	s10 =	simm.s32 $0x0;
	s9 =	simm.s32 $0x80;
	v3 =	vld [tilespmem:s31+$0x0];
	s12 =	spop @!p0 (v2sf)  }
0x3ec: {  	s7 =	sadd.s32 $0x10, s7;
	s12 =	simm.s32 @p0 $0x0;
	s11 =	spop (v2sf)  }
.LBB2_33:
0x3ed: {  	s8 =	sadd.s32 s8, s11  }
0x3ee: {  	s10 =	sadd.s32 s10, s12;
	s11 =	smov.u32 s9;
	s9 =	sadd.s32 $0x40, s9  }
0x3ef: {  	p0 =	sne.s32 s9, $0x6200;
	p1 =	sgt.s32 s10, $0x50  }
0x3f0: {  	vm0 =	vgt.u32 v3, v1;
	vm1 =	veq.s32 @!p1 v3, v1;
	v4 =	vimm.s32 @!p1 $0x0  }
0x3f1: {  	v5 =	vor.u32 s7, v2;
	[tilespmem:s8+$0x3A00] =	vst.msk vm0, v3;
	v3 =	vsel vm0, $0x1, v0;
	v4 =	vsel @!p1 vm1, $0x1, v4  }
0x3f2: {  	[tilespmem:s8+$0x3E80] =	vst.msk vm0, v5;
	(xrf0) =	vadd.scan.msk.s32 @!p1 $0xffff, v4  }
0x3f3: {  	[tilespmem:s10+$0x4300] =	vst.msk @!p1 vm1, v5;
	(xrf0) =	vadd.scan.msk.s32 $0xffff, v3;
	_ =	sdelay $0x4  }
0x3f4: {  	v3, _, _ =	vpop @!p1 (xrf0)  }
0x3f5: {  	v4, _, _ =	vpop (xrf0);
	(v2sf) =	vpush @!p1 v3, $0xF  }
0x3f6: {  	(v2sf) =	vpush v4, $0xF;
	_ =	sdelay $0xa  }
.Ltmp16:
0x3f7: {  	(pc) =	sbr.rel @p0 .LBB2_33-.Ltmp16, $4  }
0x3f8: {  	s11 =	sshra.s32 s11, $0x2  }
0x3f9: {  	v3 =	vld [tilespmem:s11+$0x0]  }
0x3fa: {  	s12 =	spop @!p1 (v2sf)  }
0x3fb: {  	s7 =	sadd.s32 $0x10, s7;
	s12 =	simm.s32 @p1 $0x0;
	s11 =	spop (v2sf)  }
0x3fc: {  	s9 =	sadd.s32 s10, s12  }
0x3fd: {  	p0 =	sgt.s32 s9, $0x50  }
0x3fe: {  	vm0 =	veq.s32 @!p0 v3, v1;
	v4 =	vimm.s32 @!p0 $0x0  }
0x3ff: {  	v4 =	vsel @!p0 vm0, $0x1, v4  }
0x400: {  	(xrf0) =	vadd.scan.msk.s32 @!p0 $0xffff, v4  }
0x401: {  	vm1 =	vgt.u32 v3, v1  }
0x402: {  	v0 =	vsel vm1, $0x1, v0  }
0x403: {  	(xrf0) =	vadd.scan.msk.s32 $0xffff, v0;
	_ =	sdelay $0x2  }
0x404: {  	v0, _, _ =	vpop @!p0 (xrf0)  }
0x405: {  	(v2sf) =	vpush @!p0 v0, $0xF;
	_ =	sdelay $0x1  }
0x406: {  	v0, _, _ =	vpop (xrf0)  }
0x407: {  	(v2sf) =	vpush v0, $0xF;
	_ =	sdelay $0xb  }
0x408: {  	s10 =	spop @!p0 (v2sf)  }
0x409: {  	s10 =	simm.s32 @p0 $0x0  }
0x40a: {  	s8 =	sadd.s32 s8, s11;
	vm2 =	vcmask $0x704;
	s26 =	sadd.s32 s9, s10  }
0x40b: {  	[tilespmem:s8+$0x3A00] =	vst.msk vm1, v3;
	v3 =	vlaneseq.u32;
	v0 =	vor.u32 s7, v2;
	s28 =	spop (v2sf);
	v2 =	vmov s26  }
0x40c: {  	vm15 =	veq.s32 v3, $0x0;
	[tilespmem:s8+$0x3E80] =	vst.msk vm1, v0;
	s8 =	sadd.s32 s8, s28;
	v63 =	vnsel vm2, $0x0, v2  }
0x40d: {  	s29 =	sshll.u32 s3, $0x4;
	s30 =	simm.s32 $0x4900;
	[tilespmem:s9+$0x4300] =	vst.msk @!p0 vm0, v0;
	p0 =	sne.s32 s3, $0x0;
	v0 =	vsel vm15, s8, v63  }
.Ltmp17:
0x40e: {  	s7 =	sadd.s32 s29, s6;
	s10 =	simm.s32 $0x2;
	[tilespmem:$0x4900] =	vst v0;
	(pc) =	sbr.rel @p0 .LBB2_38-.Ltmp17, $4  }
0x40f: {  	[spmem:s7] =	stream.linear.scatter [tilespmem:s30], [sflag:$0x2], $0x10, $0x38;
	[tilespmem:$0xB420] =	vst v63  }
0x410: {  	_ =	swait.ge [sflag:s10], $0x10  }
0x411: {  	s31 =	sshll.u32 s3, $0x3;
	[sflag:s10] =	ssyncset.done $0x0  }
0x412: {  	s9 =	sor.u32 $0x800, s31;
	s7 =	sor.u32 $0x400, s3;
	[sflag:s10] =	ssyncadd.s32 $0xFFFFFFF0  }
0x413: {  	s12 =	simm.s32 $0x4AC0;
	v0 =	vimm.s32 $0x0  }
0x414: {  	s11 =	simm.s32 $0x5340;
	v3 =	vimm.s32 $0x7FFFFFFF;
	[tilespmem:s12+$0xFFFFFFC0] =	vst v0  }
0x415: {  	[tilespmem:s11+$0xFFFFFFC0] =	vst v3  }
0x416: {  	[tilespmem:s12+$0xFFFFFFD0] =	vst v0  }
0x417: {  	[tilespmem:s11+$0xFFFFFFD0] =	vst v3  }
0x418: {  	[tilespmem:s12+$0xFFFFFFE0] =	vst v0  }
0x419: {  	[tilespmem:s11+$0xFFFFFFE0] =	vst v3  }
0x41a: {  	[tilespmem:s12+$0xFFFFFFF0] =	vst v0  }
0x41b: {  	[tilespmem:s11+$0xFFFFFFF0] =	vst v3  }
0x41c: {  	[tilespmem:s12+$0x0] =	vst v0  }
0x41d: {  	[tilespmem:s11+$0x0] =	vst v3  }
0x41e: {  	[tilespmem:s12+$0x10] =	vst v0  }
0x41f: {  	[tilespmem:s11+$0x10] =	vst v3  }
0x420: {  	[tilespmem:s12+$0x20] =	vst v0  }
0x421: {  	[tilespmem:s11+$0x20] =	vst v3  }
0x422: {  	[tilespmem:s12+$0x30] =	vst v0  }
0x423: {  	s13 =	simm.s32 $0x4B40;
	s12 =	simm.s32 $0x0;
	[tilespmem:s11+$0x30] =	vst v3  }
.LBB2_36:
0x424: {  	[tilespmem:s13+$0xFFFFFFC0] =	vst v0;
	s11 =	sadd.s32 $0x80, s11  }
0x425: {  	[tilespmem:s11+$0xFFFFFFC0] =	vst v3  }
0x426: {  	[tilespmem:s13+$0xFFFFFFD0] =	vst v0  }
0x427: {  	[tilespmem:s11+$0xFFFFFFD0] =	vst v3  }
0x428: {  	[tilespmem:s13+$0xFFFFFFE0] =	vst v0  }
0x429: {  	[tilespmem:s11+$0xFFFFFFE0] =	vst v3  }
0x42a: {  	[tilespmem:s13+$0xFFFFFFF0] =	vst v0  }
0x42b: {  	[tilespmem:s11+$0xFFFFFFF0] =	vst v3  }
0x42c: {  	[tilespmem:s13+$0x0] =	vst v0  }
0x42d: {  	s12 =	sadd.s32 $0x8, s12;
	[tilespmem:s11+$0x0] =	vst v3  }
0x42e: {  	p1 =	slt.u32 s12, $0x80;
	[tilespmem:s13+$0x10] =	vst v0  }
.Ltmp18:
0x42f: {  	[tilespmem:s11+$0x10] =	vst v3;
	(pc) =	sbr.rel @p1 .LBB2_36-.Ltmp18, $4  }
0x430: {  	[tilespmem:s13+$0x20] =	vst v0  }
0x431: {  	[tilespmem:s11+$0x20] =	vst v3  }
0x432: {  	[tilespmem:s13+$0x30] =	vst v0  }
0x433: {  	s13 =	sadd.s32 $0x80, s13;
	[tilespmem:s11+$0x30] =	vst v3  }
0x434: {  	s11 =	simm.s32 $0x4A80;
	s31 =	simm.s32 $0x2  }
0x435: {  	[spmem:s5] =	stream.linear.scatter [tilespmem:s11], [sflag:$0x2], $0x880, $0x38;
	[tilespmem:$0xB420] =	vst v63  }
0x436: {  	_ =	swait.ge [sflag:s31], $0x880  }
0x437: {  	[sflag:s31] =	ssyncset.done $0x0  }
0x438: {  	s12 =	simm.s32 $0x5300;
	[sflag:s31] =	ssyncadd.s32 $0xFFFFF780  }
0x439: {  	[spmem:s4] =	stream.linear.scatter [tilespmem:s12], [sflag:$0x2], $0x880, $0x38;
	[tilespmem:$0xB420] =	vst v63  }
0x43a: {  	_ =	swait.ge [sflag:s31], $0x880  }
0x43b: {  	[sflag:s31] =	ssyncset.done $0x0  }
0x43c: {  	[sflag:s31] =	ssyncadd.s32 $0xFFFFF780  }
.LBB2_38:
0x43d: {  	[bflag:$0x0] =	sbarrier.arrive $0xFFFF;
	s11 =	simm.s32 $0x4980  }
0x43e: {  	[tilespmem:s11], [sflag:$0x2] =	stream.linear.gather [spmem:s6], $0x100, $0x38;
	[tilespmem:$0xB420] =	vst v63  }
0x43f: {  	_ =	swait.ge [sflag:s10], $0x100  }
0x440: {  	[sflag:s10] =	ssyncset.done $0x0  }
0x441: {  	[sflag:s10] =	ssyncadd.s32 $0xFFFFFF00  }
0x442: {  	v0 =	vld [tilespmem:s11+$0x0]  }
0x443: {  	s30 =	simm.s32 $0x4990  }
0x444: {  	v4 =	vld [tilespmem:s30+$0x0]  }
0x445: {  	s31 =	simm.s32 $0x49A0  }
0x446: {  	v5 =	vld [tilespmem:s31+$0x0]  }
0x447: {  	(v2sf) =	vpush v0, $0x1  }
0x448: {  	(v2sf) =	vpush v0, $0x0  }
0x449: {  	(v2sf) =	vpush v4, $0x1  }
0x44a: {  	(v2sf) =	vpush v4, $0x0  }
0x44b: {  	(v2sf) =	vpush v5, $0x1;
	_ =	sdelay $0x5  }
0x44c: {  	v3 =	vmov s9;
	s14 =	simm.s32 $0x3;
	s15 =	simm.s32 $0x49B0;
	s9 =	simm.s32 $0x0  }
0x44d: {  	s12 =	simm.s32 $0x0;
	s13 =	simm.s32 $0x0;
	s6 =	simm.s32 $0x2  }
0x44e: {  	s10 =	simm.s32 $0x0;
	s11 =	simm.s32 $0x1;
	v0 =	vmov s7;
	v4 =	vmov s8;
	s8 =	simm.s32 $0x0  }
.LBB2_39:
0x44f: {  	p1 =	sne.s32 s14, $0xF  }
0x450: {  	(v2sf) =	vpush v5, $0x0;
	v5 =	vld [tilespmem:s15+$0x0];
	s16 =	smov.u32 s6;
	s6 =	smov.u32 s14;
	s14 =	sadd.s32 $0x1, s14  }
.Ltmp19:
0x451: {  	(pc) =	sbr.rel @p1 .LBB2_39-.Ltmp19, $4  }
0x452: {  	p2 =	slt.u32 s10, s3;
	s10 =	smov.u32 s11;
	s17 =	spop (v2sf)  }
0x453: {  	s9 =	sadd.s32 s9, s17;
	s17 =	simm.s32 @!p2 $0x0;
	s11 =	spop (v2sf)  }
0x454: {  	s12 =	sadd.s32 s12, s17;
	s13 =	sadd.s32 s13, s11;
	s11 =	simm.s32 @!p2 $0x0  }
0x455: {  	s15 =	sadd.s32 $0x10, s15;
	(v2sf) =	vpush v5, $0x1;
	s8 =	sadd.s32 s8, s11;
	s11 =	smov.u32 s16  }
0x456: {  	(v2sf) =	vpush v5, $0x0;
	_ =	sdelay $0x9  }
0x457: {  	s14 =	spop (v2sf);
	p1 =	slt.u32 s10, s3  }
0x458: {  	s9 =	sadd.s32 s9, s14;
	s14 =	simm.s32 @!p1 $0x0;
	s10 =	spop (v2sf)  }
0x459: {  	p2 =	slt.u32 s11, s3;
	s12 =	sadd.s32 s12, s14;
	s14 =	spop (v2sf)  }
0x45a: {  	s13 =	sadd.s32 s13, s10;
	s10 =	simm.s32 @!p1 $0x0;
	s11 =	spop (v2sf)  }
0x45b: {  	p1 =	slt.u32 s6, s3;
	s10 =	sadd.s32 s8, s10;
	s15 =	spop (v2sf)  }
0x45c: {  	s13 =	sadd.s32 s13, s11;
	s11 =	simm.s32 @!p2 $0x0;
	s16 =	spop (v2sf)  }
0x45d: {  	s10 =	sadd.s32 s10, s11;
	s6 =	sadd.s32 s13, s16;
	s16 =	simm.s32 @!p1 $0x0  }
0x45e: {  	s30 =	simm.s32 $0x0;
	v5 =	vlaneseq.u32;
	s10 =	sadd.s32 s10, s16  }
0x45f: {  	v6 =	vor.u32 s30, v5;
	s9 =	sadd.s32 s9, s14;
	s14 =	simm.s32 @!p2 $0x0;
	s31 =	sadd.s32 $0x0, s10  }
0x460: {  	vm0 =	vlt.s32 v6, v4;
	s29 =	sadd.s32 s12, s14;
	v7 =	vadd.s32 s31, v5  }
0x461: {  	s11 =	simm.s32 $0x4400;
	s8 =	sadd.s32 s9, s15;
	s15 =	simm.s32 @!p1 $0x0;
	v6 =	vsel vm0, v7, v3  }
0x462: {  	s12 =	simm.s32 $0x10;
	s9 =	sadd.s32 s29, s15;
	[tilespmem:s11+$0x0] =	vst v6  }
.LBB2_41:
0x463: {  	p1 =	seq.s32 s12, $0x400  }
.Ltmp20:
0x464: {  	_ = 	snop;
	(pc) =	sbr.rel @!p1 .LBB2_41-.Ltmp20, $4  }
0x465: {  	s13 =	sadd.s32 s12, s10;
	v6 =	vor.u32 s12, v5  }
0x466: {  	v7 =	vadd.s32 s13, v5;
	vm0 =	vlt.s32 v6, v4  }
0x467: {  	s11 =	sadd.s32 $0x10, s11;
	v6 =	vsel vm0, v7, v3  }
0x468: {  	s12 =	sadd.s32 $0x10, s12;
	[tilespmem:s11+$0x0] =	vst v6  }
0x469: {  	s9 =	sadd.s32 $0x400, s9;
	s12 =	simm.s32 $0x0;
	v4 =	vlaneseq.u32  }
0x46a: {  	s13 =	sadd.s32 $0x0, s9;
	v5 =	vor.u32 s12, v4  }
0x46b: {  	v6 =	vadd.s32 s13, v4;
	vm0 =	vlt.s32 v5, v2  }
0x46c: {  	s10 =	simm.s32 $0x4880;
	v5 =	vsel vm0, v6, v3  }
0x46d: {  	s11 =	simm.s32 $0x4380;
	[tilespmem:s10+$0x0] =	vst v5  }
0x46e: {  	s12 =	simm.s32 $0x10;
	[tilespmem:s11+$0x0] =	vst v1  }
.LBB2_43:
0x46f: {  	p1 =	sne.s32 s12, $0x50  }
.Ltmp21:
0x470: {  	s13 =	sadd.s32 s12, s9;
	v5 =	vor.u32 s12, v4;
	(pc) =	sbr.rel @p1 .LBB2_43-.Ltmp21, $4  }
0x471: {  	s12 =	sadd.s32 $0x10, s12;
	v6 =	vadd.s32 s13, v4;
	vm0 =	vlt.s32 v5, v2  }
0x472: {  	s10 =	sadd.s32 $0x10, s10;
	v5 =	vsel vm0, v6, v3  }
0x473: {  	s11 =	sadd.s32 $0x10, s11;
	[tilespmem:s10+$0x0] =	vst v5  }
0x474: {  	[tilespmem:s11+$0x0] =	vst v1  }
0x475: {  	s9 =	simm.s32 $0x410  }
0x476: {  	s10 =	simm.s32 $0x4400;
	s11 =	simm.s32 $0x3A00;
	s18 =	simm.s32 $0x2  }
0x477: {  	[spmem:s5] =	stream.indirect.scatter [tilespmem:s11], [sflag:$0x2], $0x1, s10, s9, $0xb8;
	[tilespmem:$0xB420] =	vst v63  }
0x478: {  	_ =	swait.ge [sflag:s18], $0x410  }
0x479: {  	[sflag:s18] =	ssyncset.done $0x0  }
0x47a: {  	s12 =	simm.s32 $0x3E80;
	[sflag:s18] =	ssyncadd.s32 $0xFFFFFBF0  }
0x47b: {  	[spmem:s4] =	stream.indirect.scatter [tilespmem:s12], [sflag:$0x2], $0x1, s10, s9, $0xb8;
	[tilespmem:$0xB420] =	vst v63  }
0x47c: {  	_ =	swait.ge [sflag:s18], $0x410  }
0x47d: {  	s19 =	simm.s32 $0x60;
	[sflag:s18] =	ssyncset.done $0x0  }
0x47e: {  	s20 =	simm.s32 $0x4880;
	s21 =	simm.s32 $0x4380;
	[sflag:s18] =	ssyncadd.s32 $0xFFFFFBF0  }
0x47f: {  	[spmem:s5] =	stream.indirect.scatter [tilespmem:s21], [sflag:$0x2], $0x1, s20, s19, $0xb8;
	[tilespmem:$0xB420] =	vst v63  }
0x480: {  	_ =	swait.ge [sflag:s18], $0x60  }
0x481: {  	[sflag:s18] =	ssyncset.done $0x0  }
0x482: {  	s22 =	simm.s32 $0x4300;
	[sflag:s18] =	ssyncadd.s32 $0xFFFFFFA0  }
0x483: {  	[spmem:s4] =	stream.indirect.scatter [tilespmem:s22], [sflag:$0x2], $0x1, s20, s19, $0xb8;
	[tilespmem:$0xB420] =	vst v63  }
0x484: {  	_ =	swait.ge [sflag:s18], $0x60  }
0x485: {  	s23 =	simm.s32 $0x5B80;
	[sflag:s18] =	ssyncset.done $0x0  }
0x486: {  	s24 =	simm.s32 $0x6400;
	s25 =	sadd.s32 $0xF, s8;
	[sflag:s18] =	ssyncadd.s32 $0xFFFFFFA0  }
0x487: {  	s26 =	sand.u32 $0xF, s25;
	s28 =	sshra.s32 s25, $0x1F;
	[bflag:$0x0] =	sbarrier.arrive $0xFFFF  }
0x488: {  	[tilespmem:s23], [sflag:$0x2] =	stream.linear.gather [spmem:s5], $0x800, $0x38;
	[tilespmem:$0xB420] =	vst v63  }
0x489: {  	p1 =	slt.s32 s25, $0x1;
	p2 =	sne.s32 s26, $0x0;
	_ =	swait.ge [sflag:s18], $0x800  }
0x48a: {  	s11 =	simm.s32 $0x6C80;
	p1 =	por !p1, !p2;
	[sflag:s18] =	ssyncset.done $0x0  }
0x48b: {  	s29 =	sshrl.u32 s28, $0x1C;
	p1 =	por !p1, !p1;
	[sflag:s18] =	ssyncadd.s32 $0xFFFFF800  }
0x48c: {  	[tilespmem:s24], [sflag:$0x2] =	stream.linear.gather [spmem:s4], $0x800, $0x38;
	[tilespmem:$0xB420] =	vst v63  }
.Ltmp22:
0x48d: {  	s5 =	simm.s32 $0x1;
	s4 =	sadd.s32 s29, s25;
	(pc) =	sbr.rel .LBB2_45-.Ltmp22, $4  }
0x48e: {  	s9 =	simm.s32 $0x6D00;
	s5 =	simm.s32 @!p1 $0x0;
	s30 =	sshra.s32 s4, $0x4  }
0x48f: {  	s10 =	simm.s32 $0x6D80;
	_ =	swait.ge [sflag:s18], $0x800;
	s5 =	ssub.s32 s30, s5  }
0x490: {  	s4 =	sadd.s32 $0x400, s8;
	[sflag:s18] =	ssyncset.done $0x0;
	s31 =	sadd.s32 $0x40, s5  }
0x491: {  	v1 =	vimm.s32 $0x0;
	s8 =	simm.s32 $0x0;
	[sflag:s18] =	ssyncadd.s32 $0xFFFFF800;
	p1 =	slt.s32 s31, $0x41  }
.LBB2_53:
0x492: {  	_ =	sdelay $0x3  }
0x493: {  	[tilespmem:v2+s9+$0x0] =	vst.idx.msk $0x1, v0;
	v4 =	vmov s12;
	v3 =	vimm.s32 $0x0  }
.LBB2_54:
0x494: {  	s8 =	sadd.s32 $0x1, s8  }
0x495: {  	p2 =	sne.s32 s8, $0x80  }
.Ltmp23:
0x496: {  	_ = 	snop;
	(pc) =	sbr.rel @!p2 .LBB2_55-.Ltmp23, $3  }
0x497: {  	_ =	sdelay $0x1  }
0x498: {  	[tilespmem:v2+s10+$0x0] =	vst.idx.msk $0x1, v4  }
0x499: {  	[tilespmem:v2+s11+$0x0] =	vst.idx.msk $0x1, v3  }
.LBB2_45:
0x49a: {  	s12 =	sshll.u32 s8, $0x4  }
0x49b: {  	s12 =	sor.u32 s3, s12  }
0x49c: {  	p2 =	slt.u32 s8, $0x40;
	p3 =	sge.s32 s12, s4  }
0x49d: {  	p4 =	slt.s32 s12, s6;
	p2 =	por p2, p3  }
0x49e: {  	p2 =	por p4, !p2  }
.Ltmp24:
0x49f: {  	_ = 	snop;
	(pc) =	sbr.rel @!p2 .LBB2_53-.Ltmp24, $2  }
0x4a0: {  	_ =	sdelay $0x2  }
0x4a1: {  	v2 =	vmov s8  }
0x4a2: {  	v3 =	vld.msk [tilespmem:s12+$0x5B80 ss:$0x0], $0xffff  }
0x4a3: {  	v4 =	vld.msk [tilespmem:s12+$0x6400 ss:$0x0], $0xffff;
	s13 =	simm.s32 $0x5BC0  }
0x4a4: {  	s12 =	simm.s32 $0x6440;
	v8 =	vld [tilespmem:s13+$0x30]  }
0x4a5: {  	v9 =	vld [tilespmem:s12+$0x30]  }
0x4a6: {  	v10 =	vld [tilespmem:s13+$0x20]  }
0x4a7: {  	v11 =	vld [tilespmem:s12+$0x20]  }
0x4a8: {  	v12 =	vld [tilespmem:s13+$0x10]  }
0x4a9: {  	v13 =	vld [tilespmem:s12+$0x10]  }
0x4aa: {  	v14 =	vld [tilespmem:s13+$0x0]  }
0x4ab: {  	v5 =	vimm.s32 $0x0;
	v7 =	vimm.s32 $0x0;
	v15 =	vld [tilespmem:s12+$0x0]  }
0x4ac: {  	v20 =	vimm.s32 $0x0;
	v6 =	vld [tilespmem:s13+$0xFFFFFFD0];
	vm0 =	vgt.u32 v10, v3;
	vm7 =	veq.s32 v8, v3  }
0x4ad: {  	v16 =	vld [tilespmem:s13+$0xFFFFFFF0];
	vm8 =	vlt.s32 v9, v4;
	vm11 =	veq.s32 v10, v3;
	v7 =	vsel vm0, $0xFFFFFFFF, v7  }
0x4ae: {  	v17 =	vld [tilespmem:s12+$0xFFFFFFF0];
	vm12 =	vlt.s32 v11, v4;
	vm0 =	vgt.u32 v8, v3;
	[tilespmem:$0x1FF90] =	vst v7;
	v7 =	vimm.s32 $0x0  }
0x4af: {  	v18 =	vld [tilespmem:s13+$0xFFFFFFE0];
	vm5 =	veq.s32 v12, v3;
	v7 =	vsel vm0, $0xFFFFFFFF, v7;
	vm0 =	vgt.u32 v12, v3  }
0x4b0: {  	v19 =	vld [tilespmem:s12+$0xFFFFFFE0];
	v8 =	vimm.s32 $0x0;
	v20 =	vsel vm0, $0xFFFFFFFF, v20;
	vm0 =	vgt.u32 v14, v3  }
0x4b1: {  	vm1 =	vgt.u32 v6, v3;
	v9 =	vimm.s32 $0x0;
	[tilespmem:$0x1FFA0] =	vst v7;
	v7 =	vld [tilespmem:s13+$0xFFFFFFC0];
	v8 =	vsel vm0, $0xFFFFFFFF, v8  }
0x4b2: {  	v9 =	vsel vm1, $0xFFFFFFFF, v9;
	vm0 =	vgt.u32 v16, v3;
	[tilespmem:$0x1FFC0] =	vst v8;
	v8 =	vimm.s32 $0x0  }
0x4b3: {  	vm10 =	vlt.s32 v13, v4;
	vm2 =	vlt.s32 v15, v4;
	[tilespmem:$0x1FFF0] =	vst v9;
	v8 =	vsel vm0, $0xFFFFFFFF, v8  }
0x4b4: {  	vm13 =	veq.s32 v16, v3;
	vm0 =	vgt.u32 v18, v3;
	[tilespmem:$0x1FFD0] =	vst v8;
	v8 =	vimm.s32 $0x0  }
0x4b5: {  	vm14 =	vlt.s32 v17, v4;
	vm15 =	veq.s32 v18, v3;
	v9 =	vld [tilespmem:s12+$0xFFFFFFC0];
	[tilespmem:$0x1FFB0] =	vst v20;
	v8 =	vsel vm0, $0xFFFFFFFF, v8  }
0x4b6: {  	s14 =	simm.s32 $0x5C40;
	vm1 =	vlt.s32 v19, v4;
	s13 =	simm.s32 $0x0;
	vm0 =	veq.s32 v14, v3;
	vm3 =	vgt.u32 v7, v3;
	[tilespmem:$0x1FFE0] =	vst v8;
	v8 =	vld [tilespmem:s12+$0xFFFFFFD0]  }
.LBB2_47:
0x4b7: {  	vm6 =	veq.s32 v6, v3;
	v6 =	vimm.s32 $0x0  }
0x4b8: {  	v6 =	vsel vm6, $0xFFFFFFFF, v6  }
0x4b9: {  	vm4 =	veq.s32 v7, v3;
	v7 =	vld [tilespmem:$0x1FFF0];
	[tilespmem:$0x1FF80] =	vst v6  }
0x4ba: {  	v6 =	vld [tilespmem:$0x1FF80];
	_ =	sdelay $0x1  }
0x4bb: {  	vm9 =	vlt.s32 v9, v4  }
0x4bc: {  	vm4 =	vmand vm4, vm9  }
0x4bd: {  	vm3 =	vmor vm3, vm4  }
0x4be: {  	vm4 =	vnez.u8 v6;
	v6 =	vsel vm3, $0x1, v1;
	vm3 =	vnez.u8 v7;
	v7 =	vld [tilespmem:$0x1FFE0];
	_ =	sdelay $0x1  }
0x4bf: {  	vm6 =	vlt.s32 v8, v4  }
0x4c0: {  	vm4 =	vmand vm4, vm6  }
0x4c1: {  	vm3 =	vmor vm3, vm4  }
0x4c2: {  	v5 =	vadd.s32 v6, v5;
	v6 =	vsel vm3, $0x1, v1;
	vm3 =	vnez.u8 v7;
	v7 =	vld [tilespmem:$0x1FFD0];
	_ =	sdelay $0x2  }
0x4c3: {  	vm1 =	vmand vm15, vm1  }
0x4c4: {  	vm1 =	vmor vm3, vm1  }
0x4c5: {  	v5 =	vadd.s32 v6, v5;
	v6 =	vsel vm1, $0x1, v1;
	vm1 =	vnez.u8 v7;
	v7 =	vld [tilespmem:$0x1FFC0];
	_ =	sdelay $0x2  }
0x4c6: {  	vm0 =	vmand vm0, vm2;
	vm2 =	vmand vm5, vm10;
	vm5 =	vmand vm13, vm14  }
0x4c7: {  	vm1 =	vmor vm1, vm5  }
0x4c8: {  	v5 =	vadd.s32 v6, v5;
	v6 =	vsel vm1, $0x1, v1;
	vm1 =	vnez.u8 v7;
	v7 =	vld [tilespmem:$0x1FFB0];
	_ =	sdelay $0x3  }
0x4c9: {  	vm0 =	vmor vm1, vm0  }
0x4ca: {  	v5 =	vadd.s32 v6, v5;
	v6 =	vsel vm0, $0x1, v1;
	vm0 =	vnez.u8 v7;
	v7 =	vld [tilespmem:$0x1FF90];
	_ =	sdelay $0x3  }
0x4cb: {  	v10 =	vld [tilespmem:s14+$0x30];
	vm0 =	vmor vm0, vm2  }
0x4cc: {  	v5 =	vadd.s32 v6, v5;
	v6 =	vsel vm0, $0x1, v1;
	vm0 =	vnez.u8 v7;
	v7 =	vld [tilespmem:$0x1FFA0]  }
0x4cd: {  	v12 =	vld [tilespmem:s14+$0x10]  }
0x4ce: {  	v9 =	vld [tilespmem:s14+$0x20]  }
0x4cf: {  	vm11 =	vmand vm11, vm12;
	v14 =	vld [tilespmem:s14+$0x0]  }
0x4d0: {  	vm12 =	vmand vm7, vm8;
	v16 =	vld [tilespmem:s14+$0xFFFFFFF0];
	vm0 =	vmor vm0, vm11  }
0x4d1: {  	s12 =	sadd.s32 $0x80, s12;
	v18 =	vld [tilespmem:s14+$0xFFFFFFE0];
	v5 =	vadd.s32 v6, v5;
	v6 =	vsel vm0, $0x1, v1;
	vm0 =	vnez.u8 v7  }
0x4d2: {  	v20 =	vimm.s32 $0x0;
	v11 =	vld [tilespmem:s12+$0x20];
	vm0 =	vmor vm0, vm12  }
0x4d3: {  	v62 =	vimm.s32 $0x0;
	v13 =	vld [tilespmem:s12+$0x10];
	v7 =	vsel vm0, $0x1, v1;
	vm0 =	vgt.u32 v9, v3  }
0x4d4: {  	v63 =	vimm.s32 $0x0;
	v15 =	vld [tilespmem:s12+$0x0];
	v20 =	vsel vm0, $0xFFFFFFFF, v20;
	vm0 =	vgt.u32 v10, v3  }
0x4d5: {  	v17 =	vld [tilespmem:s12+$0xFFFFFFF0];
	vm7 =	veq.s32 v10, v3;
	[tilespmem:$0x1FF90] =	vst v20;
	v20 =	vsel vm0, $0xFFFFFFFF, v62;
	vm0 =	vgt.u32 v12, v3  }
0x4d6: {  	v8 =	vld [tilespmem:s12+$0x30];
	v10 =	vimm.s32 $0x0;
	[tilespmem:$0x1FFA0] =	vst v20;
	v20 =	vsel vm0, $0xFFFFFFFF, v63;
	vm0 =	vgt.u32 v14, v3  }
0x4d7: {  	vm13 =	veq.s32 v16, v3;
	v5 =	vadd.s32 v6, v5;
	v6 =	vld [tilespmem:s14+$0xFFFFFFD0];
	v10 =	vsel vm0, $0xFFFFFFFF, v10  }
0x4d8: {  	s13 =	sadd.s32 $0x8, s13;
	v19 =	vld [tilespmem:s12+$0xFFFFFFE0];
	vm15 =	veq.s32 v18, v3;
	vm0 =	vgt.u32 v16, v3;
	[tilespmem:$0x1FFC0] =	vst v10;
	v10 =	vimm.s32 $0x0  }
0x4d9: {  	p2 =	slt.u32 s13, $0x38;
	vm10 =	vlt.s32 v13, v4;
	v5 =	vadd.s32 v7, v5;
	v7 =	vld [tilespmem:s14+$0xFFFFFFC0];
	v10 =	vsel vm0, $0xFFFFFFFF, v10  }
.Ltmp25:
0x4da: {  	vm14 =	vlt.s32 v17, v4;
	vm0 =	vgt.u32 v18, v3;
	[tilespmem:$0x1FFD0] =	vst v10;
	v10 =	vimm.s32 $0x0;
	(pc) =	sbr.rel @p2 .LBB2_47-.Ltmp25, $4  }
0x4db: {  	vm8 =	vlt.s32 v8, v4;
	vm5 =	veq.s32 v12, v3;
	v10 =	vsel vm0, $0xFFFFFFFF, v10  }
0x4dc: {  	vm2 =	vlt.s32 v15, v4;
	vm1 =	vgt.u32 v6, v3;
	[tilespmem:$0x1FFE0] =	vst v10;
	v10 =	vimm.s32 $0x0  }
0x4dd: {  	v8 =	vld [tilespmem:s12+$0xFFFFFFD0];
	vm11 =	veq.s32 v9, v3;
	vm12 =	vlt.s32 v11, v4;
	[tilespmem:$0x1FFB0] =	vst v20;
	v10 =	vsel vm1, $0xFFFFFFFF, v10  }
0x4de: {  	v9 =	vld [tilespmem:s12+$0xFFFFFFC0];
	s14 =	sadd.s32 $0x80, s14;
	vm3 =	vgt.u32 v7, v3;
	vm0 =	veq.s32 v14, v3;
	vm1 =	vlt.s32 v19, v4;
	[tilespmem:$0x1FFF0] =	vst v10  }
0x4df: {  	vm9 =	veq.s32 v7, v3;
	v7 =	vld [tilespmem:$0x1FFF0]  }
0x4e0: {  	v58 =	vld [tilespmem:$0x1FFE0]  }
0x4e1: {  	v59 =	vld [tilespmem:$0x1FFD0]  }
0x4e2: {  	v61 =	vld [tilespmem:$0x1FFB0]  }
0x4e3: {  	v63 =	vld [tilespmem:$0x1FFA0]  }
0x4e4: {  	vm4 =	vmand vm11, vm12;
	vm7 =	vmand vm7, vm8;
	vm0 =	vmand vm0, vm2  }
0x4e5: {  	vm2 =	vmand vm5, vm10;
	vm14 =	vmand vm13, vm14;
	v60 =	vld [tilespmem:$0x1FFC0];
	vm6 =	vlt.s32 v9, v4  }
0x4e6: {  	vm1 =	vmand vm15, vm1;
	vm12 =	vlt.s32 v8, v4;
	vm8 =	vmand vm9, vm6  }
0x4e7: {  	vm6 =	veq.s32 v6, v3;
	vm9 =	vnez.u8 v7;
	vm10 =	vnez.u8 v58  }
0x4e8: {  	v62 =	vld [tilespmem:$0x1FF90];
	vm11 =	vnez.u8 v59;
	vm13 =	vnez.u8 v61;
	vm15 =	vnez.u8 v63  }
0x4e9: {  	vm3 =	vmor vm3, vm8;
	vm12 =	vmand vm6, vm12;
	vm1 =	vmor vm10, vm1  }
0x4ea: {  	v6 =	vsel vm3, $0x1, v1;
	vm3 =	vmor vm9, vm12;
	vm12 =	vnez.u8 v60  }
0x4eb: {  	v7 =	vsel vm3, $0x1, v1;
	v5 =	vadd.s32 v6, v5;
	v6 =	vsel vm1, $0x1, v1  }
0x4ec: {  	vm1 =	vmor vm11, vm14;
	vm0 =	vmor vm12, vm0;
	v5 =	vadd.s32 v7, v5  }
0x4ed: {  	vm14 =	vnez.u8 v62;
	v7 =	vsel vm1, $0x1, v1;
	v5 =	vadd.s32 v6, v5  }
.Ltmp26:
0x4ee: {  	v6 =	vsel vm0, $0x1, v1;
	vm0 =	vmor vm13, vm2;
	v5 =	vadd.s32 v7, v5;
	(pc) =	sbr.rel @p1 .LBB2_52-.Ltmp26, $4  }
0x4ef: {  	v7 =	vsel vm0, $0x1, v1;
	vm0 =	vmor vm14, vm4;
	v5 =	vadd.s32 v6, v5  }
0x4f0: {  	v6 =	vsel vm0, $0x1, v1;
	vm0 =	vmor vm15, vm7;
	v5 =	vadd.s32 v7, v5  }
0x4f1: {  	v7 =	vsel vm0, $0x1, v1;
	v5 =	vadd.s32 v6, v5  }
0x4f2: {  	v5 =	vadd.s32 v7, v5  }
0x4f3: {  	s13 =	simm.s32 $0x5F80  }
0x4f4: {  	s12 =	simm.s32 $0x6800;
	p2 =	sne.s32 s5, $0x1;
	v7 =	vld [tilespmem:s13+$0x0]  }
.Ltmp27:
0x4f5: {  	v6 =	vld [tilespmem:s12+$0x0];
	(pc) =	sbr.rel @!p2 .LBB2_51-.Ltmp27, $2  }
0x4f6: {  	_ =	sdelay $0x2  }
0x4f7: {  	s14 =	simm.s32 $0x5F90;
	s13 =	sadd.s32 $0xFFFFFFFF, s5  }
.LBB2_50:
0x4f8: {  	v8 =	vld [tilespmem:s14+$0x0];
	vm0 =	veq.s32 v7, v3;
	vm1 =	vlt.s32 v6, v4;
	s12 =	sadd.s32 $0x10, s12;
	p2 =	sne.s32 s13, $0x1  }
.Ltmp28:
0x4f9: {  	s13 =	sadd.s32 $0xFFFFFFFF, s13;
	vm2 =	vgt.u32 v7, v3;
	v6 =	vld [tilespmem:s12+$0x0];
	vm0 =	vmand vm0, vm1;
	(pc) =	sbr.rel @p2 .LBB2_50-.Ltmp28, $4  }
0x4fa: {  	vm0 =	vmor vm2, vm0  }
0x4fb: {  	v9 =	vsel vm0, $0x1, v1  }
0x4fc: {  	v5 =	vadd.s32 v9, v5  }
0x4fd: {  	s14 =	sadd.s32 $0x10, s14;
	v7 =	vmov v8  }
.LBB2_51:
0x4fe: {  	vm0 =	veq.s32 v7, v3;
	vm1 =	vlt.s32 v6, v4  }
0x4ff: {  	vm2 =	vgt.u32 v7, v3;
	vm0 =	vmand vm0, vm1  }
0x500: {  	vm0 =	vmor vm2, vm0  }
0x501: {  	v6 =	vsel vm0, $0x1, v1  }
0x502: {  	v5 =	vadd.s32 v6, v5  }
.LBB2_52:
0x503: {  	(xrf0) =	vadd.scan.msk.s32 $0xffff, v5;
	_ =	sdelay $0x5  }
0x504: {  	v5, _, _ =	vpop (xrf0)  }
0x505: {  	(v2sf) =	vpush v5, $0xF;
	_ =	sdelay $0xe  }
.Ltmp29:
0x506: {  	s12 =	spop (v2sf);
	(pc) =	sbr.rel .LBB2_54-.Ltmp29, $4  }
0x507: {  	s13 =	smov.u32 s7;
	p2 =	slt.s32 s12, $0x400  }
0x508: {  	s13 =	smov.u32 @p2 s12  }
0x509: {  	v5 =	vmov s13  }
0x50a: {  	[tilespmem:v2+s9+$0x0] =	vst.idx.msk $0x1, v5  }
.LBB2_55:
0x50b: {  	v0 =	vld [tilespmem:$0x6C80]  }
0x50c: {  	v1 =	vld [tilespmem:$0x6C90]  }
0x50d: {  	v2 =	vld [tilespmem:$0x6CA0]  }
0x50e: {  	v3 =	vld [tilespmem:$0x6CB0]  }
0x50f: {  	v4 =	vld [tilespmem:$0x6CC0]  }
0x510: {  	v5 =	vimm.s32 $0x80000000;
	v6 =	vld [tilespmem:$0x6CD0];
	vm0 =	vgt.s32 v0, $0xFFFFFFFF  }
0x511: {  	v8 =	vld [tilespmem:$0x6CE0];
	vm9 =	vgt.s32 v1, $0xFFFFFFFF;
	v7 =	vsel vm0, $0xFFFFFFFF, v5  }
0x512: {  	v9 =	vld [tilespmem:$0x6CF0];
	vm10 =	vgt.s32 v2, $0xFFFFFFFF;
	v0 =	vxor.u32 v0, v7;
	v7 =	vsel vm9, $0xFFFFFFFF, v5  }
0x513: {  	vm11 =	vgt.s32 v3, $0xFFFFFFFF;
	[tilespmem:$0x6E00] =	vst v0;
	v0 =	vxor.u32 v1, v7;
	v1 =	vsel vm10, $0xFFFFFFFF, v5  }
0x514: {  	vm12 =	vgt.s32 v4, $0xFFFFFFFF;
	[tilespmem:$0x6E10] =	vst v0;
	v0 =	vxor.u32 v2, v1;
	v1 =	vsel vm11, $0xFFFFFFFF, v5  }
0x515: {  	vm13 =	vgt.s32 v6, $0xFFFFFFFF;
	[tilespmem:$0x6E20] =	vst v0;
	v0 =	vxor.u32 v3, v1;
	v1 =	vsel vm12, $0xFFFFFFFF, v5  }
0x516: {  	vm14 =	vgt.s32 v8, $0xFFFFFFFF;
	[tilespmem:$0x6E30] =	vst v0;
	v0 =	vxor.u32 v4, v1;
	v1 =	vsel vm13, $0xFFFFFFFF, v5  }
0x517: {  	vm15 =	vgt.s32 v9, $0xFFFFFFFF;
	[tilespmem:$0x6E40] =	vst v0;
	v0 =	vxor.u32 v6, v1;
	v1 =	vsel vm14, $0xFFFFFFFF, v5  }
0x518: {  	[tilespmem:$0x6E50] =	vst v0;
	v0 =	vxor.u32 v8, v1;
	v1 =	vsel vm15, $0xFFFFFFFF, v5  }
0x519: {  	s3 =	simm.s32 $0x80;
	[tilespmem:$0x6E60] =	vst v0;
	v0 =	vxor.u32 v9, v1  }
0x51a: {  	s4 =	simm.s32 $0x6D80;
	s5 =	simm.s32 $0x6F00;
	s31 =	simm.s32 $0x1;
	[tilespmem:$0x6E70] =	vst v0  }
0x51b: {  	[tilespmem:s5], [sflag:$0x1] =	stream.indirect.gather [hbm4b:s2+s3], $0x80, s4, s3, $0xb8;
	[tilespmem:$0xB420] =	vst v63  }
0x51c: {  	_ =	swait.ge [sflag:s31], $0x4000  }
0x51d: {  	[sflag:s31] =	ssyncset.done $0x0  }
0x51e: {  	s3 =	simm.s32 $0x6E02;
	[sflag:s31] =	ssyncadd.s32 $0xFFFFC000  }
0x51f: {  	s2 =	simm.s32 $0x7000;
	v1 =	vld.msk [tilespmem:s3+$0xFFFFFFFE ss:$0x0], $0xffff  }
0x520: {  	v2 =	vld [tilespmem:s2+$0xFFFFFF70]  }
0x521: {  	v3 =	vld [tilespmem:s2+$0xFFFFFF00]  }
0x522: {  	v4 =	vld [tilespmem:s2+$0xFFFFFF20]  }
0x523: {  	v0 =	vld [tilespmem:s2+$0xFFFFFF50]  }
0x524: {  	v5 =	vld [tilespmem:s2+$0xFFFFFF30]  }
0x525: {  	v7 =	vld [tilespmem:s2+$0xFFFFFF10];
	v2 =	vmul.f32 v2, v1  }
0x526: {  	v8 =	vld [tilespmem:s2+$0xFFFFFF40];
	v3 =	vmul.f32 v1, v3  }
0x527: {  	v6 =	vld [tilespmem:s2+$0xFFFFFF60];
	v4 =	vmul.f32 v4, v1;
	[tilespmem:s2+$0xFFFFFF70] =	vst v2  }
0x528: {  	v0 =	vmul.f32 v0, v1;
	[tilespmem:s2+$0xFFFFFF00] =	vst v3  }
0x529: {  	v2 =	vmul.f32 v5, v1;
	[tilespmem:s2+$0xFFFFFF20] =	vst v4  }
0x52a: {  	v3 =	vmul.f32 v7, v1;
	[tilespmem:s2+$0xFFFFFF50] =	vst v0  }
0x52b: {  	v0 =	vmul.f32 v8, v1;
	[tilespmem:s2+$0xFFFFFF30] =	vst v2  }
0x52c: {  	v2 =	vmul.f32 v6, v1;
	[tilespmem:s2+$0xFFFFFF10] =	vst v3  }
0x52d: {  	[tilespmem:s2+$0xFFFFFF40] =	vst v0  }
0x52e: {  	v0 =	vld [tilespmem:s2+$0xFFFFFFD0];
	[tilespmem:s2+$0xFFFFFF60] =	vst v2  }
0x52f: {  	v2 =	vld.msk [tilespmem:s3+$0xFFFFFFFF ss:$0x0], $0xffff  }
0x530: {  	v3 =	vld [tilespmem:s2+$0xFFFFFFE0]  }
0x531: {  	v4 =	vld [tilespmem:s2+$0xFFFFFF90]  }
0x532: {  	v5 =	vld [tilespmem:s2+$0xFFFFFF80]  }
0x533: {  	v6 =	vld [tilespmem:s2+$0xFFFFFFC0]  }
0x534: {  	v1 =	vld [tilespmem:s2+$0xFFFFFFF0];
	v0 =	vmul.f32 v0, v2  }
0x535: {  	v8 =	vld [tilespmem:s2+$0xFFFFFFA0];
	v3 =	vmul.f32 v3, v2  }
0x536: {  	v7 =	vld [tilespmem:s2+$0xFFFFFFB0];
	v4 =	vmul.f32 v4, v2;
	[tilespmem:s2+$0xFFFFFFD0] =	vst v0  }
0x537: {  	v0 =	vmul.f32 v2, v5;
	[tilespmem:s2+$0xFFFFFFE0] =	vst v3  }
0x538: {  	v3 =	vmul.f32 v6, v2;
	[tilespmem:s2+$0xFFFFFF90] =	vst v4  }
0x539: {  	v4 =	vmul.f32 v1, v2;
	v1 =	vld [tilespmem:s2+$0x40];
	[tilespmem:s2+$0xFFFFFF80] =	vst v0  }
0x53a: {  	v5 =	vmul.f32 v8, v2;
	v6 =	vld [tilespmem:s2+$0x70];
	[tilespmem:s2+$0xFFFFFFC0] =	vst v3  }
0x53b: {  	v2 =	vmul.f32 v7, v2;
	v0 =	vld [tilespmem:s2+$0x60];
	[tilespmem:s2+$0xFFFFFFF0] =	vst v4  }
0x53c: {  	[tilespmem:s2+$0xFFFFFFA0] =	vst v5;
	v3 =	vld [tilespmem:s2+$0x20]  }
0x53d: {  	[tilespmem:s2+$0xFFFFFFB0] =	vst v2;
	v5 =	vld [tilespmem:s2+$0x0]  }
0x53e: {  	v2 =	vld.msk [tilespmem:s3+$0x0 ss:$0x0], $0xffff  }
0x53f: {  	s6 =	simm.s32 $0x7000;
	s5 =	simm.s32 $0x0;
	s4 =	simm.s32 $0x6E02;
	v4 =	vld [tilespmem:s2+$0x10]  }
.LBB2_56:
0x540: {  	s5 =	sadd.s32 $0x4, s5;
	v7 =	vld [tilespmem:s2+$0x30];
	s6 =	sadd.s32 $0x200, s6;
	s3 =	sadd.s32 $0x4, s3  }
0x541: {  	p1 =	slt.u32 s5, $0x7C;
	v8 =	vld [tilespmem:s2+$0x50];
	_ =	sdelay $0x1  }
0x542: {  	v6 =	vmul.f32 v6, v2;
	v5 =	vmul.f32 v2, v5  }
0x543: {  	v3 =	vmul.f32 v3, v2;
	v4 =	vmul.f32 v4, v2  }
0x544: {  	v1 =	vmul.f32 v1, v2;
	v0 =	vmul.f32 v0, v2;
	[tilespmem:s2+$0x70] =	vst v6  }
0x545: {  	[tilespmem:s2+$0x20] =	vst v3;
	v3 =	vmul.f32 v7, v2;
	v2 =	vmul.f32 v8, v2  }
0x546: {  	[tilespmem:s2+$0x60] =	vst v0;
	v6 =	vld [tilespmem:s2+$0xA0]  }
0x547: {  	[tilespmem:s2+$0x30] =	vst v3;
	v3 =	vld [tilespmem:s2+$0x80]  }
0x548: {  	v0 =	vld [tilespmem:s6+$0x60];
	[tilespmem:s2+$0x40] =	vst v1  }
0x549: {  	v1 =	vld [tilespmem:s6+$0x40];
	[tilespmem:s2+$0x50] =	vst v2  }
0x54a: {  	[tilespmem:s2+$0x0] =	vst v5;
	v2 =	vld [tilespmem:s2+$0xC0]  }
0x54b: {  	[tilespmem:s2+$0x10] =	vst v4;
	v4 =	vld [tilespmem:s2+$0xB0]  }
0x54c: {  	v5 =	vld.msk [tilespmem:s4+$0x1 ss:$0x0], $0xffff;
	s4 =	smov.u32 s3  }
0x54d: {  	v7 =	vld [tilespmem:s2+$0x90]  }
0x54e: {  	v8 =	vld [tilespmem:s2+$0xD0]  }
0x54f: {  	v9 =	vld [tilespmem:s2+$0xE0]  }
0x550: {  	v10 =	vld [tilespmem:s2+$0xF0];
	_ =	sdelay $0x1  }
0x551: {  	v3 =	vmul.f32 v5, v3;
	v7 =	vmul.f32 v7, v5  }
0x552: {  	v6 =	vmul.f32 v6, v5;
	v4 =	vmul.f32 v4, v5  }
0x553: {  	v2 =	vmul.f32 v2, v5;
	[tilespmem:s2+$0x80] =	vst v3;
	v3 =	vmul.f32 v8, v5  }
0x554: {  	[tilespmem:s2+$0xA0] =	vst v6;
	v6 =	vmul.f32 v9, v5;
	v5 =	vmul.f32 v10, v5  }
0x555: {  	[tilespmem:s2+$0xB0] =	vst v4  }
0x556: {  	[tilespmem:s2+$0xC0] =	vst v2  }
0x557: {  	v2 =	vld [tilespmem:s6+$0xFFFFFF50];
	[tilespmem:s2+$0xD0] =	vst v3  }
0x558: {  	v3 =	vld [tilespmem:s6+$0xFFFFFF30];
	[tilespmem:s2+$0x90] =	vst v7  }
0x559: {  	v4 =	vld [tilespmem:s6+$0xFFFFFF60];
	[tilespmem:s2+$0xE0] =	vst v6  }
0x55a: {  	v6 =	vld [tilespmem:s6+$0xFFFFFF00];
	[tilespmem:s2+$0xF0] =	vst v5;
	s2 =	smov.u32 s6  }
0x55b: {  	v5 =	vld.msk [tilespmem:s3+$0xFFFFFFFE ss:$0x0], $0xffff  }
0x55c: {  	v7 =	vld [tilespmem:s6+$0xFFFFFF70]  }
0x55d: {  	v8 =	vld [tilespmem:s6+$0xFFFFFF20]  }
0x55e: {  	v9 =	vld [tilespmem:s6+$0xFFFFFF10]  }
0x55f: {  	v10 =	vld [tilespmem:s6+$0xFFFFFF40];
	_ =	sdelay $0x1  }
0x560: {  	v6 =	vmul.f32 v5, v6;
	v7 =	vmul.f32 v7, v5  }
0x561: {  	v4 =	vmul.f32 v4, v5;
	v8 =	vmul.f32 v8, v5  }
0x562: {  	v3 =	vmul.f32 v3, v5;
	v9 =	vmul.f32 v9, v5;
	[tilespmem:s6+$0xFFFFFF70] =	vst v7  }
0x563: {  	v2 =	vmul.f32 v2, v5;
	[tilespmem:s6+$0xFFFFFF00] =	vst v6;
	v6 =	vmul.f32 v10, v5  }
0x564: {  	[tilespmem:s6+$0xFFFFFF20] =	vst v8  }
0x565: {  	[tilespmem:s6+$0xFFFFFF30] =	vst v3  }
0x566: {  	[tilespmem:s6+$0xFFFFFF50] =	vst v2;
	v2 =	vld [tilespmem:s6+$0xFFFFFFF0]  }
0x567: {  	[tilespmem:s6+$0xFFFFFF10] =	vst v9;
	v3 =	vld [tilespmem:s6+$0xFFFFFFC0]  }
0x568: {  	[tilespmem:s6+$0xFFFFFF60] =	vst v4;
	v4 =	vld [tilespmem:s6+$0xFFFFFFE0]  }
0x569: {  	[tilespmem:s6+$0xFFFFFF40] =	vst v6;
	v5 =	vld [tilespmem:s6+$0xFFFFFFD0]  }
0x56a: {  	v6 =	vld.msk [tilespmem:s3+$0xFFFFFFFF ss:$0x0], $0xffff  }
0x56b: {  	v7 =	vld [tilespmem:s6+$0xFFFFFF90]  }
0x56c: {  	v8 =	vld [tilespmem:s6+$0xFFFFFF80]  }
0x56d: {  	v9 =	vld [tilespmem:s6+$0xFFFFFFB0]  }
0x56e: {  	v10 =	vld [tilespmem:s6+$0xFFFFFFA0];
	_ =	sdelay $0x1  }
0x56f: {  	v5 =	vmul.f32 v5, v6;
	v7 =	vmul.f32 v7, v6  }
0x570: {  	v4 =	vmul.f32 v4, v6;
	v8 =	vmul.f32 v6, v8  }
0x571: {  	v3 =	vmul.f32 v3, v6;
	v9 =	vmul.f32 v9, v6;
	[tilespmem:s6+$0xFFFFFFD0] =	vst v5  }
0x572: {  	v2 =	vmul.f32 v2, v6;
	v5 =	vmul.f32 v10, v6;
	[tilespmem:s6+$0xFFFFFFE0] =	vst v4  }
0x573: {  	[tilespmem:s6+$0xFFFFFF90] =	vst v7  }
0x574: {  	[tilespmem:s6+$0xFFFFFF80] =	vst v8  }
0x575: {  	[tilespmem:s6+$0xFFFFFFC0] =	vst v3  }
0x576: {  	[tilespmem:s6+$0xFFFFFFA0] =	vst v5  }
.Ltmp30:
0x577: {  	[tilespmem:s6+$0xFFFFFFF0] =	vst v2;
	v3 =	vld [tilespmem:s6+$0x20];
	(pc) =	sbr.rel @p1 .LBB2_56-.Ltmp30, $4  }
0x578: {  	[tilespmem:s6+$0xFFFFFFB0] =	vst v9;
	v6 =	vld [tilespmem:s6+$0x70]  }
0x579: {  	v2 =	vld.msk [tilespmem:s3+$0x0 ss:$0x0], $0xffff  }
0x57a: {  	v5 =	vld [tilespmem:s6+$0x0]  }
0x57b: {  	v4 =	vld [tilespmem:s6+$0x10]  }
0x57c: {  	_ =	sdelay $0x1  }
0x57d: {  	v6 =	vmul.f32 v6, v2  }
0x57e: {  	v7 =	vld [tilespmem:s2+$0x30];
	v3 =	vmul.f32 v3, v2  }
0x57f: {  	v8 =	vld [tilespmem:s2+$0x50];
	v0 =	vmul.f32 v0, v2;
	[tilespmem:s2+$0x70] =	vst v6  }
0x580: {  	v1 =	vmul.f32 v1, v2;
	[tilespmem:s2+$0x20] =	vst v3  }
0x581: {  	v51 =	vmul.f32 v2, v5;
	[tilespmem:s2+$0x60] =	vst v0  }
0x582: {  	[tilespmem:s2+$0x40] =	vst v1;
	v53 =	vmul.f32 v4, v2  }
0x583: {  	v49 =	vmul.f32 v7, v2;
	[tilespmem:s2+$0x0] =	vst v51  }
0x584: {  	v50 =	vmul.f32 v8, v2;
	[tilespmem:s2+$0x10] =	vst v53  }
0x585: {  	[tilespmem:s2+$0x30] =	vst v49  }
0x586: {  	v52 =	vld [tilespmem:s2+$0x80];
	[tilespmem:s2+$0x50] =	vst v50  }
0x587: {  	v0 =	vld.msk [tilespmem:s4+$0x1 ss:$0x0], $0xffff  }
0x588: {  	v54 =	vld [tilespmem:s2+$0xA0]  }
0x589: {  	v55 =	vld [tilespmem:s2+$0xB0]  }
0x58a: {  	v56 =	vld [tilespmem:s2+$0xC0]  }
0x58b: {  	v57 =	vld [tilespmem:s2+$0xD0]  }
0x58c: {  	v58 =	vld [tilespmem:s2+$0x90];
	v5 =	vmul.f32 v0, v52  }
0x58d: {  	v59 =	vld [tilespmem:s2+$0xE0];
	v1 =	vmul.f32 v54, v0  }
0x58e: {  	v60 =	vld [tilespmem:s2+$0xF0];
	v2 =	vmul.f32 v55, v0;
	[tilespmem:s2+$0x80] =	vst v5  }
0x58f: {  	v3 =	vmul.f32 v56, v0;
	[tilespmem:s2+$0xA0] =	vst v1  }
0x590: {  	v61 =	vmul.f32 v57, v0;
	[tilespmem:s2+$0xB0] =	vst v2  }
0x591: {  	v62 =	vmul.f32 v58, v0;
	[tilespmem:s2+$0xC0] =	vst v3  }
0x592: {  	v63 =	vmul.f32 v59, v0;
	[tilespmem:s2+$0xD0] =	vst v61  }
0x593: {  	v0 =	vmul.f32 v60, v0;
	[tilespmem:s2+$0x90] =	vst v62  }
0x594: {  	s29 =	simm.s32 $0x80;
	[tilespmem:s2+$0xE0] =	vst v63  }
0x595: {  	s3 =	simm.s32 $0x6D00;
	s30 =	simm.s32 $0x6F00;
	s31 =	simm.s32 $0x2;
	[tilespmem:s2+$0xF0] =	vst v0  }
0x596: {  	[hbm4b:s1+s29] =	stream.indirect.scatter [tilespmem:s30], [sflag:$0x2], $0x80, s3, s29, $0xb8;
	[tilespmem:$0xB420] =	vst v63  }
0x597: {  	_ =	swait.ge [sflag:s31], $0x4000  }
0x598: {  	[sflag:s31] =	ssyncset.done $0x0  }
0x599: {  	[sflag:s31] =	ssyncadd.s32 $0xFFFFC000  }
0x59a: {  	_ =	sfence.sel $0x180000  }
0x59b: {  	[bflag:$0x0] =	sbarrier.arrive $0xFFFF  }
0x59c: {  	_ =	strace $0x90000047  }
0x59d: {  	s0 =	sadd.s32 @!p0 $0x100000, s0;
	[bflag:$0x2] =	sbarrier.arrive $0xFFFF  }
0x59e: {  	[sflag:s0] =	ssyncadd.tile.s32 @!p0 $0x1;
	_ =	shalt  }
.Lfunc_end2:
_tile_overlayer_lowered:
.L_overlay_start_2:
0x59f: {  	(tag) =	ssettag $0x2  }
0x5a0: {  	s0 =	rddreg [dreg:$0x0];
	s2 =	stileid.u32  }
0x5a1: {  	s1 =	rddreg [dreg:$0x1];
	p0 =	sne.s32 s2, $0x0  }
0x5a2: {  	s3 =	rddreg [dreg:$0x2];
	[bflag:$0x3] =	sbarrier.arrive $0xFFFF;
	s2 =	simm.s32 @!p0 $0x1C02  }
0x5a3: {  	[timem:s3], [sflag:s2] =	dma.local @!p0 [hbm:s0], s1  }
0x5a4: {  	s0 =	simm.s32 @!p0 $0x2  }
0x5a5: {  	_ =	swait.ge @!p0 [sflag:s0], s1  }
0x5a6: {  	s1 =	ssub.s32 @!p0 $0x0, s1;
	[sflag:s0] =	ssyncset.done @!p0 $0x0  }
0x5a7: {  	[sflag:s0] =	ssyncadd.s32 @!p0 s1  }
0x5a8: {  	[bflag:$0x3] =	sbarrier.arrive $0xFFFF  }
0x5a9: {  	_ =	shalt  }

</sc_bundles>
